<compile_context>
chip_gen: v7x
topology: tpu7x:2x2x1
jax: 0.10.2.dev20260603
libtpu: 0.0.44.dev20260713+nightly
codegen_flags: <defaults>
</compile_context>

<pallas_src>
import functools

import jax
import jax.numpy as jnp
from jax import lax
from jax.experimental import pallas as pl
from jax.experimental.pallas import tpu as pltpu
from jax.experimental.pallas import tpu_sc as plsc

ENT_TOTAL = 100000
REL_TOTAL = 1000
HIDDEN = 128
LMBDA = 0.0001
BATCH = 16384

_info = plsc.get_sparse_core_info()
NC, NS, L = _info.num_cores, _info.num_subcores, _info.num_lanes
NW = NC * NS
B_PER_W = BATCH // NW
CHUNK = 64
NCHUNK = B_PER_W // CHUNK
FOLD = HIDDEN // L
TCROWS_PER_W = B_PER_W // FOLD
SQ_SLOTS = 6


def _sc_body(h_hbm, t_hbm, r_hbm, y_hbm, ent_hbm, rel_hbm,
             res_out, sq_out,
             ht_idx, idx_r, y_v,
             ht_rows, rows_r, resbuf, sqbuf, sem_i, sem_a, sem_b):
    wid = lax.axis_index("s") * NC + lax.axis_index("c")
    base = wid * B_PER_W

    idx_handles = []
    for c in range(NCHUNK):
        co = c * CHUNK
        idx_handles.append(pltpu.async_copy(
            h_hbm.at[pl.ds(base + co, CHUNK)],
            ht_idx.at[pl.ds(2 * co, CHUNK)], sem_i))
        idx_handles.append(pltpu.async_copy(
            t_hbm.at[pl.ds(base + co, CHUNK)],
            ht_idx.at[pl.ds(2 * co + CHUNK, CHUNK)], sem_i))
    idx_handles.append(pltpu.async_copy(
        r_hbm.at[pl.ds(base, B_PER_W)], idx_r, sem_i))
    idx_handles.append(pltpu.async_copy(
        y_hbm.at[pl.ds(base, B_PER_W)], y_v, sem_i))
    for hdl in idx_handles:
        hdl.wait()

    zero = jnp.zeros((L,), jnp.float32)

    sems = (sem_a, sem_b)

    def fire(c):
        p = c % 2
        co = c * CHUNK
        return (
            pltpu.async_copy(ent_hbm.at[ht_idx.at[pl.ds(2 * co, 2 * CHUNK)]],
                             ht_rows.at[p], sems[p]),
            pltpu.async_copy(rel_hbm.at[idx_r.at[pl.ds(co, CHUNK)]],
                             rows_r.at[p], sems[p]),
        )

    pending = fire(0)
    sq_acc = (zero,) * 6
    for c in range(NCHUNK):
        p = c % 2
        co = c * CHUNK
        handles = pending
        if c + 1 < NCHUNK:
            pending = fire(c + 1)
        for hdl in handles:
            hdl.wait()

        @plsc.parallel_loop(0, CHUNK, unroll=4, carry=sq_acc)
        def _row(i, carry):
            sh0, sh1, st0, st1, sr0, sr1 = carry
            gi = co + i
            yvec = y_v[pl.ds(jnp.bitwise_and(gi, ~(L - 1)), L)]
            ny = zero - jnp.take(
                yvec, jnp.full((L,), jnp.bitwise_and(gi, L - 1), jnp.int32))
            acc = jnp.zeros((L,), jnp.float32)
            for v in range(FOLD):
                sl = pl.ds(v * L, L)
                hv = ht_rows[p, i, sl]
                tv = ht_rows[p, CHUNK + i, sl]
                rv = rows_r[p, i, sl]
                acc = acc + hv * rv * tv
                if v % 2 == 0:
                    sh0 = sh0 + hv * hv
                    st0 = st0 + tv * tv
                    sr0 = sr0 + rv * rv
                else:
                    sh1 = sh1 + hv * hv
                    st1 = st1 + tv * tv
                    sr1 = sr1 + rv * rv
            tc_row = lax.shift_right_logical(gi, 3)
            tc_off = jnp.bitwise_and(gi, 7) * L
            resbuf[tc_row, pl.ds(tc_off, L)] = acc * ny
            return sh0, sh1, st0, st1, sr0, sr1

        sq_acc = _row

    for k, sq_part in enumerate(sq_acc):
        sqbuf[pl.ds(k * L, L)] = sq_part

    pltpu.sync_copy(resbuf, res_out.at[pl.ds(wid * TCROWS_PER_W, TCROWS_PER_W)])
    pltpu.sync_copy(sqbuf, sq_out.at[wid])


@functools.partial(
    pl.kernel,
    mesh=plsc.VectorSubcoreMesh(core_axis_name="c", subcore_axis_name="s"),
    out_type=[
        jax.ShapeDtypeStruct((BATCH // FOLD, HIDDEN), jnp.float32),
        jax.ShapeDtypeStruct((NW, SQ_SLOTS * L), jnp.float32),
    ],
    scratch_types=[
        pltpu.VMEM((2 * B_PER_W,), jnp.int32),
        pltpu.VMEM((B_PER_W,), jnp.int32),
        pltpu.VMEM((B_PER_W,), jnp.float32),
        pltpu.VMEM((2, 2 * CHUNK, HIDDEN), jnp.float32),
        pltpu.VMEM((2, CHUNK, HIDDEN), jnp.float32),
        pltpu.VMEM((TCROWS_PER_W, HIDDEN), jnp.float32),
        pltpu.VMEM((SQ_SLOTS * L,), jnp.float32),
        pltpu.SemaphoreType.DMA,
        pltpu.SemaphoreType.DMA,
        pltpu.SemaphoreType.DMA,
    ],
)
def _sc_gather_score(h_hbm, t_hbm, r_hbm, y_hbm, ent_hbm, rel_hbm,
                     res_out, sq_out,
                     ht_idx, idx_r, y_v, ht_rows, rows_r,
                     resbuf, sqbuf, sem_i, sem_a, sem_b):
    _sc_body(h_hbm, t_hbm, r_hbm, y_hbm, ent_hbm, rel_hbm, res_out, sq_out,
             ht_idx, idx_r, y_v, ht_rows, rows_r,
             resbuf, sqbuf, sem_i, sem_a, sem_b)


def _tc_body(rp_ref, sq_ref, out_ref):
    rp = rp_ref[...]
    d_ids = lax.broadcasted_iota(jnp.int32, (HIDDEN, FOLD), 0) // L
    j_ids = lax.broadcasted_iota(jnp.int32, (HIDDEN, FOLD), 1)
    seg = jnp.where(d_ids == j_ids, 1.0, 0.0).astype(jnp.float32)
    x = jnp.dot(rp, seg, preferred_element_type=jnp.float32)
    sp = jnp.log1p(jnp.exp(-jnp.abs(x))) + jnp.maximum(x, 0.0)
    loss = jnp.sum(sp) / BATCH
    reg = jnp.sum(sq_ref[...]) / (BATCH * HIDDEN)
    out_ref[...] = jnp.full((1, 1), loss + LMBDA * reg, jnp.float32)


def kernel(h, t, r, y, ent_embeddings, rel_embeddings):
    h = h.astype(jnp.int32)
    t = t.astype(jnp.int32)
    r = r.astype(jnp.int32)
    rp, sq = _sc_gather_score(h, t, r, y, ent_embeddings, rel_embeddings)
    loss = pl.pallas_call(
        _tc_body,
        out_shape=jax.ShapeDtypeStruct((1, 1), jnp.float32),
    )(rp, sq)
    return loss[0, 0]

# --- scband reference (transcript-rebuilt; emitter-appended) ---
"""Pipeline reference for scband-dist-mult-17308718203253 (READ-ONLY COPY).

The authoritative reference and input builder live on the scoring server;
editing this copy changes nothing except your own understanding.
"""

import jax, jax.numpy as jnp
import numpy as np

ENT_TOTAL = 100000
REL_TOTAL = 1000
HIDDEN = 128
LMBDA = 0.0001
BATCH = 16384


def setup_inputs(seed: int = 0) -> dict:
    key = jax.random.key(seed)
    k_h, k_t, k_r, k_y, k_ent, k_rel = jax.random.split(key, 6)
    h = jax.random.randint(k_h, (BATCH,), 0, ENT_TOTAL, dtype=jnp.int64 if jax.config.read('jax_enable_x64') else jnp.int32)
    t = jax.random.randint(k_t, (BATCH,), 0, ENT_TOTAL, dtype=h.dtype)
    r = jax.random.randint(k_r, (BATCH,), 0, REL_TOTAL, dtype=h.dtype)
    # labels are +/-1 as in margin-free softplus KGE training
    y = jnp.sign(jax.random.normal(k_y, (BATCH,), dtype=jnp.float32))
    y = jnp.where(y == 0, 1.0, y)
    # xavier-uniform-ish embedding tables (learned parameters)
    lim_e = np.sqrt(6.0 / (ENT_TOTAL + HIDDEN))
    lim_r = np.sqrt(6.0 / (REL_TOTAL + HIDDEN))
    ent_embeddings = jax.random.uniform(k_ent, (ENT_TOTAL, HIDDEN), jnp.float32, -lim_e, lim_e)
    rel_embeddings = jax.random.uniform(k_rel, (REL_TOTAL, HIDDEN), jnp.float32, -lim_r, lim_r)
    return {"h": h, "t": t, "r": r, "y": y,
            "ent_embeddings": ent_embeddings, "rel_embeddings": rel_embeddings}


def _calc(e_h, e_t, e_r):
    return e_h * e_r * e_t


def reference(h, t, r, y, ent_embeddings, rel_embeddings):
    # embedding lookups (gather)
    e_h = jnp.take(ent_embeddings, h, axis=0)
    e_t = jnp.take(ent_embeddings, t, axis=0)
    e_r = jnp.take(rel_embeddings, r, axis=0)
    # bilinear-diagonal score
    res = jnp.sum(_calc(e_h, e_t, e_r), axis=1)
    loss_func = jnp.mean(jax.nn.softplus(-y * res))
    regul_func = jnp.mean(e_h ** 2) + jnp.mean(e_t ** 2) + jnp.mean(e_r ** 2)
    loss = loss_func + LMBDA * regul_func
    return loss

if __name__ == "__main__":
    import jax
    _d = setup_inputs()
    print(jax.jit(kernel)(*tuple(_d.values())))

</pallas_src>

<mosaic_0001>
#map = affine_map<(d0, d1) -> (0)>
#map1 = affine_map<(d0, d1) -> (0, 0)>
module attributes {stable_mosaic.version = 14 : i64} {
  func.func @_sc_gather_score(%arg0: i32, %arg1: i32, %arg2: memref<16384xi32, #tpu.memory_space<hbm>>, %arg3: memref<16384xi32, #tpu.memory_space<hbm>>, %arg4: memref<16384xi32, #tpu.memory_space<hbm>>, %arg5: memref<16384xf32, #tpu.memory_space<hbm>>, %arg6: memref<100000x128xf32, #tpu.memory_space<hbm>>, %arg7: memref<1000x128xf32, #tpu.memory_space<hbm>>, %arg8: memref<2048x128xf32, #tpu.memory_space<hbm>>, %arg9: memref<32x96xf32, #tpu.memory_space<hbm>>, %arg10: memref<1024xi32, #tpu.memory_space<vmem>>, %arg11: memref<512xi32, #tpu.memory_space<vmem>>, %arg12: memref<512xf32, #tpu.memory_space<vmem>>, %arg13: memref<2x128x128xf32, #tpu.memory_space<vmem>>, %arg14: memref<2x64x128xf32, #tpu.memory_space<vmem>>, %arg15: memref<64x128xf32, #tpu.memory_space<vmem>>, %arg16: memref<96xf32, #tpu.memory_space<vmem>>, %arg17: memref<!tpu.dma_semaphore, #tpu.memory_space<semaphore_mem>>, %arg18: memref<!tpu.dma_semaphore, #tpu.memory_space<semaphore_mem>>, %arg19: memref<!tpu.dma_semaphore, #tpu.memory_space<semaphore_mem>>) attributes {dimension_semantics = [#tpu.dimension_semantics<core_parallel>, #tpu.dimension_semantics<subcore_parallel>], iteration_bounds = array<i64: 2, 16>, scalar_prefetch = 0 : i64, scratch_operands = 10 : i64, tpu.core_type = #tpu.core_type<sc_vector_subcore>, window_params = [{transform_indices = #map}, {transform_indices = #map}, {transform_indices = #map}, {transform_indices = #map}, {transform_indices = #map1}, {transform_indices = #map1}, {transform_indices = #map1}, {transform_indices = #map1}]} {
    %mul3A = arith.constant 2 : i32
    %mul3A_0 = arith.muli %arg1, %mul3A : i32
    %add3A = arith.addi %mul3A_0, %arg0 : i32
    %mul3A_1 = arith.constant 512 : i32
    %mul3A_2 = arith.muli %add3A, %mul3A_1 : i32
    %add3A_3 = arith.constant 0 : i32
    %add3A_4 = arith.addi %mul3A_2, %add3A_3 : i32
    %dma_start3A = arith.constant 0 : i32
    %dma_start3A_5 = tpu.memref_slice %arg10[%dma_start3A] : memref<1024xi32, #tpu.memory_space<vmem>> -> memref<64xi32, #tpu.memory_space<vmem>>
    %dma_start3A_6 = tpu.memref_slice %arg2[%add3A_4] : memref<16384xi32, #tpu.memory_space<hbm>> -> memref<64xi32, #tpu.memory_space<hbm>>
    %dma_start3A_7 = arith.constant 0 : i32
    %dma_start3A_8 = tpu.memref_slice %arg10[%dma_start3A_7] : memref<1024xi32, #tpu.memory_space<vmem>> -> memref<64xi32, #tpu.memory_space<vmem>>
    %dma_start3A_9 = tpu.memref_slice %arg2[%add3A_4] : memref<16384xi32, #tpu.memory_space<hbm>> -> memref<64xi32, #tpu.memory_space<hbm>>
    tpu.enqueue_dma source(%dma_start3A_9 : memref<64xi32, #tpu.memory_space<hbm>>) target(%dma_start3A_8 : memref<64xi32, #tpu.memory_space<vmem>>) target_semaphore(%arg17 : memref<!tpu.dma_semaphore, #tpu.memory_space<semaphore_mem>>)
    %add3A_10 = arith.constant 0 : i32
    %add3A_11 = arith.addi %mul3A_2, %add3A_10 : i32
    %dma_start3A_12 = arith.constant 64 : i32
    %dma_start3A_13 = tpu.memref_slice %arg10[%dma_start3A_12] : memref<1024xi32, #tpu.memory_space<vmem>> -> memref<64xi32, #tpu.memory_space<vmem>>
    %dma_start3A_14 = tpu.memref_slice %arg3[%add3A_11] : memref<16384xi32, #tpu.memory_space<hbm>> -> memref<64xi32, #tpu.memory_space<hbm>>
    %dma_start3A_15 = arith.constant 64 : i32
    %dma_start3A_16 = tpu.memref_slice %arg10[%dma_start3A_15] : memref<1024xi32, #tpu.memory_space<vmem>> -> memref<64xi32, #tpu.memory_space<vmem>>
    %dma_start3A_17 = tpu.memref_slice %arg3[%add3A_11] : memref<16384xi32, #tpu.memory_space<hbm>> -> memref<64xi32, #tpu.memory_space<hbm>>
    tpu.enqueue_dma source(%dma_start3A_17 : memref<64xi32, #tpu.memory_space<hbm>>) target(%dma_start3A_16 : memref<64xi32, #tpu.memory_space<vmem>>) target_semaphore(%arg17 : memref<!tpu.dma_semaphore, #tpu.memory_space<semaphore_mem>>)
    %add3A_18 = arith.constant 64 : i32
    %add3A_19 = arith.addi %mul3A_2, %add3A_18 : i32
    %dma_start3A_20 = arith.constant 128 : i32
    %dma_start3A_21 = tpu.memref_slice %arg10[%dma_start3A_20] : memref<1024xi32, #tpu.memory_space<vmem>> -> memref<64xi32, #tpu.memory_space<vmem>>
    %dma_start3A_22 = tpu.memref_slice %arg2[%add3A_19] : memref<16384xi32, #tpu.memory_space<hbm>> -> memref<64xi32, #tpu.memory_space<hbm>>
    %dma_start3A_23 = arith.constant 128 : i32
    %dma_start3A_24 = tpu.memref_slice %arg10[%dma_start3A_23] : memref<1024xi32, #tpu.memory_space<vmem>> -> memref<64xi32, #tpu.memory_space<vmem>>
    %dma_start3A_25 = tpu.memref_slice %arg2[%add3A_19] : memref<16384xi32, #tpu.memory_space<hbm>> -> memref<64xi32, #tpu.memory_space<hbm>>
    tpu.enqueue_dma source(%dma_start3A_25 : memref<64xi32, #tpu.memory_space<hbm>>) target(%dma_start3A_24 : memref<64xi32, #tpu.memory_space<vmem>>) target_semaphore(%arg17 : memref<!tpu.dma_semaphore, #tpu.memory_space<semaphore_mem>>)
    %add3A_26 = arith.constant 64 : i32
    %add3A_27 = arith.addi %mul3A_2, %add3A_26 : i32
    %dma_start3A_28 = arith.constant 192 : i32
    %dma_start3A_29 = tpu.memref_slice %arg10[%dma_start3A_28] : memref<1024xi32, #tpu.memory_space<vmem>> -> memref<64xi32, #tpu.memory_space<vmem>>
    %dma_start3A_30 = tpu.memref_slice %arg3[%add3A_27] : memref<16384xi32, #tpu.memory_space<hbm>> -> memref<64xi32, #tpu.memory_space<hbm>>
    %dma_start3A_31 = arith.constant 192 : i32
    %dma_start3A_32 = tpu.memref_slice %arg10[%dma_start3A_31] : memref<1024xi32, #tpu.memory_space<vmem>> -> memref<64xi32, #tpu.memory_space<vmem>>
    %dma_start3A_33 = tpu.memref_slice %arg3[%add3A_27] : memref<16384xi32, #tpu.memory_space<hbm>> -> memref<64xi32, #tpu.memory_space<hbm>>
    tpu.enqueue_dma source(%dma_start3A_33 : memref<64xi32, #tpu.memory_space<hbm>>) target(%dma_start3A_32 : memref<64xi32, #tpu.memory_space<vmem>>) target_semaphore(%arg17 : memref<!tpu.dma_semaphore, #tpu.memory_space<semaphore_mem>>)
    %add3A_34 = arith.constant 128 : i32
    %add3A_35 = arith.addi %mul3A_2, %add3A_34 : i32
    %dma_start3A_36 = arith.constant 256 : i32
    %dma_start3A_37 = tpu.memref_slice %arg10[%dma_start3A_36] : memref<1024xi32, #tpu.memory_space<vmem>> -> memref<64xi32, #tpu.memory_space<vmem>>
    %dma_start3A_38 = tpu.memref_slice %arg2[%add3A_35] : memref<16384xi32, #tpu.memory_space<hbm>> -> memref<64xi32, #tpu.memory_space<hbm>>
    %dma_start3A_39 = arith.constant 256 : i32
    %dma_start3A_40 = tpu.memref_slice %arg10[%dma_start3A_39] : memref<1024xi32, #tpu.memory_space<vmem>> -> memref<64xi32, #tpu.memory_space<vmem>>
    %dma_start3A_41 = tpu.memref_slice %arg2[%add3A_35] : memref<16384xi32, #tpu.memory_space<hbm>> -> memref<64xi32, #tpu.memory_space<hbm>>
    tpu.enqueue_dma source(%dma_start3A_41 : memref<64xi32, #tpu.memory_space<hbm>>) target(%dma_start3A_40 : memref<64xi32, #tpu.memory_space<vmem>>) target_semaphore(%arg17 : memref<!tpu.dma_semaphore, #tpu.memory_space<semaphore_mem>>)
    %add3A_42 = arith.constant 128 : i32
    %add3A_43 = arith.addi %mul3A_2, %add3A_42 : i32
    %dma_start3A_44 = arith.constant 320 : i32
    %dma_start3A_45 = tpu.memref_slice %arg10[%dma_start3A_44] : memref<1024xi32, #tpu.memory_space<vmem>> -> memref<64xi32, #tpu.memory_space<vmem>>
    %dma_start3A_46 = tpu.memref_slice %arg3[%add3A_43] : memref<16384xi32, #tpu.memory_space<hbm>> -> memref<64xi32, #tpu.memory_space<hbm>>
    %dma_start3A_47 = arith.constant 320 : i32
    %dma_start3A_48 = tpu.memref_slice %arg10[%dma_start3A_47] : memref<1024xi32, #tpu.memory_space<vmem>> -> memref<64xi32, #tpu.memory_space<vmem>>
    %dma_start3A_49 = tpu.memref_slice %arg3[%add3A_43] : memref<16384xi32, #tpu.memory_space<hbm>> -> memref<64xi32, #tpu.memory_space<hbm>>
    tpu.enqueue_dma source(%dma_start3A_49 : memref<64xi32, #tpu.memory_space<hbm>>) target(%dma_start3A_48 : memref<64xi32, #tpu.memory_space<vmem>>) target_semaphore(%arg17 : memref<!tpu.dma_semaphore, #tpu.memory_space<semaphore_mem>>)
    %add3A_50 = arith.constant 192 : i32
    %add3A_51 = arith.addi %mul3A_2, %add3A_50 : i32
    %dma_start3A_52 = arith.constant 384 : i32
    %dma_start3A_53 = tpu.memref_slice %arg10[%dma_start3A_52] : memref<1024xi32, #tpu.memory_space<vmem>> -> memref<64xi32, #tpu.memory_space<vmem>>
    %dma_start3A_54 = tpu.memref_slice %arg2[%add3A_51] : memref<16384xi32, #tpu.memory_space<hbm>> -> memref<64xi32, #tpu.memory_space<hbm>>
    %dma_start3A_55 = arith.constant 384 : i32
    %dma_start3A_56 = tpu.memref_slice %arg10[%dma_start3A_55] : memref<1024xi32, #tpu.memory_space<vmem>> -> memref<64xi32, #tpu.memory_space<vmem>>
    %dma_start3A_57 = tpu.memref_slice %arg2[%add3A_51] : memref<16384xi32, #tpu.memory_space<hbm>> -> memref<64xi32, #tpu.memory_space<hbm>>
    tpu.enqueue_dma source(%dma_start3A_57 : memref<64xi32, #tpu.memory_space<hbm>>) target(%dma_start3A_56 : memref<64xi32, #tpu.memory_space<vmem>>) target_semaphore(%arg17 : memref<!tpu.dma_semaphore, #tpu.memory_space<semaphore_mem>>)
    %add3A_58 = arith.constant 192 : i32
    %add3A_59 = arith.addi %mul3A_2, %add3A_58 : i32
    %dma_start3A_60 = arith.constant 448 : i32
    %dma_start3A_61 = tpu.memref_slice %arg10[%dma_start3A_60] : memref<1024xi32, #tpu.memory_space<vmem>> -> memref<64xi32, #tpu.memory_space<vmem>>
    %dma_start3A_62 = tpu.memref_slice %arg3[%add3A_59] : memref<16384xi32, #tpu.memory_space<hbm>> -> memref<64xi32, #tpu.memory_space<hbm>>
    %dma_start3A_63 = arith.constant 448 : i32
    %dma_start3A_64 = tpu.memref_slice %arg10[%dma_start3A_63] : memref<1024xi32, #tpu.memory_space<vmem>> -> memref<64xi32, #tpu.memory_space<vmem>>
    %dma_start3A_65 = tpu.memref_slice %arg3[%add3A_59] : memref<16384xi32, #tpu.memory_space<hbm>> -> memref<64xi32, #tpu.memory_space<hbm>>
    tpu.enqueue_dma source(%dma_start3A_65 : memref<64xi32, #tpu.memory_space<hbm>>) target(%dma_start3A_64 : memref<64xi32, #tpu.memory_space<vmem>>) target_semaphore(%arg17 : memref<!tpu.dma_semaphore, #tpu.memory_space<semaphore_mem>>)
    %add3A_66 = arith.constant 256 : i32
    %add3A_67 = arith.addi %mul3A_2, %add3A_66 : i32
    %dma_start3A_68 = arith.constant 512 : i32
    %dma_start3A_69 = tpu.memref_slice %arg10[%dma_start3A_68] : memref<1024xi32, #tpu.memory_space<vmem>> -> memref<64xi32, #tpu.memory_space<vmem>>
    %dma_start3A_70 = tpu.memref_slice %arg2[%add3A_67] : memref<16384xi32, #tpu.memory_space<hbm>> -> memref<64xi32, #tpu.memory_space<hbm>>
    %dma_start3A_71 = arith.constant 512 : i32
    %dma_start3A_72 = tpu.memref_slice %arg10[%dma_start3A_71] : memref<1024xi32, #tpu.memory_space<vmem>> -> memref<64xi32, #tpu.memory_space<vmem>>
    %dma_start3A_73 = tpu.memref_slice %arg2[%add3A_67] : memref<16384xi32, #tpu.memory_space<hbm>> -> memref<64xi32, #tpu.memory_space<hbm>>
    tpu.enqueue_dma source(%dma_start3A_73 : memref<64xi32, #tpu.memory_space<hbm>>) target(%dma_start3A_72 : memref<64xi32, #tpu.memory_space<vmem>>) target_semaphore(%arg17 : memref<!tpu.dma_semaphore, #tpu.memory_space<semaphore_mem>>)
    %add3A_74 = arith.constant 256 : i32
    %add3A_75 = arith.addi %mul3A_2, %add3A_74 : i32
    %dma_start3A_76 = arith.constant 576 : i32
    %dma_start3A_77 = tpu.memref_slice %arg10[%dma_start3A_76] : memref<1024xi32, #tpu.memory_space<vmem>> -> memref<64xi32, #tpu.memory_space<vmem>>
    %dma_start3A_78 = tpu.memref_slice %arg3[%add3A_75] : memref<16384xi32, #tpu.memory_space<hbm>> -> memref<64xi32, #tpu.memory_space<hbm>>
    %dma_start3A_79 = arith.constant 576 : i32
    %dma_start3A_80 = tpu.memref_slice %arg10[%dma_start3A_79] : memref<1024xi32, #tpu.memory_space<vmem>> -> memref<64xi32, #tpu.memory_space<vmem>>
    %dma_start3A_81 = tpu.memref_slice %arg3[%add3A_75] : memref<16384xi32, #tpu.memory_space<hbm>> -> memref<64xi32, #tpu.memory_space<hbm>>
    tpu.enqueue_dma source(%dma_start3A_81 : memref<64xi32, #tpu.memory_space<hbm>>) target(%dma_start3A_80 : memref<64xi32, #tpu.memory_space<vmem>>) target_semaphore(%arg17 : memref<!tpu.dma_semaphore, #tpu.memory_space<semaphore_mem>>)
    %add3A_82 = arith.constant 320 : i32
    %add3A_83 = arith.addi %mul3A_2, %add3A_82 : i32
    %dma_start3A_84 = arith.constant 640 : i32
    %dma_start3A_85 = tpu.memref_slice %arg10[%dma_start3A_84] : memref<1024xi32, #tpu.memory_space<vmem>> -> memref<64xi32, #tpu.memory_space<vmem>>
    %dma_start3A_86 = tpu.memref_slice %arg2[%add3A_83] : memref<16384xi32, #tpu.memory_space<hbm>> -> memref<64xi32, #tpu.memory_space<hbm>>
    %dma_start3A_87 = arith.constant 640 : i32
    %dma_start3A_88 = tpu.memref_slice %arg10[%dma_start3A_87] : memref<1024xi32, #tpu.memory_space<vmem>> -> memref<64xi32, #tpu.memory_space<vmem>>
    %dma_start3A_89 = tpu.memref_slice %arg2[%add3A_83] : memref<16384xi32, #tpu.memory_space<hbm>> -> memref<64xi32, #tpu.memory_space<hbm>>
    tpu.enqueue_dma source(%dma_start3A_89 : memref<64xi32, #tpu.memory_space<hbm>>) target(%dma_start3A_88 : memref<64xi32, #tpu.memory_space<vmem>>) target_semaphore(%arg17 : memref<!tpu.dma_semaphore, #tpu.memory_space<semaphore_mem>>)
    %add3A_90 = arith.constant 320 : i32
    %add3A_91 = arith.addi %mul3A_2, %add3A_90 : i32
    %dma_start3A_92 = arith.constant 704 : i32
    %dma_start3A_93 = tpu.memref_slice %arg10[%dma_start3A_92] : memref<1024xi32, #tpu.memory_space<vmem>> -> memref<64xi32, #tpu.memory_space<vmem>>
    %dma_start3A_94 = tpu.memref_slice %arg3[%add3A_91] : memref<16384xi32, #tpu.memory_space<hbm>> -> memref<64xi32, #tpu.memory_space<hbm>>
    %dma_start3A_95 = arith.constant 704 : i32
    %dma_start3A_96 = tpu.memref_slice %arg10[%dma_start3A_95] : memref<1024xi32, #tpu.memory_space<vmem>> -> memref<64xi32, #tpu.memory_space<vmem>>
    %dma_start3A_97 = tpu.memref_slice %arg3[%add3A_91] : memref<16384xi32, #tpu.memory_space<hbm>> -> memref<64xi32, #tpu.memory_space<hbm>>
    tpu.enqueue_dma source(%dma_start3A_97 : memref<64xi32, #tpu.memory_space<hbm>>) target(%dma_start3A_96 : memref<64xi32, #tpu.memory_space<vmem>>) target_semaphore(%arg17 : memref<!tpu.dma_semaphore, #tpu.memory_space<semaphore_mem>>)
    %add3A_98 = arith.constant 384 : i32
    %add3A_99 = arith.addi %mul3A_2, %add3A_98 : i32
    %dma_start3A_100 = arith.constant 768 : i32
    %dma_start3A_101 = tpu.memref_slice %arg10[%dma_start3A_100] : memref<1024xi32, #tpu.memory_space<vmem>> -> memref<64xi32, #tpu.memory_space<vmem>>
    %dma_start3A_102 = tpu.memref_slice %arg2[%add3A_99] : memref<16384xi32, #tpu.memory_space<hbm>> -> memref<64xi32, #tpu.memory_space<hbm>>
    %dma_start3A_103 = arith.constant 768 : i32
    %dma_start3A_104 = tpu.memref_slice %arg10[%dma_start3A_103] : memref<1024xi32, #tpu.memory_space<vmem>> -> memref<64xi32, #tpu.memory_space<vmem>>
    %dma_start3A_105 = tpu.memref_slice %arg2[%add3A_99] : memref<16384xi32, #tpu.memory_space<hbm>> -> memref<64xi32, #tpu.memory_space<hbm>>
    tpu.enqueue_dma source(%dma_start3A_105 : memref<64xi32, #tpu.memory_space<hbm>>) target(%dma_start3A_104 : memref<64xi32, #tpu.memory_space<vmem>>) target_semaphore(%arg17 : memref<!tpu.dma_semaphore, #tpu.memory_space<semaphore_mem>>)
    %add3A_106 = arith.constant 384 : i32
    %add3A_107 = arith.addi %mul3A_2, %add3A_106 : i32
    %dma_start3A_108 = arith.constant 832 : i32
    %dma_start3A_109 = tpu.memref_slice %arg10[%dma_start3A_108] : memref<1024xi32, #tpu.memory_space<vmem>> -> memref<64xi32, #tpu.memory_space<vmem>>
    %dma_start3A_110 = tpu.memref_slice %arg3[%add3A_107] : memref<16384xi32, #tpu.memory_space<hbm>> -> memref<64xi32, #tpu.memory_space<hbm>>
    %dma_start3A_111 = arith.constant 832 : i32
    %dma_start3A_112 = tpu.memref_slice %arg10[%dma_start3A_111] : memref<1024xi32, #tpu.memory_space<vmem>> -> memref<64xi32, #tpu.memory_space<vmem>>
    %dma_start3A_113 = tpu.memref_slice %arg3[%add3A_107] : memref<16384xi32, #tpu.memory_space<hbm>> -> memref<64xi32, #tpu.memory_space<hbm>>
    tpu.enqueue_dma source(%dma_start3A_113 : memref<64xi32, #tpu.memory_space<hbm>>) target(%dma_start3A_112 : memref<64xi32, #tpu.memory_space<vmem>>) target_semaphore(%arg17 : memref<!tpu.dma_semaphore, #tpu.memory_space<semaphore_mem>>)
    %add3A_114 = arith.constant 448 : i32
    %add3A_115 = arith.addi %mul3A_2, %add3A_114 : i32
    %dma_start3A_116 = arith.constant 896 : i32
    %dma_start3A_117 = tpu.memref_slice %arg10[%dma_start3A_116] : memref<1024xi32, #tpu.memory_space<vmem>> -> memref<64xi32, #tpu.memory_space<vmem>>
    %dma_start3A_118 = tpu.memref_slice %arg2[%add3A_115] : memref<16384xi32, #tpu.memory_space<hbm>> -> memref<64xi32, #tpu.memory_space<hbm>>
    %dma_start3A_119 = arith.constant 896 : i32
    %dma_start3A_120 = tpu.memref_slice %arg10[%dma_start3A_119] : memref<1024xi32, #tpu.memory_space<vmem>> -> memref<64xi32, #tpu.memory_space<vmem>>
    %dma_start3A_121 = tpu.memref_slice %arg2[%add3A_115] : memref<16384xi32, #tpu.memory_space<hbm>> -> memref<64xi32, #tpu.memory_space<hbm>>
    tpu.enqueue_dma source(%dma_start3A_121 : memref<64xi32, #tpu.memory_space<hbm>>) target(%dma_start3A_120 : memref<64xi32, #tpu.memory_space<vmem>>) target_semaphore(%arg17 : memref<!tpu.dma_semaphore, #tpu.memory_space<semaphore_mem>>)
    %add3A_122 = arith.constant 448 : i32
    %add3A_123 = arith.addi %mul3A_2, %add3A_122 : i32
    %dma_start3A_124 = arith.constant 960 : i32
    %dma_start3A_125 = tpu.memref_slice %arg10[%dma_start3A_124] : memref<1024xi32, #tpu.memory_space<vmem>> -> memref<64xi32, #tpu.memory_space<vmem>>
    %dma_start3A_126 = tpu.memref_slice %arg3[%add3A_123] : memref<16384xi32, #tpu.memory_space<hbm>> -> memref<64xi32, #tpu.memory_space<hbm>>
    %dma_start3A_127 = arith.constant 960 : i32
    %dma_start3A_128 = tpu.memref_slice %arg10[%dma_start3A_127] : memref<1024xi32, #tpu.memory_space<vmem>> -> memref<64xi32, #tpu.memory_space<vmem>>
    %dma_start3A_129 = tpu.memref_slice %arg3[%add3A_123] : memref<16384xi32, #tpu.memory_space<hbm>> -> memref<64xi32, #tpu.memory_space<hbm>>
    tpu.enqueue_dma source(%dma_start3A_129 : memref<64xi32, #tpu.memory_space<hbm>>) target(%dma_start3A_128 : memref<64xi32, #tpu.memory_space<vmem>>) target_semaphore(%arg17 : memref<!tpu.dma_semaphore, #tpu.memory_space<semaphore_mem>>)
    %dma_start3A_130 = tpu.memref_slice %arg4[%mul3A_2] : memref<16384xi32, #tpu.memory_space<hbm>> -> memref<512xi32, #tpu.memory_space<hbm>>
    %dma_start3A_131 = tpu.memref_slice %arg4[%mul3A_2] : memref<16384xi32, #tpu.memory_space<hbm>> -> memref<512xi32, #tpu.memory_space<hbm>>
    tpu.enqueue_dma source(%dma_start3A_131 : memref<512xi32, #tpu.memory_space<hbm>>) target(%arg11 : memref<512xi32, #tpu.memory_space<vmem>>) target_semaphore(%arg17 : memref<!tpu.dma_semaphore, #tpu.memory_space<semaphore_mem>>)
    %dma_start3A_132 = tpu.memref_slice %arg5[%mul3A_2] : memref<16384xf32, #tpu.memory_space<hbm>> -> memref<512xf32, #tpu.memory_space<hbm>>
    %dma_start3A_133 = tpu.memref_slice %arg5[%mul3A_2] : memref<16384xf32, #tpu.memory_space<hbm>> -> memref<512xf32, #tpu.memory_space<hbm>>
    tpu.enqueue_dma source(%dma_start3A_133 : memref<512xf32, #tpu.memory_space<hbm>>) target(%arg12 : memref<512xf32, #tpu.memory_space<vmem>>) target_semaphore(%arg17 : memref<!tpu.dma_semaphore, #tpu.memory_space<semaphore_mem>>)
    %dma_wait3A = arith.constant 0 : i32
    %dma_wait3A_134 = tpu.memref_slice %arg10[%dma_wait3A] : memref<1024xi32, #tpu.memory_space<vmem>> -> memref<64xi32, #tpu.memory_space<vmem>>
    %dma_wait3A_135 = tpu.memref_slice %arg2[%add3A_4] : memref<16384xi32, #tpu.memory_space<hbm>> -> memref<64xi32, #tpu.memory_space<hbm>>
    %dma_wait3A_136 = arith.constant 0 : i32
    %dma_wait3A_137 = tpu.memref_slice %arg10[%dma_wait3A_136] : memref<1024xi32, #tpu.memory_space<vmem>> -> memref<64xi32, #tpu.memory_space<vmem>>
    %dma_wait3A_138 = tpu.memref_slice %arg2[%add3A_4] : memref<16384xi32, #tpu.memory_space<hbm>> -> memref<64xi32, #tpu.memory_space<hbm>>
    tpu.wait_dma2 semaphore(%arg17 : memref<!tpu.dma_semaphore, #tpu.memory_space<semaphore_mem>>) src(%dma_wait3A_138 : memref<64xi32, #tpu.memory_space<hbm>>) dst(%dma_wait3A_137 : memref<64xi32, #tpu.memory_space<vmem>>)
    %dma_wait3A_139 = arith.constant 64 : i32
    %dma_wait3A_140 = tpu.memref_slice %arg10[%dma_wait3A_139] : memref<1024xi32, #tpu.memory_space<vmem>> -> memref<64xi32, #tpu.memory_space<vmem>>
    %dma_wait3A_141 = tpu.memref_slice %arg3[%add3A_11] : memref<16384xi32, #tpu.memory_space<hbm>> -> memref<64xi32, #tpu.memory_space<hbm>>
    %dma_wait3A_142 = arith.constant 64 : i32
    %dma_wait3A_143 = tpu.memref_slice %arg10[%dma_wait3A_142] : memref<1024xi32, #tpu.memory_space<vmem>> -> memref<64xi32, #tpu.memory_space<vmem>>
    %dma_wait3A_144 = tpu.memref_slice %arg3[%add3A_11] : memref<16384xi32, #tpu.memory_space<hbm>> -> memref<64xi32, #tpu.memory_space<hbm>>
    tpu.wait_dma2 semaphore(%arg17 : memref<!tpu.dma_semaphore, #tpu.memory_space<semaphore_mem>>) src(%dma_wait3A_144 : memref<64xi32, #tpu.memory_space<hbm>>) dst(%dma_wait3A_143 : memref<64xi32, #tpu.memory_space<vmem>>)
    %dma_wait3A_145 = arith.constant 128 : i32
    %dma_wait3A_146 = tpu.memref_slice %arg10[%dma_wait3A_145] : memref<1024xi32, #tpu.memory_space<vmem>> -> memref<64xi32, #tpu.memory_space<vmem>>
    %dma_wait3A_147 = tpu.memref_slice %arg2[%add3A_19] : memref<16384xi32, #tpu.memory_space<hbm>> -> memref<64xi32, #tpu.memory_space<hbm>>
    %dma_wait3A_148 = arith.constant 128 : i32
    %dma_wait3A_149 = tpu.memref_slice %arg10[%dma_wait3A_148] : memref<1024xi32, #tpu.memory_space<vmem>> -> memref<64xi32, #tpu.memory_space<vmem>>
    %dma_wait3A_150 = tpu.memref_slice %arg2[%add3A_19] : memref<16384xi32, #tpu.memory_space<hbm>> -> memref<64xi32, #tpu.memory_space<hbm>>
    tpu.wait_dma2 semaphore(%arg17 : memref<!tpu.dma_semaphore, #tpu.memory_space<semaphore_mem>>) src(%dma_wait3A_150 : memref<64xi32, #tpu.memory_space<hbm>>) dst(%dma_wait3A_149 : memref<64xi32, #tpu.memory_space<vmem>>)
    %dma_wait3A_151 = arith.constant 192 : i32
    %dma_wait3A_152 = tpu.memref_slice %arg10[%dma_wait3A_151] : memref<1024xi32, #tpu.memory_space<vmem>> -> memref<64xi32, #tpu.memory_space<vmem>>
    %dma_wait3A_153 = tpu.memref_slice %arg3[%add3A_27] : memref<16384xi32, #tpu.memory_space<hbm>> -> memref<64xi32, #tpu.memory_space<hbm>>
    %dma_wait3A_154 = arith.constant 192 : i32
    %dma_wait3A_155 = tpu.memref_slice %arg10[%dma_wait3A_154] : memref<1024xi32, #tpu.memory_space<vmem>> -> memref<64xi32, #tpu.memory_space<vmem>>
    %dma_wait3A_156 = tpu.memref_slice %arg3[%add3A_27] : memref<16384xi32, #tpu.memory_space<hbm>> -> memref<64xi32, #tpu.memory_space<hbm>>
    tpu.wait_dma2 semaphore(%arg17 : memref<!tpu.dma_semaphore, #tpu.memory_space<semaphore_mem>>) src(%dma_wait3A_156 : memref<64xi32, #tpu.memory_space<hbm>>) dst(%dma_wait3A_155 : memref<64xi32, #tpu.memory_space<vmem>>)
    %dma_wait3A_157 = arith.constant 256 : i32
    %dma_wait3A_158 = tpu.memref_slice %arg10[%dma_wait3A_157] : memref<1024xi32, #tpu.memory_space<vmem>> -> memref<64xi32, #tpu.memory_space<vmem>>
    %dma_wait3A_159 = tpu.memref_slice %arg2[%add3A_35] : memref<16384xi32, #tpu.memory_space<hbm>> -> memref<64xi32, #tpu.memory_space<hbm>>
    %dma_wait3A_160 = arith.constant 256 : i32
    %dma_wait3A_161 = tpu.memref_slice %arg10[%dma_wait3A_160] : memref<1024xi32, #tpu.memory_space<vmem>> -> memref<64xi32, #tpu.memory_space<vmem>>
    %dma_wait3A_162 = tpu.memref_slice %arg2[%add3A_35] : memref<16384xi32, #tpu.memory_space<hbm>> -> memref<64xi32, #tpu.memory_space<hbm>>
    tpu.wait_dma2 semaphore(%arg17 : memref<!tpu.dma_semaphore, #tpu.memory_space<semaphore_mem>>) src(%dma_wait3A_162 : memref<64xi32, #tpu.memory_space<hbm>>) dst(%dma_wait3A_161 : memref<64xi32, #tpu.memory_space<vmem>>)
    %dma_wait3A_163 = arith.constant 320 : i32
    %dma_wait3A_164 = tpu.memref_slice %arg10[%dma_wait3A_163] : memref<1024xi32, #tpu.memory_space<vmem>> -> memref<64xi32, #tpu.memory_space<vmem>>
    %dma_wait3A_165 = tpu.memref_slice %arg3[%add3A_43] : memref<16384xi32, #tpu.memory_space<hbm>> -> memref<64xi32, #tpu.memory_space<hbm>>
    %dma_wait3A_166 = arith.constant 320 : i32
    %dma_wait3A_167 = tpu.memref_slice %arg10[%dma_wait3A_166] : memref<1024xi32, #tpu.memory_space<vmem>> -> memref<64xi32, #tpu.memory_space<vmem>>
    %dma_wait3A_168 = tpu.memref_slice %arg3[%add3A_43] : memref<16384xi32, #tpu.memory_space<hbm>> -> memref<64xi32, #tpu.memory_space<hbm>>
    tpu.wait_dma2 semaphore(%arg17 : memref<!tpu.dma_semaphore, #tpu.memory_space<semaphore_mem>>) src(%dma_wait3A_168 : memref<64xi32, #tpu.memory_space<hbm>>) dst(%dma_wait3A_167 : memref<64xi32, #tpu.memory_space<vmem>>)
    %dma_wait3A_169 = arith.constant 384 : i32
    %dma_wait3A_170 = tpu.memref_slice %arg10[%dma_wait3A_169] : memref<1024xi32, #tpu.memory_space<vmem>> -> memref<64xi32, #tpu.memory_space<vmem>>
    %dma_wait3A_171 = tpu.memref_slice %arg2[%add3A_51] : memref<16384xi32, #tpu.memory_space<hbm>> -> memref<64xi32, #tpu.memory_space<hbm>>
    %dma_wait3A_172 = arith.constant 384 : i32
    %dma_wait3A_173 = tpu.memref_slice %arg10[%dma_wait3A_172] : memref<1024xi32, #tpu.memory_space<vmem>> -> memref<64xi32, #tpu.memory_space<vmem>>
    %dma_wait3A_174 = tpu.memref_slice %arg2[%add3A_51] : memref<16384xi32, #tpu.memory_space<hbm>> -> memref<64xi32, #tpu.memory_space<hbm>>
    tpu.wait_dma2 semaphore(%arg17 : memref<!tpu.dma_semaphore, #tpu.memory_space<semaphore_mem>>) src(%dma_wait3A_174 : memref<64xi32, #tpu.memory_space<hbm>>) dst(%dma_wait3A_173 : memref<64xi32, #tpu.memory_space<vmem>>)
    %dma_wait3A_175 = arith.constant 448 : i32
    %dma_wait3A_176 = tpu.memref_slice %arg10[%dma_wait3A_175] : memref<1024xi32, #tpu.memory_space<vmem>> -> memref<64xi32, #tpu.memory_space<vmem>>
    %dma_wait3A_177 = tpu.memref_slice %arg3[%add3A_59] : memref<16384xi32, #tpu.memory_space<hbm>> -> memref<64xi32, #tpu.memory_space<hbm>>
    %dma_wait3A_178 = arith.constant 448 : i32
    %dma_wait3A_179 = tpu.memref_slice %arg10[%dma_wait3A_178] : memref<1024xi32, #tpu.memory_space<vmem>> -> memref<64xi32, #tpu.memory_space<vmem>>
    %dma_wait3A_180 = tpu.memref_slice %arg3[%add3A_59] : memref<16384xi32, #tpu.memory_space<hbm>> -> memref<64xi32, #tpu.memory_space<hbm>>
    tpu.wait_dma2 semaphore(%arg17 : memref<!tpu.dma_semaphore, #tpu.memory_space<semaphore_mem>>) src(%dma_wait3A_180 : memref<64xi32, #tpu.memory_space<hbm>>) dst(%dma_wait3A_179 : memref<64xi32, #tpu.memory_space<vmem>>)
    %dma_wait3A_181 = arith.constant 512 : i32
    %dma_wait3A_182 = tpu.memref_slice %arg10[%dma_wait3A_181] : memref<1024xi32, #tpu.memory_space<vmem>> -> memref<64xi32, #tpu.memory_space<vmem>>
    %dma_wait3A_183 = tpu.memref_slice %arg2[%add3A_67] : memref<16384xi32, #tpu.memory_space<hbm>> -> memref<64xi32, #tpu.memory_space<hbm>>
    %dma_wait3A_184 = arith.constant 512 : i32
    %dma_wait3A_185 = tpu.memref_slice %arg10[%dma_wait3A_184] : memref<1024xi32, #tpu.memory_space<vmem>> -> memref<64xi32, #tpu.memory_space<vmem>>
    %dma_wait3A_186 = tpu.memref_slice %arg2[%add3A_67] : memref<16384xi32, #tpu.memory_space<hbm>> -> memref<64xi32, #tpu.memory_space<hbm>>
    tpu.wait_dma2 semaphore(%arg17 : memref<!tpu.dma_semaphore, #tpu.memory_space<semaphore_mem>>) src(%dma_wait3A_186 : memref<64xi32, #tpu.memory_space<hbm>>) dst(%dma_wait3A_185 : memref<64xi32, #tpu.memory_space<vmem>>)
    %dma_wait3A_187 = arith.constant 576 : i32
    %dma_wait3A_188 = tpu.memref_slice %arg10[%dma_wait3A_187] : memref<1024xi32, #tpu.memory_space<vmem>> -> memref<64xi32, #tpu.memory_space<vmem>>
    %dma_wait3A_189 = tpu.memref_slice %arg3[%add3A_75] : memref<16384xi32, #tpu.memory_space<hbm>> -> memref<64xi32, #tpu.memory_space<hbm>>
    %dma_wait3A_190 = arith.constant 576 : i32
    %dma_wait3A_191 = tpu.memref_slice %arg10[%dma_wait3A_190] : memref<1024xi32, #tpu.memory_space<vmem>> -> memref<64xi32, #tpu.memory_space<vmem>>
    %dma_wait3A_192 = tpu.memref_slice %arg3[%add3A_75] : memref<16384xi32, #tpu.memory_space<hbm>> -> memref<64xi32, #tpu.memory_space<hbm>>
    tpu.wait_dma2 semaphore(%arg17 : memref<!tpu.dma_semaphore, #tpu.memory_space<semaphore_mem>>) src(%dma_wait3A_192 : memref<64xi32, #tpu.memory_space<hbm>>) dst(%dma_wait3A_191 : memref<64xi32, #tpu.memory_space<vmem>>)
    %dma_wait3A_193 = arith.constant 640 : i32
    %dma_wait3A_194 = tpu.memref_slice %arg10[%dma_wait3A_193] : memref<1024xi32, #tpu.memory_space<vmem>> -> memref<64xi32, #tpu.memory_space<vmem>>
    %dma_wait3A_195 = tpu.memref_slice %arg2[%add3A_83] : memref<16384xi32, #tpu.memory_space<hbm>> -> memref<64xi32, #tpu.memory_space<hbm>>
    %dma_wait3A_196 = arith.constant 640 : i32
    %dma_wait3A_197 = tpu.memref_slice %arg10[%dma_wait3A_196] : memref<1024xi32, #tpu.memory_space<vmem>> -> memref<64xi32, #tpu.memory_space<vmem>>
    %dma_wait3A_198 = tpu.memref_slice %arg2[%add3A_83] : memref<16384xi32, #tpu.memory_space<hbm>> -> memref<64xi32, #tpu.memory_space<hbm>>
    tpu.wait_dma2 semaphore(%arg17 : memref<!tpu.dma_semaphore, #tpu.memory_space<semaphore_mem>>) src(%dma_wait3A_198 : memref<64xi32, #tpu.memory_space<hbm>>) dst(%dma_wait3A_197 : memref<64xi32, #tpu.memory_space<vmem>>)
    %dma_wait3A_199 = arith.constant 704 : i32
    %dma_wait3A_200 = tpu.memref_slice %arg10[%dma_wait3A_199] : memref<1024xi32, #tpu.memory_space<vmem>> -> memref<64xi32, #tpu.memory_space<vmem>>
    %dma_wait3A_201 = tpu.memref_slice %arg3[%add3A_91] : memref<16384xi32, #tpu.memory_space<hbm>> -> memref<64xi32, #tpu.memory_space<hbm>>
    %dma_wait3A_202 = arith.constant 704 : i32
    %dma_wait3A_203 = tpu.memref_slice %arg10[%dma_wait3A_202] : memref<1024xi32, #tpu.memory_space<vmem>> -> memref<64xi32, #tpu.memory_space<vmem>>
    %dma_wait3A_204 = tpu.memref_slice %arg3[%add3A_91] : memref<16384xi32, #tpu.memory_space<hbm>> -> memref<64xi32, #tpu.memory_space<hbm>>
    tpu.wait_dma2 semaphore(%arg17 : memref<!tpu.dma_semaphore, #tpu.memory_space<semaphore_mem>>) src(%dma_wait3A_204 : memref<64xi32, #tpu.memory_space<hbm>>) dst(%dma_wait3A_203 : memref<64xi32, #tpu.memory_space<vmem>>)
    %dma_wait3A_205 = arith.constant 768 : i32
    %dma_wait3A_206 = tpu.memref_slice %arg10[%dma_wait3A_205] : memref<1024xi32, #tpu.memory_space<vmem>> -> memref<64xi32, #tpu.memory_space<vmem>>
    %dma_wait3A_207 = tpu.memref_slice %arg2[%add3A_99] : memref<16384xi32, #tpu.memory_space<hbm>> -> memref<64xi32, #tpu.memory_space<hbm>>
    %dma_wait3A_208 = arith.constant 768 : i32
    %dma_wait3A_209 = tpu.memref_slice %arg10[%dma_wait3A_208] : memref<1024xi32, #tpu.memory_space<vmem>> -> memref<64xi32, #tpu.memory_space<vmem>>
    %dma_wait3A_210 = tpu.memref_slice %arg2[%add3A_99] : memref<16384xi32, #tpu.memory_space<hbm>> -> memref<64xi32, #tpu.memory_space<hbm>>
    tpu.wait_dma2 semaphore(%arg17 : memref<!tpu.dma_semaphore, #tpu.memory_space<semaphore_mem>>) src(%dma_wait3A_210 : memref<64xi32, #tpu.memory_space<hbm>>) dst(%dma_wait3A_209 : memref<64xi32, #tpu.memory_space<vmem>>)
    %dma_wait3A_211 = arith.constant 832 : i32
    %dma_wait3A_212 = tpu.memref_slice %arg10[%dma_wait3A_211] : memref<1024xi32, #tpu.memory_space<vmem>> -> memref<64xi32, #tpu.memory_space<vmem>>
    %dma_wait3A_213 = tpu.memref_slice %arg3[%add3A_107] : memref<16384xi32, #tpu.memory_space<hbm>> -> memref<64xi32, #tpu.memory_space<hbm>>
    %dma_wait3A_214 = arith.constant 832 : i32
    %dma_wait3A_215 = tpu.memref_slice %arg10[%dma_wait3A_214] : memref<1024xi32, #tpu.memory_space<vmem>> -> memref<64xi32, #tpu.memory_space<vmem>>
    %dma_wait3A_216 = tpu.memref_slice %arg3[%add3A_107] : memref<16384xi32, #tpu.memory_space<hbm>> -> memref<64xi32, #tpu.memory_space<hbm>>
    tpu.wait_dma2 semaphore(%arg17 : memref<!tpu.dma_semaphore, #tpu.memory_space<semaphore_mem>>) src(%dma_wait3A_216 : memref<64xi32, #tpu.memory_space<hbm>>) dst(%dma_wait3A_215 : memref<64xi32, #tpu.memory_space<vmem>>)
    %dma_wait3A_217 = arith.constant 896 : i32
    %dma_wait3A_218 = tpu.memref_slice %arg10[%dma_wait3A_217] : memref<1024xi32, #tpu.memory_space<vmem>> -> memref<64xi32, #tpu.memory_space<vmem>>
    %dma_wait3A_219 = tpu.memref_slice %arg2[%add3A_115] : memref<16384xi32, #tpu.memory_space<hbm>> -> memref<64xi32, #tpu.memory_space<hbm>>
    %dma_wait3A_220 = arith.constant 896 : i32
    %dma_wait3A_221 = tpu.memref_slice %arg10[%dma_wait3A_220] : memref<1024xi32, #tpu.memory_space<vmem>> -> memref<64xi32, #tpu.memory_space<vmem>>
    %dma_wait3A_222 = tpu.memref_slice %arg2[%add3A_115] : memref<16384xi32, #tpu.memory_space<hbm>> -> memref<64xi32, #tpu.memory_space<hbm>>
    tpu.wait_dma2 semaphore(%arg17 : memref<!tpu.dma_semaphore, #tpu.memory_space<semaphore_mem>>) src(%dma_wait3A_222 : memref<64xi32, #tpu.memory_space<hbm>>) dst(%dma_wait3A_221 : memref<64xi32, #tpu.memory_space<vmem>>)
    %dma_wait3A_223 = arith.constant 960 : i32
    %dma_wait3A_224 = tpu.memref_slice %arg10[%dma_wait3A_223] : memref<1024xi32, #tpu.memory_space<vmem>> -> memref<64xi32, #tpu.memory_space<vmem>>
    %dma_wait3A_225 = tpu.memref_slice %arg3[%add3A_123] : memref<16384xi32, #tpu.memory_space<hbm>> -> memref<64xi32, #tpu.memory_space<hbm>>
    %dma_wait3A_226 = arith.constant 960 : i32
    %dma_wait3A_227 = tpu.memref_slice %arg10[%dma_wait3A_226] : memref<1024xi32, #tpu.memory_space<vmem>> -> memref<64xi32, #tpu.memory_space<vmem>>
    %dma_wait3A_228 = tpu.memref_slice %arg3[%add3A_123] : memref<16384xi32, #tpu.memory_space<hbm>> -> memref<64xi32, #tpu.memory_space<hbm>>
    tpu.wait_dma2 semaphore(%arg17 : memref<!tpu.dma_semaphore, #tpu.memory_space<semaphore_mem>>) src(%dma_wait3A_228 : memref<64xi32, #tpu.memory_space<hbm>>) dst(%dma_wait3A_227 : memref<64xi32, #tpu.memory_space<vmem>>)
    %dma_wait3A_229 = tpu.memref_slice %arg4[%mul3A_2] : memref<16384xi32, #tpu.memory_space<hbm>> -> memref<512xi32, #tpu.memory_space<hbm>>
    %dma_wait3A_230 = tpu.memref_slice %arg4[%mul3A_2] : memref<16384xi32, #tpu.memory_space<hbm>> -> memref<512xi32, #tpu.memory_space<hbm>>
    tpu.wait_dma2 semaphore(%arg17 : memref<!tpu.dma_semaphore, #tpu.memory_space<semaphore_mem>>) src(%dma_wait3A_230 : memref<512xi32, #tpu.memory_space<hbm>>) dst(%arg11 : memref<512xi32, #tpu.memory_space<vmem>>)
    %dma_wait3A_231 = tpu.memref_slice %arg5[%mul3A_2] : memref<16384xf32, #tpu.memory_space<hbm>> -> memref<512xf32, #tpu.memory_space<hbm>>
    %dma_wait3A_232 = tpu.memref_slice %arg5[%mul3A_2] : memref<16384xf32, #tpu.memory_space<hbm>> -> memref<512xf32, #tpu.memory_space<hbm>>
    tpu.wait_dma2 semaphore(%arg17 : memref<!tpu.dma_semaphore, #tpu.memory_space<semaphore_mem>>) src(%dma_wait3A_232 : memref<512xf32, #tpu.memory_space<hbm>>) dst(%arg12 : memref<512xf32, #tpu.memory_space<vmem>>)
    %broadcast_in_dim3A = arith.constant 0.000000e+00 : f32
    %broadcast_in_dim3A_233 = vector.broadcast %broadcast_in_dim3A : f32 to vector<16xf32>
    %dma_start3A_234 = arith.constant 0 : i32
    %dma_start3A_235 = arith.constant 0 : i32
    %dma_start3A_236 = arith.constant 0 : i32
    %dma_start3A_237 = tpu.memref_slice %arg13[%dma_start3A_234, %dma_start3A_235, %dma_start3A_236] : memref<2x128x128xf32, #tpu.memory_space<vmem>> -> memref<1x128x128xf32, #tpu.memory_space<vmem>>
    %dma_start3A_238 = tpu.memref_squeeze %dma_start3A_237 : memref<1x128x128xf32, #tpu.memory_space<vmem>> -> memref<128x128xf32, #tpu.memory_space<vmem>>
    %dma_start3A_239 = arith.constant 0 : i32
    %dma_start3A_240 = tpu.memref_slice %arg10[%dma_start3A_239] : memref<1024xi32, #tpu.memory_space<vmem>> -> memref<128xi32, #tpu.memory_space<vmem>>
    %dma_start3A_241 = arith.constant 0 : i32
    %dma_start3A_242 = arith.constant 0 : i32
    %dma_start3A_243 = tpu.memref_slice %arg6[%dma_start3A_241, %dma_start3A_242] : memref<100000x128xf32, #tpu.memory_space<hbm>> -> memref<100000x128xf32, #tpu.memory_space<hbm>>
    tpu.enqueue_indirect_dma source(%dma_start3A_243 : memref<100000x128xf32, #tpu.memory_space<hbm>>) target(%dma_start3A_238 : memref<128x128xf32, #tpu.memory_space<vmem>>) offsets(%dma_start3A_240 : memref<128xi32, #tpu.memory_space<vmem>>) semaphore(%arg18 : memref<!tpu.dma_semaphore, #tpu.memory_space<semaphore_mem>>)
    %dma_start3A_244 = arith.constant 0 : i32
    %dma_start3A_245 = arith.constant 0 : i32
    %dma_start3A_246 = arith.constant 0 : i32
    %dma_start3A_247 = tpu.memref_slice %arg14[%dma_start3A_244, %dma_start3A_245, %dma_start3A_246] : memref<2x64x128xf32, #tpu.memory_space<vmem>> -> memref<1x64x128xf32, #tpu.memory_space<vmem>>
    %dma_start3A_248 = tpu.memref_squeeze %dma_start3A_247 : memref<1x64x128xf32, #tpu.memory_space<vmem>> -> memref<64x128xf32, #tpu.memory_space<vmem>>
    %dma_start3A_249 = arith.constant 0 : i32
    %dma_start3A_250 = tpu.memref_slice %arg11[%dma_start3A_249] : memref<512xi32, #tpu.memory_space<vmem>> -> memref<64xi32, #tpu.memory_space<vmem>>
    %dma_start3A_251 = arith.constant 0 : i32
    %dma_start3A_252 = arith.constant 0 : i32
    %dma_start3A_253 = tpu.memref_slice %arg7[%dma_start3A_251, %dma_start3A_252] : memref<1000x128xf32, #tpu.memory_space<hbm>> -> memref<1000x128xf32, #tpu.memory_space<hbm>>
    tpu.enqueue_indirect_dma source(%dma_start3A_253 : memref<1000x128xf32, #tpu.memory_space<hbm>>) target(%dma_start3A_248 : memref<64x128xf32, #tpu.memory_space<vmem>>) offsets(%dma_start3A_250 : memref<64xi32, #tpu.memory_space<vmem>>) semaphore(%arg18 : memref<!tpu.dma_semaphore, #tpu.memory_space<semaphore_mem>>)
    %dma_start3A_254 = arith.constant 1 : i32
    %dma_start3A_255 = arith.constant 0 : i32
    %dma_start3A_256 = arith.constant 0 : i32
    %dma_start3A_257 = tpu.memref_slice %arg13[%dma_start3A_254, %dma_start3A_255, %dma_start3A_256] : memref<2x128x128xf32, #tpu.memory_space<vmem>> -> memref<1x128x128xf32, #tpu.memory_space<vmem>>
    %dma_start3A_258 = tpu.memref_squeeze %dma_start3A_257 : memref<1x128x128xf32, #tpu.memory_space<vmem>> -> memref<128x128xf32, #tpu.memory_space<vmem>>
    %dma_start3A_259 = arith.constant 128 : i32
    %dma_start3A_260 = tpu.memref_slice %arg10[%dma_start3A_259] : memref<1024xi32, #tpu.memory_space<vmem>> -> memref<128xi32, #tpu.memory_space<vmem>>
    %dma_start3A_261 = arith.constant 0 : i32
    %dma_start3A_262 = arith.constant 0 : i32
    %dma_start3A_263 = tpu.memref_slice %arg6[%dma_start3A_261, %dma_start3A_262] : memref<100000x128xf32, #tpu.memory_space<hbm>> -> memref<100000x128xf32, #tpu.memory_space<hbm>>
    tpu.enqueue_indirect_dma source(%dma_start3A_263 : memref<100000x128xf32, #tpu.memory_space<hbm>>) target(%dma_start3A_258 : memref<128x128xf32, #tpu.memory_space<vmem>>) offsets(%dma_start3A_260 : memref<128xi32, #tpu.memory_space<vmem>>) semaphore(%arg19 : memref<!tpu.dma_semaphore, #tpu.memory_space<semaphore_mem>>)
    %dma_start3A_264 = arith.constant 1 : i32
    %dma_start3A_265 = arith.constant 0 : i32
    %dma_start3A_266 = arith.constant 0 : i32
    %dma_start3A_267 = tpu.memref_slice %arg14[%dma_start3A_264, %dma_start3A_265, %dma_start3A_266] : memref<2x64x128xf32, #tpu.memory_space<vmem>> -> memref<1x64x128xf32, #tpu.memory_space<vmem>>
    %dma_start3A_268 = tpu.memref_squeeze %dma_start3A_267 : memref<1x64x128xf32, #tpu.memory_space<vmem>> -> memref<64x128xf32, #tpu.memory_space<vmem>>
    %dma_start3A_269 = arith.constant 64 : i32
    %dma_start3A_270 = tpu.memref_slice %arg11[%dma_start3A_269] : memref<512xi32, #tpu.memory_space<vmem>> -> memref<64xi32, #tpu.memory_space<vmem>>
    %dma_start3A_271 = arith.constant 0 : i32
    %dma_start3A_272 = arith.constant 0 : i32
    %dma_start3A_273 = tpu.memref_slice %arg7[%dma_start3A_271, %dma_start3A_272] : memref<1000x128xf32, #tpu.memory_space<hbm>> -> memref<1000x128xf32, #tpu.memory_space<hbm>>
    tpu.enqueue_indirect_dma source(%dma_start3A_273 : memref<1000x128xf32, #tpu.memory_space<hbm>>) target(%dma_start3A_268 : memref<64x128xf32, #tpu.memory_space<vmem>>) offsets(%dma_start3A_270 : memref<64xi32, #tpu.memory_space<vmem>>) semaphore(%arg19 : memref<!tpu.dma_semaphore, #tpu.memory_space<semaphore_mem>>)
    %dma_wait3A_274 = arith.constant 0 : i32
    %dma_wait3A_275 = arith.constant 0 : i32
    %dma_wait3A_276 = arith.constant 0 : i32
    %dma_wait3A_277 = tpu.memref_slice %arg13[%dma_wait3A_274, %dma_wait3A_275, %dma_wait3A_276] : memref<2x128x128xf32, #tpu.memory_space<vmem>> -> memref<1x128x128xf32, #tpu.memory_space<vmem>>
    %dma_wait3A_278 = tpu.memref_squeeze %dma_wait3A_277 : memref<1x128x128xf32, #tpu.memory_space<vmem>> -> memref<128x128xf32, #tpu.memory_space<vmem>>
    %dma_wait3A_279 = arith.constant 0 : i32
    %dma_wait3A_280 = tpu.memref_slice %arg10[%dma_wait3A_279] : memref<1024xi32, #tpu.memory_space<vmem>> -> memref<128xi32, #tpu.memory_space<vmem>>
    %dma_wait3A_281 = arith.constant 0 : i32
    %dma_wait3A_282 = arith.constant 0 : i32
    %dma_wait3A_283 = tpu.memref_slice %arg6[%dma_wait3A_281, %dma_wait3A_282] : memref<100000x128xf32, #tpu.memory_space<hbm>> -> memref<100000x128xf32, #tpu.memory_space<hbm>>
    tpu.wait_indirect_dma semaphore(%arg18 : memref<!tpu.dma_semaphore, #tpu.memory_space<semaphore_mem>>) src(%dma_wait3A_283 : memref<100000x128xf32, #tpu.memory_space<hbm>>) dst(%dma_wait3A_278 : memref<128x128xf32, #tpu.memory_space<vmem>>)
    %dma_wait3A_284 = arith.constant 0 : i32
    %dma_wait3A_285 = arith.constant 0 : i32
    %dma_wait3A_286 = arith.constant 0 : i32
    %dma_wait3A_287 = tpu.memref_slice %arg14[%dma_wait3A_284, %dma_wait3A_285, %dma_wait3A_286] : memref<2x64x128xf32, #tpu.memory_space<vmem>> -> memref<1x64x128xf32, #tpu.memory_space<vmem>>
    %dma_wait3A_288 = tpu.memref_squeeze %dma_wait3A_287 : memref<1x64x128xf32, #tpu.memory_space<vmem>> -> memref<64x128xf32, #tpu.memory_space<vmem>>
    %dma_wait3A_289 = arith.constant 0 : i32
    %dma_wait3A_290 = tpu.memref_slice %arg11[%dma_wait3A_289] : memref<512xi32, #tpu.memory_space<vmem>> -> memref<64xi32, #tpu.memory_space<vmem>>
    %dma_wait3A_291 = arith.constant 0 : i32
    %dma_wait3A_292 = arith.constant 0 : i32
    %dma_wait3A_293 = tpu.memref_slice %arg7[%dma_wait3A_291, %dma_wait3A_292] : memref<1000x128xf32, #tpu.memory_space<hbm>> -> memref<1000x128xf32, #tpu.memory_space<hbm>>
    tpu.wait_indirect_dma semaphore(%arg18 : memref<!tpu.dma_semaphore, #tpu.memory_space<semaphore_mem>>) src(%dma_wait3A_293 : memref<1000x128xf32, #tpu.memory_space<hbm>>) dst(%dma_wait3A_288 : memref<64x128xf32, #tpu.memory_space<vmem>>)
    %parallel_loop3A = arith.constant 0 : i32
    %parallel_loop3A_294 = arith.constant 64 : i32
    %parallel_loop3A_295 = arith.constant 1 : i32
    %parallel_loop3A_296:6 = scf.for %parallel_loop3A_610 = %parallel_loop3A to %parallel_loop3A_294 step %parallel_loop3A_295 iter_args(%parallel_loop3A_611 = %broadcast_in_dim3A_233, %parallel_loop3A_612 = %broadcast_in_dim3A_233, %parallel_loop3A_613 = %broadcast_in_dim3A_233, %parallel_loop3A_614 = %broadcast_in_dim3A_233, %parallel_loop3A_615 = %broadcast_in_dim3A_233, %parallel_loop3A_616 = %broadcast_in_dim3A_233) -> (vector<16xf32>, vector<16xf32>, vector<16xf32>, vector<16xf32>, vector<16xf32>, vector<16xf32>)  : i32 {
      %parallel_loop3A_617 = arith.constant 0 : i32
      %parallel_loop3A_618 = arith.addi %parallel_loop3A_617, %parallel_loop3A_610 : i32
      %parallel_loop3A_619 = arith.constant -16 : i32
      %parallel_loop3A_620 = arith.andi %parallel_loop3A_618, %parallel_loop3A_619 : i32
      %parallel_loop3A_621 = arith.index_cast %parallel_loop3A_620 : i32 to index
      %parallel_loop3A_622 = tpu.vector_load %arg12[%parallel_loop3A_621] {strides = array<i32>} : memref<512xf32, #tpu.memory_space<vmem>>, vector<16xf32>,
      %parallel_loop3A_623 = vector.shape_cast %parallel_loop3A_622 : vector<16xf32> to vector<16xf32>
      %parallel_loop3A_624 = arith.constant 15 : i32
      %parallel_loop3A_625 = arith.andi %parallel_loop3A_618, %parallel_loop3A_624 : i32
      %parallel_loop3A_626 = vector.broadcast %parallel_loop3A_625 : i32 to vector<16xi32>
      %parallel_loop3A_627 = arith.constant 0 : i32
      %parallel_loop3A_628 = vector.broadcast %parallel_loop3A_627 : i32 to vector<16xi32>
      %parallel_loop3A_629 = arith.cmpi slt, %parallel_loop3A_626, %parallel_loop3A_628 : vector<16xi32>
      %parallel_loop3A_630 = arith.constant 16 : i32
      %parallel_loop3A_631 = vector.broadcast %parallel_loop3A_630 : i32 to vector<16xi32>
      %parallel_loop3A_632 = arith.addi %parallel_loop3A_626, %parallel_loop3A_631 : vector<16xi32>
      %parallel_loop3A_633 = arith.select %parallel_loop3A_629, %parallel_loop3A_632, %parallel_loop3A_626 : vector<16xi1>, vector<16xi32>
      %parallel_loop3A_634 = vector.shape_cast %parallel_loop3A_633 : vector<16xi32> to vector<16x1xi32>
      %parallel_loop3A_635 = vector.shape_cast %parallel_loop3A_634 : vector<16x1xi32> to vector<16xi32>
      %parallel_loop3A_636 = tpu.dynamic_gather %parallel_loop3A_623[%parallel_loop3A_635] in [0] : vector<16xf32>, vector<16xi32> -> vector<16xf32>
      %parallel_loop3A_637 = arith.subf %broadcast_in_dim3A_233, %parallel_loop3A_636 : vector<16xf32>
      %parallel_loop3A_638 = arith.constant 0.000000e+00 : f32
      %parallel_loop3A_639 = vector.broadcast %parallel_loop3A_638 : f32 to vector<16xf32>
      %parallel_loop3A_640 = arith.constant 0 : i32
      %parallel_loop3A_641 = arith.index_cast %parallel_loop3A_640 : i32 to index
      %parallel_loop3A_642 = arith.index_cast %parallel_loop3A_610 : i32 to index
      %parallel_loop3A_643 = arith.constant 0 : index
      %parallel_loop3A_644 = tpu.vector_load %arg13[%parallel_loop3A_641, %parallel_loop3A_642, %parallel_loop3A_643] {strides = array<i32>} : memref<2x128x128xf32, #tpu.memory_space<vmem>>, vector<1x1x16xf32>,
      %parallel_loop3A_645 = vector.shape_cast %parallel_loop3A_644 : vector<1x1x16xf32> to vector<16xf32>
      %parallel_loop3A_646 = arith.constant 64 : i32
      %parallel_loop3A_647 = arith.addi %parallel_loop3A_646, %parallel_loop3A_610 : i32
      %parallel_loop3A_648 = arith.constant 0 : i32
      %parallel_loop3A_649 = arith.index_cast %parallel_loop3A_648 : i32 to index
      %parallel_loop3A_650 = arith.index_cast %parallel_loop3A_647 : i32 to index
      %parallel_loop3A_651 = arith.constant 0 : index
      %parallel_loop3A_652 = tpu.vector_load %arg13[%parallel_loop3A_649, %parallel_loop3A_650, %parallel_loop3A_651] {strides = array<i32>} : memref<2x128x128xf32, #tpu.memory_space<vmem>>, vector<1x1x16xf32>,
      %parallel_loop3A_653 = vector.shape_cast %parallel_loop3A_652 : vector<1x1x16xf32> to vector<16xf32>
      %parallel_loop3A_654 = arith.constant 0 : i32
      %parallel_loop3A_655 = arith.index_cast %parallel_loop3A_654 : i32 to index
      %parallel_loop3A_656 = arith.index_cast %parallel_loop3A_610 : i32 to index
      %parallel_loop3A_657 = arith.constant 0 : index
      %parallel_loop3A_658 = tpu.vector_load %arg14[%parallel_loop3A_655, %parallel_loop3A_656, %parallel_loop3A_657] {strides = array<i32>} : memref<2x64x128xf32, #tpu.memory_space<vmem>>, vector<1x1x16xf32>,
      %parallel_loop3A_659 = vector.shape_cast %parallel_loop3A_658 : vector<1x1x16xf32> to vector<16xf32>
      %parallel_loop3A_660 = arith.mulf %parallel_loop3A_645, %parallel_loop3A_659 : vector<16xf32>
      %parallel_loop3A_661 = arith.mulf %parallel_loop3A_660, %parallel_loop3A_653 : vector<16xf32>
      %parallel_loop3A_662 = arith.addf %parallel_loop3A_639, %parallel_loop3A_661 : vector<16xf32>
      %parallel_loop3A_663 = arith.mulf %parallel_loop3A_645, %parallel_loop3A_645 : vector<16xf32>
      %parallel_loop3A_664 = arith.addf %parallel_loop3A_611, %parallel_loop3A_663 : vector<16xf32>
      %parallel_loop3A_665 = arith.mulf %parallel_loop3A_653, %parallel_loop3A_653 : vector<16xf32>
      %parallel_loop3A_666 = arith.addf %parallel_loop3A_613, %parallel_loop3A_665 : vector<16xf32>
      %parallel_loop3A_667 = arith.mulf %parallel_loop3A_659, %parallel_loop3A_659 : vector<16xf32>
      %parallel_loop3A_668 = arith.addf %parallel_loop3A_615, %parallel_loop3A_667 : vector<16xf32>
      %parallel_loop3A_669 = arith.constant 0 : i32
      %parallel_loop3A_670 = arith.index_cast %parallel_loop3A_669 : i32 to index
      %parallel_loop3A_671 = arith.index_cast %parallel_loop3A_610 : i32 to index
      %parallel_loop3A_672 = arith.constant 16 : index
      %parallel_loop3A_673 = tpu.vector_load %arg13[%parallel_loop3A_670, %parallel_loop3A_671, %parallel_loop3A_672] {strides = array<i32>} : memref<2x128x128xf32, #tpu.memory_space<vmem>>, vector<1x1x16xf32>,
      %parallel_loop3A_674 = vector.shape_cast %parallel_loop3A_673 : vector<1x1x16xf32> to vector<16xf32>
      %parallel_loop3A_675 = arith.constant 64 : i32
      %parallel_loop3A_676 = arith.addi %parallel_loop3A_675, %parallel_loop3A_610 : i32
      %parallel_loop3A_677 = arith.constant 0 : i32
      %parallel_loop3A_678 = arith.index_cast %parallel_loop3A_677 : i32 to index
      %parallel_loop3A_679 = arith.index_cast %parallel_loop3A_676 : i32 to index
      %parallel_loop3A_680 = arith.constant 16 : index
      %parallel_loop3A_681 = tpu.vector_load %arg13[%parallel_loop3A_678, %parallel_loop3A_679, %parallel_loop3A_680] {strides = array<i32>} : memref<2x128x128xf32, #tpu.memory_space<vmem>>, vector<1x1x16xf32>,
      %parallel_loop3A_682 = vector.shape_cast %parallel_loop3A_681 : vector<1x1x16xf32> to vector<16xf32>
      %parallel_loop3A_683 = arith.constant 0 : i32
      %parallel_loop3A_684 = arith.index_cast %parallel_loop3A_683 : i32 to index
      %parallel_loop3A_685 = arith.index_cast %parallel_loop3A_610 : i32 to index
      %parallel_loop3A_686 = arith.constant 16 : index
      %parallel_loop3A_687 = tpu.vector_load %arg14[%parallel_loop3A_684, %parallel_loop3A_685, %parallel_loop3A_686] {strides = array<i32>} : memref<2x64x128xf32, #tpu.memory_space<vmem>>, vector<1x1x16xf32>,
      %parallel_loop3A_688 = vector.shape_cast %parallel_loop3A_687 : vector<1x1x16xf32> to vector<16xf32>
      %parallel_loop3A_689 = arith.mulf %parallel_loop3A_674, %parallel_loop3A_688 : vector<16xf32>
      %parallel_loop3A_690 = arith.mulf %parallel_loop3A_689, %parallel_loop3A_682 : vector<16xf32>
      %parallel_loop3A_691 = arith.addf %parallel_loop3A_662, %parallel_loop3A_690 : vector<16xf32>
      %parallel_loop3A_692 = arith.mulf %parallel_loop3A_674, %parallel_loop3A_674 : vector<16xf32>
      %parallel_loop3A_693 = arith.addf %parallel_loop3A_612, %parallel_loop3A_692 : vector<16xf32>
      %parallel_loop3A_694 = arith.mulf %parallel_loop3A_682, %parallel_loop3A_682 : vector<16xf32>
      %parallel_loop3A_695 = arith.addf %parallel_loop3A_614, %parallel_loop3A_694 : vector<16xf32>
      %parallel_loop3A_696 = arith.mulf %parallel_loop3A_688, %parallel_loop3A_688 : vector<16xf32>
      %parallel_loop3A_697 = arith.addf %parallel_loop3A_616, %parallel_loop3A_696 : vector<16xf32>
      %parallel_loop3A_698 = arith.constant 0 : i32
      %parallel_loop3A_699 = arith.index_cast %parallel_loop3A_698 : i32 to index
      %parallel_loop3A_700 = arith.index_cast %parallel_loop3A_610 : i32 to index
      %parallel_loop3A_701 = arith.constant 32 : index
      %parallel_loop3A_702 = tpu.vector_load %arg13[%parallel_loop3A_699, %parallel_loop3A_700, %parallel_loop3A_701] {strides = array<i32>} : memref<2x128x128xf32, #tpu.memory_space<vmem>>, vector<1x1x16xf32>,
      %parallel_loop3A_703 = vector.shape_cast %parallel_loop3A_702 : vector<1x1x16xf32> to vector<16xf32>
      %parallel_loop3A_704 = arith.constant 64 : i32
      %parallel_loop3A_705 = arith.addi %parallel_loop3A_704, %parallel_loop3A_610 : i32
      %parallel_loop3A_706 = arith.constant 0 : i32
      %parallel_loop3A_707 = arith.index_cast %parallel_loop3A_706 : i32 to index
      %parallel_loop3A_708 = arith.index_cast %parallel_loop3A_705 : i32 to index
      %parallel_loop3A_709 = arith.constant 32 : index
      %parallel_loop3A_710 = tpu.vector_load %arg13[%parallel_loop3A_707, %parallel_loop3A_708, %parallel_loop3A_709] {strides = array<i32>} : memref<2x128x128xf32, #tpu.memory_space<vmem>>, vector<1x1x16xf32>,
      %parallel_loop3A_711 = vector.shape_cast %parallel_loop3A_710 : vector<1x1x16xf32> to vector<16xf32>
      %parallel_loop3A_712 = arith.constant 0 : i32
      %parallel_loop3A_713 = arith.index_cast %parallel_loop3A_712 : i32 to index
      %parallel_loop3A_714 = arith.index_cast %parallel_loop3A_610 : i32 to index
      %parallel_loop3A_715 = arith.constant 32 : index
      %parallel_loop3A_716 = tpu.vector_load %arg14[%parallel_loop3A_713, %parallel_loop3A_714, %parallel_loop3A_715] {strides = array<i32>} : memref<2x64x128xf32, #tpu.memory_space<vmem>>, vector<1x1x16xf32>,
      %parallel_loop3A_717 = vector.shape_cast %parallel_loop3A_716 : vector<1x1x16xf32> to vector<16xf32>
      %parallel_loop3A_718 = arith.mulf %parallel_loop3A_703, %parallel_loop3A_717 : vector<16xf32>
      %parallel_loop3A_719 = arith.mulf %parallel_loop3A_718, %parallel_loop3A_711 : vector<16xf32>
      %parallel_loop3A_720 = arith.addf %parallel_loop3A_691, %parallel_loop3A_719 : vector<16xf32>
      %parallel_loop3A_721 = arith.mulf %parallel_loop3A_703, %parallel_loop3A_703 : vector<16xf32>
      %parallel_loop3A_722 = arith.addf %parallel_loop3A_664, %parallel_loop3A_721 : vector<16xf32>
      %parallel_loop3A_723 = arith.mulf %parallel_loop3A_711, %parallel_loop3A_711 : vector<16xf32>
      %parallel_loop3A_724 = arith.addf %parallel_loop3A_666, %parallel_loop3A_723 : vector<16xf32>
      %parallel_loop3A_725 = arith.mulf %parallel_loop3A_717, %parallel_loop3A_717 : vector<16xf32>
      %parallel_loop3A_726 = arith.addf %parallel_loop3A_668, %parallel_loop3A_725 : vector<16xf32>
      %parallel_loop3A_727 = arith.constant 0 : i32
      %parallel_loop3A_728 = arith.index_cast %parallel_loop3A_727 : i32 to index
      %parallel_loop3A_729 = arith.index_cast %parallel_loop3A_610 : i32 to index
      %parallel_loop3A_730 = arith.constant 48 : index
      %parallel_loop3A_731 = tpu.vector_load %arg13[%parallel_loop3A_728, %parallel_loop3A_729, %parallel_loop3A_730] {strides = array<i32>} : memref<2x128x128xf32, #tpu.memory_space<vmem>>, vector<1x1x16xf32>,
      %parallel_loop3A_732 = vector.shape_cast %parallel_loop3A_731 : vector<1x1x16xf32> to vector<16xf32>
      %parallel_loop3A_733 = arith.constant 64 : i32
      %parallel_loop3A_734 = arith.addi %parallel_loop3A_733, %parallel_loop3A_610 : i32
      %parallel_loop3A_735 = arith.constant 0 : i32
      %parallel_loop3A_736 = arith.index_cast %parallel_loop3A_735 : i32 to index
      %parallel_loop3A_737 = arith.index_cast %parallel_loop3A_734 : i32 to index
      %parallel_loop3A_738 = arith.constant 48 : index
      %parallel_loop3A_739 = tpu.vector_load %arg13[%parallel_loop3A_736, %parallel_loop3A_737, %parallel_loop3A_738] {strides = array<i32>} : memref<2x128x128xf32, #tpu.memory_space<vmem>>, vector<1x1x16xf32>,
      %parallel_loop3A_740 = vector.shape_cast %parallel_loop3A_739 : vector<1x1x16xf32> to vector<16xf32>
      %parallel_loop3A_741 = arith.constant 0 : i32
      %parallel_loop3A_742 = arith.index_cast %parallel_loop3A_741 : i32 to index
      %parallel_loop3A_743 = arith.index_cast %parallel_loop3A_610 : i32 to index
      %parallel_loop3A_744 = arith.constant 48 : index
      %parallel_loop3A_745 = tpu.vector_load %arg14[%parallel_loop3A_742, %parallel_loop3A_743, %parallel_loop3A_744] {strides = array<i32>} : memref<2x64x128xf32, #tpu.memory_space<vmem>>, vector<1x1x16xf32>,
      %parallel_loop3A_746 = vector.shape_cast %parallel_loop3A_745 : vector<1x1x16xf32> to vector<16xf32>
      %parallel_loop3A_747 = arith.mulf %parallel_loop3A_732, %parallel_loop3A_746 : vector<16xf32>
      %parallel_loop3A_748 = arith.mulf %parallel_loop3A_747, %parallel_loop3A_740 : vector<16xf32>
      %parallel_loop3A_749 = arith.addf %parallel_loop3A_720, %parallel_loop3A_748 : vector<16xf32>
      %parallel_loop3A_750 = arith.mulf %parallel_loop3A_732, %parallel_loop3A_732 : vector<16xf32>
      %parallel_loop3A_751 = arith.addf %parallel_loop3A_693, %parallel_loop3A_750 : vector<16xf32>
      %parallel_loop3A_752 = arith.mulf %parallel_loop3A_740, %parallel_loop3A_740 : vector<16xf32>
      %parallel_loop3A_753 = arith.addf %parallel_loop3A_695, %parallel_loop3A_752 : vector<16xf32>
      %parallel_loop3A_754 = arith.mulf %parallel_loop3A_746, %parallel_loop3A_746 : vector<16xf32>
      %parallel_loop3A_755 = arith.addf %parallel_loop3A_697, %parallel_loop3A_754 : vector<16xf32>
      %parallel_loop3A_756 = arith.constant 0 : i32
      %parallel_loop3A_757 = arith.index_cast %parallel_loop3A_756 : i32 to index
      %parallel_loop3A_758 = arith.index_cast %parallel_loop3A_610 : i32 to index
      %parallel_loop3A_759 = arith.constant 64 : index
      %parallel_loop3A_760 = tpu.vector_load %arg13[%parallel_loop3A_757, %parallel_loop3A_758, %parallel_loop3A_759] {strides = array<i32>} : memref<2x128x128xf32, #tpu.memory_space<vmem>>, vector<1x1x16xf32>,
      %parallel_loop3A_761 = vector.shape_cast %parallel_loop3A_760 : vector<1x1x16xf32> to vector<16xf32>
      %parallel_loop3A_762 = arith.constant 64 : i32
      %parallel_loop3A_763 = arith.addi %parallel_loop3A_762, %parallel_loop3A_610 : i32
      %parallel_loop3A_764 = arith.constant 0 : i32
      %parallel_loop3A_765 = arith.index_cast %parallel_loop3A_764 : i32 to index
      %parallel_loop3A_766 = arith.index_cast %parallel_loop3A_763 : i32 to index
      %parallel_loop3A_767 = arith.constant 64 : index
      %parallel_loop3A_768 = tpu.vector_load %arg13[%parallel_loop3A_765, %parallel_loop3A_766, %parallel_loop3A_767] {strides = array<i32>} : memref<2x128x128xf32, #tpu.memory_space<vmem>>, vector<1x1x16xf32>,
      %parallel_loop3A_769 = vector.shape_cast %parallel_loop3A_768 : vector<1x1x16xf32> to vector<16xf32>
      %parallel_loop3A_770 = arith.constant 0 : i32
      %parallel_loop3A_771 = arith.index_cast %parallel_loop3A_770 : i32 to index
      %parallel_loop3A_772 = arith.index_cast %parallel_loop3A_610 : i32 to index
      %parallel_loop3A_773 = arith.constant 64 : index
      %parallel_loop3A_774 = tpu.vector_load %arg14[%parallel_loop3A_771, %parallel_loop3A_772, %parallel_loop3A_773] {strides = array<i32>} : memref<2x64x128xf32, #tpu.memory_space<vmem>>, vector<1x1x16xf32>,
      %parallel_loop3A_775 = vector.shape_cast %parallel_loop3A_774 : vector<1x1x16xf32> to vector<16xf32>
      %parallel_loop3A_776 = arith.mulf %parallel_loop3A_761, %parallel_loop3A_775 : vector<16xf32>
      %parallel_loop3A_777 = arith.mulf %parallel_loop3A_776, %parallel_loop3A_769 : vector<16xf32>
      %parallel_loop3A_778 = arith.addf %parallel_loop3A_749, %parallel_loop3A_777 : vector<16xf32>
      %parallel_loop3A_779 = arith.mulf %parallel_loop3A_761, %parallel_loop3A_761 : vector<16xf32>
      %parallel_loop3A_780 = arith.addf %parallel_loop3A_722, %parallel_loop3A_779 : vector<16xf32>
      %parallel_loop3A_781 = arith.mulf %parallel_loop3A_769, %parallel_loop3A_769 : vector<16xf32>
      %parallel_loop3A_782 = arith.addf %parallel_loop3A_724, %parallel_loop3A_781 : vector<16xf32>
      %parallel_loop3A_783 = arith.mulf %parallel_loop3A_775, %parallel_loop3A_775 : vector<16xf32>
      %parallel_loop3A_784 = arith.addf %parallel_loop3A_726, %parallel_loop3A_783 : vector<16xf32>
      %parallel_loop3A_785 = arith.constant 0 : i32
      %parallel_loop3A_786 = arith.index_cast %parallel_loop3A_785 : i32 to index
      %parallel_loop3A_787 = arith.index_cast %parallel_loop3A_610 : i32 to index
      %parallel_loop3A_788 = arith.constant 80 : index
      %parallel_loop3A_789 = tpu.vector_load %arg13[%parallel_loop3A_786, %parallel_loop3A_787, %parallel_loop3A_788] {strides = array<i32>} : memref<2x128x128xf32, #tpu.memory_space<vmem>>, vector<1x1x16xf32>,
      %parallel_loop3A_790 = vector.shape_cast %parallel_loop3A_789 : vector<1x1x16xf32> to vector<16xf32>
      %parallel_loop3A_791 = arith.constant 64 : i32
      %parallel_loop3A_792 = arith.addi %parallel_loop3A_791, %parallel_loop3A_610 : i32
      %parallel_loop3A_793 = arith.constant 0 : i32
      %parallel_loop3A_794 = arith.index_cast %parallel_loop3A_793 : i32 to index
      %parallel_loop3A_795 = arith.index_cast %parallel_loop3A_792 : i32 to index
      %parallel_loop3A_796 = arith.constant 80 : index
      %parallel_loop3A_797 = tpu.vector_load %arg13[%parallel_loop3A_794, %parallel_loop3A_795, %parallel_loop3A_796] {strides = array<i32>} : memref<2x128x128xf32, #tpu.memory_space<vmem>>, vector<1x1x16xf32>,
      %parallel_loop3A_798 = vector.shape_cast %parallel_loop3A_797 : vector<1x1x16xf32> to vector<16xf32>
      %parallel_loop3A_799 = arith.constant 0 : i32
      %parallel_loop3A_800 = arith.index_cast %parallel_loop3A_799 : i32 to index
      %parallel_loop3A_801 = arith.index_cast %parallel_loop3A_610 : i32 to index
      %parallel_loop3A_802 = arith.constant 80 : index
      %parallel_loop3A_803 = tpu.vector_load %arg14[%parallel_loop3A_800, %parallel_loop3A_801, %parallel_loop3A_802] {strides = array<i32>} : memref<2x64x128xf32, #tpu.memory_space<vmem>>, vector<1x1x16xf32>,
      %parallel_loop3A_804 = vector.shape_cast %parallel_loop3A_803 : vector<1x1x16xf32> to vector<16xf32>
      %parallel_loop3A_805 = arith.mulf %parallel_loop3A_790, %parallel_loop3A_804 : vector<16xf32>
      %parallel_loop3A_806 = arith.mulf %parallel_loop3A_805, %parallel_loop3A_798 : vector<16xf32>
      %parallel_loop3A_807 = arith.addf %parallel_loop3A_778, %parallel_loop3A_806 : vector<16xf32>
      %parallel_loop3A_808 = arith.mulf %parallel_loop3A_790, %parallel_loop3A_790 : vector<16xf32>
      %parallel_loop3A_809 = arith.addf %parallel_loop3A_751, %parallel_loop3A_808 : vector<16xf32>
      %parallel_loop3A_810 = arith.mulf %parallel_loop3A_798, %parallel_loop3A_798 : vector<16xf32>
      %parallel_loop3A_811 = arith.addf %parallel_loop3A_753, %parallel_loop3A_810 : vector<16xf32>
      %parallel_loop3A_812 = arith.mulf %parallel_loop3A_804, %parallel_loop3A_804 : vector<16xf32>
      %parallel_loop3A_813 = arith.addf %parallel_loop3A_755, %parallel_loop3A_812 : vector<16xf32>
      %parallel_loop3A_814 = arith.constant 0 : i32
      %parallel_loop3A_815 = arith.index_cast %parallel_loop3A_814 : i32 to index
      %parallel_loop3A_816 = arith.index_cast %parallel_loop3A_610 : i32 to index
      %parallel_loop3A_817 = arith.constant 96 : index
      %parallel_loop3A_818 = tpu.vector_load %arg13[%parallel_loop3A_815, %parallel_loop3A_816, %parallel_loop3A_817] {strides = array<i32>} : memref<2x128x128xf32, #tpu.memory_space<vmem>>, vector<1x1x16xf32>,
      %parallel_loop3A_819 = vector.shape_cast %parallel_loop3A_818 : vector<1x1x16xf32> to vector<16xf32>
      %parallel_loop3A_820 = arith.constant 64 : i32
      %parallel_loop3A_821 = arith.addi %parallel_loop3A_820, %parallel_loop3A_610 : i32
      %parallel_loop3A_822 = arith.constant 0 : i32
      %parallel_loop3A_823 = arith.index_cast %parallel_loop3A_822 : i32 to index
      %parallel_loop3A_824 = arith.index_cast %parallel_loop3A_821 : i32 to index
      %parallel_loop3A_825 = arith.constant 96 : index
      %parallel_loop3A_826 = tpu.vector_load %arg13[%parallel_loop3A_823, %parallel_loop3A_824, %parallel_loop3A_825] {strides = array<i32>} : memref<2x128x128xf32, #tpu.memory_space<vmem>>, vector<1x1x16xf32>,
      %parallel_loop3A_827 = vector.shape_cast %parallel_loop3A_826 : vector<1x1x16xf32> to vector<16xf32>
      %parallel_loop3A_828 = arith.constant 0 : i32
      %parallel_loop3A_829 = arith.index_cast %parallel_loop3A_828 : i32 to index
      %parallel_loop3A_830 = arith.index_cast %parallel_loop3A_610 : i32 to index
      %parallel_loop3A_831 = arith.constant 96 : index
      %parallel_loop3A_832 = tpu.vector_load %arg14[%parallel_loop3A_829, %parallel_loop3A_830, %parallel_loop3A_831] {strides = array<i32>} : memref<2x64x128xf32, #tpu.memory_space<vmem>>, vector<1x1x16xf32>,
      %parallel_loop3A_833 = vector.shape_cast %parallel_loop3A_832 : vector<1x1x16xf32> to vector<16xf32>
      %parallel_loop3A_834 = arith.mulf %parallel_loop3A_819, %parallel_loop3A_833 : vector<16xf32>
      %parallel_loop3A_835 = arith.mulf %parallel_loop3A_834, %parallel_loop3A_827 : vector<16xf32>
      %parallel_loop3A_836 = arith.addf %parallel_loop3A_807, %parallel_loop3A_835 : vector<16xf32>
      %parallel_loop3A_837 = arith.mulf %parallel_loop3A_819, %parallel_loop3A_819 : vector<16xf32>
      %parallel_loop3A_838 = arith.addf %parallel_loop3A_780, %parallel_loop3A_837 : vector<16xf32>
      %parallel_loop3A_839 = arith.mulf %parallel_loop3A_827, %parallel_loop3A_827 : vector<16xf32>
      %parallel_loop3A_840 = arith.addf %parallel_loop3A_782, %parallel_loop3A_839 : vector<16xf32>
      %parallel_loop3A_841 = arith.mulf %parallel_loop3A_833, %parallel_loop3A_833 : vector<16xf32>
      %parallel_loop3A_842 = arith.addf %parallel_loop3A_784, %parallel_loop3A_841 : vector<16xf32>
      %parallel_loop3A_843 = arith.constant 0 : i32
      %parallel_loop3A_844 = arith.index_cast %parallel_loop3A_843 : i32 to index
      %parallel_loop3A_845 = arith.index_cast %parallel_loop3A_610 : i32 to index
      %parallel_loop3A_846 = arith.constant 112 : index
      %parallel_loop3A_847 = tpu.vector_load %arg13[%parallel_loop3A_844, %parallel_loop3A_845, %parallel_loop3A_846] {strides = array<i32>} : memref<2x128x128xf32, #tpu.memory_space<vmem>>, vector<1x1x16xf32>,
      %parallel_loop3A_848 = vector.shape_cast %parallel_loop3A_847 : vector<1x1x16xf32> to vector<16xf32>
      %parallel_loop3A_849 = arith.constant 64 : i32
      %parallel_loop3A_850 = arith.addi %parallel_loop3A_849, %parallel_loop3A_610 : i32
      %parallel_loop3A_851 = arith.constant 0 : i32
      %parallel_loop3A_852 = arith.index_cast %parallel_loop3A_851 : i32 to index
      %parallel_loop3A_853 = arith.index_cast %parallel_loop3A_850 : i32 to index
      %parallel_loop3A_854 = arith.constant 112 : index
      %parallel_loop3A_855 = tpu.vector_load %arg13[%parallel_loop3A_852, %parallel_loop3A_853, %parallel_loop3A_854] {strides = array<i32>} : memref<2x128x128xf32, #tpu.memory_space<vmem>>, vector<1x1x16xf32>,
      %parallel_loop3A_856 = vector.shape_cast %parallel_loop3A_855 : vector<1x1x16xf32> to vector<16xf32>
      %parallel_loop3A_857 = arith.constant 0 : i32
      %parallel_loop3A_858 = arith.index_cast %parallel_loop3A_857 : i32 to index
      %parallel_loop3A_859 = arith.index_cast %parallel_loop3A_610 : i32 to index
      %parallel_loop3A_860 = arith.constant 112 : index
      %parallel_loop3A_861 = tpu.vector_load %arg14[%parallel_loop3A_858, %parallel_loop3A_859, %parallel_loop3A_860] {strides = array<i32>} : memref<2x64x128xf32, #tpu.memory_space<vmem>>, vector<1x1x16xf32>,
      %parallel_loop3A_862 = vector.shape_cast %parallel_loop3A_861 : vector<1x1x16xf32> to vector<16xf32>
      %parallel_loop3A_863 = arith.mulf %parallel_loop3A_848, %parallel_loop3A_862 : vector<16xf32>
      %parallel_loop3A_864 = arith.mulf %parallel_loop3A_863, %parallel_loop3A_856 : vector<16xf32>
      %parallel_loop3A_865 = arith.addf %parallel_loop3A_836, %parallel_loop3A_864 : vector<16xf32>
      %parallel_loop3A_866 = arith.mulf %parallel_loop3A_848, %parallel_loop3A_848 : vector<16xf32>
      %parallel_loop3A_867 = arith.addf %parallel_loop3A_809, %parallel_loop3A_866 : vector<16xf32>
      %parallel_loop3A_868 = arith.mulf %parallel_loop3A_856, %parallel_loop3A_856 : vector<16xf32>
      %parallel_loop3A_869 = arith.addf %parallel_loop3A_811, %parallel_loop3A_868 : vector<16xf32>
      %parallel_loop3A_870 = arith.mulf %parallel_loop3A_862, %parallel_loop3A_862 : vector<16xf32>
      %parallel_loop3A_871 = arith.addf %parallel_loop3A_813, %parallel_loop3A_870 : vector<16xf32>
      %parallel_loop3A_872 = arith.constant 3 : i32
      %parallel_loop3A_873 = arith.shrui %parallel_loop3A_618, %parallel_loop3A_872 : i32
      %parallel_loop3A_874 = arith.constant 7 : i32
      %parallel_loop3A_875 = arith.andi %parallel_loop3A_618, %parallel_loop3A_874 : i32
      %parallel_loop3A_876 = arith.constant 16 : i32
      %parallel_loop3A_877 = arith.muli %parallel_loop3A_875, %parallel_loop3A_876 : i32
      %parallel_loop3A_878 = arith.mulf %parallel_loop3A_865, %parallel_loop3A_637 : vector<16xf32>
      %parallel_loop3A_879 = arith.index_cast %parallel_loop3A_873 : i32 to index
      %parallel_loop3A_880 = arith.index_cast %parallel_loop3A_877 : i32 to index
      %parallel_loop3A_881 = tpu.vector_load %arg15[%parallel_loop3A_879, %parallel_loop3A_880] {strides = array<i32>} : memref<64x128xf32, #tpu.memory_space<vmem>>, vector<1x16xf32>,
      %parallel_loop3A_882 = vector.shape_cast %parallel_loop3A_881 : vector<1x16xf32> to vector<16xf32>
      %parallel_loop3A_883 = vector.shape_cast %parallel_loop3A_878 : vector<16xf32> to vector<1x16xf32>
      tpu.vector_store %arg15[%parallel_loop3A_879, %parallel_loop3A_880], %parallel_loop3A_883 {strides = array<i32>} : memref<64x128xf32, #tpu.memory_space<vmem>>, vector<1x16xf32>,
      scf.yield %parallel_loop3A_838, %parallel_loop3A_867, %parallel_loop3A_840, %parallel_loop3A_869, %parallel_loop3A_842, %parallel_loop3A_871 : vector<16xf32>, vector<16xf32>, vector<16xf32>, vector<16xf32>, vector<16xf32>, vector<16xf32>
    } {sc.loop_unroll_factor = 4 : i64, sc.parallel_access}
    %dma_start3A_297 = arith.constant 0 : i32
    %dma_start3A_298 = arith.constant 0 : i32
    %dma_start3A_299 = arith.constant 0 : i32
    %dma_start3A_300 = tpu.memref_slice %arg13[%dma_start3A_297, %dma_start3A_298, %dma_start3A_299] : memref<2x128x128xf32, #tpu.memory_space<vmem>> -> memref<1x128x128xf32, #tpu.memory_space<vmem>>
    %dma_start3A_301 = tpu.memref_squeeze %dma_start3A_300 : memref<1x128x128xf32, #tpu.memory_space<vmem>> -> memref<128x128xf32, #tpu.memory_space<vmem>>
    %dma_start3A_302 = arith.constant 256 : i32
    %dma_start3A_303 = tpu.memref_slice %arg10[%dma_start3A_302] : memref<1024xi32, #tpu.memory_space<vmem>> -> memref<128xi32, #tpu.memory_space<vmem>>
    %dma_start3A_304 = arith.constant 0 : i32
    %dma_start3A_305 = arith.constant 0 : i32
    %dma_start3A_306 = tpu.memref_slice %arg6[%dma_start3A_304, %dma_start3A_305] : memref<100000x128xf32, #tpu.memory_space<hbm>> -> memref<100000x128xf32, #tpu.memory_space<hbm>>
    tpu.enqueue_indirect_dma source(%dma_start3A_306 : memref<100000x128xf32, #tpu.memory_space<hbm>>) target(%dma_start3A_301 : memref<128x128xf32, #tpu.memory_space<vmem>>) offsets(%dma_start3A_303 : memref<128xi32, #tpu.memory_space<vmem>>) semaphore(%arg18 : memref<!tpu.dma_semaphore, #tpu.memory_space<semaphore_mem>>)
    %dma_start3A_307 = arith.constant 0 : i32
    %dma_start3A_308 = arith.constant 0 : i32
    %dma_start3A_309 = arith.constant 0 : i32
    %dma_start3A_310 = tpu.memref_slice %arg14[%dma_start3A_307, %dma_start3A_308, %dma_start3A_309] : memref<2x64x128xf32, #tpu.memory_space<vmem>> -> memref<1x64x128xf32, #tpu.memory_space<vmem>>
    %dma_start3A_311 = tpu.memref_squeeze %dma_start3A_310 : memref<1x64x128xf32, #tpu.memory_space<vmem>> -> memref<64x128xf32, #tpu.memory_space<vmem>>
    %dma_start3A_312 = arith.constant 128 : i32
    %dma_start3A_313 = tpu.memref_slice %arg11[%dma_start3A_312] : memref<512xi32, #tpu.memory_space<vmem>> -> memref<64xi32, #tpu.memory_space<vmem>>
    %dma_start3A_314 = arith.constant 0 : i32
    %dma_start3A_315 = arith.constant 0 : i32
    %dma_start3A_316 = tpu.memref_slice %arg7[%dma_start3A_314, %dma_start3A_315] : memref<1000x128xf32, #tpu.memory_space<hbm>> -> memref<1000x128xf32, #tpu.memory_space<hbm>>
    tpu.enqueue_indirect_dma source(%dma_start3A_316 : memref<1000x128xf32, #tpu.memory_space<hbm>>) target(%dma_start3A_311 : memref<64x128xf32, #tpu.memory_space<vmem>>) offsets(%dma_start3A_313 : memref<64xi32, #tpu.memory_space<vmem>>) semaphore(%arg18 : memref<!tpu.dma_semaphore, #tpu.memory_space<semaphore_mem>>)
    %dma_wait3A_317 = arith.constant 1 : i32
    %dma_wait3A_318 = arith.constant 0 : i32
    %dma_wait3A_319 = arith.constant 0 : i32
    %dma_wait3A_320 = tpu.memref_slice %arg13[%dma_wait3A_317, %dma_wait3A_318, %dma_wait3A_319] : memref<2x128x128xf32, #tpu.memory_space<vmem>> -> memref<1x128x128xf32, #tpu.memory_space<vmem>>
    %dma_wait3A_321 = tpu.memref_squeeze %dma_wait3A_320 : memref<1x128x128xf32, #tpu.memory_space<vmem>> -> memref<128x128xf32, #tpu.memory_space<vmem>>
    %dma_wait3A_322 = arith.constant 128 : i32
    %dma_wait3A_323 = tpu.memref_slice %arg10[%dma_wait3A_322] : memref<1024xi32, #tpu.memory_space<vmem>> -> memref<128xi32, #tpu.memory_space<vmem>>
    %dma_wait3A_324 = arith.constant 0 : i32
    %dma_wait3A_325 = arith.constant 0 : i32
    %dma_wait3A_326 = tpu.memref_slice %arg6[%dma_wait3A_324, %dma_wait3A_325] : memref<100000x128xf32, #tpu.memory_space<hbm>> -> memref<100000x128xf32, #tpu.memory_space<hbm>>
    tpu.wait_indirect_dma semaphore(%arg19 : memref<!tpu.dma_semaphore, #tpu.memory_space<semaphore_mem>>) src(%dma_wait3A_326 : memref<100000x128xf32, #tpu.memory_space<hbm>>) dst(%dma_wait3A_321 : memref<128x128xf32, #tpu.memory_space<vmem>>)
    %dma_wait3A_327 = arith.constant 1 : i32
    %dma_wait3A_328 = arith.constant 0 : i32
    %dma_wait3A_329 = arith.constant 0 : i32
    %dma_wait3A_330 = tpu.memref_slice %arg14[%dma_wait3A_327, %dma_wait3A_328, %dma_wait3A_329] : memref<2x64x128xf32, #tpu.memory_space<vmem>> -> memref<1x64x128xf32, #tpu.memory_space<vmem>>
    %dma_wait3A_331 = tpu.memref_squeeze %dma_wait3A_330 : memref<1x64x128xf32, #tpu.memory_space<vmem>> -> memref<64x128xf32, #tpu.memory_space<vmem>>
    %dma_wait3A_332 = arith.constant 64 : i32
    %dma_wait3A_333 = tpu.memref_slice %arg11[%dma_wait3A_332] : memref<512xi32, #tpu.memory_space<vmem>> -> memref<64xi32, #tpu.memory_space<vmem>>
    %dma_wait3A_334 = arith.constant 0 : i32
    %dma_wait3A_335 = arith.constant 0 : i32
    %dma_wait3A_336 = tpu.memref_slice %arg7[%dma_wait3A_334, %dma_wait3A_335] : memref<1000x128xf32, #tpu.memory_space<hbm>> -> memref<1000x128xf32, #tpu.memory_space<hbm>>
    tpu.wait_indirect_dma semaphore(%arg19 : memref<!tpu.dma_semaphore, #tpu.memory_space<semaphore_mem>>) src(%dma_wait3A_336 : memref<1000x128xf32, #tpu.memory_space<hbm>>) dst(%dma_wait3A_331 : memref<64x128xf32, #tpu.memory_space<vmem>>)
    %parallel_loop3A_337 = arith.constant 0 : i32
    %parallel_loop3A_338 = arith.constant 64 : i32
    %parallel_loop3A_339 = arith.constant 1 : i32
    %parallel_loop3A_340:6 = scf.for %parallel_loop3A_610 = %parallel_loop3A_337 to %parallel_loop3A_338 step %parallel_loop3A_339 iter_args(%parallel_loop3A_611 = %parallel_loop3A_296#0, %parallel_loop3A_612 = %parallel_loop3A_296#1, %parallel_loop3A_613 = %parallel_loop3A_296#2, %parallel_loop3A_614 = %parallel_loop3A_296#3, %parallel_loop3A_615 = %parallel_loop3A_296#4, %parallel_loop3A_616 = %parallel_loop3A_296#5) -> (vector<16xf32>, vector<16xf32>, vector<16xf32>, vector<16xf32>, vector<16xf32>, vector<16xf32>)  : i32 {
      %parallel_loop3A_617 = arith.constant 64 : i32
      %parallel_loop3A_618 = arith.addi %parallel_loop3A_617, %parallel_loop3A_610 : i32
      %parallel_loop3A_619 = arith.constant -16 : i32
      %parallel_loop3A_620 = arith.andi %parallel_loop3A_618, %parallel_loop3A_619 : i32
      %parallel_loop3A_621 = arith.index_cast %parallel_loop3A_620 : i32 to index
      %parallel_loop3A_622 = tpu.vector_load %arg12[%parallel_loop3A_621] {strides = array<i32>} : memref<512xf32, #tpu.memory_space<vmem>>, vector<16xf32>,
      %parallel_loop3A_623 = vector.shape_cast %parallel_loop3A_622 : vector<16xf32> to vector<16xf32>
      %parallel_loop3A_624 = arith.constant 15 : i32
      %parallel_loop3A_625 = arith.andi %parallel_loop3A_618, %parallel_loop3A_624 : i32
      %parallel_loop3A_626 = vector.broadcast %parallel_loop3A_625 : i32 to vector<16xi32>
      %parallel_loop3A_627 = arith.constant 0 : i32
      %parallel_loop3A_628 = vector.broadcast %parallel_loop3A_627 : i32 to vector<16xi32>
      %parallel_loop3A_629 = arith.cmpi slt, %parallel_loop3A_626, %parallel_loop3A_628 : vector<16xi32>
      %parallel_loop3A_630 = arith.constant 16 : i32
      %parallel_loop3A_631 = vector.broadcast %parallel_loop3A_630 : i32 to vector<16xi32>
      %parallel_loop3A_632 = arith.addi %parallel_loop3A_626, %parallel_loop3A_631 : vector<16xi32>
      %parallel_loop3A_633 = arith.select %parallel_loop3A_629, %parallel_loop3A_632, %parallel_loop3A_626 : vector<16xi1>, vector<16xi32>
      %parallel_loop3A_634 = vector.shape_cast %parallel_loop3A_633 : vector<16xi32> to vector<16x1xi32>
      %parallel_loop3A_635 = vector.shape_cast %parallel_loop3A_634 : vector<16x1xi32> to vector<16xi32>
      %parallel_loop3A_636 = tpu.dynamic_gather %parallel_loop3A_623[%parallel_loop3A_635] in [0] : vector<16xf32>, vector<16xi32> -> vector<16xf32>
      %parallel_loop3A_637 = arith.subf %broadcast_in_dim3A_233, %parallel_loop3A_636 : vector<16xf32>
      %parallel_loop3A_638 = arith.constant 0.000000e+00 : f32
      %parallel_loop3A_639 = vector.broadcast %parallel_loop3A_638 : f32 to vector<16xf32>
      %parallel_loop3A_640 = arith.constant 1 : i32
      %parallel_loop3A_641 = arith.index_cast %parallel_loop3A_640 : i32 to index
      %parallel_loop3A_642 = arith.index_cast %parallel_loop3A_610 : i32 to index
      %parallel_loop3A_643 = arith.constant 0 : index
      %parallel_loop3A_644 = tpu.vector_load %arg13[%parallel_loop3A_641, %parallel_loop3A_642, %parallel_loop3A_643] {strides = array<i32>} : memref<2x128x128xf32, #tpu.memory_space<vmem>>, vector<1x1x16xf32>,
      %parallel_loop3A_645 = vector.shape_cast %parallel_loop3A_644 : vector<1x1x16xf32> to vector<16xf32>
      %parallel_loop3A_646 = arith.constant 64 : i32
      %parallel_loop3A_647 = arith.addi %parallel_loop3A_646, %parallel_loop3A_610 : i32
      %parallel_loop3A_648 = arith.constant 1 : i32
      %parallel_loop3A_649 = arith.index_cast %parallel_loop3A_648 : i32 to index
      %parallel_loop3A_650 = arith.index_cast %parallel_loop3A_647 : i32 to index
      %parallel_loop3A_651 = arith.constant 0 : index
      %parallel_loop3A_652 = tpu.vector_load %arg13[%parallel_loop3A_649, %parallel_loop3A_650, %parallel_loop3A_651] {strides = array<i32>} : memref<2x128x128xf32, #tpu.memory_space<vmem>>, vector<1x1x16xf32>,
      %parallel_loop3A_653 = vector.shape_cast %parallel_loop3A_652 : vector<1x1x16xf32> to vector<16xf32>
      %parallel_loop3A_654 = arith.constant 1 : i32
      %parallel_loop3A_655 = arith.index_cast %parallel_loop3A_654 : i32 to index
      %parallel_loop3A_656 = arith.index_cast %parallel_loop3A_610 : i32 to index
      %parallel_loop3A_657 = arith.constant 0 : index
      %parallel_loop3A_658 = tpu.vector_load %arg14[%parallel_loop3A_655, %parallel_loop3A_656, %parallel_loop3A_657] {strides = array<i32>} : memref<2x64x128xf32, #tpu.memory_space<vmem>>, vector<1x1x16xf32>,
      %parallel_loop3A_659 = vector.shape_cast %parallel_loop3A_658 : vector<1x1x16xf32> to vector<16xf32>
      %parallel_loop3A_660 = arith.mulf %parallel_loop3A_645, %parallel_loop3A_659 : vector<16xf32>
      %parallel_loop3A_661 = arith.mulf %parallel_loop3A_660, %parallel_loop3A_653 : vector<16xf32>
      %parallel_loop3A_662 = arith.addf %parallel_loop3A_639, %parallel_loop3A_661 : vector<16xf32>
      %parallel_loop3A_663 = arith.mulf %parallel_loop3A_645, %parallel_loop3A_645 : vector<16xf32>
      %parallel_loop3A_664 = arith.addf %parallel_loop3A_611, %parallel_loop3A_663 : vector<16xf32>
      %parallel_loop3A_665 = arith.mulf %parallel_loop3A_653, %parallel_loop3A_653 : vector<16xf32>
      %parallel_loop3A_666 = arith.addf %parallel_loop3A_613, %parallel_loop3A_665 : vector<16xf32>
      %parallel_loop3A_667 = arith.mulf %parallel_loop3A_659, %parallel_loop3A_659 : vector<16xf32>
      %parallel_loop3A_668 = arith.addf %parallel_loop3A_615, %parallel_loop3A_667 : vector<16xf32>
      %parallel_loop3A_669 = arith.constant 1 : i32
      %parallel_loop3A_670 = arith.index_cast %parallel_loop3A_669 : i32 to index
      %parallel_loop3A_671 = arith.index_cast %parallel_loop3A_610 : i32 to index
      %parallel_loop3A_672 = arith.constant 16 : index
      %parallel_loop3A_673 = tpu.vector_load %arg13[%parallel_loop3A_670, %parallel_loop3A_671, %parallel_loop3A_672] {strides = array<i32>} : memref<2x128x128xf32, #tpu.memory_space<vmem>>, vector<1x1x16xf32>,
      %parallel_loop3A_674 = vector.shape_cast %parallel_loop3A_673 : vector<1x1x16xf32> to vector<16xf32>
      %parallel_loop3A_675 = arith.constant 64 : i32
      %parallel_loop3A_676 = arith.addi %parallel_loop3A_675, %parallel_loop3A_610 : i32
      %parallel_loop3A_677 = arith.constant 1 : i32
      %parallel_loop3A_678 = arith.index_cast %parallel_loop3A_677 : i32 to index
      %parallel_loop3A_679 = arith.index_cast %parallel_loop3A_676 : i32 to index
      %parallel_loop3A_680 = arith.constant 16 : index
      %parallel_loop3A_681 = tpu.vector_load %arg13[%parallel_loop3A_678, %parallel_loop3A_679, %parallel_loop3A_680] {strides = array<i32>} : memref<2x128x128xf32, #tpu.memory_space<vmem>>, vector<1x1x16xf32>,
      %parallel_loop3A_682 = vector.shape_cast %parallel_loop3A_681 : vector<1x1x16xf32> to vector<16xf32>
      %parallel_loop3A_683 = arith.constant 1 : i32
      %parallel_loop3A_684 = arith.index_cast %parallel_loop3A_683 : i32 to index
      %parallel_loop3A_685 = arith.index_cast %parallel_loop3A_610 : i32 to index
      %parallel_loop3A_686 = arith.constant 16 : index
      %parallel_loop3A_687 = tpu.vector_load %arg14[%parallel_loop3A_684, %parallel_loop3A_685, %parallel_loop3A_686] {strides = array<i32>} : memref<2x64x128xf32, #tpu.memory_space<vmem>>, vector<1x1x16xf32>,
      %parallel_loop3A_688 = vector.shape_cast %parallel_loop3A_687 : vector<1x1x16xf32> to vector<16xf32>
      %parallel_loop3A_689 = arith.mulf %parallel_loop3A_674, %parallel_loop3A_688 : vector<16xf32>
      %parallel_loop3A_690 = arith.mulf %parallel_loop3A_689, %parallel_loop3A_682 : vector<16xf32>
      %parallel_loop3A_691 = arith.addf %parallel_loop3A_662, %parallel_loop3A_690 : vector<16xf32>
      %parallel_loop3A_692 = arith.mulf %parallel_loop3A_674, %parallel_loop3A_674 : vector<16xf32>
      %parallel_loop3A_693 = arith.addf %parallel_loop3A_612, %parallel_loop3A_692 : vector<16xf32>
      %parallel_loop3A_694 = arith.mulf %parallel_loop3A_682, %parallel_loop3A_682 : vector<16xf32>
      %parallel_loop3A_695 = arith.addf %parallel_loop3A_614, %parallel_loop3A_694 : vector<16xf32>
      %parallel_loop3A_696 = arith.mulf %parallel_loop3A_688, %parallel_loop3A_688 : vector<16xf32>
      %parallel_loop3A_697 = arith.addf %parallel_loop3A_616, %parallel_loop3A_696 : vector<16xf32>
      %parallel_loop3A_698 = arith.constant 1 : i32
      %parallel_loop3A_699 = arith.index_cast %parallel_loop3A_698 : i32 to index
      %parallel_loop3A_700 = arith.index_cast %parallel_loop3A_610 : i32 to index
      %parallel_loop3A_701 = arith.constant 32 : index
      %parallel_loop3A_702 = tpu.vector_load %arg13[%parallel_loop3A_699, %parallel_loop3A_700, %parallel_loop3A_701] {strides = array<i32>} : memref<2x128x128xf32, #tpu.memory_space<vmem>>, vector<1x1x16xf32>,
      %parallel_loop3A_703 = vector.shape_cast %parallel_loop3A_702 : vector<1x1x16xf32> to vector<16xf32>
      %parallel_loop3A_704 = arith.constant 64 : i32
      %parallel_loop3A_705 = arith.addi %parallel_loop3A_704, %parallel_loop3A_610 : i32
      %parallel_loop3A_706 = arith.constant 1 : i32
      %parallel_loop3A_707 = arith.index_cast %parallel_loop3A_706 : i32 to index
      %parallel_loop3A_708 = arith.index_cast %parallel_loop3A_705 : i32 to index
      %parallel_loop3A_709 = arith.constant 32 : index
      %parallel_loop3A_710 = tpu.vector_load %arg13[%parallel_loop3A_707, %parallel_loop3A_708, %parallel_loop3A_709] {strides = array<i32>} : memref<2x128x128xf32, #tpu.memory_space<vmem>>, vector<1x1x16xf32>,
      %parallel_loop3A_711 = vector.shape_cast %parallel_loop3A_710 : vector<1x1x16xf32> to vector<16xf32>
      %parallel_loop3A_712 = arith.constant 1 : i32
      %parallel_loop3A_713 = arith.index_cast %parallel_loop3A_712 : i32 to index
      %parallel_loop3A_714 = arith.index_cast %parallel_loop3A_610 : i32 to index
      %parallel_loop3A_715 = arith.constant 32 : index
      %parallel_loop3A_716 = tpu.vector_load %arg14[%parallel_loop3A_713, %parallel_loop3A_714, %parallel_loop3A_715] {strides = array<i32>} : memref<2x64x128xf32, #tpu.memory_space<vmem>>, vector<1x1x16xf32>,
      %parallel_loop3A_717 = vector.shape_cast %parallel_loop3A_716 : vector<1x1x16xf32> to vector<16xf32>
      %parallel_loop3A_718 = arith.mulf %parallel_loop3A_703, %parallel_loop3A_717 : vector<16xf32>
      %parallel_loop3A_719 = arith.mulf %parallel_loop3A_718, %parallel_loop3A_711 : vector<16xf32>
      %parallel_loop3A_720 = arith.addf %parallel_loop3A_691, %parallel_loop3A_719 : vector<16xf32>
      %parallel_loop3A_721 = arith.mulf %parallel_loop3A_703, %parallel_loop3A_703 : vector<16xf32>
      %parallel_loop3A_722 = arith.addf %parallel_loop3A_664, %parallel_loop3A_721 : vector<16xf32>
      %parallel_loop3A_723 = arith.mulf %parallel_loop3A_711, %parallel_loop3A_711 : vector<16xf32>
      %parallel_loop3A_724 = arith.addf %parallel_loop3A_666, %parallel_loop3A_723 : vector<16xf32>
      %parallel_loop3A_725 = arith.mulf %parallel_loop3A_717, %parallel_loop3A_717 : vector<16xf32>
      %parallel_loop3A_726 = arith.addf %parallel_loop3A_668, %parallel_loop3A_725 : vector<16xf32>
      %parallel_loop3A_727 = arith.constant 1 : i32
      %parallel_loop3A_728 = arith.index_cast %parallel_loop3A_727 : i32 to index
      %parallel_loop3A_729 = arith.index_cast %parallel_loop3A_610 : i32 to index
      %parallel_loop3A_730 = arith.constant 48 : index
      %parallel_loop3A_731 = tpu.vector_load %arg13[%parallel_loop3A_728, %parallel_loop3A_729, %parallel_loop3A_730] {strides = array<i32>} : memref<2x128x128xf32, #tpu.memory_space<vmem>>, vector<1x1x16xf32>,
      %parallel_loop3A_732 = vector.shape_cast %parallel_loop3A_731 : vector<1x1x16xf32> to vector<16xf32>
      %parallel_loop3A_733 = arith.constant 64 : i32
      %parallel_loop3A_734 = arith.addi %parallel_loop3A_733, %parallel_loop3A_610 : i32
      %parallel_loop3A_735 = arith.constant 1 : i32
      %parallel_loop3A_736 = arith.index_cast %parallel_loop3A_735 : i32 to index
      %parallel_loop3A_737 = arith.index_cast %parallel_loop3A_734 : i32 to index
      %parallel_loop3A_738 = arith.constant 48 : index
      %parallel_loop3A_739 = tpu.vector_load %arg13[%parallel_loop3A_736, %parallel_loop3A_737, %parallel_loop3A_738] {strides = array<i32>} : memref<2x128x128xf32, #tpu.memory_space<vmem>>, vector<1x1x16xf32>,
      %parallel_loop3A_740 = vector.shape_cast %parallel_loop3A_739 : vector<1x1x16xf32> to vector<16xf32>
      %parallel_loop3A_741 = arith.constant 1 : i32
      %parallel_loop3A_742 = arith.index_cast %parallel_loop3A_741 : i32 to index
      %parallel_loop3A_743 = arith.index_cast %parallel_loop3A_610 : i32 to index
      %parallel_loop3A_744 = arith.constant 48 : index
      %parallel_loop3A_745 = tpu.vector_load %arg14[%parallel_loop3A_742, %parallel_loop3A_743, %parallel_loop3A_744] {strides = array<i32>} : memref<2x64x128xf32, #tpu.memory_space<vmem>>, vector<1x1x16xf32>,
      %parallel_loop3A_746 = vector.shape_cast %parallel_loop3A_745 : vector<1x1x16xf32> to vector<16xf32>
      %parallel_loop3A_747 = arith.mulf %parallel_loop3A_732, %parallel_loop3A_746 : vector<16xf32>
      %parallel_loop3A_748 = arith.mulf %parallel_loop3A_747, %parallel_loop3A_740 : vector<16xf32>
      %parallel_loop3A_749 = arith.addf %parallel_loop3A_720, %parallel_loop3A_748 : vector<16xf32>
      %parallel_loop3A_750 = arith.mulf %parallel_loop3A_732, %parallel_loop3A_732 : vector<16xf32>
      %parallel_loop3A_751 = arith.addf %parallel_loop3A_693, %parallel_loop3A_750 : vector<16xf32>
      %parallel_loop3A_752 = arith.mulf %parallel_loop3A_740, %parallel_loop3A_740 : vector<16xf32>
      %parallel_loop3A_753 = arith.addf %parallel_loop3A_695, %parallel_loop3A_752 : vector<16xf32>
      %parallel_loop3A_754 = arith.mulf %parallel_loop3A_746, %parallel_loop3A_746 : vector<16xf32>
      %parallel_loop3A_755 = arith.addf %parallel_loop3A_697, %parallel_loop3A_754 : vector<16xf32>
      %parallel_loop3A_756 = arith.constant 1 : i32
      %parallel_loop3A_757 = arith.index_cast %parallel_loop3A_756 : i32 to index
      %parallel_loop3A_758 = arith.index_cast %parallel_loop3A_610 : i32 to index
      %parallel_loop3A_759 = arith.constant 64 : index
      %parallel_loop3A_760 = tpu.vector_load %arg13[%parallel_loop3A_757, %parallel_loop3A_758, %parallel_loop3A_759] {strides = array<i32>} : memref<2x128x128xf32, #tpu.memory_space<vmem>>, vector<1x1x16xf32>,
      %parallel_loop3A_761 = vector.shape_cast %parallel_loop3A_760 : vector<1x1x16xf32> to vector<16xf32>
      %parallel_loop3A_762 = arith.constant 64 : i32
      %parallel_loop3A_763 = arith.addi %parallel_loop3A_762, %parallel_loop3A_610 : i32
      %parallel_loop3A_764 = arith.constant 1 : i32
      %parallel_loop3A_765 = arith.index_cast %parallel_loop3A_764 : i32 to index
      %parallel_loop3A_766 = arith.index_cast %parallel_loop3A_763 : i32 to index
      %parallel_loop3A_767 = arith.constant 64 : index
      %parallel_loop3A_768 = tpu.vector_load %arg13[%parallel_loop3A_765, %parallel_loop3A_766, %parallel_loop3A_767] {strides = array<i32>} : memref<2x128x128xf32, #tpu.memory_space<vmem>>, vector<1x1x16xf32>,
      %parallel_loop3A_769 = vector.shape_cast %parallel_loop3A_768 : vector<1x1x16xf32> to vector<16xf32>
      %parallel_loop3A_770 = arith.constant 1 : i32
      %parallel_loop3A_771 = arith.index_cast %parallel_loop3A_770 : i32 to index
      %parallel_loop3A_772 = arith.index_cast %parallel_loop3A_610 : i32 to index
      %parallel_loop3A_773 = arith.constant 64 : index
      %parallel_loop3A_774 = tpu.vector_load %arg14[%parallel_loop3A_771, %parallel_loop3A_772, %parallel_loop3A_773] {strides = array<i32>} : memref<2x64x128xf32, #tpu.memory_space<vmem>>, vector<1x1x16xf32>,
      %parallel_loop3A_775 = vector.shape_cast %parallel_loop3A_774 : vector<1x1x16xf32> to vector<16xf32>
      %parallel_loop3A_776 = arith.mulf %parallel_loop3A_761, %parallel_loop3A_775 : vector<16xf32>
      %parallel_loop3A_777 = arith.mulf %parallel_loop3A_776, %parallel_loop3A_769 : vector<16xf32>
      %parallel_loop3A_778 = arith.addf %parallel_loop3A_749, %parallel_loop3A_777 : vector<16xf32>
      %parallel_loop3A_779 = arith.mulf %parallel_loop3A_761, %parallel_loop3A_761 : vector<16xf32>
      %parallel_loop3A_780 = arith.addf %parallel_loop3A_722, %parallel_loop3A_779 : vector<16xf32>
      %parallel_loop3A_781 = arith.mulf %parallel_loop3A_769, %parallel_loop3A_769 : vector<16xf32>
      %parallel_loop3A_782 = arith.addf %parallel_loop3A_724, %parallel_loop3A_781 : vector<16xf32>
      %parallel_loop3A_783 = arith.mulf %parallel_loop3A_775, %parallel_loop3A_775 : vector<16xf32>
      %parallel_loop3A_784 = arith.addf %parallel_loop3A_726, %parallel_loop3A_783 : vector<16xf32>
      %parallel_loop3A_785 = arith.constant 1 : i32
      %parallel_loop3A_786 = arith.index_cast %parallel_loop3A_785 : i32 to index
      %parallel_loop3A_787 = arith.index_cast %parallel_loop3A_610 : i32 to index
      %parallel_loop3A_788 = arith.constant 80 : index
      %parallel_loop3A_789 = tpu.vector_load %arg13[%parallel_loop3A_786, %parallel_loop3A_787, %parallel_loop3A_788] {strides = array<i32>} : memref<2x128x128xf32, #tpu.memory_space<vmem>>, vector<1x1x16xf32>,
      %parallel_loop3A_790 = vector.shape_cast %parallel_loop3A_789 : vector<1x1x16xf32> to vector<16xf32>
      %parallel_loop3A_791 = arith.constant 64 : i32
      %parallel_loop3A_792 = arith.addi %parallel_loop3A_791, %parallel_loop3A_610 : i32
      %parallel_loop3A_793 = arith.constant 1 : i32
      %parallel_loop3A_794 = arith.index_cast %parallel_loop3A_793 : i32 to index
      %parallel_loop3A_795 = arith.index_cast %parallel_loop3A_792 : i32 to index
      %parallel_loop3A_796 = arith.constant 80 : index
      %parallel_loop3A_797 = tpu.vector_load %arg13[%parallel_loop3A_794, %parallel_loop3A_795, %parallel_loop3A_796] {strides = array<i32>} : memref<2x128x128xf32, #tpu.memory_space<vmem>>, vector<1x1x16xf32>,
      %parallel_loop3A_798 = vector.shape_cast %parallel_loop3A_797 : vector<1x1x16xf32> to vector<16xf32>
      %parallel_loop3A_799 = arith.constant 1 : i32
      %parallel_loop3A_800 = arith.index_cast %parallel_loop3A_799 : i32 to index
      %parallel_loop3A_801 = arith.index_cast %parallel_loop3A_610 : i32 to index
      %parallel_loop3A_802 = arith.constant 80 : index
      %parallel_loop3A_803 = tpu.vector_load %arg14[%parallel_loop3A_800, %parallel_loop3A_801, %parallel_loop3A_802] {strides = array<i32>} : memref<2x64x128xf32, #tpu.memory_space<vmem>>, vector<1x1x16xf32>,
      %parallel_loop3A_804 = vector.shape_cast %parallel_loop3A_803 : vector<1x1x16xf32> to vector<16xf32>
      %parallel_loop3A_805 = arith.mulf %parallel_loop3A_790, %parallel_loop3A_804 : vector<16xf32>
      %parallel_loop3A_806 = arith.mulf %parallel_loop3A_805, %parallel_loop3A_798 : vector<16xf32>
      %parallel_loop3A_807 = arith.addf %parallel_loop3A_778, %parallel_loop3A_806 : vector<16xf32>
      %parallel_loop3A_808 = arith.mulf %parallel_loop3A_790, %parallel_loop3A_790 : vector<16xf32>
      %parallel_loop3A_809 = arith.addf %parallel_loop3A_751, %parallel_loop3A_808 : vector<16xf32>
      %parallel_loop3A_810 = arith.mulf %parallel_loop3A_798, %parallel_loop3A_798 : vector<16xf32>
      %parallel_loop3A_811 = arith.addf %parallel_loop3A_753, %parallel_loop3A_810 : vector<16xf32>
      %parallel_loop3A_812 = arith.mulf %parallel_loop3A_804, %parallel_loop3A_804 : vector<16xf32>
      %parallel_loop3A_813 = arith.addf %parallel_loop3A_755, %parallel_loop3A_812 : vector<16xf32>
      %parallel_loop3A_814 = arith.constant 1 : i32
      %parallel_loop3A_815 = arith.index_cast %parallel_loop3A_814 : i32 to index
      %parallel_loop3A_816 = arith.index_cast %parallel_loop3A_610 : i32 to index
      %parallel_loop3A_817 = arith.constant 96 : index
      %parallel_loop3A_818 = tpu.vector_load %arg13[%parallel_loop3A_815, %parallel_loop3A_816, %parallel_loop3A_817] {strides = array<i32>} : memref<2x128x128xf32, #tpu.memory_space<vmem>>, vector<1x1x16xf32>,
      %parallel_loop3A_819 = vector.shape_cast %parallel_loop3A_818 : vector<1x1x16xf32> to vector<16xf32>
      %parallel_loop3A_820 = arith.constant 64 : i32
      %parallel_loop3A_821 = arith.addi %parallel_loop3A_820, %parallel_loop3A_610 : i32
      %parallel_loop3A_822 = arith.constant 1 : i32
      %parallel_loop3A_823 = arith.index_cast %parallel_loop3A_822 : i32 to index
      %parallel_loop3A_824 = arith.index_cast %parallel_loop3A_821 : i32 to index
      %parallel_loop3A_825 = arith.constant 96 : index
      %parallel_loop3A_826 = tpu.vector_load %arg13[%parallel_loop3A_823, %parallel_loop3A_824, %parallel_loop3A_825] {strides = array<i32>} : memref<2x128x128xf32, #tpu.memory_space<vmem>>, vector<1x1x16xf32>,
      %parallel_loop3A_827 = vector.shape_cast %parallel_loop3A_826 : vector<1x1x16xf32> to vector<16xf32>
      %parallel_loop3A_828 = arith.constant 1 : i32
      %parallel_loop3A_829 = arith.index_cast %parallel_loop3A_828 : i32 to index
      %parallel_loop3A_830 = arith.index_cast %parallel_loop3A_610 : i32 to index
      %parallel_loop3A_831 = arith.constant 96 : index
      %parallel_loop3A_832 = tpu.vector_load %arg14[%parallel_loop3A_829, %parallel_loop3A_830, %parallel_loop3A_831] {strides = array<i32>} : memref<2x64x128xf32, #tpu.memory_space<vmem>>, vector<1x1x16xf32>,
      %parallel_loop3A_833 = vector.shape_cast %parallel_loop3A_832 : vector<1x1x16xf32> to vector<16xf32>
      %parallel_loop3A_834 = arith.mulf %parallel_loop3A_819, %parallel_loop3A_833 : vector<16xf32>
      %parallel_loop3A_835 = arith.mulf %parallel_loop3A_834, %parallel_loop3A_827 : vector<16xf32>
      %parallel_loop3A_836 = arith.addf %parallel_loop3A_807, %parallel_loop3A_835 : vector<16xf32>
      %parallel_loop3A_837 = arith.mulf %parallel_loop3A_819, %parallel_loop3A_819 : vector<16xf32>
      %parallel_loop3A_838 = arith.addf %parallel_loop3A_780, %parallel_loop3A_837 : vector<16xf32>
      %parallel_loop3A_839 = arith.mulf %parallel_loop3A_827, %parallel_loop3A_827 : vector<16xf32>
      %parallel_loop3A_840 = arith.addf %parallel_loop3A_782, %parallel_loop3A_839 : vector<16xf32>
      %parallel_loop3A_841 = arith.mulf %parallel_loop3A_833, %parallel_loop3A_833 : vector<16xf32>
      %parallel_loop3A_842 = arith.addf %parallel_loop3A_784, %parallel_loop3A_841 : vector<16xf32>
      %parallel_loop3A_843 = arith.constant 1 : i32
      %parallel_loop3A_844 = arith.index_cast %parallel_loop3A_843 : i32 to index
      %parallel_loop3A_845 = arith.index_cast %parallel_loop3A_610 : i32 to index
      %parallel_loop3A_846 = arith.constant 112 : index
      %parallel_loop3A_847 = tpu.vector_load %arg13[%parallel_loop3A_844, %parallel_loop3A_845, %parallel_loop3A_846] {strides = array<i32>} : memref<2x128x128xf32, #tpu.memory_space<vmem>>, vector<1x1x16xf32>,
      %parallel_loop3A_848 = vector.shape_cast %parallel_loop3A_847 : vector<1x1x16xf32> to vector<16xf32>
      %parallel_loop3A_849 = arith.constant 64 : i32
      %parallel_loop3A_850 = arith.addi %parallel_loop3A_849, %parallel_loop3A_610 : i32
      %parallel_loop3A_851 = arith.constant 1 : i32
      %parallel_loop3A_852 = arith.index_cast %parallel_loop3A_851 : i32 to index
      %parallel_loop3A_853 = arith.index_cast %parallel_loop3A_850 : i32 to index
      %parallel_loop3A_854 = arith.constant 112 : index
      %parallel_loop3A_855 = tpu.vector_load %arg13[%parallel_loop3A_852, %parallel_loop3A_853, %parallel_loop3A_854] {strides = array<i32>} : memref<2x128x128xf32, #tpu.memory_space<vmem>>, vector<1x1x16xf32>,
      %parallel_loop3A_856 = vector.shape_cast %parallel_loop3A_855 : vector<1x1x16xf32> to vector<16xf32>
      %parallel_loop3A_857 = arith.constant 1 : i32
      %parallel_loop3A_858 = arith.index_cast %parallel_loop3A_857 : i32 to index
      %parallel_loop3A_859 = arith.index_cast %parallel_loop3A_610 : i32 to index
      %parallel_loop3A_860 = arith.constant 112 : index
      %parallel_loop3A_861 = tpu.vector_load %arg14[%parallel_loop3A_858, %parallel_loop3A_859, %parallel_loop3A_860] {strides = array<i32>} : memref<2x64x128xf32, #tpu.memory_space<vmem>>, vector<1x1x16xf32>,
      %parallel_loop3A_862 = vector.shape_cast %parallel_loop3A_861 : vector<1x1x16xf32> to vector<16xf32>
      %parallel_loop3A_863 = arith.mulf %parallel_loop3A_848, %parallel_loop3A_862 : vector<16xf32>
      %parallel_loop3A_864 = arith.mulf %parallel_loop3A_863, %parallel_loop3A_856 : vector<16xf32>
      %parallel_loop3A_865 = arith.addf %parallel_loop3A_836, %parallel_loop3A_864 : vector<16xf32>
      %parallel_loop3A_866 = arith.mulf %parallel_loop3A_848, %parallel_loop3A_848 : vector<16xf32>
      %parallel_loop3A_867 = arith.addf %parallel_loop3A_809, %parallel_loop3A_866 : vector<16xf32>
      %parallel_loop3A_868 = arith.mulf %parallel_loop3A_856, %parallel_loop3A_856 : vector<16xf32>
      %parallel_loop3A_869 = arith.addf %parallel_loop3A_811, %parallel_loop3A_868 : vector<16xf32>
      %parallel_loop3A_870 = arith.mulf %parallel_loop3A_862, %parallel_loop3A_862 : vector<16xf32>
      %parallel_loop3A_871 = arith.addf %parallel_loop3A_813, %parallel_loop3A_870 : vector<16xf32>
      %parallel_loop3A_872 = arith.constant 3 : i32
      %parallel_loop3A_873 = arith.shrui %parallel_loop3A_618, %parallel_loop3A_872 : i32
      %parallel_loop3A_874 = arith.constant 7 : i32
      %parallel_loop3A_875 = arith.andi %parallel_loop3A_618, %parallel_loop3A_874 : i32
      %parallel_loop3A_876 = arith.constant 16 : i32
      %parallel_loop3A_877 = arith.muli %parallel_loop3A_875, %parallel_loop3A_876 : i32
      %parallel_loop3A_878 = arith.mulf %parallel_loop3A_865, %parallel_loop3A_637 : vector<16xf32>
      %parallel_loop3A_879 = arith.index_cast %parallel_loop3A_873 : i32 to index
      %parallel_loop3A_880 = arith.index_cast %parallel_loop3A_877 : i32 to index
      %parallel_loop3A_881 = tpu.vector_load %arg15[%parallel_loop3A_879, %parallel_loop3A_880] {strides = array<i32>} : memref<64x128xf32, #tpu.memory_space<vmem>>, vector<1x16xf32>,
      %parallel_loop3A_882 = vector.shape_cast %parallel_loop3A_881 : vector<1x16xf32> to vector<16xf32>
      %parallel_loop3A_883 = vector.shape_cast %parallel_loop3A_878 : vector<16xf32> to vector<1x16xf32>
      tpu.vector_store %arg15[%parallel_loop3A_879, %parallel_loop3A_880], %parallel_loop3A_883 {strides = array<i32>} : memref<64x128xf32, #tpu.memory_space<vmem>>, vector<1x16xf32>,
      scf.yield %parallel_loop3A_838, %parallel_loop3A_867, %parallel_loop3A_840, %parallel_loop3A_869, %parallel_loop3A_842, %parallel_loop3A_871 : vector<16xf32>, vector<16xf32>, vector<16xf32>, vector<16xf32>, vector<16xf32>, vector<16xf32>
    } {sc.loop_unroll_factor = 4 : i64, sc.parallel_access}
    %dma_start3A_341 = arith.constant 1 : i32
    %dma_start3A_342 = arith.constant 0 : i32
    %dma_start3A_343 = arith.constant 0 : i32
    %dma_start3A_344 = tpu.memref_slice %arg13[%dma_start3A_341, %dma_start3A_342, %dma_start3A_343] : memref<2x128x128xf32, #tpu.memory_space<vmem>> -> memref<1x128x128xf32, #tpu.memory_space<vmem>>
    %dma_start3A_345 = tpu.memref_squeeze %dma_start3A_344 : memref<1x128x128xf32, #tpu.memory_space<vmem>> -> memref<128x128xf32, #tpu.memory_space<vmem>>
    %dma_start3A_346 = arith.constant 384 : i32
    %dma_start3A_347 = tpu.memref_slice %arg10[%dma_start3A_346] : memref<1024xi32, #tpu.memory_space<vmem>> -> memref<128xi32, #tpu.memory_space<vmem>>
    %dma_start3A_348 = arith.constant 0 : i32
    %dma_start3A_349 = arith.constant 0 : i32
    %dma_start3A_350 = tpu.memref_slice %arg6[%dma_start3A_348, %dma_start3A_349] : memref<100000x128xf32, #tpu.memory_space<hbm>> -> memref<100000x128xf32, #tpu.memory_space<hbm>>
    tpu.enqueue_indirect_dma source(%dma_start3A_350 : memref<100000x128xf32, #tpu.memory_space<hbm>>) target(%dma_start3A_345 : memref<128x128xf32, #tpu.memory_space<vmem>>) offsets(%dma_start3A_347 : memref<128xi32, #tpu.memory_space<vmem>>) semaphore(%arg19 : memref<!tpu.dma_semaphore, #tpu.memory_space<semaphore_mem>>)
    %dma_start3A_351 = arith.constant 1 : i32
    %dma_start3A_352 = arith.constant 0 : i32
    %dma_start3A_353 = arith.constant 0 : i32
    %dma_start3A_354 = tpu.memref_slice %arg14[%dma_start3A_351, %dma_start3A_352, %dma_start3A_353] : memref<2x64x128xf32, #tpu.memory_space<vmem>> -> memref<1x64x128xf32, #tpu.memory_space<vmem>>
    %dma_start3A_355 = tpu.memref_squeeze %dma_start3A_354 : memref<1x64x128xf32, #tpu.memory_space<vmem>> -> memref<64x128xf32, #tpu.memory_space<vmem>>
    %dma_start3A_356 = arith.constant 192 : i32
    %dma_start3A_357 = tpu.memref_slice %arg11[%dma_start3A_356] : memref<512xi32, #tpu.memory_space<vmem>> -> memref<64xi32, #tpu.memory_space<vmem>>
    %dma_start3A_358 = arith.constant 0 : i32
    %dma_start3A_359 = arith.constant 0 : i32
    %dma_start3A_360 = tpu.memref_slice %arg7[%dma_start3A_358, %dma_start3A_359] : memref<1000x128xf32, #tpu.memory_space<hbm>> -> memref<1000x128xf32, #tpu.memory_space<hbm>>
    tpu.enqueue_indirect_dma source(%dma_start3A_360 : memref<1000x128xf32, #tpu.memory_space<hbm>>) target(%dma_start3A_355 : memref<64x128xf32, #tpu.memory_space<vmem>>) offsets(%dma_start3A_357 : memref<64xi32, #tpu.memory_space<vmem>>) semaphore(%arg19 : memref<!tpu.dma_semaphore, #tpu.memory_space<semaphore_mem>>)
    %dma_wait3A_361 = arith.constant 0 : i32
    %dma_wait3A_362 = arith.constant 0 : i32
    %dma_wait3A_363 = arith.constant 0 : i32
    %dma_wait3A_364 = tpu.memref_slice %arg13[%dma_wait3A_361, %dma_wait3A_362, %dma_wait3A_363] : memref<2x128x128xf32, #tpu.memory_space<vmem>> -> memref<1x128x128xf32, #tpu.memory_space<vmem>>
    %dma_wait3A_365 = tpu.memref_squeeze %dma_wait3A_364 : memref<1x128x128xf32, #tpu.memory_space<vmem>> -> memref<128x128xf32, #tpu.memory_space<vmem>>
    %dma_wait3A_366 = arith.constant 256 : i32
    %dma_wait3A_367 = tpu.memref_slice %arg10[%dma_wait3A_366] : memref<1024xi32, #tpu.memory_space<vmem>> -> memref<128xi32, #tpu.memory_space<vmem>>
    %dma_wait3A_368 = arith.constant 0 : i32
    %dma_wait3A_369 = arith.constant 0 : i32
    %dma_wait3A_370 = tpu.memref_slice %arg6[%dma_wait3A_368, %dma_wait3A_369] : memref<100000x128xf32, #tpu.memory_space<hbm>> -> memref<100000x128xf32, #tpu.memory_space<hbm>>
    tpu.wait_indirect_dma semaphore(%arg18 : memref<!tpu.dma_semaphore, #tpu.memory_space<semaphore_mem>>) src(%dma_wait3A_370 : memref<100000x128xf32, #tpu.memory_space<hbm>>) dst(%dma_wait3A_365 : memref<128x128xf32, #tpu.memory_space<vmem>>)
    %dma_wait3A_371 = arith.constant 0 : i32
    %dma_wait3A_372 = arith.constant 0 : i32
    %dma_wait3A_373 = arith.constant 0 : i32
    %dma_wait3A_374 = tpu.memref_slice %arg14[%dma_wait3A_371, %dma_wait3A_372, %dma_wait3A_373] : memref<2x64x128xf32, #tpu.memory_space<vmem>> -> memref<1x64x128xf32, #tpu.memory_space<vmem>>
    %dma_wait3A_375 = tpu.memref_squeeze %dma_wait3A_374 : memref<1x64x128xf32, #tpu.memory_space<vmem>> -> memref<64x128xf32, #tpu.memory_space<vmem>>
    %dma_wait3A_376 = arith.constant 128 : i32
    %dma_wait3A_377 = tpu.memref_slice %arg11[%dma_wait3A_376] : memref<512xi32, #tpu.memory_space<vmem>> -> memref<64xi32, #tpu.memory_space<vmem>>
    %dma_wait3A_378 = arith.constant 0 : i32
    %dma_wait3A_379 = arith.constant 0 : i32
    %dma_wait3A_380 = tpu.memref_slice %arg7[%dma_wait3A_378, %dma_wait3A_379] : memref<1000x128xf32, #tpu.memory_space<hbm>> -> memref<1000x128xf32, #tpu.memory_space<hbm>>
    tpu.wait_indirect_dma semaphore(%arg18 : memref<!tpu.dma_semaphore, #tpu.memory_space<semaphore_mem>>) src(%dma_wait3A_380 : memref<1000x128xf32, #tpu.memory_space<hbm>>) dst(%dma_wait3A_375 : memref<64x128xf32, #tpu.memory_space<vmem>>)
    %parallel_loop3A_381 = arith.constant 0 : i32
    %parallel_loop3A_382 = arith.constant 64 : i32
    %parallel_loop3A_383 = arith.constant 1 : i32
    %parallel_loop3A_384:6 = scf.for %parallel_loop3A_610 = %parallel_loop3A_381 to %parallel_loop3A_382 step %parallel_loop3A_383 iter_args(%parallel_loop3A_611 = %parallel_loop3A_340#0, %parallel_loop3A_612 = %parallel_loop3A_340#1, %parallel_loop3A_613 = %parallel_loop3A_340#2, %parallel_loop3A_614 = %parallel_loop3A_340#3, %parallel_loop3A_615 = %parallel_loop3A_340#4, %parallel_loop3A_616 = %parallel_loop3A_340#5) -> (vector<16xf32>, vector<16xf32>, vector<16xf32>, vector<16xf32>, vector<16xf32>, vector<16xf32>)  : i32 {
      %parallel_loop3A_617 = arith.constant 128 : i32
      %parallel_loop3A_618 = arith.addi %parallel_loop3A_617, %parallel_loop3A_610 : i32
      %parallel_loop3A_619 = arith.constant -16 : i32
      %parallel_loop3A_620 = arith.andi %parallel_loop3A_618, %parallel_loop3A_619 : i32
      %parallel_loop3A_621 = arith.index_cast %parallel_loop3A_620 : i32 to index
      %parallel_loop3A_622 = tpu.vector_load %arg12[%parallel_loop3A_621] {strides = array<i32>} : memref<512xf32, #tpu.memory_space<vmem>>, vector<16xf32>,
      %parallel_loop3A_623 = vector.shape_cast %parallel_loop3A_622 : vector<16xf32> to vector<16xf32>
      %parallel_loop3A_624 = arith.constant 15 : i32
      %parallel_loop3A_625 = arith.andi %parallel_loop3A_618, %parallel_loop3A_624 : i32
      %parallel_loop3A_626 = vector.broadcast %parallel_loop3A_625 : i32 to vector<16xi32>
      %parallel_loop3A_627 = arith.constant 0 : i32
      %parallel_loop3A_628 = vector.broadcast %parallel_loop3A_627 : i32 to vector<16xi32>
      %parallel_loop3A_629 = arith.cmpi slt, %parallel_loop3A_626, %parallel_loop3A_628 : vector<16xi32>
      %parallel_loop3A_630 = arith.constant 16 : i32
      %parallel_loop3A_631 = vector.broadcast %parallel_loop3A_630 : i32 to vector<16xi32>
      %parallel_loop3A_632 = arith.addi %parallel_loop3A_626, %parallel_loop3A_631 : vector<16xi32>
      %parallel_loop3A_633 = arith.select %parallel_loop3A_629, %parallel_loop3A_632, %parallel_loop3A_626 : vector<16xi1>, vector<16xi32>
      %parallel_loop3A_634 = vector.shape_cast %parallel_loop3A_633 : vector<16xi32> to vector<16x1xi32>
      %parallel_loop3A_635 = vector.shape_cast %parallel_loop3A_634 : vector<16x1xi32> to vector<16xi32>
      %parallel_loop3A_636 = tpu.dynamic_gather %parallel_loop3A_623[%parallel_loop3A_635] in [0] : vector<16xf32>, vector<16xi32> -> vector<16xf32>
      %parallel_loop3A_637 = arith.subf %broadcast_in_dim3A_233, %parallel_loop3A_636 : vector<16xf32>
      %parallel_loop3A_638 = arith.constant 0.000000e+00 : f32
      %parallel_loop3A_639 = vector.broadcast %parallel_loop3A_638 : f32 to vector<16xf32>
      %parallel_loop3A_640 = arith.constant 0 : i32
      %parallel_loop3A_641 = arith.index_cast %parallel_loop3A_640 : i32 to index
      %parallel_loop3A_642 = arith.index_cast %parallel_loop3A_610 : i32 to index
      %parallel_loop3A_643 = arith.constant 0 : index
      %parallel_loop3A_644 = tpu.vector_load %arg13[%parallel_loop3A_641, %parallel_loop3A_642, %parallel_loop3A_643] {strides = array<i32>} : memref<2x128x128xf32, #tpu.memory_space<vmem>>, vector<1x1x16xf32>,
      %parallel_loop3A_645 = vector.shape_cast %parallel_loop3A_644 : vector<1x1x16xf32> to vector<16xf32>
      %parallel_loop3A_646 = arith.constant 64 : i32
      %parallel_loop3A_647 = arith.addi %parallel_loop3A_646, %parallel_loop3A_610 : i32
      %parallel_loop3A_648 = arith.constant 0 : i32
      %parallel_loop3A_649 = arith.index_cast %parallel_loop3A_648 : i32 to index
      %parallel_loop3A_650 = arith.index_cast %parallel_loop3A_647 : i32 to index
      %parallel_loop3A_651 = arith.constant 0 : index
      %parallel_loop3A_652 = tpu.vector_load %arg13[%parallel_loop3A_649, %parallel_loop3A_650, %parallel_loop3A_651] {strides = array<i32>} : memref<2x128x128xf32, #tpu.memory_space<vmem>>, vector<1x1x16xf32>,
      %parallel_loop3A_653 = vector.shape_cast %parallel_loop3A_652 : vector<1x1x16xf32> to vector<16xf32>
      %parallel_loop3A_654 = arith.constant 0 : i32
      %parallel_loop3A_655 = arith.index_cast %parallel_loop3A_654 : i32 to index
      %parallel_loop3A_656 = arith.index_cast %parallel_loop3A_610 : i32 to index
      %parallel_loop3A_657 = arith.constant 0 : index
      %parallel_loop3A_658 = tpu.vector_load %arg14[%parallel_loop3A_655, %parallel_loop3A_656, %parallel_loop3A_657] {strides = array<i32>} : memref<2x64x128xf32, #tpu.memory_space<vmem>>, vector<1x1x16xf32>,
      %parallel_loop3A_659 = vector.shape_cast %parallel_loop3A_658 : vector<1x1x16xf32> to vector<16xf32>
      %parallel_loop3A_660 = arith.mulf %parallel_loop3A_645, %parallel_loop3A_659 : vector<16xf32>
      %parallel_loop3A_661 = arith.mulf %parallel_loop3A_660, %parallel_loop3A_653 : vector<16xf32>
      %parallel_loop3A_662 = arith.addf %parallel_loop3A_639, %parallel_loop3A_661 : vector<16xf32>
      %parallel_loop3A_663 = arith.mulf %parallel_loop3A_645, %parallel_loop3A_645 : vector<16xf32>
      %parallel_loop3A_664 = arith.addf %parallel_loop3A_611, %parallel_loop3A_663 : vector<16xf32>
      %parallel_loop3A_665 = arith.mulf %parallel_loop3A_653, %parallel_loop3A_653 : vector<16xf32>
      %parallel_loop3A_666 = arith.addf %parallel_loop3A_613, %parallel_loop3A_665 : vector<16xf32>
      %parallel_loop3A_667 = arith.mulf %parallel_loop3A_659, %parallel_loop3A_659 : vector<16xf32>
      %parallel_loop3A_668 = arith.addf %parallel_loop3A_615, %parallel_loop3A_667 : vector<16xf32>
      %parallel_loop3A_669 = arith.constant 0 : i32
      %parallel_loop3A_670 = arith.index_cast %parallel_loop3A_669 : i32 to index
      %parallel_loop3A_671 = arith.index_cast %parallel_loop3A_610 : i32 to index
      %parallel_loop3A_672 = arith.constant 16 : index
      %parallel_loop3A_673 = tpu.vector_load %arg13[%parallel_loop3A_670, %parallel_loop3A_671, %parallel_loop3A_672] {strides = array<i32>} : memref<2x128x128xf32, #tpu.memory_space<vmem>>, vector<1x1x16xf32>,
      %parallel_loop3A_674 = vector.shape_cast %parallel_loop3A_673 : vector<1x1x16xf32> to vector<16xf32>
      %parallel_loop3A_675 = arith.constant 64 : i32
      %parallel_loop3A_676 = arith.addi %parallel_loop3A_675, %parallel_loop3A_610 : i32
      %parallel_loop3A_677 = arith.constant 0 : i32
      %parallel_loop3A_678 = arith.index_cast %parallel_loop3A_677 : i32 to index
      %parallel_loop3A_679 = arith.index_cast %parallel_loop3A_676 : i32 to index
      %parallel_loop3A_680 = arith.constant 16 : index
      %parallel_loop3A_681 = tpu.vector_load %arg13[%parallel_loop3A_678, %parallel_loop3A_679, %parallel_loop3A_680] {strides = array<i32>} : memref<2x128x128xf32, #tpu.memory_space<vmem>>, vector<1x1x16xf32>,
      %parallel_loop3A_682 = vector.shape_cast %parallel_loop3A_681 : vector<1x1x16xf32> to vector<16xf32>
      %parallel_loop3A_683 = arith.constant 0 : i32
      %parallel_loop3A_684 = arith.index_cast %parallel_loop3A_683 : i32 to index
      %parallel_loop3A_685 = arith.index_cast %parallel_loop3A_610 : i32 to index
      %parallel_loop3A_686 = arith.constant 16 : index
      %parallel_loop3A_687 = tpu.vector_load %arg14[%parallel_loop3A_684, %parallel_loop3A_685, %parallel_loop3A_686] {strides = array<i32>} : memref<2x64x128xf32, #tpu.memory_space<vmem>>, vector<1x1x16xf32>,
      %parallel_loop3A_688 = vector.shape_cast %parallel_loop3A_687 : vector<1x1x16xf32> to vector<16xf32>
      %parallel_loop3A_689 = arith.mulf %parallel_loop3A_674, %parallel_loop3A_688 : vector<16xf32>
      %parallel_loop3A_690 = arith.mulf %parallel_loop3A_689, %parallel_loop3A_682 : vector<16xf32>
      %parallel_loop3A_691 = arith.addf %parallel_loop3A_662, %parallel_loop3A_690 : vector<16xf32>
      %parallel_loop3A_692 = arith.mulf %parallel_loop3A_674, %parallel_loop3A_674 : vector<16xf32>
      %parallel_loop3A_693 = arith.addf %parallel_loop3A_612, %parallel_loop3A_692 : vector<16xf32>
      %parallel_loop3A_694 = arith.mulf %parallel_loop3A_682, %parallel_loop3A_682 : vector<16xf32>
      %parallel_loop3A_695 = arith.addf %parallel_loop3A_614, %parallel_loop3A_694 : vector<16xf32>
      %parallel_loop3A_696 = arith.mulf %parallel_loop3A_688, %parallel_loop3A_688 : vector<16xf32>
      %parallel_loop3A_697 = arith.addf %parallel_loop3A_616, %parallel_loop3A_696 : vector<16xf32>
      %parallel_loop3A_698 = arith.constant 0 : i32
      %parallel_loop3A_699 = arith.index_cast %parallel_loop3A_698 : i32 to index
      %parallel_loop3A_700 = arith.index_cast %parallel_loop3A_610 : i32 to index
      %parallel_loop3A_701 = arith.constant 32 : index
      %parallel_loop3A_702 = tpu.vector_load %arg13[%parallel_loop3A_699, %parallel_loop3A_700, %parallel_loop3A_701] {strides = array<i32>} : memref<2x128x128xf32, #tpu.memory_space<vmem>>, vector<1x1x16xf32>,
      %parallel_loop3A_703 = vector.shape_cast %parallel_loop3A_702 : vector<1x1x16xf32> to vector<16xf32>
      %parallel_loop3A_704 = arith.constant 64 : i32
      %parallel_loop3A_705 = arith.addi %parallel_loop3A_704, %parallel_loop3A_610 : i32
      %parallel_loop3A_706 = arith.constant 0 : i32
      %parallel_loop3A_707 = arith.index_cast %parallel_loop3A_706 : i32 to index
      %parallel_loop3A_708 = arith.index_cast %parallel_loop3A_705 : i32 to index
      %parallel_loop3A_709 = arith.constant 32 : index
      %parallel_loop3A_710 = tpu.vector_load %arg13[%parallel_loop3A_707, %parallel_loop3A_708, %parallel_loop3A_709] {strides = array<i32>} : memref<2x128x128xf32, #tpu.memory_space<vmem>>, vector<1x1x16xf32>,
      %parallel_loop3A_711 = vector.shape_cast %parallel_loop3A_710 : vector<1x1x16xf32> to vector<16xf32>
      %parallel_loop3A_712 = arith.constant 0 : i32
      %parallel_loop3A_713 = arith.index_cast %parallel_loop3A_712 : i32 to index
      %parallel_loop3A_714 = arith.index_cast %parallel_loop3A_610 : i32 to index
      %parallel_loop3A_715 = arith.constant 32 : index
      %parallel_loop3A_716 = tpu.vector_load %arg14[%parallel_loop3A_713, %parallel_loop3A_714, %parallel_loop3A_715] {strides = array<i32>} : memref<2x64x128xf32, #tpu.memory_space<vmem>>, vector<1x1x16xf32>,
      %parallel_loop3A_717 = vector.shape_cast %parallel_loop3A_716 : vector<1x1x16xf32> to vector<16xf32>
      %parallel_loop3A_718 = arith.mulf %parallel_loop3A_703, %parallel_loop3A_717 : vector<16xf32>
      %parallel_loop3A_719 = arith.mulf %parallel_loop3A_718, %parallel_loop3A_711 : vector<16xf32>
      %parallel_loop3A_720 = arith.addf %parallel_loop3A_691, %parallel_loop3A_719 : vector<16xf32>
      %parallel_loop3A_721 = arith.mulf %parallel_loop3A_703, %parallel_loop3A_703 : vector<16xf32>
      %parallel_loop3A_722 = arith.addf %parallel_loop3A_664, %parallel_loop3A_721 : vector<16xf32>
      %parallel_loop3A_723 = arith.mulf %parallel_loop3A_711, %parallel_loop3A_711 : vector<16xf32>
      %parallel_loop3A_724 = arith.addf %parallel_loop3A_666, %parallel_loop3A_723 : vector<16xf32>
      %parallel_loop3A_725 = arith.mulf %parallel_loop3A_717, %parallel_loop3A_717 : vector<16xf32>
      %parallel_loop3A_726 = arith.addf %parallel_loop3A_668, %parallel_loop3A_725 : vector<16xf32>
      %parallel_loop3A_727 = arith.constant 0 : i32
      %parallel_loop3A_728 = arith.index_cast %parallel_loop3A_727 : i32 to index
      %parallel_loop3A_729 = arith.index_cast %parallel_loop3A_610 : i32 to index
      %parallel_loop3A_730 = arith.constant 48 : index
      %parallel_loop3A_731 = tpu.vector_load %arg13[%parallel_loop3A_728, %parallel_loop3A_729, %parallel_loop3A_730] {strides = array<i32>} : memref<2x128x128xf32, #tpu.memory_space<vmem>>, vector<1x1x16xf32>,
      %parallel_loop3A_732 = vector.shape_cast %parallel_loop3A_731 : vector<1x1x16xf32> to vector<16xf32>
      %parallel_loop3A_733 = arith.constant 64 : i32
      %parallel_loop3A_734 = arith.addi %parallel_loop3A_733, %parallel_loop3A_610 : i32
      %parallel_loop3A_735 = arith.constant 0 : i32
      %parallel_loop3A_736 = arith.index_cast %parallel_loop3A_735 : i32 to index
      %parallel_loop3A_737 = arith.index_cast %parallel_loop3A_734 : i32 to index
      %parallel_loop3A_738 = arith.constant 48 : index
      %parallel_loop3A_739 = tpu.vector_load %arg13[%parallel_loop3A_736, %parallel_loop3A_737, %parallel_loop3A_738] {strides = array<i32>} : memref<2x128x128xf32, #tpu.memory_space<vmem>>, vector<1x1x16xf32>,
      %parallel_loop3A_740 = vector.shape_cast %parallel_loop3A_739 : vector<1x1x16xf32> to vector<16xf32>
      %parallel_loop3A_741 = arith.constant 0 : i32
      %parallel_loop3A_742 = arith.index_cast %parallel_loop3A_741 : i32 to index
      %parallel_loop3A_743 = arith.index_cast %parallel_loop3A_610 : i32 to index
      %parallel_loop3A_744 = arith.constant 48 : index
      %parallel_loop3A_745 = tpu.vector_load %arg14[%parallel_loop3A_742, %parallel_loop3A_743, %parallel_loop3A_744] {strides = array<i32>} : memref<2x64x128xf32, #tpu.memory_space<vmem>>, vector<1x1x16xf32>,
      %parallel_loop3A_746 = vector.shape_cast %parallel_loop3A_745 : vector<1x1x16xf32> to vector<16xf32>
      %parallel_loop3A_747 = arith.mulf %parallel_loop3A_732, %parallel_loop3A_746 : vector<16xf32>
      %parallel_loop3A_748 = arith.mulf %parallel_loop3A_747, %parallel_loop3A_740 : vector<16xf32>
      %parallel_loop3A_749 = arith.addf %parallel_loop3A_720, %parallel_loop3A_748 : vector<16xf32>
      %parallel_loop3A_750 = arith.mulf %parallel_loop3A_732, %parallel_loop3A_732 : vector<16xf32>
      %parallel_loop3A_751 = arith.addf %parallel_loop3A_693, %parallel_loop3A_750 : vector<16xf32>
      %parallel_loop3A_752 = arith.mulf %parallel_loop3A_740, %parallel_loop3A_740 : vector<16xf32>
      %parallel_loop3A_753 = arith.addf %parallel_loop3A_695, %parallel_loop3A_752 : vector<16xf32>
      %parallel_loop3A_754 = arith.mulf %parallel_loop3A_746, %parallel_loop3A_746 : vector<16xf32>
      %parallel_loop3A_755 = arith.addf %parallel_loop3A_697, %parallel_loop3A_754 : vector<16xf32>
      %parallel_loop3A_756 = arith.constant 0 : i32
      %parallel_loop3A_757 = arith.index_cast %parallel_loop3A_756 : i32 to index
      %parallel_loop3A_758 = arith.index_cast %parallel_loop3A_610 : i32 to index
      %parallel_loop3A_759 = arith.constant 64 : index
      %parallel_loop3A_760 = tpu.vector_load %arg13[%parallel_loop3A_757, %parallel_loop3A_758, %parallel_loop3A_759] {strides = array<i32>} : memref<2x128x128xf32, #tpu.memory_space<vmem>>, vector<1x1x16xf32>,
      %parallel_loop3A_761 = vector.shape_cast %parallel_loop3A_760 : vector<1x1x16xf32> to vector<16xf32>
      %parallel_loop3A_762 = arith.constant 64 : i32
      %parallel_loop3A_763 = arith.addi %parallel_loop3A_762, %parallel_loop3A_610 : i32
      %parallel_loop3A_764 = arith.constant 0 : i32
      %parallel_loop3A_765 = arith.index_cast %parallel_loop3A_764 : i32 to index
      %parallel_loop3A_766 = arith.index_cast %parallel_loop3A_763 : i32 to index
      %parallel_loop3A_767 = arith.constant 64 : index
      %parallel_loop3A_768 = tpu.vector_load %arg13[%parallel_loop3A_765, %parallel_loop3A_766, %parallel_loop3A_767] {strides = array<i32>} : memref<2x128x128xf32, #tpu.memory_space<vmem>>, vector<1x1x16xf32>,
      %parallel_loop3A_769 = vector.shape_cast %parallel_loop3A_768 : vector<1x1x16xf32> to vector<16xf32>
      %parallel_loop3A_770 = arith.constant 0 : i32
      %parallel_loop3A_771 = arith.index_cast %parallel_loop3A_770 : i32 to index
      %parallel_loop3A_772 = arith.index_cast %parallel_loop3A_610 : i32 to index
      %parallel_loop3A_773 = arith.constant 64 : index
      %parallel_loop3A_774 = tpu.vector_load %arg14[%parallel_loop3A_771, %parallel_loop3A_772, %parallel_loop3A_773] {strides = array<i32>} : memref<2x64x128xf32, #tpu.memory_space<vmem>>, vector<1x1x16xf32>,
      %parallel_loop3A_775 = vector.shape_cast %parallel_loop3A_774 : vector<1x1x16xf32> to vector<16xf32>
      %parallel_loop3A_776 = arith.mulf %parallel_loop3A_761, %parallel_loop3A_775 : vector<16xf32>
      %parallel_loop3A_777 = arith.mulf %parallel_loop3A_776, %parallel_loop3A_769 : vector<16xf32>
      %parallel_loop3A_778 = arith.addf %parallel_loop3A_749, %parallel_loop3A_777 : vector<16xf32>
      %parallel_loop3A_779 = arith.mulf %parallel_loop3A_761, %parallel_loop3A_761 : vector<16xf32>
      %parallel_loop3A_780 = arith.addf %parallel_loop3A_722, %parallel_loop3A_779 : vector<16xf32>
      %parallel_loop3A_781 = arith.mulf %parallel_loop3A_769, %parallel_loop3A_769 : vector<16xf32>
      %parallel_loop3A_782 = arith.addf %parallel_loop3A_724, %parallel_loop3A_781 : vector<16xf32>
      %parallel_loop3A_783 = arith.mulf %parallel_loop3A_775, %parallel_loop3A_775 : vector<16xf32>
      %parallel_loop3A_784 = arith.addf %parallel_loop3A_726, %parallel_loop3A_783 : vector<16xf32>
      %parallel_loop3A_785 = arith.constant 0 : i32
      %parallel_loop3A_786 = arith.index_cast %parallel_loop3A_785 : i32 to index
      %parallel_loop3A_787 = arith.index_cast %parallel_loop3A_610 : i32 to index
      %parallel_loop3A_788 = arith.constant 80 : index
      %parallel_loop3A_789 = tpu.vector_load %arg13[%parallel_loop3A_786, %parallel_loop3A_787, %parallel_loop3A_788] {strides = array<i32>} : memref<2x128x128xf32, #tpu.memory_space<vmem>>, vector<1x1x16xf32>,
      %parallel_loop3A_790 = vector.shape_cast %parallel_loop3A_789 : vector<1x1x16xf32> to vector<16xf32>
      %parallel_loop3A_791 = arith.constant 64 : i32
      %parallel_loop3A_792 = arith.addi %parallel_loop3A_791, %parallel_loop3A_610 : i32
      %parallel_loop3A_793 = arith.constant 0 : i32
      %parallel_loop3A_794 = arith.index_cast %parallel_loop3A_793 : i32 to index
      %parallel_loop3A_795 = arith.index_cast %parallel_loop3A_792 : i32 to index
      %parallel_loop3A_796 = arith.constant 80 : index
      %parallel_loop3A_797 = tpu.vector_load %arg13[%parallel_loop3A_794, %parallel_loop3A_795, %parallel_loop3A_796] {strides = array<i32>} : memref<2x128x128xf32, #tpu.memory_space<vmem>>, vector<1x1x16xf32>,
      %parallel_loop3A_798 = vector.shape_cast %parallel_loop3A_797 : vector<1x1x16xf32> to vector<16xf32>
      %parallel_loop3A_799 = arith.constant 0 : i32
      %parallel_loop3A_800 = arith.index_cast %parallel_loop3A_799 : i32 to index
      %parallel_loop3A_801 = arith.index_cast %parallel_loop3A_610 : i32 to index
      %parallel_loop3A_802 = arith.constant 80 : index
      %parallel_loop3A_803 = tpu.vector_load %arg14[%parallel_loop3A_800, %parallel_loop3A_801, %parallel_loop3A_802] {strides = array<i32>} : memref<2x64x128xf32, #tpu.memory_space<vmem>>, vector<1x1x16xf32>,
      %parallel_loop3A_804 = vector.shape_cast %parallel_loop3A_803 : vector<1x1x16xf32> to vector<16xf32>
      %parallel_loop3A_805 = arith.mulf %parallel_loop3A_790, %parallel_loop3A_804 : vector<16xf32>
      %parallel_loop3A_806 = arith.mulf %parallel_loop3A_805, %parallel_loop3A_798 : vector<16xf32>
      %parallel_loop3A_807 = arith.addf %parallel_loop3A_778, %parallel_loop3A_806 : vector<16xf32>
      %parallel_loop3A_808 = arith.mulf %parallel_loop3A_790, %parallel_loop3A_790 : vector<16xf32>
      %parallel_loop3A_809 = arith.addf %parallel_loop3A_751, %parallel_loop3A_808 : vector<16xf32>
      %parallel_loop3A_810 = arith.mulf %parallel_loop3A_798, %parallel_loop3A_798 : vector<16xf32>
      %parallel_loop3A_811 = arith.addf %parallel_loop3A_753, %parallel_loop3A_810 : vector<16xf32>
      %parallel_loop3A_812 = arith.mulf %parallel_loop3A_804, %parallel_loop3A_804 : vector<16xf32>
      %parallel_loop3A_813 = arith.addf %parallel_loop3A_755, %parallel_loop3A_812 : vector<16xf32>
      %parallel_loop3A_814 = arith.constant 0 : i32
      %parallel_loop3A_815 = arith.index_cast %parallel_loop3A_814 : i32 to index
      %parallel_loop3A_816 = arith.index_cast %parallel_loop3A_610 : i32 to index
      %parallel_loop3A_817 = arith.constant 96 : index
      %parallel_loop3A_818 = tpu.vector_load %arg13[%parallel_loop3A_815, %parallel_loop3A_816, %parallel_loop3A_817] {strides = array<i32>} : memref<2x128x128xf32, #tpu.memory_space<vmem>>, vector<1x1x16xf32>,
      %parallel_loop3A_819 = vector.shape_cast %parallel_loop3A_818 : vector<1x1x16xf32> to vector<16xf32>
      %parallel_loop3A_820 = arith.constant 64 : i32
      %parallel_loop3A_821 = arith.addi %parallel_loop3A_820, %parallel_loop3A_610 : i32
      %parallel_loop3A_822 = arith.constant 0 : i32
      %parallel_loop3A_823 = arith.index_cast %parallel_loop3A_822 : i32 to index
      %parallel_loop3A_824 = arith.index_cast %parallel_loop3A_821 : i32 to index
      %parallel_loop3A_825 = arith.constant 96 : index
      %parallel_loop3A_826 = tpu.vector_load %arg13[%parallel_loop3A_823, %parallel_loop3A_824, %parallel_loop3A_825] {strides = array<i32>} : memref<2x128x128xf32, #tpu.memory_space<vmem>>, vector<1x1x16xf32>,
      %parallel_loop3A_827 = vector.shape_cast %parallel_loop3A_826 : vector<1x1x16xf32> to vector<16xf32>
      %parallel_loop3A_828 = arith.constant 0 : i32
      %parallel_loop3A_829 = arith.index_cast %parallel_loop3A_828 : i32 to index
      %parallel_loop3A_830 = arith.index_cast %parallel_loop3A_610 : i32 to index
      %parallel_loop3A_831 = arith.constant 96 : index
      %parallel_loop3A_832 = tpu.vector_load %arg14[%parallel_loop3A_829, %parallel_loop3A_830, %parallel_loop3A_831] {strides = array<i32>} : memref<2x64x128xf32, #tpu.memory_space<vmem>>, vector<1x1x16xf32>,
      %parallel_loop3A_833 = vector.shape_cast %parallel_loop3A_832 : vector<1x1x16xf32> to vector<16xf32>
      %parallel_loop3A_834 = arith.mulf %parallel_loop3A_819, %parallel_loop3A_833 : vector<16xf32>
      %parallel_loop3A_835 = arith.mulf %parallel_loop3A_834, %parallel_loop3A_827 : vector<16xf32>
      %parallel_loop3A_836 = arith.addf %parallel_loop3A_807, %parallel_loop3A_835 : vector<16xf32>
      %parallel_loop3A_837 = arith.mulf %parallel_loop3A_819, %parallel_loop3A_819 : vector<16xf32>
      %parallel_loop3A_838 = arith.addf %parallel_loop3A_780, %parallel_loop3A_837 : vector<16xf32>
      %parallel_loop3A_839 = arith.mulf %parallel_loop3A_827, %parallel_loop3A_827 : vector<16xf32>
      %parallel_loop3A_840 = arith.addf %parallel_loop3A_782, %parallel_loop3A_839 : vector<16xf32>
      %parallel_loop3A_841 = arith.mulf %parallel_loop3A_833, %parallel_loop3A_833 : vector<16xf32>
      %parallel_loop3A_842 = arith.addf %parallel_loop3A_784, %parallel_loop3A_841 : vector<16xf32>
      %parallel_loop3A_843 = arith.constant 0 : i32
      %parallel_loop3A_844 = arith.index_cast %parallel_loop3A_843 : i32 to index
      %parallel_loop3A_845 = arith.index_cast %parallel_loop3A_610 : i32 to index
      %parallel_loop3A_846 = arith.constant 112 : index
      %parallel_loop3A_847 = tpu.vector_load %arg13[%parallel_loop3A_844, %parallel_loop3A_845, %parallel_loop3A_846] {strides = array<i32>} : memref<2x128x128xf32, #tpu.memory_space<vmem>>, vector<1x1x16xf32>,
      %parallel_loop3A_848 = vector.shape_cast %parallel_loop3A_847 : vector<1x1x16xf32> to vector<16xf32>
      %parallel_loop3A_849 = arith.constant 64 : i32
      %parallel_loop3A_850 = arith.addi %parallel_loop3A_849, %parallel_loop3A_610 : i32
      %parallel_loop3A_851 = arith.constant 0 : i32
      %parallel_loop3A_852 = arith.index_cast %parallel_loop3A_851 : i32 to index
      %parallel_loop3A_853 = arith.index_cast %parallel_loop3A_850 : i32 to index
      %parallel_loop3A_854 = arith.constant 112 : index
      %parallel_loop3A_855 = tpu.vector_load %arg13[%parallel_loop3A_852, %parallel_loop3A_853, %parallel_loop3A_854] {strides = array<i32>} : memref<2x128x128xf32, #tpu.memory_space<vmem>>, vector<1x1x16xf32>,
      %parallel_loop3A_856 = vector.shape_cast %parallel_loop3A_855 : vector<1x1x16xf32> to vector<16xf32>
      %parallel_loop3A_857 = arith.constant 0 : i32
      %parallel_loop3A_858 = arith.index_cast %parallel_loop3A_857 : i32 to index
      %parallel_loop3A_859 = arith.index_cast %parallel_loop3A_610 : i32 to index
      %parallel_loop3A_860 = arith.constant 112 : index
      %parallel_loop3A_861 = tpu.vector_load %arg14[%parallel_loop3A_858, %parallel_loop3A_859, %parallel_loop3A_860] {strides = array<i32>} : memref<2x64x128xf32, #tpu.memory_space<vmem>>, vector<1x1x16xf32>,
      %parallel_loop3A_862 = vector.shape_cast %parallel_loop3A_861 : vector<1x1x16xf32> to vector<16xf32>
      %parallel_loop3A_863 = arith.mulf %parallel_loop3A_848, %parallel_loop3A_862 : vector<16xf32>
      %parallel_loop3A_864 = arith.mulf %parallel_loop3A_863, %parallel_loop3A_856 : vector<16xf32>
      %parallel_loop3A_865 = arith.addf %parallel_loop3A_836, %parallel_loop3A_864 : vector<16xf32>
      %parallel_loop3A_866 = arith.mulf %parallel_loop3A_848, %parallel_loop3A_848 : vector<16xf32>
      %parallel_loop3A_867 = arith.addf %parallel_loop3A_809, %parallel_loop3A_866 : vector<16xf32>
      %parallel_loop3A_868 = arith.mulf %parallel_loop3A_856, %parallel_loop3A_856 : vector<16xf32>
      %parallel_loop3A_869 = arith.addf %parallel_loop3A_811, %parallel_loop3A_868 : vector<16xf32>
      %parallel_loop3A_870 = arith.mulf %parallel_loop3A_862, %parallel_loop3A_862 : vector<16xf32>
      %parallel_loop3A_871 = arith.addf %parallel_loop3A_813, %parallel_loop3A_870 : vector<16xf32>
      %parallel_loop3A_872 = arith.constant 3 : i32
      %parallel_loop3A_873 = arith.shrui %parallel_loop3A_618, %parallel_loop3A_872 : i32
      %parallel_loop3A_874 = arith.constant 7 : i32
      %parallel_loop3A_875 = arith.andi %parallel_loop3A_618, %parallel_loop3A_874 : i32
      %parallel_loop3A_876 = arith.constant 16 : i32
      %parallel_loop3A_877 = arith.muli %parallel_loop3A_875, %parallel_loop3A_876 : i32
      %parallel_loop3A_878 = arith.mulf %parallel_loop3A_865, %parallel_loop3A_637 : vector<16xf32>
      %parallel_loop3A_879 = arith.index_cast %parallel_loop3A_873 : i32 to index
      %parallel_loop3A_880 = arith.index_cast %parallel_loop3A_877 : i32 to index
      %parallel_loop3A_881 = tpu.vector_load %arg15[%parallel_loop3A_879, %parallel_loop3A_880] {strides = array<i32>} : memref<64x128xf32, #tpu.memory_space<vmem>>, vector<1x16xf32>,
      %parallel_loop3A_882 = vector.shape_cast %parallel_loop3A_881 : vector<1x16xf32> to vector<16xf32>
      %parallel_loop3A_883 = vector.shape_cast %parallel_loop3A_878 : vector<16xf32> to vector<1x16xf32>
      tpu.vector_store %arg15[%parallel_loop3A_879, %parallel_loop3A_880], %parallel_loop3A_883 {strides = array<i32>} : memref<64x128xf32, #tpu.memory_space<vmem>>, vector<1x16xf32>,
      scf.yield %parallel_loop3A_838, %parallel_loop3A_867, %parallel_loop3A_840, %parallel_loop3A_869, %parallel_loop3A_842, %parallel_loop3A_871 : vector<16xf32>, vector<16xf32>, vector<16xf32>, vector<16xf32>, vector<16xf32>, vector<16xf32>
    } {sc.loop_unroll_factor = 4 : i64, sc.parallel_access}
    %dma_start3A_385 = arith.constant 0 : i32
    %dma_start3A_386 = arith.constant 0 : i32
    %dma_start3A_387 = arith.constant 0 : i32
    %dma_start3A_388 = tpu.memref_slice %arg13[%dma_start3A_385, %dma_start3A_386, %dma_start3A_387] : memref<2x128x128xf32, #tpu.memory_space<vmem>> -> memref<1x128x128xf32, #tpu.memory_space<vmem>>
    %dma_start3A_389 = tpu.memref_squeeze %dma_start3A_388 : memref<1x128x128xf32, #tpu.memory_space<vmem>> -> memref<128x128xf32, #tpu.memory_space<vmem>>
    %dma_start3A_390 = arith.constant 512 : i32
    %dma_start3A_391 = tpu.memref_slice %arg10[%dma_start3A_390] : memref<1024xi32, #tpu.memory_space<vmem>> -> memref<128xi32, #tpu.memory_space<vmem>>
    %dma_start3A_392 = arith.constant 0 : i32
    %dma_start3A_393 = arith.constant 0 : i32
    %dma_start3A_394 = tpu.memref_slice %arg6[%dma_start3A_392, %dma_start3A_393] : memref<100000x128xf32, #tpu.memory_space<hbm>> -> memref<100000x128xf32, #tpu.memory_space<hbm>>
    tpu.enqueue_indirect_dma source(%dma_start3A_394 : memref<100000x128xf32, #tpu.memory_space<hbm>>) target(%dma_start3A_389 : memref<128x128xf32, #tpu.memory_space<vmem>>) offsets(%dma_start3A_391 : memref<128xi32, #tpu.memory_space<vmem>>) semaphore(%arg18 : memref<!tpu.dma_semaphore, #tpu.memory_space<semaphore_mem>>)
    %dma_start3A_395 = arith.constant 0 : i32
    %dma_start3A_396 = arith.constant 0 : i32
    %dma_start3A_397 = arith.constant 0 : i32
    %dma_start3A_398 = tpu.memref_slice %arg14[%dma_start3A_395, %dma_start3A_396, %dma_start3A_397] : memref<2x64x128xf32, #tpu.memory_space<vmem>> -> memref<1x64x128xf32, #tpu.memory_space<vmem>>
    %dma_start3A_399 = tpu.memref_squeeze %dma_start3A_398 : memref<1x64x128xf32, #tpu.memory_space<vmem>> -> memref<64x128xf32, #tpu.memory_space<vmem>>
    %dma_start3A_400 = arith.constant 256 : i32
    %dma_start3A_401 = tpu.memref_slice %arg11[%dma_start3A_400] : memref<512xi32, #tpu.memory_space<vmem>> -> memref<64xi32, #tpu.memory_space<vmem>>
    %dma_start3A_402 = arith.constant 0 : i32
    %dma_start3A_403 = arith.constant 0 : i32
    %dma_start3A_404 = tpu.memref_slice %arg7[%dma_start3A_402, %dma_start3A_403] : memref<1000x128xf32, #tpu.memory_space<hbm>> -> memref<1000x128xf32, #tpu.memory_space<hbm>>
    tpu.enqueue_indirect_dma source(%dma_start3A_404 : memref<1000x128xf32, #tpu.memory_space<hbm>>) target(%dma_start3A_399 : memref<64x128xf32, #tpu.memory_space<vmem>>) offsets(%dma_start3A_401 : memref<64xi32, #tpu.memory_space<vmem>>) semaphore(%arg18 : memref<!tpu.dma_semaphore, #tpu.memory_space<semaphore_mem>>)
    %dma_wait3A_405 = arith.constant 1 : i32
    %dma_wait3A_406 = arith.constant 0 : i32
    %dma_wait3A_407 = arith.constant 0 : i32
    %dma_wait3A_408 = tpu.memref_slice %arg13[%dma_wait3A_405, %dma_wait3A_406, %dma_wait3A_407] : memref<2x128x128xf32, #tpu.memory_space<vmem>> -> memref<1x128x128xf32, #tpu.memory_space<vmem>>
    %dma_wait3A_409 = tpu.memref_squeeze %dma_wait3A_408 : memref<1x128x128xf32, #tpu.memory_space<vmem>> -> memref<128x128xf32, #tpu.memory_space<vmem>>
    %dma_wait3A_410 = arith.constant 384 : i32
    %dma_wait3A_411 = tpu.memref_slice %arg10[%dma_wait3A_410] : memref<1024xi32, #tpu.memory_space<vmem>> -> memref<128xi32, #tpu.memory_space<vmem>>
    %dma_wait3A_412 = arith.constant 0 : i32
    %dma_wait3A_413 = arith.constant 0 : i32
    %dma_wait3A_414 = tpu.memref_slice %arg6[%dma_wait3A_412, %dma_wait3A_413] : memref<100000x128xf32, #tpu.memory_space<hbm>> -> memref<100000x128xf32, #tpu.memory_space<hbm>>
    tpu.wait_indirect_dma semaphore(%arg19 : memref<!tpu.dma_semaphore, #tpu.memory_space<semaphore_mem>>) src(%dma_wait3A_414 : memref<100000x128xf32, #tpu.memory_space<hbm>>) dst(%dma_wait3A_409 : memref<128x128xf32, #tpu.memory_space<vmem>>)
    %dma_wait3A_415 = arith.constant 1 : i32
    %dma_wait3A_416 = arith.constant 0 : i32
    %dma_wait3A_417 = arith.constant 0 : i32
    %dma_wait3A_418 = tpu.memref_slice %arg14[%dma_wait3A_415, %dma_wait3A_416, %dma_wait3A_417] : memref<2x64x128xf32, #tpu.memory_space<vmem>> -> memref<1x64x128xf32, #tpu.memory_space<vmem>>
    %dma_wait3A_419 = tpu.memref_squeeze %dma_wait3A_418 : memref<1x64x128xf32, #tpu.memory_space<vmem>> -> memref<64x128xf32, #tpu.memory_space<vmem>>
    %dma_wait3A_420 = arith.constant 192 : i32
    %dma_wait3A_421 = tpu.memref_slice %arg11[%dma_wait3A_420] : memref<512xi32, #tpu.memory_space<vmem>> -> memref<64xi32, #tpu.memory_space<vmem>>
    %dma_wait3A_422 = arith.constant 0 : i32
    %dma_wait3A_423 = arith.constant 0 : i32
    %dma_wait3A_424 = tpu.memref_slice %arg7[%dma_wait3A_422, %dma_wait3A_423] : memref<1000x128xf32, #tpu.memory_space<hbm>> -> memref<1000x128xf32, #tpu.memory_space<hbm>>
    tpu.wait_indirect_dma semaphore(%arg19 : memref<!tpu.dma_semaphore, #tpu.memory_space<semaphore_mem>>) src(%dma_wait3A_424 : memref<1000x128xf32, #tpu.memory_space<hbm>>) dst(%dma_wait3A_419 : memref<64x128xf32, #tpu.memory_space<vmem>>)
    %parallel_loop3A_425 = arith.constant 0 : i32
    %parallel_loop3A_426 = arith.constant 64 : i32
    %parallel_loop3A_427 = arith.constant 1 : i32
    %parallel_loop3A_428:6 = scf.for %parallel_loop3A_610 = %parallel_loop3A_425 to %parallel_loop3A_426 step %parallel_loop3A_427 iter_args(%parallel_loop3A_611 = %parallel_loop3A_384#0, %parallel_loop3A_612 = %parallel_loop3A_384#1, %parallel_loop3A_613 = %parallel_loop3A_384#2, %parallel_loop3A_614 = %parallel_loop3A_384#3, %parallel_loop3A_615 = %parallel_loop3A_384#4, %parallel_loop3A_616 = %parallel_loop3A_384#5) -> (vector<16xf32>, vector<16xf32>, vector<16xf32>, vector<16xf32>, vector<16xf32>, vector<16xf32>)  : i32 {
      %parallel_loop3A_617 = arith.constant 192 : i32
      %parallel_loop3A_618 = arith.addi %parallel_loop3A_617, %parallel_loop3A_610 : i32
      %parallel_loop3A_619 = arith.constant -16 : i32
      %parallel_loop3A_620 = arith.andi %parallel_loop3A_618, %parallel_loop3A_619 : i32
      %parallel_loop3A_621 = arith.index_cast %parallel_loop3A_620 : i32 to index
      %parallel_loop3A_622 = tpu.vector_load %arg12[%parallel_loop3A_621] {strides = array<i32>} : memref<512xf32, #tpu.memory_space<vmem>>, vector<16xf32>,
      %parallel_loop3A_623 = vector.shape_cast %parallel_loop3A_622 : vector<16xf32> to vector<16xf32>
      %parallel_loop3A_624 = arith.constant 15 : i32
      %parallel_loop3A_625 = arith.andi %parallel_loop3A_618, %parallel_loop3A_624 : i32
      %parallel_loop3A_626 = vector.broadcast %parallel_loop3A_625 : i32 to vector<16xi32>
      %parallel_loop3A_627 = arith.constant 0 : i32
      %parallel_loop3A_628 = vector.broadcast %parallel_loop3A_627 : i32 to vector<16xi32>
      %parallel_loop3A_629 = arith.cmpi slt, %parallel_loop3A_626, %parallel_loop3A_628 : vector<16xi32>
      %parallel_loop3A_630 = arith.constant 16 : i32
      %parallel_loop3A_631 = vector.broadcast %parallel_loop3A_630 : i32 to vector<16xi32>
      %parallel_loop3A_632 = arith.addi %parallel_loop3A_626, %parallel_loop3A_631 : vector<16xi32>
      %parallel_loop3A_633 = arith.select %parallel_loop3A_629, %parallel_loop3A_632, %parallel_loop3A_626 : vector<16xi1>, vector<16xi32>
      %parallel_loop3A_634 = vector.shape_cast %parallel_loop3A_633 : vector<16xi32> to vector<16x1xi32>
      %parallel_loop3A_635 = vector.shape_cast %parallel_loop3A_634 : vector<16x1xi32> to vector<16xi32>
      %parallel_loop3A_636 = tpu.dynamic_gather %parallel_loop3A_623[%parallel_loop3A_635] in [0] : vector<16xf32>, vector<16xi32> -> vector<16xf32>
      %parallel_loop3A_637 = arith.subf %broadcast_in_dim3A_233, %parallel_loop3A_636 : vector<16xf32>
      %parallel_loop3A_638 = arith.constant 0.000000e+00 : f32
      %parallel_loop3A_639 = vector.broadcast %parallel_loop3A_638 : f32 to vector<16xf32>
      %parallel_loop3A_640 = arith.constant 1 : i32
      %parallel_loop3A_641 = arith.index_cast %parallel_loop3A_640 : i32 to index
      %parallel_loop3A_642 = arith.index_cast %parallel_loop3A_610 : i32 to index
      %parallel_loop3A_643 = arith.constant 0 : index
      %parallel_loop3A_644 = tpu.vector_load %arg13[%parallel_loop3A_641, %parallel_loop3A_642, %parallel_loop3A_643] {strides = array<i32>} : memref<2x128x128xf32, #tpu.memory_space<vmem>>, vector<1x1x16xf32>,
      %parallel_loop3A_645 = vector.shape_cast %parallel_loop3A_644 : vector<1x1x16xf32> to vector<16xf32>
      %parallel_loop3A_646 = arith.constant 64 : i32
      %parallel_loop3A_647 = arith.addi %parallel_loop3A_646, %parallel_loop3A_610 : i32
      %parallel_loop3A_648 = arith.constant 1 : i32
      %parallel_loop3A_649 = arith.index_cast %parallel_loop3A_648 : i32 to index
      %parallel_loop3A_650 = arith.index_cast %parallel_loop3A_647 : i32 to index
      %parallel_loop3A_651 = arith.constant 0 : index
      %parallel_loop3A_652 = tpu.vector_load %arg13[%parallel_loop3A_649, %parallel_loop3A_650, %parallel_loop3A_651] {strides = array<i32>} : memref<2x128x128xf32, #tpu.memory_space<vmem>>, vector<1x1x16xf32>,
      %parallel_loop3A_653 = vector.shape_cast %parallel_loop3A_652 : vector<1x1x16xf32> to vector<16xf32>
      %parallel_loop3A_654 = arith.constant 1 : i32
      %parallel_loop3A_655 = arith.index_cast %parallel_loop3A_654 : i32 to index
      %parallel_loop3A_656 = arith.index_cast %parallel_loop3A_610 : i32 to index
      %parallel_loop3A_657 = arith.constant 0 : index
      %parallel_loop3A_658 = tpu.vector_load %arg14[%parallel_loop3A_655, %parallel_loop3A_656, %parallel_loop3A_657] {strides = array<i32>} : memref<2x64x128xf32, #tpu.memory_space<vmem>>, vector<1x1x16xf32>,
      %parallel_loop3A_659 = vector.shape_cast %parallel_loop3A_658 : vector<1x1x16xf32> to vector<16xf32>
      %parallel_loop3A_660 = arith.mulf %parallel_loop3A_645, %parallel_loop3A_659 : vector<16xf32>
      %parallel_loop3A_661 = arith.mulf %parallel_loop3A_660, %parallel_loop3A_653 : vector<16xf32>
      %parallel_loop3A_662 = arith.addf %parallel_loop3A_639, %parallel_loop3A_661 : vector<16xf32>
      %parallel_loop3A_663 = arith.mulf %parallel_loop3A_645, %parallel_loop3A_645 : vector<16xf32>
      %parallel_loop3A_664 = arith.addf %parallel_loop3A_611, %parallel_loop3A_663 : vector<16xf32>
      %parallel_loop3A_665 = arith.mulf %parallel_loop3A_653, %parallel_loop3A_653 : vector<16xf32>
      %parallel_loop3A_666 = arith.addf %parallel_loop3A_613, %parallel_loop3A_665 : vector<16xf32>
      %parallel_loop3A_667 = arith.mulf %parallel_loop3A_659, %parallel_loop3A_659 : vector<16xf32>
      %parallel_loop3A_668 = arith.addf %parallel_loop3A_615, %parallel_loop3A_667 : vector<16xf32>
      %parallel_loop3A_669 = arith.constant 1 : i32
      %parallel_loop3A_670 = arith.index_cast %parallel_loop3A_669 : i32 to index
      %parallel_loop3A_671 = arith.index_cast %parallel_loop3A_610 : i32 to index
      %parallel_loop3A_672 = arith.constant 16 : index
      %parallel_loop3A_673 = tpu.vector_load %arg13[%parallel_loop3A_670, %parallel_loop3A_671, %parallel_loop3A_672] {strides = array<i32>} : memref<2x128x128xf32, #tpu.memory_space<vmem>>, vector<1x1x16xf32>,
      %parallel_loop3A_674 = vector.shape_cast %parallel_loop3A_673 : vector<1x1x16xf32> to vector<16xf32>
      %parallel_loop3A_675 = arith.constant 64 : i32
      %parallel_loop3A_676 = arith.addi %parallel_loop3A_675, %parallel_loop3A_610 : i32
      %parallel_loop3A_677 = arith.constant 1 : i32
      %parallel_loop3A_678 = arith.index_cast %parallel_loop3A_677 : i32 to index
      %parallel_loop3A_679 = arith.index_cast %parallel_loop3A_676 : i32 to index
      %parallel_loop3A_680 = arith.constant 16 : index
      %parallel_loop3A_681 = tpu.vector_load %arg13[%parallel_loop3A_678, %parallel_loop3A_679, %parallel_loop3A_680] {strides = array<i32>} : memref<2x128x128xf32, #tpu.memory_space<vmem>>, vector<1x1x16xf32>,
      %parallel_loop3A_682 = vector.shape_cast %parallel_loop3A_681 : vector<1x1x16xf32> to vector<16xf32>
      %parallel_loop3A_683 = arith.constant 1 : i32
      %parallel_loop3A_684 = arith.index_cast %parallel_loop3A_683 : i32 to index
      %parallel_loop3A_685 = arith.index_cast %parallel_loop3A_610 : i32 to index
      %parallel_loop3A_686 = arith.constant 16 : index
      %parallel_loop3A_687 = tpu.vector_load %arg14[%parallel_loop3A_684, %parallel_loop3A_685, %parallel_loop3A_686] {strides = array<i32>} : memref<2x64x128xf32, #tpu.memory_space<vmem>>, vector<1x1x16xf32>,
      %parallel_loop3A_688 = vector.shape_cast %parallel_loop3A_687 : vector<1x1x16xf32> to vector<16xf32>
      %parallel_loop3A_689 = arith.mulf %parallel_loop3A_674, %parallel_loop3A_688 : vector<16xf32>
      %parallel_loop3A_690 = arith.mulf %parallel_loop3A_689, %parallel_loop3A_682 : vector<16xf32>
      %parallel_loop3A_691 = arith.addf %parallel_loop3A_662, %parallel_loop3A_690 : vector<16xf32>
      %parallel_loop3A_692 = arith.mulf %parallel_loop3A_674, %parallel_loop3A_674 : vector<16xf32>
      %parallel_loop3A_693 = arith.addf %parallel_loop3A_612, %parallel_loop3A_692 : vector<16xf32>
      %parallel_loop3A_694 = arith.mulf %parallel_loop3A_682, %parallel_loop3A_682 : vector<16xf32>
      %parallel_loop3A_695 = arith.addf %parallel_loop3A_614, %parallel_loop3A_694 : vector<16xf32>
      %parallel_loop3A_696 = arith.mulf %parallel_loop3A_688, %parallel_loop3A_688 : vector<16xf32>
      %parallel_loop3A_697 = arith.addf %parallel_loop3A_616, %parallel_loop3A_696 : vector<16xf32>
      %parallel_loop3A_698 = arith.constant 1 : i32
      %parallel_loop3A_699 = arith.index_cast %parallel_loop3A_698 : i32 to index
      %parallel_loop3A_700 = arith.index_cast %parallel_loop3A_610 : i32 to index
      %parallel_loop3A_701 = arith.constant 32 : index
      %parallel_loop3A_702 = tpu.vector_load %arg13[%parallel_loop3A_699, %parallel_loop3A_700, %parallel_loop3A_701] {strides = array<i32>} : memref<2x128x128xf32, #tpu.memory_space<vmem>>, vector<1x1x16xf32>,
      %parallel_loop3A_703 = vector.shape_cast %parallel_loop3A_702 : vector<1x1x16xf32> to vector<16xf32>
      %parallel_loop3A_704 = arith.constant 64 : i32
      %parallel_loop3A_705 = arith.addi %parallel_loop3A_704, %parallel_loop3A_610 : i32
      %parallel_loop3A_706 = arith.constant 1 : i32
      %parallel_loop3A_707 = arith.index_cast %parallel_loop3A_706 : i32 to index
      %parallel_loop3A_708 = arith.index_cast %parallel_loop3A_705 : i32 to index
      %parallel_loop3A_709 = arith.constant 32 : index
      %parallel_loop3A_710 = tpu.vector_load %arg13[%parallel_loop3A_707, %parallel_loop3A_708, %parallel_loop3A_709] {strides = array<i32>} : memref<2x128x128xf32, #tpu.memory_space<vmem>>, vector<1x1x16xf32>,
      %parallel_loop3A_711 = vector.shape_cast %parallel_loop3A_710 : vector<1x1x16xf32> to vector<16xf32>
      %parallel_loop3A_712 = arith.constant 1 : i32
      %parallel_loop3A_713 = arith.index_cast %parallel_loop3A_712 : i32 to index
      %parallel_loop3A_714 = arith.index_cast %parallel_loop3A_610 : i32 to index
      %parallel_loop3A_715 = arith.constant 32 : index
      %parallel_loop3A_716 = tpu.vector_load %arg14[%parallel_loop3A_713, %parallel_loop3A_714, %parallel_loop3A_715] {strides = array<i32>} : memref<2x64x128xf32, #tpu.memory_space<vmem>>, vector<1x1x16xf32>,
      %parallel_loop3A_717 = vector.shape_cast %parallel_loop3A_716 : vector<1x1x16xf32> to vector<16xf32>
      %parallel_loop3A_718 = arith.mulf %parallel_loop3A_703, %parallel_loop3A_717 : vector<16xf32>
      %parallel_loop3A_719 = arith.mulf %parallel_loop3A_718, %parallel_loop3A_711 : vector<16xf32>
      %parallel_loop3A_720 = arith.addf %parallel_loop3A_691, %parallel_loop3A_719 : vector<16xf32>
      %parallel_loop3A_721 = arith.mulf %parallel_loop3A_703, %parallel_loop3A_703 : vector<16xf32>
      %parallel_loop3A_722 = arith.addf %parallel_loop3A_664, %parallel_loop3A_721 : vector<16xf32>
      %parallel_loop3A_723 = arith.mulf %parallel_loop3A_711, %parallel_loop3A_711 : vector<16xf32>
      %parallel_loop3A_724 = arith.addf %parallel_loop3A_666, %parallel_loop3A_723 : vector<16xf32>
      %parallel_loop3A_725 = arith.mulf %parallel_loop3A_717, %parallel_loop3A_717 : vector<16xf32>
      %parallel_loop3A_726 = arith.addf %parallel_loop3A_668, %parallel_loop3A_725 : vector<16xf32>
      %parallel_loop3A_727 = arith.constant 1 : i32
      %parallel_loop3A_728 = arith.index_cast %parallel_loop3A_727 : i32 to index
      %parallel_loop3A_729 = arith.index_cast %parallel_loop3A_610 : i32 to index
      %parallel_loop3A_730 = arith.constant 48 : index
      %parallel_loop3A_731 = tpu.vector_load %arg13[%parallel_loop3A_728, %parallel_loop3A_729, %parallel_loop3A_730] {strides = array<i32>} : memref<2x128x128xf32, #tpu.memory_space<vmem>>, vector<1x1x16xf32>,
      %parallel_loop3A_732 = vector.shape_cast %parallel_loop3A_731 : vector<1x1x16xf32> to vector<16xf32>
      %parallel_loop3A_733 = arith.constant 64 : i32
      %parallel_loop3A_734 = arith.addi %parallel_loop3A_733, %parallel_loop3A_610 : i32
      %parallel_loop3A_735 = arith.constant 1 : i32
      %parallel_loop3A_736 = arith.index_cast %parallel_loop3A_735 : i32 to index
      %parallel_loop3A_737 = arith.index_cast %parallel_loop3A_734 : i32 to index
      %parallel_loop3A_738 = arith.constant 48 : index
      %parallel_loop3A_739 = tpu.vector_load %arg13[%parallel_loop3A_736, %parallel_loop3A_737, %parallel_loop3A_738] {strides = array<i32>} : memref<2x128x128xf32, #tpu.memory_space<vmem>>, vector<1x1x16xf32>,
      %parallel_loop3A_740 = vector.shape_cast %parallel_loop3A_739 : vector<1x1x16xf32> to vector<16xf32>
      %parallel_loop3A_741 = arith.constant 1 : i32
      %parallel_loop3A_742 = arith.index_cast %parallel_loop3A_741 : i32 to index
      %parallel_loop3A_743 = arith.index_cast %parallel_loop3A_610 : i32 to index
      %parallel_loop3A_744 = arith.constant 48 : index
      %parallel_loop3A_745 = tpu.vector_load %arg14[%parallel_loop3A_742, %parallel_loop3A_743, %parallel_loop3A_744] {strides = array<i32>} : memref<2x64x128xf32, #tpu.memory_space<vmem>>, vector<1x1x16xf32>,
      %parallel_loop3A_746 = vector.shape_cast %parallel_loop3A_745 : vector<1x1x16xf32> to vector<16xf32>
      %parallel_loop3A_747 = arith.mulf %parallel_loop3A_732, %parallel_loop3A_746 : vector<16xf32>
      %parallel_loop3A_748 = arith.mulf %parallel_loop3A_747, %parallel_loop3A_740 : vector<16xf32>
      %parallel_loop3A_749 = arith.addf %parallel_loop3A_720, %parallel_loop3A_748 : vector<16xf32>
      %parallel_loop3A_750 = arith.mulf %parallel_loop3A_732, %parallel_loop3A_732 : vector<16xf32>
      %parallel_loop3A_751 = arith.addf %parallel_loop3A_693, %parallel_loop3A_750 : vector<16xf32>
      %parallel_loop3A_752 = arith.mulf %parallel_loop3A_740, %parallel_loop3A_740 : vector<16xf32>
      %parallel_loop3A_753 = arith.addf %parallel_loop3A_695, %parallel_loop3A_752 : vector<16xf32>
      %parallel_loop3A_754 = arith.mulf %parallel_loop3A_746, %parallel_loop3A_746 : vector<16xf32>
      %parallel_loop3A_755 = arith.addf %parallel_loop3A_697, %parallel_loop3A_754 : vector<16xf32>
      %parallel_loop3A_756 = arith.constant 1 : i32
      %parallel_loop3A_757 = arith.index_cast %parallel_loop3A_756 : i32 to index
      %parallel_loop3A_758 = arith.index_cast %parallel_loop3A_610 : i32 to index
      %parallel_loop3A_759 = arith.constant 64 : index
      %parallel_loop3A_760 = tpu.vector_load %arg13[%parallel_loop3A_757, %parallel_loop3A_758, %parallel_loop3A_759] {strides = array<i32>} : memref<2x128x128xf32, #tpu.memory_space<vmem>>, vector<1x1x16xf32>,
      %parallel_loop3A_761 = vector.shape_cast %parallel_loop3A_760 : vector<1x1x16xf32> to vector<16xf32>
      %parallel_loop3A_762 = arith.constant 64 : i32
      %parallel_loop3A_763 = arith.addi %parallel_loop3A_762, %parallel_loop3A_610 : i32
      %parallel_loop3A_764 = arith.constant 1 : i32
      %parallel_loop3A_765 = arith.index_cast %parallel_loop3A_764 : i32 to index
      %parallel_loop3A_766 = arith.index_cast %parallel_loop3A_763 : i32 to index
      %parallel_loop3A_767 = arith.constant 64 : index
      %parallel_loop3A_768 = tpu.vector_load %arg13[%parallel_loop3A_765, %parallel_loop3A_766, %parallel_loop3A_767] {strides = array<i32>} : memref<2x128x128xf32, #tpu.memory_space<vmem>>, vector<1x1x16xf32>,
      %parallel_loop3A_769 = vector.shape_cast %parallel_loop3A_768 : vector<1x1x16xf32> to vector<16xf32>
      %parallel_loop3A_770 = arith.constant 1 : i32
      %parallel_loop3A_771 = arith.index_cast %parallel_loop3A_770 : i32 to index
      %parallel_loop3A_772 = arith.index_cast %parallel_loop3A_610 : i32 to index
      %parallel_loop3A_773 = arith.constant 64 : index
      %parallel_loop3A_774 = tpu.vector_load %arg14[%parallel_loop3A_771, %parallel_loop3A_772, %parallel_loop3A_773] {strides = array<i32>} : memref<2x64x128xf32, #tpu.memory_space<vmem>>, vector<1x1x16xf32>,
      %parallel_loop3A_775 = vector.shape_cast %parallel_loop3A_774 : vector<1x1x16xf32> to vector<16xf32>
      %parallel_loop3A_776 = arith.mulf %parallel_loop3A_761, %parallel_loop3A_775 : vector<16xf32>
      %parallel_loop3A_777 = arith.mulf %parallel_loop3A_776, %parallel_loop3A_769 : vector<16xf32>
      %parallel_loop3A_778 = arith.addf %parallel_loop3A_749, %parallel_loop3A_777 : vector<16xf32>
      %parallel_loop3A_779 = arith.mulf %parallel_loop3A_761, %parallel_loop3A_761 : vector<16xf32>
      %parallel_loop3A_780 = arith.addf %parallel_loop3A_722, %parallel_loop3A_779 : vector<16xf32>
      %parallel_loop3A_781 = arith.mulf %parallel_loop3A_769, %parallel_loop3A_769 : vector<16xf32>
      %parallel_loop3A_782 = arith.addf %parallel_loop3A_724, %parallel_loop3A_781 : vector<16xf32>
      %parallel_loop3A_783 = arith.mulf %parallel_loop3A_775, %parallel_loop3A_775 : vector<16xf32>
      %parallel_loop3A_784 = arith.addf %parallel_loop3A_726, %parallel_loop3A_783 : vector<16xf32>
      %parallel_loop3A_785 = arith.constant 1 : i32
      %parallel_loop3A_786 = arith.index_cast %parallel_loop3A_785 : i32 to index
      %parallel_loop3A_787 = arith.index_cast %parallel_loop3A_610 : i32 to index
      %parallel_loop3A_788 = arith.constant 80 : index
      %parallel_loop3A_789 = tpu.vector_load %arg13[%parallel_loop3A_786, %parallel_loop3A_787, %parallel_loop3A_788] {strides = array<i32>} : memref<2x128x128xf32, #tpu.memory_space<vmem>>, vector<1x1x16xf32>,
      %parallel_loop3A_790 = vector.shape_cast %parallel_loop3A_789 : vector<1x1x16xf32> to vector<16xf32>
      %parallel_loop3A_791 = arith.constant 64 : i32
      %parallel_loop3A_792 = arith.addi %parallel_loop3A_791, %parallel_loop3A_610 : i32
      %parallel_loop3A_793 = arith.constant 1 : i32
      %parallel_loop3A_794 = arith.index_cast %parallel_loop3A_793 : i32 to index
      %parallel_loop3A_795 = arith.index_cast %parallel_loop3A_792 : i32 to index
      %parallel_loop3A_796 = arith.constant 80 : index
      %parallel_loop3A_797 = tpu.vector_load %arg13[%parallel_loop3A_794, %parallel_loop3A_795, %parallel_loop3A_796] {strides = array<i32>} : memref<2x128x128xf32, #tpu.memory_space<vmem>>, vector<1x1x16xf32>,
      %parallel_loop3A_798 = vector.shape_cast %parallel_loop3A_797 : vector<1x1x16xf32> to vector<16xf32>
      %parallel_loop3A_799 = arith.constant 1 : i32
      %parallel_loop3A_800 = arith.index_cast %parallel_loop3A_799 : i32 to index
      %parallel_loop3A_801 = arith.index_cast %parallel_loop3A_610 : i32 to index
      %parallel_loop3A_802 = arith.constant 80 : index
      %parallel_loop3A_803 = tpu.vector_load %arg14[%parallel_loop3A_800, %parallel_loop3A_801, %parallel_loop3A_802] {strides = array<i32>} : memref<2x64x128xf32, #tpu.memory_space<vmem>>, vector<1x1x16xf32>,
      %parallel_loop3A_804 = vector.shape_cast %parallel_loop3A_803 : vector<1x1x16xf32> to vector<16xf32>
      %parallel_loop3A_805 = arith.mulf %parallel_loop3A_790, %parallel_loop3A_804 : vector<16xf32>
      %parallel_loop3A_806 = arith.mulf %parallel_loop3A_805, %parallel_loop3A_798 : vector<16xf32>
      %parallel_loop3A_807 = arith.addf %parallel_loop3A_778, %parallel_loop3A_806 : vector<16xf32>
      %parallel_loop3A_808 = arith.mulf %parallel_loop3A_790, %parallel_loop3A_790 : vector<16xf32>
      %parallel_loop3A_809 = arith.addf %parallel_loop3A_751, %parallel_loop3A_808 : vector<16xf32>
      %parallel_loop3A_810 = arith.mulf %parallel_loop3A_798, %parallel_loop3A_798 : vector<16xf32>
      %parallel_loop3A_811 = arith.addf %parallel_loop3A_753, %parallel_loop3A_810 : vector<16xf32>
      %parallel_loop3A_812 = arith.mulf %parallel_loop3A_804, %parallel_loop3A_804 : vector<16xf32>
      %parallel_loop3A_813 = arith.addf %parallel_loop3A_755, %parallel_loop3A_812 : vector<16xf32>
      %parallel_loop3A_814 = arith.constant 1 : i32
      %parallel_loop3A_815 = arith.index_cast %parallel_loop3A_814 : i32 to index
      %parallel_loop3A_816 = arith.index_cast %parallel_loop3A_610 : i32 to index
      %parallel_loop3A_817 = arith.constant 96 : index
      %parallel_loop3A_818 = tpu.vector_load %arg13[%parallel_loop3A_815, %parallel_loop3A_816, %parallel_loop3A_817] {strides = array<i32>} : memref<2x128x128xf32, #tpu.memory_space<vmem>>, vector<1x1x16xf32>,
      %parallel_loop3A_819 = vector.shape_cast %parallel_loop3A_818 : vector<1x1x16xf32> to vector<16xf32>
      %parallel_loop3A_820 = arith.constant 64 : i32
      %parallel_loop3A_821 = arith.addi %parallel_loop3A_820, %parallel_loop3A_610 : i32
      %parallel_loop3A_822 = arith.constant 1 : i32
      %parallel_loop3A_823 = arith.index_cast %parallel_loop3A_822 : i32 to index
      %parallel_loop3A_824 = arith.index_cast %parallel_loop3A_821 : i32 to index
      %parallel_loop3A_825 = arith.constant 96 : index
      %parallel_loop3A_826 = tpu.vector_load %arg13[%parallel_loop3A_823, %parallel_loop3A_824, %parallel_loop3A_825] {strides = array<i32>} : memref<2x128x128xf32, #tpu.memory_space<vmem>>, vector<1x1x16xf32>,
      %parallel_loop3A_827 = vector.shape_cast %parallel_loop3A_826 : vector<1x1x16xf32> to vector<16xf32>
      %parallel_loop3A_828 = arith.constant 1 : i32
      %parallel_loop3A_829 = arith.index_cast %parallel_loop3A_828 : i32 to index
      %parallel_loop3A_830 = arith.index_cast %parallel_loop3A_610 : i32 to index
      %parallel_loop3A_831 = arith.constant 96 : index
      %parallel_loop3A_832 = tpu.vector_load %arg14[%parallel_loop3A_829, %parallel_loop3A_830, %parallel_loop3A_831] {strides = array<i32>} : memref<2x64x128xf32, #tpu.memory_space<vmem>>, vector<1x1x16xf32>,
      %parallel_loop3A_833 = vector.shape_cast %parallel_loop3A_832 : vector<1x1x16xf32> to vector<16xf32>
      %parallel_loop3A_834 = arith.mulf %parallel_loop3A_819, %parallel_loop3A_833 : vector<16xf32>
      %parallel_loop3A_835 = arith.mulf %parallel_loop3A_834, %parallel_loop3A_827 : vector<16xf32>
      %parallel_loop3A_836 = arith.addf %parallel_loop3A_807, %parallel_loop3A_835 : vector<16xf32>
      %parallel_loop3A_837 = arith.mulf %parallel_loop3A_819, %parallel_loop3A_819 : vector<16xf32>
      %parallel_loop3A_838 = arith.addf %parallel_loop3A_780, %parallel_loop3A_837 : vector<16xf32>
      %parallel_loop3A_839 = arith.mulf %parallel_loop3A_827, %parallel_loop3A_827 : vector<16xf32>
      %parallel_loop3A_840 = arith.addf %parallel_loop3A_782, %parallel_loop3A_839 : vector<16xf32>
      %parallel_loop3A_841 = arith.mulf %parallel_loop3A_833, %parallel_loop3A_833 : vector<16xf32>
      %parallel_loop3A_842 = arith.addf %parallel_loop3A_784, %parallel_loop3A_841 : vector<16xf32>
      %parallel_loop3A_843 = arith.constant 1 : i32
      %parallel_loop3A_844 = arith.index_cast %parallel_loop3A_843 : i32 to index
      %parallel_loop3A_845 = arith.index_cast %parallel_loop3A_610 : i32 to index
      %parallel_loop3A_846 = arith.constant 112 : index
      %parallel_loop3A_847 = tpu.vector_load %arg13[%parallel_loop3A_844, %parallel_loop3A_845, %parallel_loop3A_846] {strides = array<i32>} : memref<2x128x128xf32, #tpu.memory_space<vmem>>, vector<1x1x16xf32>,
      %parallel_loop3A_848 = vector.shape_cast %parallel_loop3A_847 : vector<1x1x16xf32> to vector<16xf32>
      %parallel_loop3A_849 = arith.constant 64 : i32
      %parallel_loop3A_850 = arith.addi %parallel_loop3A_849, %parallel_loop3A_610 : i32
      %parallel_loop3A_851 = arith.constant 1 : i32
      %parallel_loop3A_852 = arith.index_cast %parallel_loop3A_851 : i32 to index
      %parallel_loop3A_853 = arith.index_cast %parallel_loop3A_850 : i32 to index
      %parallel_loop3A_854 = arith.constant 112 : index
      %parallel_loop3A_855 = tpu.vector_load %arg13[%parallel_loop3A_852, %parallel_loop3A_853, %parallel_loop3A_854] {strides = array<i32>} : memref<2x128x128xf32, #tpu.memory_space<vmem>>, vector<1x1x16xf32>,
      %parallel_loop3A_856 = vector.shape_cast %parallel_loop3A_855 : vector<1x1x16xf32> to vector<16xf32>
      %parallel_loop3A_857 = arith.constant 1 : i32
      %parallel_loop3A_858 = arith.index_cast %parallel_loop3A_857 : i32 to index
      %parallel_loop3A_859 = arith.index_cast %parallel_loop3A_610 : i32 to index
      %parallel_loop3A_860 = arith.constant 112 : index
      %parallel_loop3A_861 = tpu.vector_load %arg14[%parallel_loop3A_858, %parallel_loop3A_859, %parallel_loop3A_860] {strides = array<i32>} : memref<2x64x128xf32, #tpu.memory_space<vmem>>, vector<1x1x16xf32>,
      %parallel_loop3A_862 = vector.shape_cast %parallel_loop3A_861 : vector<1x1x16xf32> to vector<16xf32>
      %parallel_loop3A_863 = arith.mulf %parallel_loop3A_848, %parallel_loop3A_862 : vector<16xf32>
      %parallel_loop3A_864 = arith.mulf %parallel_loop3A_863, %parallel_loop3A_856 : vector<16xf32>
      %parallel_loop3A_865 = arith.addf %parallel_loop3A_836, %parallel_loop3A_864 : vector<16xf32>
      %parallel_loop3A_866 = arith.mulf %parallel_loop3A_848, %parallel_loop3A_848 : vector<16xf32>
      %parallel_loop3A_867 = arith.addf %parallel_loop3A_809, %parallel_loop3A_866 : vector<16xf32>
      %parallel_loop3A_868 = arith.mulf %parallel_loop3A_856, %parallel_loop3A_856 : vector<16xf32>
      %parallel_loop3A_869 = arith.addf %parallel_loop3A_811, %parallel_loop3A_868 : vector<16xf32>
      %parallel_loop3A_870 = arith.mulf %parallel_loop3A_862, %parallel_loop3A_862 : vector<16xf32>
      %parallel_loop3A_871 = arith.addf %parallel_loop3A_813, %parallel_loop3A_870 : vector<16xf32>
      %parallel_loop3A_872 = arith.constant 3 : i32
      %parallel_loop3A_873 = arith.shrui %parallel_loop3A_618, %parallel_loop3A_872 : i32
      %parallel_loop3A_874 = arith.constant 7 : i32
      %parallel_loop3A_875 = arith.andi %parallel_loop3A_618, %parallel_loop3A_874 : i32
      %parallel_loop3A_876 = arith.constant 16 : i32
      %parallel_loop3A_877 = arith.muli %parallel_loop3A_875, %parallel_loop3A_876 : i32
      %parallel_loop3A_878 = arith.mulf %parallel_loop3A_865, %parallel_loop3A_637 : vector<16xf32>
      %parallel_loop3A_879 = arith.index_cast %parallel_loop3A_873 : i32 to index
      %parallel_loop3A_880 = arith.index_cast %parallel_loop3A_877 : i32 to index
      %parallel_loop3A_881 = tpu.vector_load %arg15[%parallel_loop3A_879, %parallel_loop3A_880] {strides = array<i32>} : memref<64x128xf32, #tpu.memory_space<vmem>>, vector<1x16xf32>,
      %parallel_loop3A_882 = vector.shape_cast %parallel_loop3A_881 : vector<1x16xf32> to vector<16xf32>
      %parallel_loop3A_883 = vector.shape_cast %parallel_loop3A_878 : vector<16xf32> to vector<1x16xf32>
      tpu.vector_store %arg15[%parallel_loop3A_879, %parallel_loop3A_880], %parallel_loop3A_883 {strides = array<i32>} : memref<64x128xf32, #tpu.memory_space<vmem>>, vector<1x16xf32>,
      scf.yield %parallel_loop3A_838, %parallel_loop3A_867, %parallel_loop3A_840, %parallel_loop3A_869, %parallel_loop3A_842, %parallel_loop3A_871 : vector<16xf32>, vector<16xf32>, vector<16xf32>, vector<16xf32>, vector<16xf32>, vector<16xf32>
    } {sc.loop_unroll_factor = 4 : i64, sc.parallel_access}
    %dma_start3A_429 = arith.constant 1 : i32
    %dma_start3A_430 = arith.constant 0 : i32
    %dma_start3A_431 = arith.constant 0 : i32
    %dma_start3A_432 = tpu.memref_slice %arg13[%dma_start3A_429, %dma_start3A_430, %dma_start3A_431] : memref<2x128x128xf32, #tpu.memory_space<vmem>> -> memref<1x128x128xf32, #tpu.memory_space<vmem>>
    %dma_start3A_433 = tpu.memref_squeeze %dma_start3A_432 : memref<1x128x128xf32, #tpu.memory_space<vmem>> -> memref<128x128xf32, #tpu.memory_space<vmem>>
    %dma_start3A_434 = arith.constant 640 : i32
    %dma_start3A_435 = tpu.memref_slice %arg10[%dma_start3A_434] : memref<1024xi32, #tpu.memory_space<vmem>> -> memref<128xi32, #tpu.memory_space<vmem>>
    %dma_start3A_436 = arith.constant 0 : i32
    %dma_start3A_437 = arith.constant 0 : i32
    %dma_start3A_438 = tpu.memref_slice %arg6[%dma_start3A_436, %dma_start3A_437] : memref<100000x128xf32, #tpu.memory_space<hbm>> -> memref<100000x128xf32, #tpu.memory_space<hbm>>
    tpu.enqueue_indirect_dma source(%dma_start3A_438 : memref<100000x128xf32, #tpu.memory_space<hbm>>) target(%dma_start3A_433 : memref<128x128xf32, #tpu.memory_space<vmem>>) offsets(%dma_start3A_435 : memref<128xi32, #tpu.memory_space<vmem>>) semaphore(%arg19 : memref<!tpu.dma_semaphore, #tpu.memory_space<semaphore_mem>>)
    %dma_start3A_439 = arith.constant 1 : i32
    %dma_start3A_440 = arith.constant 0 : i32
    %dma_start3A_441 = arith.constant 0 : i32
    %dma_start3A_442 = tpu.memref_slice %arg14[%dma_start3A_439, %dma_start3A_440, %dma_start3A_441] : memref<2x64x128xf32, #tpu.memory_space<vmem>> -> memref<1x64x128xf32, #tpu.memory_space<vmem>>
    %dma_start3A_443 = tpu.memref_squeeze %dma_start3A_442 : memref<1x64x128xf32, #tpu.memory_space<vmem>> -> memref<64x128xf32, #tpu.memory_space<vmem>>
    %dma_start3A_444 = arith.constant 320 : i32
    %dma_start3A_445 = tpu.memref_slice %arg11[%dma_start3A_444] : memref<512xi32, #tpu.memory_space<vmem>> -> memref<64xi32, #tpu.memory_space<vmem>>
    %dma_start3A_446 = arith.constant 0 : i32
    %dma_start3A_447 = arith.constant 0 : i32
    %dma_start3A_448 = tpu.memref_slice %arg7[%dma_start3A_446, %dma_start3A_447] : memref<1000x128xf32, #tpu.memory_space<hbm>> -> memref<1000x128xf32, #tpu.memory_space<hbm>>
    tpu.enqueue_indirect_dma source(%dma_start3A_448 : memref<1000x128xf32, #tpu.memory_space<hbm>>) target(%dma_start3A_443 : memref<64x128xf32, #tpu.memory_space<vmem>>) offsets(%dma_start3A_445 : memref<64xi32, #tpu.memory_space<vmem>>) semaphore(%arg19 : memref<!tpu.dma_semaphore, #tpu.memory_space<semaphore_mem>>)
    %dma_wait3A_449 = arith.constant 0 : i32
    %dma_wait3A_450 = arith.constant 0 : i32
    %dma_wait3A_451 = arith.constant 0 : i32
    %dma_wait3A_452 = tpu.memref_slice %arg13[%dma_wait3A_449, %dma_wait3A_450, %dma_wait3A_451] : memref<2x128x128xf32, #tpu.memory_space<vmem>> -> memref<1x128x128xf32, #tpu.memory_space<vmem>>
    %dma_wait3A_453 = tpu.memref_squeeze %dma_wait3A_452 : memref<1x128x128xf32, #tpu.memory_space<vmem>> -> memref<128x128xf32, #tpu.memory_space<vmem>>
    %dma_wait3A_454 = arith.constant 512 : i32
    %dma_wait3A_455 = tpu.memref_slice %arg10[%dma_wait3A_454] : memref<1024xi32, #tpu.memory_space<vmem>> -> memref<128xi32, #tpu.memory_space<vmem>>
    %dma_wait3A_456 = arith.constant 0 : i32
    %dma_wait3A_457 = arith.constant 0 : i32
    %dma_wait3A_458 = tpu.memref_slice %arg6[%dma_wait3A_456, %dma_wait3A_457] : memref<100000x128xf32, #tpu.memory_space<hbm>> -> memref<100000x128xf32, #tpu.memory_space<hbm>>
    tpu.wait_indirect_dma semaphore(%arg18 : memref<!tpu.dma_semaphore, #tpu.memory_space<semaphore_mem>>) src(%dma_wait3A_458 : memref<100000x128xf32, #tpu.memory_space<hbm>>) dst(%dma_wait3A_453 : memref<128x128xf32, #tpu.memory_space<vmem>>)
    %dma_wait3A_459 = arith.constant 0 : i32
    %dma_wait3A_460 = arith.constant 0 : i32
    %dma_wait3A_461 = arith.constant 0 : i32
    %dma_wait3A_462 = tpu.memref_slice %arg14[%dma_wait3A_459, %dma_wait3A_460, %dma_wait3A_461] : memref<2x64x128xf32, #tpu.memory_space<vmem>> -> memref<1x64x128xf32, #tpu.memory_space<vmem>>
    %dma_wait3A_463 = tpu.memref_squeeze %dma_wait3A_462 : memref<1x64x128xf32, #tpu.memory_space<vmem>> -> memref<64x128xf32, #tpu.memory_space<vmem>>
    %dma_wait3A_464 = arith.constant 256 : i32
    %dma_wait3A_465 = tpu.memref_slice %arg11[%dma_wait3A_464] : memref<512xi32, #tpu.memory_space<vmem>> -> memref<64xi32, #tpu.memory_space<vmem>>
    %dma_wait3A_466 = arith.constant 0 : i32
    %dma_wait3A_467 = arith.constant 0 : i32
    %dma_wait3A_468 = tpu.memref_slice %arg7[%dma_wait3A_466, %dma_wait3A_467] : memref<1000x128xf32, #tpu.memory_space<hbm>> -> memref<1000x128xf32, #tpu.memory_space<hbm>>
    tpu.wait_indirect_dma semaphore(%arg18 : memref<!tpu.dma_semaphore, #tpu.memory_space<semaphore_mem>>) src(%dma_wait3A_468 : memref<1000x128xf32, #tpu.memory_space<hbm>>) dst(%dma_wait3A_463 : memref<64x128xf32, #tpu.memory_space<vmem>>)
    %parallel_loop3A_469 = arith.constant 0 : i32
    %parallel_loop3A_470 = arith.constant 64 : i32
    %parallel_loop3A_471 = arith.constant 1 : i32
    %parallel_loop3A_472:6 = scf.for %parallel_loop3A_610 = %parallel_loop3A_469 to %parallel_loop3A_470 step %parallel_loop3A_471 iter_args(%parallel_loop3A_611 = %parallel_loop3A_428#0, %parallel_loop3A_612 = %parallel_loop3A_428#1, %parallel_loop3A_613 = %parallel_loop3A_428#2, %parallel_loop3A_614 = %parallel_loop3A_428#3, %parallel_loop3A_615 = %parallel_loop3A_428#4, %parallel_loop3A_616 = %parallel_loop3A_428#5) -> (vector<16xf32>, vector<16xf32>, vector<16xf32>, vector<16xf32>, vector<16xf32>, vector<16xf32>)  : i32 {
      %parallel_loop3A_617 = arith.constant 256 : i32
      %parallel_loop3A_618 = arith.addi %parallel_loop3A_617, %parallel_loop3A_610 : i32
      %parallel_loop3A_619 = arith.constant -16 : i32
      %parallel_loop3A_620 = arith.andi %parallel_loop3A_618, %parallel_loop3A_619 : i32
      %parallel_loop3A_621 = arith.index_cast %parallel_loop3A_620 : i32 to index
      %parallel_loop3A_622 = tpu.vector_load %arg12[%parallel_loop3A_621] {strides = array<i32>} : memref<512xf32, #tpu.memory_space<vmem>>, vector<16xf32>,
      %parallel_loop3A_623 = vector.shape_cast %parallel_loop3A_622 : vector<16xf32> to vector<16xf32>
      %parallel_loop3A_624 = arith.constant 15 : i32
      %parallel_loop3A_625 = arith.andi %parallel_loop3A_618, %parallel_loop3A_624 : i32
      %parallel_loop3A_626 = vector.broadcast %parallel_loop3A_625 : i32 to vector<16xi32>
      %parallel_loop3A_627 = arith.constant 0 : i32
      %parallel_loop3A_628 = vector.broadcast %parallel_loop3A_627 : i32 to vector<16xi32>
      %parallel_loop3A_629 = arith.cmpi slt, %parallel_loop3A_626, %parallel_loop3A_628 : vector<16xi32>
      %parallel_loop3A_630 = arith.constant 16 : i32
      %parallel_loop3A_631 = vector.broadcast %parallel_loop3A_630 : i32 to vector<16xi32>
      %parallel_loop3A_632 = arith.addi %parallel_loop3A_626, %parallel_loop3A_631 : vector<16xi32>
      %parallel_loop3A_633 = arith.select %parallel_loop3A_629, %parallel_loop3A_632, %parallel_loop3A_626 : vector<16xi1>, vector<16xi32>
      %parallel_loop3A_634 = vector.shape_cast %parallel_loop3A_633 : vector<16xi32> to vector<16x1xi32>
      %parallel_loop3A_635 = vector.shape_cast %parallel_loop3A_634 : vector<16x1xi32> to vector<16xi32>
      %parallel_loop3A_636 = tpu.dynamic_gather %parallel_loop3A_623[%parallel_loop3A_635] in [0] : vector<16xf32>, vector<16xi32> -> vector<16xf32>
      %parallel_loop3A_637 = arith.subf %broadcast_in_dim3A_233, %parallel_loop3A_636 : vector<16xf32>
      %parallel_loop3A_638 = arith.constant 0.000000e+00 : f32
      %parallel_loop3A_639 = vector.broadcast %parallel_loop3A_638 : f32 to vector<16xf32>
      %parallel_loop3A_640 = arith.constant 0 : i32
      %parallel_loop3A_641 = arith.index_cast %parallel_loop3A_640 : i32 to index
      %parallel_loop3A_642 = arith.index_cast %parallel_loop3A_610 : i32 to index
      %parallel_loop3A_643 = arith.constant 0 : index
      %parallel_loop3A_644 = tpu.vector_load %arg13[%parallel_loop3A_641, %parallel_loop3A_642, %parallel_loop3A_643] {strides = array<i32>} : memref<2x128x128xf32, #tpu.memory_space<vmem>>, vector<1x1x16xf32>,
      %parallel_loop3A_645 = vector.shape_cast %parallel_loop3A_644 : vector<1x1x16xf32> to vector<16xf32>
      %parallel_loop3A_646 = arith.constant 64 : i32
      %parallel_loop3A_647 = arith.addi %parallel_loop3A_646, %parallel_loop3A_610 : i32
      %parallel_loop3A_648 = arith.constant 0 : i32
      %parallel_loop3A_649 = arith.index_cast %parallel_loop3A_648 : i32 to index
      %parallel_loop3A_650 = arith.index_cast %parallel_loop3A_647 : i32 to index
      %parallel_loop3A_651 = arith.constant 0 : index
      %parallel_loop3A_652 = tpu.vector_load %arg13[%parallel_loop3A_649, %parallel_loop3A_650, %parallel_loop3A_651] {strides = array<i32>} : memref<2x128x128xf32, #tpu.memory_space<vmem>>, vector<1x1x16xf32>,
      %parallel_loop3A_653 = vector.shape_cast %parallel_loop3A_652 : vector<1x1x16xf32> to vector<16xf32>
      %parallel_loop3A_654 = arith.constant 0 : i32
      %parallel_loop3A_655 = arith.index_cast %parallel_loop3A_654 : i32 to index
      %parallel_loop3A_656 = arith.index_cast %parallel_loop3A_610 : i32 to index
      %parallel_loop3A_657 = arith.constant 0 : index
      %parallel_loop3A_658 = tpu.vector_load %arg14[%parallel_loop3A_655, %parallel_loop3A_656, %parallel_loop3A_657] {strides = array<i32>} : memref<2x64x128xf32, #tpu.memory_space<vmem>>, vector<1x1x16xf32>,
      %parallel_loop3A_659 = vector.shape_cast %parallel_loop3A_658 : vector<1x1x16xf32> to vector<16xf32>
      %parallel_loop3A_660 = arith.mulf %parallel_loop3A_645, %parallel_loop3A_659 : vector<16xf32>
      %parallel_loop3A_661 = arith.mulf %parallel_loop3A_660, %parallel_loop3A_653 : vector<16xf32>
      %parallel_loop3A_662 = arith.addf %parallel_loop3A_639, %parallel_loop3A_661 : vector<16xf32>
      %parallel_loop3A_663 = arith.mulf %parallel_loop3A_645, %parallel_loop3A_645 : vector<16xf32>
      %parallel_loop3A_664 = arith.addf %parallel_loop3A_611, %parallel_loop3A_663 : vector<16xf32>
      %parallel_loop3A_665 = arith.mulf %parallel_loop3A_653, %parallel_loop3A_653 : vector<16xf32>
      %parallel_loop3A_666 = arith.addf %parallel_loop3A_613, %parallel_loop3A_665 : vector<16xf32>
      %parallel_loop3A_667 = arith.mulf %parallel_loop3A_659, %parallel_loop3A_659 : vector<16xf32>
      %parallel_loop3A_668 = arith.addf %parallel_loop3A_615, %parallel_loop3A_667 : vector<16xf32>
      %parallel_loop3A_669 = arith.constant 0 : i32
      %parallel_loop3A_670 = arith.index_cast %parallel_loop3A_669 : i32 to index
      %parallel_loop3A_671 = arith.index_cast %parallel_loop3A_610 : i32 to index
      %parallel_loop3A_672 = arith.constant 16 : index
      %parallel_loop3A_673 = tpu.vector_load %arg13[%parallel_loop3A_670, %parallel_loop3A_671, %parallel_loop3A_672] {strides = array<i32>} : memref<2x128x128xf32, #tpu.memory_space<vmem>>, vector<1x1x16xf32>,
      %parallel_loop3A_674 = vector.shape_cast %parallel_loop3A_673 : vector<1x1x16xf32> to vector<16xf32>
      %parallel_loop3A_675 = arith.constant 64 : i32
      %parallel_loop3A_676 = arith.addi %parallel_loop3A_675, %parallel_loop3A_610 : i32
      %parallel_loop3A_677 = arith.constant 0 : i32
      %parallel_loop3A_678 = arith.index_cast %parallel_loop3A_677 : i32 to index
      %parallel_loop3A_679 = arith.index_cast %parallel_loop3A_676 : i32 to index
      %parallel_loop3A_680 = arith.constant 16 : index
      %parallel_loop3A_681 = tpu.vector_load %arg13[%parallel_loop3A_678, %parallel_loop3A_679, %parallel_loop3A_680] {strides = array<i32>} : memref<2x128x128xf32, #tpu.memory_space<vmem>>, vector<1x1x16xf32>,
      %parallel_loop3A_682 = vector.shape_cast %parallel_loop3A_681 : vector<1x1x16xf32> to vector<16xf32>
      %parallel_loop3A_683 = arith.constant 0 : i32
      %parallel_loop3A_684 = arith.index_cast %parallel_loop3A_683 : i32 to index
      %parallel_loop3A_685 = arith.index_cast %parallel_loop3A_610 : i32 to index
      %parallel_loop3A_686 = arith.constant 16 : index
      %parallel_loop3A_687 = tpu.vector_load %arg14[%parallel_loop3A_684, %parallel_loop3A_685, %parallel_loop3A_686] {strides = array<i32>} : memref<2x64x128xf32, #tpu.memory_space<vmem>>, vector<1x1x16xf32>,
      %parallel_loop3A_688 = vector.shape_cast %parallel_loop3A_687 : vector<1x1x16xf32> to vector<16xf32>
      %parallel_loop3A_689 = arith.mulf %parallel_loop3A_674, %parallel_loop3A_688 : vector<16xf32>
      %parallel_loop3A_690 = arith.mulf %parallel_loop3A_689, %parallel_loop3A_682 : vector<16xf32>
      %parallel_loop3A_691 = arith.addf %parallel_loop3A_662, %parallel_loop3A_690 : vector<16xf32>
      %parallel_loop3A_692 = arith.mulf %parallel_loop3A_674, %parallel_loop3A_674 : vector<16xf32>
      %parallel_loop3A_693 = arith.addf %parallel_loop3A_612, %parallel_loop3A_692 : vector<16xf32>
      %parallel_loop3A_694 = arith.mulf %parallel_loop3A_682, %parallel_loop3A_682 : vector<16xf32>
      %parallel_loop3A_695 = arith.addf %parallel_loop3A_614, %parallel_loop3A_694 : vector<16xf32>
      %parallel_loop3A_696 = arith.mulf %parallel_loop3A_688, %parallel_loop3A_688 : vector<16xf32>
      %parallel_loop3A_697 = arith.addf %parallel_loop3A_616, %parallel_loop3A_696 : vector<16xf32>
      %parallel_loop3A_698 = arith.constant 0 : i32
      %parallel_loop3A_699 = arith.index_cast %parallel_loop3A_698 : i32 to index
      %parallel_loop3A_700 = arith.index_cast %parallel_loop3A_610 : i32 to index
      %parallel_loop3A_701 = arith.constant 32 : index
      %parallel_loop3A_702 = tpu.vector_load %arg13[%parallel_loop3A_699, %parallel_loop3A_700, %parallel_loop3A_701] {strides = array<i32>} : memref<2x128x128xf32, #tpu.memory_space<vmem>>, vector<1x1x16xf32>,
      %parallel_loop3A_703 = vector.shape_cast %parallel_loop3A_702 : vector<1x1x16xf32> to vector<16xf32>
      %parallel_loop3A_704 = arith.constant 64 : i32
      %parallel_loop3A_705 = arith.addi %parallel_loop3A_704, %parallel_loop3A_610 : i32
      %parallel_loop3A_706 = arith.constant 0 : i32
      %parallel_loop3A_707 = arith.index_cast %parallel_loop3A_706 : i32 to index
      %parallel_loop3A_708 = arith.index_cast %parallel_loop3A_705 : i32 to index
      %parallel_loop3A_709 = arith.constant 32 : index
      %parallel_loop3A_710 = tpu.vector_load %arg13[%parallel_loop3A_707, %parallel_loop3A_708, %parallel_loop3A_709] {strides = array<i32>} : memref<2x128x128xf32, #tpu.memory_space<vmem>>, vector<1x1x16xf32>,
      %parallel_loop3A_711 = vector.shape_cast %parallel_loop3A_710 : vector<1x1x16xf32> to vector<16xf32>
      %parallel_loop3A_712 = arith.constant 0 : i32
      %parallel_loop3A_713 = arith.index_cast %parallel_loop3A_712 : i32 to index
      %parallel_loop3A_714 = arith.index_cast %parallel_loop3A_610 : i32 to index
      %parallel_loop3A_715 = arith.constant 32 : index
      %parallel_loop3A_716 = tpu.vector_load %arg14[%parallel_loop3A_713, %parallel_loop3A_714, %parallel_loop3A_715] {strides = array<i32>} : memref<2x64x128xf32, #tpu.memory_space<vmem>>, vector<1x1x16xf32>,
      %parallel_loop3A_717 = vector.shape_cast %parallel_loop3A_716 : vector<1x1x16xf32> to vector<16xf32>
      %parallel_loop3A_718 = arith.mulf %parallel_loop3A_703, %parallel_loop3A_717 : vector<16xf32>
      %parallel_loop3A_719 = arith.mulf %parallel_loop3A_718, %parallel_loop3A_711 : vector<16xf32>
      %parallel_loop3A_720 = arith.addf %parallel_loop3A_691, %parallel_loop3A_719 : vector<16xf32>
      %parallel_loop3A_721 = arith.mulf %parallel_loop3A_703, %parallel_loop3A_703 : vector<16xf32>
      %parallel_loop3A_722 = arith.addf %parallel_loop3A_664, %parallel_loop3A_721 : vector<16xf32>
      %parallel_loop3A_723 = arith.mulf %parallel_loop3A_711, %parallel_loop3A_711 : vector<16xf32>
      %parallel_loop3A_724 = arith.addf %parallel_loop3A_666, %parallel_loop3A_723 : vector<16xf32>
      %parallel_loop3A_725 = arith.mulf %parallel_loop3A_717, %parallel_loop3A_717 : vector<16xf32>
      %parallel_loop3A_726 = arith.addf %parallel_loop3A_668, %parallel_loop3A_725 : vector<16xf32>
      %parallel_loop3A_727 = arith.constant 0 : i32
      %parallel_loop3A_728 = arith.index_cast %parallel_loop3A_727 : i32 to index
      %parallel_loop3A_729 = arith.index_cast %parallel_loop3A_610 : i32 to index
      %parallel_loop3A_730 = arith.constant 48 : index
      %parallel_loop3A_731 = tpu.vector_load %arg13[%parallel_loop3A_728, %parallel_loop3A_729, %parallel_loop3A_730] {strides = array<i32>} : memref<2x128x128xf32, #tpu.memory_space<vmem>>, vector<1x1x16xf32>,
      %parallel_loop3A_732 = vector.shape_cast %parallel_loop3A_731 : vector<1x1x16xf32> to vector<16xf32>
      %parallel_loop3A_733 = arith.constant 64 : i32
      %parallel_loop3A_734 = arith.addi %parallel_loop3A_733, %parallel_loop3A_610 : i32
      %parallel_loop3A_735 = arith.constant 0 : i32
      %parallel_loop3A_736 = arith.index_cast %parallel_loop3A_735 : i32 to index
      %parallel_loop3A_737 = arith.index_cast %parallel_loop3A_734 : i32 to index
      %parallel_loop3A_738 = arith.constant 48 : index
      %parallel_loop3A_739 = tpu.vector_load %arg13[%parallel_loop3A_736, %parallel_loop3A_737, %parallel_loop3A_738] {strides = array<i32>} : memref<2x128x128xf32, #tpu.memory_space<vmem>>, vector<1x1x16xf32>,
      %parallel_loop3A_740 = vector.shape_cast %parallel_loop3A_739 : vector<1x1x16xf32> to vector<16xf32>
      %parallel_loop3A_741 = arith.constant 0 : i32
      %parallel_loop3A_742 = arith.index_cast %parallel_loop3A_741 : i32 to index
      %parallel_loop3A_743 = arith.index_cast %parallel_loop3A_610 : i32 to index
      %parallel_loop3A_744 = arith.constant 48 : index
      %parallel_loop3A_745 = tpu.vector_load %arg14[%parallel_loop3A_742, %parallel_loop3A_743, %parallel_loop3A_744] {strides = array<i32>} : memref<2x64x128xf32, #tpu.memory_space<vmem>>, vector<1x1x16xf32>,
      %parallel_loop3A_746 = vector.shape_cast %parallel_loop3A_745 : vector<1x1x16xf32> to vector<16xf32>
      %parallel_loop3A_747 = arith.mulf %parallel_loop3A_732, %parallel_loop3A_746 : vector<16xf32>
      %parallel_loop3A_748 = arith.mulf %parallel_loop3A_747, %parallel_loop3A_740 : vector<16xf32>
      %parallel_loop3A_749 = arith.addf %parallel_loop3A_720, %parallel_loop3A_748 : vector<16xf32>
      %parallel_loop3A_750 = arith.mulf %parallel_loop3A_732, %parallel_loop3A_732 : vector<16xf32>
      %parallel_loop3A_751 = arith.addf %parallel_loop3A_693, %parallel_loop3A_750 : vector<16xf32>
      %parallel_loop3A_752 = arith.mulf %parallel_loop3A_740, %parallel_loop3A_740 : vector<16xf32>
      %parallel_loop3A_753 = arith.addf %parallel_loop3A_695, %parallel_loop3A_752 : vector<16xf32>
      %parallel_loop3A_754 = arith.mulf %parallel_loop3A_746, %parallel_loop3A_746 : vector<16xf32>
      %parallel_loop3A_755 = arith.addf %parallel_loop3A_697, %parallel_loop3A_754 : vector<16xf32>
      %parallel_loop3A_756 = arith.constant 0 : i32
      %parallel_loop3A_757 = arith.index_cast %parallel_loop3A_756 : i32 to index
      %parallel_loop3A_758 = arith.index_cast %parallel_loop3A_610 : i32 to index
      %parallel_loop3A_759 = arith.constant 64 : index
      %parallel_loop3A_760 = tpu.vector_load %arg13[%parallel_loop3A_757, %parallel_loop3A_758, %parallel_loop3A_759] {strides = array<i32>} : memref<2x128x128xf32, #tpu.memory_space<vmem>>, vector<1x1x16xf32>,
      %parallel_loop3A_761 = vector.shape_cast %parallel_loop3A_760 : vector<1x1x16xf32> to vector<16xf32>
      %parallel_loop3A_762 = arith.constant 64 : i32
      %parallel_loop3A_763 = arith.addi %parallel_loop3A_762, %parallel_loop3A_610 : i32
      %parallel_loop3A_764 = arith.constant 0 : i32
      %parallel_loop3A_765 = arith.index_cast %parallel_loop3A_764 : i32 to index
      %parallel_loop3A_766 = arith.index_cast %parallel_loop3A_763 : i32 to index
      %parallel_loop3A_767 = arith.constant 64 : index
      %parallel_loop3A_768 = tpu.vector_load %arg13[%parallel_loop3A_765, %parallel_loop3A_766, %parallel_loop3A_767] {strides = array<i32>} : memref<2x128x128xf32, #tpu.memory_space<vmem>>, vector<1x1x16xf32>,
      %parallel_loop3A_769 = vector.shape_cast %parallel_loop3A_768 : vector<1x1x16xf32> to vector<16xf32>
      %parallel_loop3A_770 = arith.constant 0 : i32
      %parallel_loop3A_771 = arith.index_cast %parallel_loop3A_770 : i32 to index
      %parallel_loop3A_772 = arith.index_cast %parallel_loop3A_610 : i32 to index
      %parallel_loop3A_773 = arith.constant 64 : index
      %parallel_loop3A_774 = tpu.vector_load %arg14[%parallel_loop3A_771, %parallel_loop3A_772, %parallel_loop3A_773] {strides = array<i32>} : memref<2x64x128xf32, #tpu.memory_space<vmem>>, vector<1x1x16xf32>,
      %parallel_loop3A_775 = vector.shape_cast %parallel_loop3A_774 : vector<1x1x16xf32> to vector<16xf32>
      %parallel_loop3A_776 = arith.mulf %parallel_loop3A_761, %parallel_loop3A_775 : vector<16xf32>
      %parallel_loop3A_777 = arith.mulf %parallel_loop3A_776, %parallel_loop3A_769 : vector<16xf32>
      %parallel_loop3A_778 = arith.addf %parallel_loop3A_749, %parallel_loop3A_777 : vector<16xf32>
      %parallel_loop3A_779 = arith.mulf %parallel_loop3A_761, %parallel_loop3A_761 : vector<16xf32>
      %parallel_loop3A_780 = arith.addf %parallel_loop3A_722, %parallel_loop3A_779 : vector<16xf32>
      %parallel_loop3A_781 = arith.mulf %parallel_loop3A_769, %parallel_loop3A_769 : vector<16xf32>
      %parallel_loop3A_782 = arith.addf %parallel_loop3A_724, %parallel_loop3A_781 : vector<16xf32>
      %parallel_loop3A_783 = arith.mulf %parallel_loop3A_775, %parallel_loop3A_775 : vector<16xf32>
      %parallel_loop3A_784 = arith.addf %parallel_loop3A_726, %parallel_loop3A_783 : vector<16xf32>
      %parallel_loop3A_785 = arith.constant 0 : i32
      %parallel_loop3A_786 = arith.index_cast %parallel_loop3A_785 : i32 to index
      %parallel_loop3A_787 = arith.index_cast %parallel_loop3A_610 : i32 to index
      %parallel_loop3A_788 = arith.constant 80 : index
      %parallel_loop3A_789 = tpu.vector_load %arg13[%parallel_loop3A_786, %parallel_loop3A_787, %parallel_loop3A_788] {strides = array<i32>} : memref<2x128x128xf32, #tpu.memory_space<vmem>>, vector<1x1x16xf32>,
      %parallel_loop3A_790 = vector.shape_cast %parallel_loop3A_789 : vector<1x1x16xf32> to vector<16xf32>
      %parallel_loop3A_791 = arith.constant 64 : i32
      %parallel_loop3A_792 = arith.addi %parallel_loop3A_791, %parallel_loop3A_610 : i32
      %parallel_loop3A_793 = arith.constant 0 : i32
      %parallel_loop3A_794 = arith.index_cast %parallel_loop3A_793 : i32 to index
      %parallel_loop3A_795 = arith.index_cast %parallel_loop3A_792 : i32 to index
      %parallel_loop3A_796 = arith.constant 80 : index
      %parallel_loop3A_797 = tpu.vector_load %arg13[%parallel_loop3A_794, %parallel_loop3A_795, %parallel_loop3A_796] {strides = array<i32>} : memref<2x128x128xf32, #tpu.memory_space<vmem>>, vector<1x1x16xf32>,
      %parallel_loop3A_798 = vector.shape_cast %parallel_loop3A_797 : vector<1x1x16xf32> to vector<16xf32>
      %parallel_loop3A_799 = arith.constant 0 : i32
      %parallel_loop3A_800 = arith.index_cast %parallel_loop3A_799 : i32 to index
      %parallel_loop3A_801 = arith.index_cast %parallel_loop3A_610 : i32 to index
      %parallel_loop3A_802 = arith.constant 80 : index
      %parallel_loop3A_803 = tpu.vector_load %arg14[%parallel_loop3A_800, %parallel_loop3A_801, %parallel_loop3A_802] {strides = array<i32>} : memref<2x64x128xf32, #tpu.memory_space<vmem>>, vector<1x1x16xf32>,
      %parallel_loop3A_804 = vector.shape_cast %parallel_loop3A_803 : vector<1x1x16xf32> to vector<16xf32>
      %parallel_loop3A_805 = arith.mulf %parallel_loop3A_790, %parallel_loop3A_804 : vector<16xf32>
      %parallel_loop3A_806 = arith.mulf %parallel_loop3A_805, %parallel_loop3A_798 : vector<16xf32>
      %parallel_loop3A_807 = arith.addf %parallel_loop3A_778, %parallel_loop3A_806 : vector<16xf32>
      %parallel_loop3A_808 = arith.mulf %parallel_loop3A_790, %parallel_loop3A_790 : vector<16xf32>
      %parallel_loop3A_809 = arith.addf %parallel_loop3A_751, %parallel_loop3A_808 : vector<16xf32>
      %parallel_loop3A_810 = arith.mulf %parallel_loop3A_798, %parallel_loop3A_798 : vector<16xf32>
      %parallel_loop3A_811 = arith.addf %parallel_loop3A_753, %parallel_loop3A_810 : vector<16xf32>
      %parallel_loop3A_812 = arith.mulf %parallel_loop3A_804, %parallel_loop3A_804 : vector<16xf32>
      %parallel_loop3A_813 = arith.addf %parallel_loop3A_755, %parallel_loop3A_812 : vector<16xf32>
      %parallel_loop3A_814 = arith.constant 0 : i32
      %parallel_loop3A_815 = arith.index_cast %parallel_loop3A_814 : i32 to index
      %parallel_loop3A_816 = arith.index_cast %parallel_loop3A_610 : i32 to index
      %parallel_loop3A_817 = arith.constant 96 : index
      %parallel_loop3A_818 = tpu.vector_load %arg13[%parallel_loop3A_815, %parallel_loop3A_816, %parallel_loop3A_817] {strides = array<i32>} : memref<2x128x128xf32, #tpu.memory_space<vmem>>, vector<1x1x16xf32>,
      %parallel_loop3A_819 = vector.shape_cast %parallel_loop3A_818 : vector<1x1x16xf32> to vector<16xf32>
      %parallel_loop3A_820 = arith.constant 64 : i32
      %parallel_loop3A_821 = arith.addi %parallel_loop3A_820, %parallel_loop3A_610 : i32
      %parallel_loop3A_822 = arith.constant 0 : i32
      %parallel_loop3A_823 = arith.index_cast %parallel_loop3A_822 : i32 to index
      %parallel_loop3A_824 = arith.index_cast %parallel_loop3A_821 : i32 to index
      %parallel_loop3A_825 = arith.constant 96 : index
      %parallel_loop3A_826 = tpu.vector_load %arg13[%parallel_loop3A_823, %parallel_loop3A_824, %parallel_loop3A_825] {strides = array<i32>} : memref<2x128x128xf32, #tpu.memory_space<vmem>>, vector<1x1x16xf32>,
      %parallel_loop3A_827 = vector.shape_cast %parallel_loop3A_826 : vector<1x1x16xf32> to vector<16xf32>
      %parallel_loop3A_828 = arith.constant 0 : i32
      %parallel_loop3A_829 = arith.index_cast %parallel_loop3A_828 : i32 to index
      %parallel_loop3A_830 = arith.index_cast %parallel_loop3A_610 : i32 to index
      %parallel_loop3A_831 = arith.constant 96 : index
      %parallel_loop3A_832 = tpu.vector_load %arg14[%parallel_loop3A_829, %parallel_loop3A_830, %parallel_loop3A_831] {strides = array<i32>} : memref<2x64x128xf32, #tpu.memory_space<vmem>>, vector<1x1x16xf32>,
      %parallel_loop3A_833 = vector.shape_cast %parallel_loop3A_832 : vector<1x1x16xf32> to vector<16xf32>
      %parallel_loop3A_834 = arith.mulf %parallel_loop3A_819, %parallel_loop3A_833 : vector<16xf32>
      %parallel_loop3A_835 = arith.mulf %parallel_loop3A_834, %parallel_loop3A_827 : vector<16xf32>
      %parallel_loop3A_836 = arith.addf %parallel_loop3A_807, %parallel_loop3A_835 : vector<16xf32>
      %parallel_loop3A_837 = arith.mulf %parallel_loop3A_819, %parallel_loop3A_819 : vector<16xf32>
      %parallel_loop3A_838 = arith.addf %parallel_loop3A_780, %parallel_loop3A_837 : vector<16xf32>
      %parallel_loop3A_839 = arith.mulf %parallel_loop3A_827, %parallel_loop3A_827 : vector<16xf32>
      %parallel_loop3A_840 = arith.addf %parallel_loop3A_782, %parallel_loop3A_839 : vector<16xf32>
      %parallel_loop3A_841 = arith.mulf %parallel_loop3A_833, %parallel_loop3A_833 : vector<16xf32>
      %parallel_loop3A_842 = arith.addf %parallel_loop3A_784, %parallel_loop3A_841 : vector<16xf32>
      %parallel_loop3A_843 = arith.constant 0 : i32
      %parallel_loop3A_844 = arith.index_cast %parallel_loop3A_843 : i32 to index
      %parallel_loop3A_845 = arith.index_cast %parallel_loop3A_610 : i32 to index
      %parallel_loop3A_846 = arith.constant 112 : index
      %parallel_loop3A_847 = tpu.vector_load %arg13[%parallel_loop3A_844, %parallel_loop3A_845, %parallel_loop3A_846] {strides = array<i32>} : memref<2x128x128xf32, #tpu.memory_space<vmem>>, vector<1x1x16xf32>,
      %parallel_loop3A_848 = vector.shape_cast %parallel_loop3A_847 : vector<1x1x16xf32> to vector<16xf32>
      %parallel_loop3A_849 = arith.constant 64 : i32
      %parallel_loop3A_850 = arith.addi %parallel_loop3A_849, %parallel_loop3A_610 : i32
      %parallel_loop3A_851 = arith.constant 0 : i32
      %parallel_loop3A_852 = arith.index_cast %parallel_loop3A_851 : i32 to index
      %parallel_loop3A_853 = arith.index_cast %parallel_loop3A_850 : i32 to index
      %parallel_loop3A_854 = arith.constant 112 : index
      %parallel_loop3A_855 = tpu.vector_load %arg13[%parallel_loop3A_852, %parallel_loop3A_853, %parallel_loop3A_854] {strides = array<i32>} : memref<2x128x128xf32, #tpu.memory_space<vmem>>, vector<1x1x16xf32>,
      %parallel_loop3A_856 = vector.shape_cast %parallel_loop3A_855 : vector<1x1x16xf32> to vector<16xf32>
      %parallel_loop3A_857 = arith.constant 0 : i32
      %parallel_loop3A_858 = arith.index_cast %parallel_loop3A_857 : i32 to index
      %parallel_loop3A_859 = arith.index_cast %parallel_loop3A_610 : i32 to index
      %parallel_loop3A_860 = arith.constant 112 : index
      %parallel_loop3A_861 = tpu.vector_load %arg14[%parallel_loop3A_858, %parallel_loop3A_859, %parallel_loop3A_860] {strides = array<i32>} : memref<2x64x128xf32, #tpu.memory_space<vmem>>, vector<1x1x16xf32>,
      %parallel_loop3A_862 = vector.shape_cast %parallel_loop3A_861 : vector<1x1x16xf32> to vector<16xf32>
      %parallel_loop3A_863 = arith.mulf %parallel_loop3A_848, %parallel_loop3A_862 : vector<16xf32>
      %parallel_loop3A_864 = arith.mulf %parallel_loop3A_863, %parallel_loop3A_856 : vector<16xf32>
      %parallel_loop3A_865 = arith.addf %parallel_loop3A_836, %parallel_loop3A_864 : vector<16xf32>
      %parallel_loop3A_866 = arith.mulf %parallel_loop3A_848, %parallel_loop3A_848 : vector<16xf32>
      %parallel_loop3A_867 = arith.addf %parallel_loop3A_809, %parallel_loop3A_866 : vector<16xf32>
      %parallel_loop3A_868 = arith.mulf %parallel_loop3A_856, %parallel_loop3A_856 : vector<16xf32>
      %parallel_loop3A_869 = arith.addf %parallel_loop3A_811, %parallel_loop3A_868 : vector<16xf32>
      %parallel_loop3A_870 = arith.mulf %parallel_loop3A_862, %parallel_loop3A_862 : vector<16xf32>
      %parallel_loop3A_871 = arith.addf %parallel_loop3A_813, %parallel_loop3A_870 : vector<16xf32>
      %parallel_loop3A_872 = arith.constant 3 : i32
      %parallel_loop3A_873 = arith.shrui %parallel_loop3A_618, %parallel_loop3A_872 : i32
      %parallel_loop3A_874 = arith.constant 7 : i32
      %parallel_loop3A_875 = arith.andi %parallel_loop3A_618, %parallel_loop3A_874 : i32
      %parallel_loop3A_876 = arith.constant 16 : i32
      %parallel_loop3A_877 = arith.muli %parallel_loop3A_875, %parallel_loop3A_876 : i32
      %parallel_loop3A_878 = arith.mulf %parallel_loop3A_865, %parallel_loop3A_637 : vector<16xf32>
      %parallel_loop3A_879 = arith.index_cast %parallel_loop3A_873 : i32 to index
      %parallel_loop3A_880 = arith.index_cast %parallel_loop3A_877 : i32 to index
      %parallel_loop3A_881 = tpu.vector_load %arg15[%parallel_loop3A_879, %parallel_loop3A_880] {strides = array<i32>} : memref<64x128xf32, #tpu.memory_space<vmem>>, vector<1x16xf32>,
      %parallel_loop3A_882 = vector.shape_cast %parallel_loop3A_881 : vector<1x16xf32> to vector<16xf32>
      %parallel_loop3A_883 = vector.shape_cast %parallel_loop3A_878 : vector<16xf32> to vector<1x16xf32>
      tpu.vector_store %arg15[%parallel_loop3A_879, %parallel_loop3A_880], %parallel_loop3A_883 {strides = array<i32>} : memref<64x128xf32, #tpu.memory_space<vmem>>, vector<1x16xf32>,
      scf.yield %parallel_loop3A_838, %parallel_loop3A_867, %parallel_loop3A_840, %parallel_loop3A_869, %parallel_loop3A_842, %parallel_loop3A_871 : vector<16xf32>, vector<16xf32>, vector<16xf32>, vector<16xf32>, vector<16xf32>, vector<16xf32>
    } {sc.loop_unroll_factor = 4 : i64, sc.parallel_access}
    %dma_start3A_473 = arith.constant 0 : i32
    %dma_start3A_474 = arith.constant 0 : i32
    %dma_start3A_475 = arith.constant 0 : i32
    %dma_start3A_476 = tpu.memref_slice %arg13[%dma_start3A_473, %dma_start3A_474, %dma_start3A_475] : memref<2x128x128xf32, #tpu.memory_space<vmem>> -> memref<1x128x128xf32, #tpu.memory_space<vmem>>
    %dma_start3A_477 = tpu.memref_squeeze %dma_start3A_476 : memref<1x128x128xf32, #tpu.memory_space<vmem>> -> memref<128x128xf32, #tpu.memory_space<vmem>>
    %dma_start3A_478 = arith.constant 768 : i32
    %dma_start3A_479 = tpu.memref_slice %arg10[%dma_start3A_478] : memref<1024xi32, #tpu.memory_space<vmem>> -> memref<128xi32, #tpu.memory_space<vmem>>
    %dma_start3A_480 = arith.constant 0 : i32
    %dma_start3A_481 = arith.constant 0 : i32
    %dma_start3A_482 = tpu.memref_slice %arg6[%dma_start3A_480, %dma_start3A_481] : memref<100000x128xf32, #tpu.memory_space<hbm>> -> memref<100000x128xf32, #tpu.memory_space<hbm>>
    tpu.enqueue_indirect_dma source(%dma_start3A_482 : memref<100000x128xf32, #tpu.memory_space<hbm>>) target(%dma_start3A_477 : memref<128x128xf32, #tpu.memory_space<vmem>>) offsets(%dma_start3A_479 : memref<128xi32, #tpu.memory_space<vmem>>) semaphore(%arg18 : memref<!tpu.dma_semaphore, #tpu.memory_space<semaphore_mem>>)
    %dma_start3A_483 = arith.constant 0 : i32
    %dma_start3A_484 = arith.constant 0 : i32
    %dma_start3A_485 = arith.constant 0 : i32
    %dma_start3A_486 = tpu.memref_slice %arg14[%dma_start3A_483, %dma_start3A_484, %dma_start3A_485] : memref<2x64x128xf32, #tpu.memory_space<vmem>> -> memref<1x64x128xf32, #tpu.memory_space<vmem>>
    %dma_start3A_487 = tpu.memref_squeeze %dma_start3A_486 : memref<1x64x128xf32, #tpu.memory_space<vmem>> -> memref<64x128xf32, #tpu.memory_space<vmem>>
    %dma_start3A_488 = arith.constant 384 : i32
    %dma_start3A_489 = tpu.memref_slice %arg11[%dma_start3A_488] : memref<512xi32, #tpu.memory_space<vmem>> -> memref<64xi32, #tpu.memory_space<vmem>>
    %dma_start3A_490 = arith.constant 0 : i32
    %dma_start3A_491 = arith.constant 0 : i32
    %dma_start3A_492 = tpu.memref_slice %arg7[%dma_start3A_490, %dma_start3A_491] : memref<1000x128xf32, #tpu.memory_space<hbm>> -> memref<1000x128xf32, #tpu.memory_space<hbm>>
    tpu.enqueue_indirect_dma source(%dma_start3A_492 : memref<1000x128xf32, #tpu.memory_space<hbm>>) target(%dma_start3A_487 : memref<64x128xf32, #tpu.memory_space<vmem>>) offsets(%dma_start3A_489 : memref<64xi32, #tpu.memory_space<vmem>>) semaphore(%arg18 : memref<!tpu.dma_semaphore, #tpu.memory_space<semaphore_mem>>)
    %dma_wait3A_493 = arith.constant 1 : i32
    %dma_wait3A_494 = arith.constant 0 : i32
    %dma_wait3A_495 = arith.constant 0 : i32
    %dma_wait3A_496 = tpu.memref_slice %arg13[%dma_wait3A_493, %dma_wait3A_494, %dma_wait3A_495] : memref<2x128x128xf32, #tpu.memory_space<vmem>> -> memref<1x128x128xf32, #tpu.memory_space<vmem>>
    %dma_wait3A_497 = tpu.memref_squeeze %dma_wait3A_496 : memref<1x128x128xf32, #tpu.memory_space<vmem>> -> memref<128x128xf32, #tpu.memory_space<vmem>>
    %dma_wait3A_498 = arith.constant 640 : i32
    %dma_wait3A_499 = tpu.memref_slice %arg10[%dma_wait3A_498] : memref<1024xi32, #tpu.memory_space<vmem>> -> memref<128xi32, #tpu.memory_space<vmem>>
    %dma_wait3A_500 = arith.constant 0 : i32
    %dma_wait3A_501 = arith.constant 0 : i32
    %dma_wait3A_502 = tpu.memref_slice %arg6[%dma_wait3A_500, %dma_wait3A_501] : memref<100000x128xf32, #tpu.memory_space<hbm>> -> memref<100000x128xf32, #tpu.memory_space<hbm>>
    tpu.wait_indirect_dma semaphore(%arg19 : memref<!tpu.dma_semaphore, #tpu.memory_space<semaphore_mem>>) src(%dma_wait3A_502 : memref<100000x128xf32, #tpu.memory_space<hbm>>) dst(%dma_wait3A_497 : memref<128x128xf32, #tpu.memory_space<vmem>>)
    %dma_wait3A_503 = arith.constant 1 : i32
    %dma_wait3A_504 = arith.constant 0 : i32
    %dma_wait3A_505 = arith.constant 0 : i32
    %dma_wait3A_506 = tpu.memref_slice %arg14[%dma_wait3A_503, %dma_wait3A_504, %dma_wait3A_505] : memref<2x64x128xf32, #tpu.memory_space<vmem>> -> memref<1x64x128xf32, #tpu.memory_space<vmem>>
    %dma_wait3A_507 = tpu.memref_squeeze %dma_wait3A_506 : memref<1x64x128xf32, #tpu.memory_space<vmem>> -> memref<64x128xf32, #tpu.memory_space<vmem>>
    %dma_wait3A_508 = arith.constant 320 : i32
    %dma_wait3A_509 = tpu.memref_slice %arg11[%dma_wait3A_508] : memref<512xi32, #tpu.memory_space<vmem>> -> memref<64xi32, #tpu.memory_space<vmem>>
    %dma_wait3A_510 = arith.constant 0 : i32
    %dma_wait3A_511 = arith.constant 0 : i32
    %dma_wait3A_512 = tpu.memref_slice %arg7[%dma_wait3A_510, %dma_wait3A_511] : memref<1000x128xf32, #tpu.memory_space<hbm>> -> memref<1000x128xf32, #tpu.memory_space<hbm>>
    tpu.wait_indirect_dma semaphore(%arg19 : memref<!tpu.dma_semaphore, #tpu.memory_space<semaphore_mem>>) src(%dma_wait3A_512 : memref<1000x128xf32, #tpu.memory_space<hbm>>) dst(%dma_wait3A_507 : memref<64x128xf32, #tpu.memory_space<vmem>>)
    %parallel_loop3A_513 = arith.constant 0 : i32
    %parallel_loop3A_514 = arith.constant 64 : i32
    %parallel_loop3A_515 = arith.constant 1 : i32
    %parallel_loop3A_516:6 = scf.for %parallel_loop3A_610 = %parallel_loop3A_513 to %parallel_loop3A_514 step %parallel_loop3A_515 iter_args(%parallel_loop3A_611 = %parallel_loop3A_472#0, %parallel_loop3A_612 = %parallel_loop3A_472#1, %parallel_loop3A_613 = %parallel_loop3A_472#2, %parallel_loop3A_614 = %parallel_loop3A_472#3, %parallel_loop3A_615 = %parallel_loop3A_472#4, %parallel_loop3A_616 = %parallel_loop3A_472#5) -> (vector<16xf32>, vector<16xf32>, vector<16xf32>, vector<16xf32>, vector<16xf32>, vector<16xf32>)  : i32 {
      %parallel_loop3A_617 = arith.constant 320 : i32
      %parallel_loop3A_618 = arith.addi %parallel_loop3A_617, %parallel_loop3A_610 : i32
      %parallel_loop3A_619 = arith.constant -16 : i32
      %parallel_loop3A_620 = arith.andi %parallel_loop3A_618, %parallel_loop3A_619 : i32
      %parallel_loop3A_621 = arith.index_cast %parallel_loop3A_620 : i32 to index
      %parallel_loop3A_622 = tpu.vector_load %arg12[%parallel_loop3A_621] {strides = array<i32>} : memref<512xf32, #tpu.memory_space<vmem>>, vector<16xf32>,
      %parallel_loop3A_623 = vector.shape_cast %parallel_loop3A_622 : vector<16xf32> to vector<16xf32>
      %parallel_loop3A_624 = arith.constant 15 : i32
      %parallel_loop3A_625 = arith.andi %parallel_loop3A_618, %parallel_loop3A_624 : i32
      %parallel_loop3A_626 = vector.broadcast %parallel_loop3A_625 : i32 to vector<16xi32>
      %parallel_loop3A_627 = arith.constant 0 : i32
      %parallel_loop3A_628 = vector.broadcast %parallel_loop3A_627 : i32 to vector<16xi32>
      %parallel_loop3A_629 = arith.cmpi slt, %parallel_loop3A_626, %parallel_loop3A_628 : vector<16xi32>
      %parallel_loop3A_630 = arith.constant 16 : i32
      %parallel_loop3A_631 = vector.broadcast %parallel_loop3A_630 : i32 to vector<16xi32>
      %parallel_loop3A_632 = arith.addi %parallel_loop3A_626, %parallel_loop3A_631 : vector<16xi32>
      %parallel_loop3A_633 = arith.select %parallel_loop3A_629, %parallel_loop3A_632, %parallel_loop3A_626 : vector<16xi1>, vector<16xi32>
      %parallel_loop3A_634 = vector.shape_cast %parallel_loop3A_633 : vector<16xi32> to vector<16x1xi32>
      %parallel_loop3A_635 = vector.shape_cast %parallel_loop3A_634 : vector<16x1xi32> to vector<16xi32>
      %parallel_loop3A_636 = tpu.dynamic_gather %parallel_loop3A_623[%parallel_loop3A_635] in [0] : vector<16xf32>, vector<16xi32> -> vector<16xf32>
      %parallel_loop3A_637 = arith.subf %broadcast_in_dim3A_233, %parallel_loop3A_636 : vector<16xf32>
      %parallel_loop3A_638 = arith.constant 0.000000e+00 : f32
      %parallel_loop3A_639 = vector.broadcast %parallel_loop3A_638 : f32 to vector<16xf32>
      %parallel_loop3A_640 = arith.constant 1 : i32
      %parallel_loop3A_641 = arith.index_cast %parallel_loop3A_640 : i32 to index
      %parallel_loop3A_642 = arith.index_cast %parallel_loop3A_610 : i32 to index
      %parallel_loop3A_643 = arith.constant 0 : index
      %parallel_loop3A_644 = tpu.vector_load %arg13[%parallel_loop3A_641, %parallel_loop3A_642, %parallel_loop3A_643] {strides = array<i32>} : memref<2x128x128xf32, #tpu.memory_space<vmem>>, vector<1x1x16xf32>,
      %parallel_loop3A_645 = vector.shape_cast %parallel_loop3A_644 : vector<1x1x16xf32> to vector<16xf32>
      %parallel_loop3A_646 = arith.constant 64 : i32
      %parallel_loop3A_647 = arith.addi %parallel_loop3A_646, %parallel_loop3A_610 : i32
      %parallel_loop3A_648 = arith.constant 1 : i32
      %parallel_loop3A_649 = arith.index_cast %parallel_loop3A_648 : i32 to index
      %parallel_loop3A_650 = arith.index_cast %parallel_loop3A_647 : i32 to index
      %parallel_loop3A_651 = arith.constant 0 : index
      %parallel_loop3A_652 = tpu.vector_load %arg13[%parallel_loop3A_649, %parallel_loop3A_650, %parallel_loop3A_651] {strides = array<i32>} : memref<2x128x128xf32, #tpu.memory_space<vmem>>, vector<1x1x16xf32>,
      %parallel_loop3A_653 = vector.shape_cast %parallel_loop3A_652 : vector<1x1x16xf32> to vector<16xf32>
      %parallel_loop3A_654 = arith.constant 1 : i32
      %parallel_loop3A_655 = arith.index_cast %parallel_loop3A_654 : i32 to index
      %parallel_loop3A_656 = arith.index_cast %parallel_loop3A_610 : i32 to index
      %parallel_loop3A_657 = arith.constant 0 : index
      %parallel_loop3A_658 = tpu.vector_load %arg14[%parallel_loop3A_655, %parallel_loop3A_656, %parallel_loop3A_657] {strides = array<i32>} : memref<2x64x128xf32, #tpu.memory_space<vmem>>, vector<1x1x16xf32>,
      %parallel_loop3A_659 = vector.shape_cast %parallel_loop3A_658 : vector<1x1x16xf32> to vector<16xf32>
      %parallel_loop3A_660 = arith.mulf %parallel_loop3A_645, %parallel_loop3A_659 : vector<16xf32>
      %parallel_loop3A_661 = arith.mulf %parallel_loop3A_660, %parallel_loop3A_653 : vector<16xf32>
      %parallel_loop3A_662 = arith.addf %parallel_loop3A_639, %parallel_loop3A_661 : vector<16xf32>
      %parallel_loop3A_663 = arith.mulf %parallel_loop3A_645, %parallel_loop3A_645 : vector<16xf32>
      %parallel_loop3A_664 = arith.addf %parallel_loop3A_611, %parallel_loop3A_663 : vector<16xf32>
      %parallel_loop3A_665 = arith.mulf %parallel_loop3A_653, %parallel_loop3A_653 : vector<16xf32>
      %parallel_loop3A_666 = arith.addf %parallel_loop3A_613, %parallel_loop3A_665 : vector<16xf32>
      %parallel_loop3A_667 = arith.mulf %parallel_loop3A_659, %parallel_loop3A_659 : vector<16xf32>
      %parallel_loop3A_668 = arith.addf %parallel_loop3A_615, %parallel_loop3A_667 : vector<16xf32>
      %parallel_loop3A_669 = arith.constant 1 : i32
      %parallel_loop3A_670 = arith.index_cast %parallel_loop3A_669 : i32 to index
      %parallel_loop3A_671 = arith.index_cast %parallel_loop3A_610 : i32 to index
      %parallel_loop3A_672 = arith.constant 16 : index
      %parallel_loop3A_673 = tpu.vector_load %arg13[%parallel_loop3A_670, %parallel_loop3A_671, %parallel_loop3A_672] {strides = array<i32>} : memref<2x128x128xf32, #tpu.memory_space<vmem>>, vector<1x1x16xf32>,
      %parallel_loop3A_674 = vector.shape_cast %parallel_loop3A_673 : vector<1x1x16xf32> to vector<16xf32>
      %parallel_loop3A_675 = arith.constant 64 : i32
      %parallel_loop3A_676 = arith.addi %parallel_loop3A_675, %parallel_loop3A_610 : i32
      %parallel_loop3A_677 = arith.constant 1 : i32
      %parallel_loop3A_678 = arith.index_cast %parallel_loop3A_677 : i32 to index
      %parallel_loop3A_679 = arith.index_cast %parallel_loop3A_676 : i32 to index
      %parallel_loop3A_680 = arith.constant 16 : index
      %parallel_loop3A_681 = tpu.vector_load %arg13[%parallel_loop3A_678, %parallel_loop3A_679, %parallel_loop3A_680] {strides = array<i32>} : memref<2x128x128xf32, #tpu.memory_space<vmem>>, vector<1x1x16xf32>,
      %parallel_loop3A_682 = vector.shape_cast %parallel_loop3A_681 : vector<1x1x16xf32> to vector<16xf32>
      %parallel_loop3A_683 = arith.constant 1 : i32
      %parallel_loop3A_684 = arith.index_cast %parallel_loop3A_683 : i32 to index
      %parallel_loop3A_685 = arith.index_cast %parallel_loop3A_610 : i32 to index
      %parallel_loop3A_686 = arith.constant 16 : index
      %parallel_loop3A_687 = tpu.vector_load %arg14[%parallel_loop3A_684, %parallel_loop3A_685, %parallel_loop3A_686] {strides = array<i32>} : memref<2x64x128xf32, #tpu.memory_space<vmem>>, vector<1x1x16xf32>,
      %parallel_loop3A_688 = vector.shape_cast %parallel_loop3A_687 : vector<1x1x16xf32> to vector<16xf32>
      %parallel_loop3A_689 = arith.mulf %parallel_loop3A_674, %parallel_loop3A_688 : vector<16xf32>
      %parallel_loop3A_690 = arith.mulf %parallel_loop3A_689, %parallel_loop3A_682 : vector<16xf32>
      %parallel_loop3A_691 = arith.addf %parallel_loop3A_662, %parallel_loop3A_690 : vector<16xf32>
      %parallel_loop3A_692 = arith.mulf %parallel_loop3A_674, %parallel_loop3A_674 : vector<16xf32>
      %parallel_loop3A_693 = arith.addf %parallel_loop3A_612, %parallel_loop3A_692 : vector<16xf32>
      %parallel_loop3A_694 = arith.mulf %parallel_loop3A_682, %parallel_loop3A_682 : vector<16xf32>
      %parallel_loop3A_695 = arith.addf %parallel_loop3A_614, %parallel_loop3A_694 : vector<16xf32>
      %parallel_loop3A_696 = arith.mulf %parallel_loop3A_688, %parallel_loop3A_688 : vector<16xf32>
      %parallel_loop3A_697 = arith.addf %parallel_loop3A_616, %parallel_loop3A_696 : vector<16xf32>
      %parallel_loop3A_698 = arith.constant 1 : i32
      %parallel_loop3A_699 = arith.index_cast %parallel_loop3A_698 : i32 to index
      %parallel_loop3A_700 = arith.index_cast %parallel_loop3A_610 : i32 to index
      %parallel_loop3A_701 = arith.constant 32 : index
      %parallel_loop3A_702 = tpu.vector_load %arg13[%parallel_loop3A_699, %parallel_loop3A_700, %parallel_loop3A_701] {strides = array<i32>} : memref<2x128x128xf32, #tpu.memory_space<vmem>>, vector<1x1x16xf32>,
      %parallel_loop3A_703 = vector.shape_cast %parallel_loop3A_702 : vector<1x1x16xf32> to vector<16xf32>
      %parallel_loop3A_704 = arith.constant 64 : i32
      %parallel_loop3A_705 = arith.addi %parallel_loop3A_704, %parallel_loop3A_610 : i32
      %parallel_loop3A_706 = arith.constant 1 : i32
      %parallel_loop3A_707 = arith.index_cast %parallel_loop3A_706 : i32 to index
      %parallel_loop3A_708 = arith.index_cast %parallel_loop3A_705 : i32 to index
      %parallel_loop3A_709 = arith.constant 32 : index
      %parallel_loop3A_710 = tpu.vector_load %arg13[%parallel_loop3A_707, %parallel_loop3A_708, %parallel_loop3A_709] {strides = array<i32>} : memref<2x128x128xf32, #tpu.memory_space<vmem>>, vector<1x1x16xf32>,
      %parallel_loop3A_711 = vector.shape_cast %parallel_loop3A_710 : vector<1x1x16xf32> to vector<16xf32>
      %parallel_loop3A_712 = arith.constant 1 : i32
      %parallel_loop3A_713 = arith.index_cast %parallel_loop3A_712 : i32 to index
      %parallel_loop3A_714 = arith.index_cast %parallel_loop3A_610 : i32 to index
      %parallel_loop3A_715 = arith.constant 32 : index
      %parallel_loop3A_716 = tpu.vector_load %arg14[%parallel_loop3A_713, %parallel_loop3A_714, %parallel_loop3A_715] {strides = array<i32>} : memref<2x64x128xf32, #tpu.memory_space<vmem>>, vector<1x1x16xf32>,
      %parallel_loop3A_717 = vector.shape_cast %parallel_loop3A_716 : vector<1x1x16xf32> to vector<16xf32>
      %parallel_loop3A_718 = arith.mulf %parallel_loop3A_703, %parallel_loop3A_717 : vector<16xf32>
      %parallel_loop3A_719 = arith.mulf %parallel_loop3A_718, %parallel_loop3A_711 : vector<16xf32>
      %parallel_loop3A_720 = arith.addf %parallel_loop3A_691, %parallel_loop3A_719 : vector<16xf32>
      %parallel_loop3A_721 = arith.mulf %parallel_loop3A_703, %parallel_loop3A_703 : vector<16xf32>
      %parallel_loop3A_722 = arith.addf %parallel_loop3A_664, %parallel_loop3A_721 : vector<16xf32>
      %parallel_loop3A_723 = arith.mulf %parallel_loop3A_711, %parallel_loop3A_711 : vector<16xf32>
      %parallel_loop3A_724 = arith.addf %parallel_loop3A_666, %parallel_loop3A_723 : vector<16xf32>
      %parallel_loop3A_725 = arith.mulf %parallel_loop3A_717, %parallel_loop3A_717 : vector<16xf32>
      %parallel_loop3A_726 = arith.addf %parallel_loop3A_668, %parallel_loop3A_725 : vector<16xf32>
      %parallel_loop3A_727 = arith.constant 1 : i32
      %parallel_loop3A_728 = arith.index_cast %parallel_loop3A_727 : i32 to index
      %parallel_loop3A_729 = arith.index_cast %parallel_loop3A_610 : i32 to index
      %parallel_loop3A_730 = arith.constant 48 : index
      %parallel_loop3A_731 = tpu.vector_load %arg13[%parallel_loop3A_728, %parallel_loop3A_729, %parallel_loop3A_730] {strides = array<i32>} : memref<2x128x128xf32, #tpu.memory_space<vmem>>, vector<1x1x16xf32>,
      %parallel_loop3A_732 = vector.shape_cast %parallel_loop3A_731 : vector<1x1x16xf32> to vector<16xf32>
      %parallel_loop3A_733 = arith.constant 64 : i32
      %parallel_loop3A_734 = arith.addi %parallel_loop3A_733, %parallel_loop3A_610 : i32
      %parallel_loop3A_735 = arith.constant 1 : i32
      %parallel_loop3A_736 = arith.index_cast %parallel_loop3A_735 : i32 to index
      %parallel_loop3A_737 = arith.index_cast %parallel_loop3A_734 : i32 to index
      %parallel_loop3A_738 = arith.constant 48 : index
      %parallel_loop3A_739 = tpu.vector_load %arg13[%parallel_loop3A_736, %parallel_loop3A_737, %parallel_loop3A_738] {strides = array<i32>} : memref<2x128x128xf32, #tpu.memory_space<vmem>>, vector<1x1x16xf32>,
      %parallel_loop3A_740 = vector.shape_cast %parallel_loop3A_739 : vector<1x1x16xf32> to vector<16xf32>
      %parallel_loop3A_741 = arith.constant 1 : i32
      %parallel_loop3A_742 = arith.index_cast %parallel_loop3A_741 : i32 to index
      %parallel_loop3A_743 = arith.index_cast %parallel_loop3A_610 : i32 to index
      %parallel_loop3A_744 = arith.constant 48 : index
      %parallel_loop3A_745 = tpu.vector_load %arg14[%parallel_loop3A_742, %parallel_loop3A_743, %parallel_loop3A_744] {strides = array<i32>} : memref<2x64x128xf32, #tpu.memory_space<vmem>>, vector<1x1x16xf32>,
      %parallel_loop3A_746 = vector.shape_cast %parallel_loop3A_745 : vector<1x1x16xf32> to vector<16xf32>
      %parallel_loop3A_747 = arith.mulf %parallel_loop3A_732, %parallel_loop3A_746 : vector<16xf32>
      %parallel_loop3A_748 = arith.mulf %parallel_loop3A_747, %parallel_loop3A_740 : vector<16xf32>
      %parallel_loop3A_749 = arith.addf %parallel_loop3A_720, %parallel_loop3A_748 : vector<16xf32>
      %parallel_loop3A_750 = arith.mulf %parallel_loop3A_732, %parallel_loop3A_732 : vector<16xf32>
      %parallel_loop3A_751 = arith.addf %parallel_loop3A_693, %parallel_loop3A_750 : vector<16xf32>
      %parallel_loop3A_752 = arith.mulf %parallel_loop3A_740, %parallel_loop3A_740 : vector<16xf32>
      %parallel_loop3A_753 = arith.addf %parallel_loop3A_695, %parallel_loop3A_752 : vector<16xf32>
      %parallel_loop3A_754 = arith.mulf %parallel_loop3A_746, %parallel_loop3A_746 : vector<16xf32>
      %parallel_loop3A_755 = arith.addf %parallel_loop3A_697, %parallel_loop3A_754 : vector<16xf32>
      %parallel_loop3A_756 = arith.constant 1 : i32
      %parallel_loop3A_757 = arith.index_cast %parallel_loop3A_756 : i32 to index
      %parallel_loop3A_758 = arith.index_cast %parallel_loop3A_610 : i32 to index
      %parallel_loop3A_759 = arith.constant 64 : index
      %parallel_loop3A_760 = tpu.vector_load %arg13[%parallel_loop3A_757, %parallel_loop3A_758, %parallel_loop3A_759] {strides = array<i32>} : memref<2x128x128xf32, #tpu.memory_space<vmem>>, vector<1x1x16xf32>,
      %parallel_loop3A_761 = vector.shape_cast %parallel_loop3A_760 : vector<1x1x16xf32> to vector<16xf32>
      %parallel_loop3A_762 = arith.constant 64 : i32
      %parallel_loop3A_763 = arith.addi %parallel_loop3A_762, %parallel_loop3A_610 : i32
      %parallel_loop3A_764 = arith.constant 1 : i32
      %parallel_loop3A_765 = arith.index_cast %parallel_loop3A_764 : i32 to index
      %parallel_loop3A_766 = arith.index_cast %parallel_loop3A_763 : i32 to index
      %parallel_loop3A_767 = arith.constant 64 : index
      %parallel_loop3A_768 = tpu.vector_load %arg13[%parallel_loop3A_765, %parallel_loop3A_766, %parallel_loop3A_767] {strides = array<i32>} : memref<2x128x128xf32, #tpu.memory_space<vmem>>, vector<1x1x16xf32>,
      %parallel_loop3A_769 = vector.shape_cast %parallel_loop3A_768 : vector<1x1x16xf32> to vector<16xf32>
      %parallel_loop3A_770 = arith.constant 1 : i32
      %parallel_loop3A_771 = arith.index_cast %parallel_loop3A_770 : i32 to index
      %parallel_loop3A_772 = arith.index_cast %parallel_loop3A_610 : i32 to index
      %parallel_loop3A_773 = arith.constant 64 : index
      %parallel_loop3A_774 = tpu.vector_load %arg14[%parallel_loop3A_771, %parallel_loop3A_772, %parallel_loop3A_773] {strides = array<i32>} : memref<2x64x128xf32, #tpu.memory_space<vmem>>, vector<1x1x16xf32>,
      %parallel_loop3A_775 = vector.shape_cast %parallel_loop3A_774 : vector<1x1x16xf32> to vector<16xf32>
      %parallel_loop3A_776 = arith.mulf %parallel_loop3A_761, %parallel_loop3A_775 : vector<16xf32>
      %parallel_loop3A_777 = arith.mulf %parallel_loop3A_776, %parallel_loop3A_769 : vector<16xf32>
      %parallel_loop3A_778 = arith.addf %parallel_loop3A_749, %parallel_loop3A_777 : vector<16xf32>
      %parallel_loop3A_779 = arith.mulf %parallel_loop3A_761, %parallel_loop3A_761 : vector<16xf32>
      %parallel_loop3A_780 = arith.addf %parallel_loop3A_722, %parallel_loop3A_779 : vector<16xf32>
      %parallel_loop3A_781 = arith.mulf %parallel_loop3A_769, %parallel_loop3A_769 : vector<16xf32>
      %parallel_loop3A_782 = arith.addf %parallel_loop3A_724, %parallel_loop3A_781 : vector<16xf32>
      %parallel_loop3A_783 = arith.mulf %parallel_loop3A_775, %parallel_loop3A_775 : vector<16xf32>
      %parallel_loop3A_784 = arith.addf %parallel_loop3A_726, %parallel_loop3A_783 : vector<16xf32>
      %parallel_loop3A_785 = arith.constant 1 : i32
      %parallel_loop3A_786 = arith.index_cast %parallel_loop3A_785 : i32 to index
      %parallel_loop3A_787 = arith.index_cast %parallel_loop3A_610 : i32 to index
      %parallel_loop3A_788 = arith.constant 80 : index
      %parallel_loop3A_789 = tpu.vector_load %arg13[%parallel_loop3A_786, %parallel_loop3A_787, %parallel_loop3A_788] {strides = array<i32>} : memref<2x128x128xf32, #tpu.memory_space<vmem>>, vector<1x1x16xf32>,
      %parallel_loop3A_790 = vector.shape_cast %parallel_loop3A_789 : vector<1x1x16xf32> to vector<16xf32>
      %parallel_loop3A_791 = arith.constant 64 : i32
      %parallel_loop3A_792 = arith.addi %parallel_loop3A_791, %parallel_loop3A_610 : i32
      %parallel_loop3A_793 = arith.constant 1 : i32
      %parallel_loop3A_794 = arith.index_cast %parallel_loop3A_793 : i32 to index
      %parallel_loop3A_795 = arith.index_cast %parallel_loop3A_792 : i32 to index
      %parallel_loop3A_796 = arith.constant 80 : index
      %parallel_loop3A_797 = tpu.vector_load %arg13[%parallel_loop3A_794, %parallel_loop3A_795, %parallel_loop3A_796] {strides = array<i32>} : memref<2x128x128xf32, #tpu.memory_space<vmem>>, vector<1x1x16xf32>,
      %parallel_loop3A_798 = vector.shape_cast %parallel_loop3A_797 : vector<1x1x16xf32> to vector<16xf32>
      %parallel_loop3A_799 = arith.constant 1 : i32
      %parallel_loop3A_800 = arith.index_cast %parallel_loop3A_799 : i32 to index
      %parallel_loop3A_801 = arith.index_cast %parallel_loop3A_610 : i32 to index
      %parallel_loop3A_802 = arith.constant 80 : index
      %parallel_loop3A_803 = tpu.vector_load %arg14[%parallel_loop3A_800, %parallel_loop3A_801, %parallel_loop3A_802] {strides = array<i32>} : memref<2x64x128xf32, #tpu.memory_space<vmem>>, vector<1x1x16xf32>,
      %parallel_loop3A_804 = vector.shape_cast %parallel_loop3A_803 : vector<1x1x16xf32> to vector<16xf32>
      %parallel_loop3A_805 = arith.mulf %parallel_loop3A_790, %parallel_loop3A_804 : vector<16xf32>
      %parallel_loop3A_806 = arith.mulf %parallel_loop3A_805, %parallel_loop3A_798 : vector<16xf32>
      %parallel_loop3A_807 = arith.addf %parallel_loop3A_778, %parallel_loop3A_806 : vector<16xf32>
      %parallel_loop3A_808 = arith.mulf %parallel_loop3A_790, %parallel_loop3A_790 : vector<16xf32>
      %parallel_loop3A_809 = arith.addf %parallel_loop3A_751, %parallel_loop3A_808 : vector<16xf32>
      %parallel_loop3A_810 = arith.mulf %parallel_loop3A_798, %parallel_loop3A_798 : vector<16xf32>
      %parallel_loop3A_811 = arith.addf %parallel_loop3A_753, %parallel_loop3A_810 : vector<16xf32>
      %parallel_loop3A_812 = arith.mulf %parallel_loop3A_804, %parallel_loop3A_804 : vector<16xf32>
      %parallel_loop3A_813 = arith.addf %parallel_loop3A_755, %parallel_loop3A_812 : vector<16xf32>
      %parallel_loop3A_814 = arith.constant 1 : i32
      %parallel_loop3A_815 = arith.index_cast %parallel_loop3A_814 : i32 to index
      %parallel_loop3A_816 = arith.index_cast %parallel_loop3A_610 : i32 to index
      %parallel_loop3A_817 = arith.constant 96 : index
      %parallel_loop3A_818 = tpu.vector_load %arg13[%parallel_loop3A_815, %parallel_loop3A_816, %parallel_loop3A_817] {strides = array<i32>} : memref<2x128x128xf32, #tpu.memory_space<vmem>>, vector<1x1x16xf32>,
      %parallel_loop3A_819 = vector.shape_cast %parallel_loop3A_818 : vector<1x1x16xf32> to vector<16xf32>
      %parallel_loop3A_820 = arith.constant 64 : i32
      %parallel_loop3A_821 = arith.addi %parallel_loop3A_820, %parallel_loop3A_610 : i32
      %parallel_loop3A_822 = arith.constant 1 : i32
      %parallel_loop3A_823 = arith.index_cast %parallel_loop3A_822 : i32 to index
      %parallel_loop3A_824 = arith.index_cast %parallel_loop3A_821 : i32 to index
      %parallel_loop3A_825 = arith.constant 96 : index
      %parallel_loop3A_826 = tpu.vector_load %arg13[%parallel_loop3A_823, %parallel_loop3A_824, %parallel_loop3A_825] {strides = array<i32>} : memref<2x128x128xf32, #tpu.memory_space<vmem>>, vector<1x1x16xf32>,
      %parallel_loop3A_827 = vector.shape_cast %parallel_loop3A_826 : vector<1x1x16xf32> to vector<16xf32>
      %parallel_loop3A_828 = arith.constant 1 : i32
      %parallel_loop3A_829 = arith.index_cast %parallel_loop3A_828 : i32 to index
      %parallel_loop3A_830 = arith.index_cast %parallel_loop3A_610 : i32 to index
      %parallel_loop3A_831 = arith.constant 96 : index
      %parallel_loop3A_832 = tpu.vector_load %arg14[%parallel_loop3A_829, %parallel_loop3A_830, %parallel_loop3A_831] {strides = array<i32>} : memref<2x64x128xf32, #tpu.memory_space<vmem>>, vector<1x1x16xf32>,
      %parallel_loop3A_833 = vector.shape_cast %parallel_loop3A_832 : vector<1x1x16xf32> to vector<16xf32>
      %parallel_loop3A_834 = arith.mulf %parallel_loop3A_819, %parallel_loop3A_833 : vector<16xf32>
      %parallel_loop3A_835 = arith.mulf %parallel_loop3A_834, %parallel_loop3A_827 : vector<16xf32>
      %parallel_loop3A_836 = arith.addf %parallel_loop3A_807, %parallel_loop3A_835 : vector<16xf32>
      %parallel_loop3A_837 = arith.mulf %parallel_loop3A_819, %parallel_loop3A_819 : vector<16xf32>
      %parallel_loop3A_838 = arith.addf %parallel_loop3A_780, %parallel_loop3A_837 : vector<16xf32>
      %parallel_loop3A_839 = arith.mulf %parallel_loop3A_827, %parallel_loop3A_827 : vector<16xf32>
      %parallel_loop3A_840 = arith.addf %parallel_loop3A_782, %parallel_loop3A_839 : vector<16xf32>
      %parallel_loop3A_841 = arith.mulf %parallel_loop3A_833, %parallel_loop3A_833 : vector<16xf32>
      %parallel_loop3A_842 = arith.addf %parallel_loop3A_784, %parallel_loop3A_841 : vector<16xf32>
      %parallel_loop3A_843 = arith.constant 1 : i32
      %parallel_loop3A_844 = arith.index_cast %parallel_loop3A_843 : i32 to index
      %parallel_loop3A_845 = arith.index_cast %parallel_loop3A_610 : i32 to index
      %parallel_loop3A_846 = arith.constant 112 : index
      %parallel_loop3A_847 = tpu.vector_load %arg13[%parallel_loop3A_844, %parallel_loop3A_845, %parallel_loop3A_846] {strides = array<i32>} : memref<2x128x128xf32, #tpu.memory_space<vmem>>, vector<1x1x16xf32>,
      %parallel_loop3A_848 = vector.shape_cast %parallel_loop3A_847 : vector<1x1x16xf32> to vector<16xf32>
      %parallel_loop3A_849 = arith.constant 64 : i32
      %parallel_loop3A_850 = arith.addi %parallel_loop3A_849, %parallel_loop3A_610 : i32
      %parallel_loop3A_851 = arith.constant 1 : i32
      %parallel_loop3A_852 = arith.index_cast %parallel_loop3A_851 : i32 to index
      %parallel_loop3A_853 = arith.index_cast %parallel_loop3A_850 : i32 to index
      %parallel_loop3A_854 = arith.constant 112 : index
      %parallel_loop3A_855 = tpu.vector_load %arg13[%parallel_loop3A_852, %parallel_loop3A_853, %parallel_loop3A_854] {strides = array<i32>} : memref<2x128x128xf32, #tpu.memory_space<vmem>>, vector<1x1x16xf32>,
      %parallel_loop3A_856 = vector.shape_cast %parallel_loop3A_855 : vector<1x1x16xf32> to vector<16xf32>
      %parallel_loop3A_857 = arith.constant 1 : i32
      %parallel_loop3A_858 = arith.index_cast %parallel_loop3A_857 : i32 to index
      %parallel_loop3A_859 = arith.index_cast %parallel_loop3A_610 : i32 to index
      %parallel_loop3A_860 = arith.constant 112 : index
      %parallel_loop3A_861 = tpu.vector_load %arg14[%parallel_loop3A_858, %parallel_loop3A_859, %parallel_loop3A_860] {strides = array<i32>} : memref<2x64x128xf32, #tpu.memory_space<vmem>>, vector<1x1x16xf32>,
      %parallel_loop3A_862 = vector.shape_cast %parallel_loop3A_861 : vector<1x1x16xf32> to vector<16xf32>
      %parallel_loop3A_863 = arith.mulf %parallel_loop3A_848, %parallel_loop3A_862 : vector<16xf32>
      %parallel_loop3A_864 = arith.mulf %parallel_loop3A_863, %parallel_loop3A_856 : vector<16xf32>
      %parallel_loop3A_865 = arith.addf %parallel_loop3A_836, %parallel_loop3A_864 : vector<16xf32>
      %parallel_loop3A_866 = arith.mulf %parallel_loop3A_848, %parallel_loop3A_848 : vector<16xf32>
      %parallel_loop3A_867 = arith.addf %parallel_loop3A_809, %parallel_loop3A_866 : vector<16xf32>
      %parallel_loop3A_868 = arith.mulf %parallel_loop3A_856, %parallel_loop3A_856 : vector<16xf32>
      %parallel_loop3A_869 = arith.addf %parallel_loop3A_811, %parallel_loop3A_868 : vector<16xf32>
      %parallel_loop3A_870 = arith.mulf %parallel_loop3A_862, %parallel_loop3A_862 : vector<16xf32>
      %parallel_loop3A_871 = arith.addf %parallel_loop3A_813, %parallel_loop3A_870 : vector<16xf32>
      %parallel_loop3A_872 = arith.constant 3 : i32
      %parallel_loop3A_873 = arith.shrui %parallel_loop3A_618, %parallel_loop3A_872 : i32
      %parallel_loop3A_874 = arith.constant 7 : i32
      %parallel_loop3A_875 = arith.andi %parallel_loop3A_618, %parallel_loop3A_874 : i32
      %parallel_loop3A_876 = arith.constant 16 : i32
      %parallel_loop3A_877 = arith.muli %parallel_loop3A_875, %parallel_loop3A_876 : i32
      %parallel_loop3A_878 = arith.mulf %parallel_loop3A_865, %parallel_loop3A_637 : vector<16xf32>
      %parallel_loop3A_879 = arith.index_cast %parallel_loop3A_873 : i32 to index
      %parallel_loop3A_880 = arith.index_cast %parallel_loop3A_877 : i32 to index
      %parallel_loop3A_881 = tpu.vector_load %arg15[%parallel_loop3A_879, %parallel_loop3A_880] {strides = array<i32>} : memref<64x128xf32, #tpu.memory_space<vmem>>, vector<1x16xf32>,
      %parallel_loop3A_882 = vector.shape_cast %parallel_loop3A_881 : vector<1x16xf32> to vector<16xf32>
      %parallel_loop3A_883 = vector.shape_cast %parallel_loop3A_878 : vector<16xf32> to vector<1x16xf32>
      tpu.vector_store %arg15[%parallel_loop3A_879, %parallel_loop3A_880], %parallel_loop3A_883 {strides = array<i32>} : memref<64x128xf32, #tpu.memory_space<vmem>>, vector<1x16xf32>,
      scf.yield %parallel_loop3A_838, %parallel_loop3A_867, %parallel_loop3A_840, %parallel_loop3A_869, %parallel_loop3A_842, %parallel_loop3A_871 : vector<16xf32>, vector<16xf32>, vector<16xf32>, vector<16xf32>, vector<16xf32>, vector<16xf32>
    } {sc.loop_unroll_factor = 4 : i64, sc.parallel_access}
    %dma_start3A_517 = arith.constant 1 : i32
    %dma_start3A_518 = arith.constant 0 : i32
    %dma_start3A_519 = arith.constant 0 : i32
    %dma_start3A_520 = tpu.memref_slice %arg13[%dma_start3A_517, %dma_start3A_518, %dma_start3A_519] : memref<2x128x128xf32, #tpu.memory_space<vmem>> -> memref<1x128x128xf32, #tpu.memory_space<vmem>>
    %dma_start3A_521 = tpu.memref_squeeze %dma_start3A_520 : memref<1x128x128xf32, #tpu.memory_space<vmem>> -> memref<128x128xf32, #tpu.memory_space<vmem>>
    %dma_start3A_522 = arith.constant 896 : i32
    %dma_start3A_523 = tpu.memref_slice %arg10[%dma_start3A_522] : memref<1024xi32, #tpu.memory_space<vmem>> -> memref<128xi32, #tpu.memory_space<vmem>>
    %dma_start3A_524 = arith.constant 0 : i32
    %dma_start3A_525 = arith.constant 0 : i32
    %dma_start3A_526 = tpu.memref_slice %arg6[%dma_start3A_524, %dma_start3A_525] : memref<100000x128xf32, #tpu.memory_space<hbm>> -> memref<100000x128xf32, #tpu.memory_space<hbm>>
    tpu.enqueue_indirect_dma source(%dma_start3A_526 : memref<100000x128xf32, #tpu.memory_space<hbm>>) target(%dma_start3A_521 : memref<128x128xf32, #tpu.memory_space<vmem>>) offsets(%dma_start3A_523 : memref<128xi32, #tpu.memory_space<vmem>>) semaphore(%arg19 : memref<!tpu.dma_semaphore, #tpu.memory_space<semaphore_mem>>)
    %dma_start3A_527 = arith.constant 1 : i32
    %dma_start3A_528 = arith.constant 0 : i32
    %dma_start3A_529 = arith.constant 0 : i32
    %dma_start3A_530 = tpu.memref_slice %arg14[%dma_start3A_527, %dma_start3A_528, %dma_start3A_529] : memref<2x64x128xf32, #tpu.memory_space<vmem>> -> memref<1x64x128xf32, #tpu.memory_space<vmem>>
    %dma_start3A_531 = tpu.memref_squeeze %dma_start3A_530 : memref<1x64x128xf32, #tpu.memory_space<vmem>> -> memref<64x128xf32, #tpu.memory_space<vmem>>
    %dma_start3A_532 = arith.constant 448 : i32
    %dma_start3A_533 = tpu.memref_slice %arg11[%dma_start3A_532] : memref<512xi32, #tpu.memory_space<vmem>> -> memref<64xi32, #tpu.memory_space<vmem>>
    %dma_start3A_534 = arith.constant 0 : i32
    %dma_start3A_535 = arith.constant 0 : i32
    %dma_start3A_536 = tpu.memref_slice %arg7[%dma_start3A_534, %dma_start3A_535] : memref<1000x128xf32, #tpu.memory_space<hbm>> -> memref<1000x128xf32, #tpu.memory_space<hbm>>
    tpu.enqueue_indirect_dma source(%dma_start3A_536 : memref<1000x128xf32, #tpu.memory_space<hbm>>) target(%dma_start3A_531 : memref<64x128xf32, #tpu.memory_space<vmem>>) offsets(%dma_start3A_533 : memref<64xi32, #tpu.memory_space<vmem>>) semaphore(%arg19 : memref<!tpu.dma_semaphore, #tpu.memory_space<semaphore_mem>>)
    %dma_wait3A_537 = arith.constant 0 : i32
    %dma_wait3A_538 = arith.constant 0 : i32
    %dma_wait3A_539 = arith.constant 0 : i32
    %dma_wait3A_540 = tpu.memref_slice %arg13[%dma_wait3A_537, %dma_wait3A_538, %dma_wait3A_539] : memref<2x128x128xf32, #tpu.memory_space<vmem>> -> memref<1x128x128xf32, #tpu.memory_space<vmem>>
    %dma_wait3A_541 = tpu.memref_squeeze %dma_wait3A_540 : memref<1x128x128xf32, #tpu.memory_space<vmem>> -> memref<128x128xf32, #tpu.memory_space<vmem>>
    %dma_wait3A_542 = arith.constant 768 : i32
    %dma_wait3A_543 = tpu.memref_slice %arg10[%dma_wait3A_542] : memref<1024xi32, #tpu.memory_space<vmem>> -> memref<128xi32, #tpu.memory_space<vmem>>
    %dma_wait3A_544 = arith.constant 0 : i32
    %dma_wait3A_545 = arith.constant 0 : i32
    %dma_wait3A_546 = tpu.memref_slice %arg6[%dma_wait3A_544, %dma_wait3A_545] : memref<100000x128xf32, #tpu.memory_space<hbm>> -> memref<100000x128xf32, #tpu.memory_space<hbm>>
    tpu.wait_indirect_dma semaphore(%arg18 : memref<!tpu.dma_semaphore, #tpu.memory_space<semaphore_mem>>) src(%dma_wait3A_546 : memref<100000x128xf32, #tpu.memory_space<hbm>>) dst(%dma_wait3A_541 : memref<128x128xf32, #tpu.memory_space<vmem>>)
    %dma_wait3A_547 = arith.constant 0 : i32
    %dma_wait3A_548 = arith.constant 0 : i32
    %dma_wait3A_549 = arith.constant 0 : i32
    %dma_wait3A_550 = tpu.memref_slice %arg14[%dma_wait3A_547, %dma_wait3A_548, %dma_wait3A_549] : memref<2x64x128xf32, #tpu.memory_space<vmem>> -> memref<1x64x128xf32, #tpu.memory_space<vmem>>
    %dma_wait3A_551 = tpu.memref_squeeze %dma_wait3A_550 : memref<1x64x128xf32, #tpu.memory_space<vmem>> -> memref<64x128xf32, #tpu.memory_space<vmem>>
    %dma_wait3A_552 = arith.constant 384 : i32
    %dma_wait3A_553 = tpu.memref_slice %arg11[%dma_wait3A_552] : memref<512xi32, #tpu.memory_space<vmem>> -> memref<64xi32, #tpu.memory_space<vmem>>
    %dma_wait3A_554 = arith.constant 0 : i32
    %dma_wait3A_555 = arith.constant 0 : i32
    %dma_wait3A_556 = tpu.memref_slice %arg7[%dma_wait3A_554, %dma_wait3A_555] : memref<1000x128xf32, #tpu.memory_space<hbm>> -> memref<1000x128xf32, #tpu.memory_space<hbm>>
    tpu.wait_indirect_dma semaphore(%arg18 : memref<!tpu.dma_semaphore, #tpu.memory_space<semaphore_mem>>) src(%dma_wait3A_556 : memref<1000x128xf32, #tpu.memory_space<hbm>>) dst(%dma_wait3A_551 : memref<64x128xf32, #tpu.memory_space<vmem>>)
    %parallel_loop3A_557 = arith.constant 0 : i32
    %parallel_loop3A_558 = arith.constant 64 : i32
    %parallel_loop3A_559 = arith.constant 1 : i32
    %parallel_loop3A_560:6 = scf.for %parallel_loop3A_610 = %parallel_loop3A_557 to %parallel_loop3A_558 step %parallel_loop3A_559 iter_args(%parallel_loop3A_611 = %parallel_loop3A_516#0, %parallel_loop3A_612 = %parallel_loop3A_516#1, %parallel_loop3A_613 = %parallel_loop3A_516#2, %parallel_loop3A_614 = %parallel_loop3A_516#3, %parallel_loop3A_615 = %parallel_loop3A_516#4, %parallel_loop3A_616 = %parallel_loop3A_516#5) -> (vector<16xf32>, vector<16xf32>, vector<16xf32>, vector<16xf32>, vector<16xf32>, vector<16xf32>)  : i32 {
      %parallel_loop3A_617 = arith.constant 384 : i32
      %parallel_loop3A_618 = arith.addi %parallel_loop3A_617, %parallel_loop3A_610 : i32
      %parallel_loop3A_619 = arith.constant -16 : i32
      %parallel_loop3A_620 = arith.andi %parallel_loop3A_618, %parallel_loop3A_619 : i32
      %parallel_loop3A_621 = arith.index_cast %parallel_loop3A_620 : i32 to index
      %parallel_loop3A_622 = tpu.vector_load %arg12[%parallel_loop3A_621] {strides = array<i32>} : memref<512xf32, #tpu.memory_space<vmem>>, vector<16xf32>,
      %parallel_loop3A_623 = vector.shape_cast %parallel_loop3A_622 : vector<16xf32> to vector<16xf32>
      %parallel_loop3A_624 = arith.constant 15 : i32
      %parallel_loop3A_625 = arith.andi %parallel_loop3A_618, %parallel_loop3A_624 : i32
      %parallel_loop3A_626 = vector.broadcast %parallel_loop3A_625 : i32 to vector<16xi32>
      %parallel_loop3A_627 = arith.constant 0 : i32
      %parallel_loop3A_628 = vector.broadcast %parallel_loop3A_627 : i32 to vector<16xi32>
      %parallel_loop3A_629 = arith.cmpi slt, %parallel_loop3A_626, %parallel_loop3A_628 : vector<16xi32>
      %parallel_loop3A_630 = arith.constant 16 : i32
      %parallel_loop3A_631 = vector.broadcast %parallel_loop3A_630 : i32 to vector<16xi32>
      %parallel_loop3A_632 = arith.addi %parallel_loop3A_626, %parallel_loop3A_631 : vector<16xi32>
      %parallel_loop3A_633 = arith.select %parallel_loop3A_629, %parallel_loop3A_632, %parallel_loop3A_626 : vector<16xi1>, vector<16xi32>
      %parallel_loop3A_634 = vector.shape_cast %parallel_loop3A_633 : vector<16xi32> to vector<16x1xi32>
      %parallel_loop3A_635 = vector.shape_cast %parallel_loop3A_634 : vector<16x1xi32> to vector<16xi32>
      %parallel_loop3A_636 = tpu.dynamic_gather %parallel_loop3A_623[%parallel_loop3A_635] in [0] : vector<16xf32>, vector<16xi32> -> vector<16xf32>
      %parallel_loop3A_637 = arith.subf %broadcast_in_dim3A_233, %parallel_loop3A_636 : vector<16xf32>
      %parallel_loop3A_638 = arith.constant 0.000000e+00 : f32
      %parallel_loop3A_639 = vector.broadcast %parallel_loop3A_638 : f32 to vector<16xf32>
      %parallel_loop3A_640 = arith.constant 0 : i32
      %parallel_loop3A_641 = arith.index_cast %parallel_loop3A_640 : i32 to index
      %parallel_loop3A_642 = arith.index_cast %parallel_loop3A_610 : i32 to index
      %parallel_loop3A_643 = arith.constant 0 : index
      %parallel_loop3A_644 = tpu.vector_load %arg13[%parallel_loop3A_641, %parallel_loop3A_642, %parallel_loop3A_643] {strides = array<i32>} : memref<2x128x128xf32, #tpu.memory_space<vmem>>, vector<1x1x16xf32>,
      %parallel_loop3A_645 = vector.shape_cast %parallel_loop3A_644 : vector<1x1x16xf32> to vector<16xf32>
      %parallel_loop3A_646 = arith.constant 64 : i32
      %parallel_loop3A_647 = arith.addi %parallel_loop3A_646, %parallel_loop3A_610 : i32
      %parallel_loop3A_648 = arith.constant 0 : i32
      %parallel_loop3A_649 = arith.index_cast %parallel_loop3A_648 : i32 to index
      %parallel_loop3A_650 = arith.index_cast %parallel_loop3A_647 : i32 to index
      %parallel_loop3A_651 = arith.constant 0 : index
      %parallel_loop3A_652 = tpu.vector_load %arg13[%parallel_loop3A_649, %parallel_loop3A_650, %parallel_loop3A_651] {strides = array<i32>} : memref<2x128x128xf32, #tpu.memory_space<vmem>>, vector<1x1x16xf32>,
      %parallel_loop3A_653 = vector.shape_cast %parallel_loop3A_652 : vector<1x1x16xf32> to vector<16xf32>
      %parallel_loop3A_654 = arith.constant 0 : i32
      %parallel_loop3A_655 = arith.index_cast %parallel_loop3A_654 : i32 to index
      %parallel_loop3A_656 = arith.index_cast %parallel_loop3A_610 : i32 to index
      %parallel_loop3A_657 = arith.constant 0 : index
      %parallel_loop3A_658 = tpu.vector_load %arg14[%parallel_loop3A_655, %parallel_loop3A_656, %parallel_loop3A_657] {strides = array<i32>} : memref<2x64x128xf32, #tpu.memory_space<vmem>>, vector<1x1x16xf32>,
      %parallel_loop3A_659 = vector.shape_cast %parallel_loop3A_658 : vector<1x1x16xf32> to vector<16xf32>
      %parallel_loop3A_660 = arith.mulf %parallel_loop3A_645, %parallel_loop3A_659 : vector<16xf32>
      %parallel_loop3A_661 = arith.mulf %parallel_loop3A_660, %parallel_loop3A_653 : vector<16xf32>
      %parallel_loop3A_662 = arith.addf %parallel_loop3A_639, %parallel_loop3A_661 : vector<16xf32>
      %parallel_loop3A_663 = arith.mulf %parallel_loop3A_645, %parallel_loop3A_645 : vector<16xf32>
      %parallel_loop3A_664 = arith.addf %parallel_loop3A_611, %parallel_loop3A_663 : vector<16xf32>
      %parallel_loop3A_665 = arith.mulf %parallel_loop3A_653, %parallel_loop3A_653 : vector<16xf32>
      %parallel_loop3A_666 = arith.addf %parallel_loop3A_613, %parallel_loop3A_665 : vector<16xf32>
      %parallel_loop3A_667 = arith.mulf %parallel_loop3A_659, %parallel_loop3A_659 : vector<16xf32>
      %parallel_loop3A_668 = arith.addf %parallel_loop3A_615, %parallel_loop3A_667 : vector<16xf32>
      %parallel_loop3A_669 = arith.constant 0 : i32
      %parallel_loop3A_670 = arith.index_cast %parallel_loop3A_669 : i32 to index
      %parallel_loop3A_671 = arith.index_cast %parallel_loop3A_610 : i32 to index
      %parallel_loop3A_672 = arith.constant 16 : index
      %parallel_loop3A_673 = tpu.vector_load %arg13[%parallel_loop3A_670, %parallel_loop3A_671, %parallel_loop3A_672] {strides = array<i32>} : memref<2x128x128xf32, #tpu.memory_space<vmem>>, vector<1x1x16xf32>,
      %parallel_loop3A_674 = vector.shape_cast %parallel_loop3A_673 : vector<1x1x16xf32> to vector<16xf32>
      %parallel_loop3A_675 = arith.constant 64 : i32
      %parallel_loop3A_676 = arith.addi %parallel_loop3A_675, %parallel_loop3A_610 : i32
      %parallel_loop3A_677 = arith.constant 0 : i32
      %parallel_loop3A_678 = arith.index_cast %parallel_loop3A_677 : i32 to index
      %parallel_loop3A_679 = arith.index_cast %parallel_loop3A_676 : i32 to index
      %parallel_loop3A_680 = arith.constant 16 : index
      %parallel_loop3A_681 = tpu.vector_load %arg13[%parallel_loop3A_678, %parallel_loop3A_679, %parallel_loop3A_680] {strides = array<i32>} : memref<2x128x128xf32, #tpu.memory_space<vmem>>, vector<1x1x16xf32>,
      %parallel_loop3A_682 = vector.shape_cast %parallel_loop3A_681 : vector<1x1x16xf32> to vector<16xf32>
      %parallel_loop3A_683 = arith.constant 0 : i32
      %parallel_loop3A_684 = arith.index_cast %parallel_loop3A_683 : i32 to index
      %parallel_loop3A_685 = arith.index_cast %parallel_loop3A_610 : i32 to index
      %parallel_loop3A_686 = arith.constant 16 : index
      %parallel_loop3A_687 = tpu.vector_load %arg14[%parallel_loop3A_684, %parallel_loop3A_685, %parallel_loop3A_686] {strides = array<i32>} : memref<2x64x128xf32, #tpu.memory_space<vmem>>, vector<1x1x16xf32>,
      %parallel_loop3A_688 = vector.shape_cast %parallel_loop3A_687 : vector<1x1x16xf32> to vector<16xf32>
      %parallel_loop3A_689 = arith.mulf %parallel_loop3A_674, %parallel_loop3A_688 : vector<16xf32>
      %parallel_loop3A_690 = arith.mulf %parallel_loop3A_689, %parallel_loop3A_682 : vector<16xf32>
      %parallel_loop3A_691 = arith.addf %parallel_loop3A_662, %parallel_loop3A_690 : vector<16xf32>
      %parallel_loop3A_692 = arith.mulf %parallel_loop3A_674, %parallel_loop3A_674 : vector<16xf32>
      %parallel_loop3A_693 = arith.addf %parallel_loop3A_612, %parallel_loop3A_692 : vector<16xf32>
      %parallel_loop3A_694 = arith.mulf %parallel_loop3A_682, %parallel_loop3A_682 : vector<16xf32>
      %parallel_loop3A_695 = arith.addf %parallel_loop3A_614, %parallel_loop3A_694 : vector<16xf32>
      %parallel_loop3A_696 = arith.mulf %parallel_loop3A_688, %parallel_loop3A_688 : vector<16xf32>
      %parallel_loop3A_697 = arith.addf %parallel_loop3A_616, %parallel_loop3A_696 : vector<16xf32>
      %parallel_loop3A_698 = arith.constant 0 : i32
      %parallel_loop3A_699 = arith.index_cast %parallel_loop3A_698 : i32 to index
      %parallel_loop3A_700 = arith.index_cast %parallel_loop3A_610 : i32 to index
      %parallel_loop3A_701 = arith.constant 32 : index
      %parallel_loop3A_702 = tpu.vector_load %arg13[%parallel_loop3A_699, %parallel_loop3A_700, %parallel_loop3A_701] {strides = array<i32>} : memref<2x128x128xf32, #tpu.memory_space<vmem>>, vector<1x1x16xf32>,
      %parallel_loop3A_703 = vector.shape_cast %parallel_loop3A_702 : vector<1x1x16xf32> to vector<16xf32>
      %parallel_loop3A_704 = arith.constant 64 : i32
      %parallel_loop3A_705 = arith.addi %parallel_loop3A_704, %parallel_loop3A_610 : i32
      %parallel_loop3A_706 = arith.constant 0 : i32
      %parallel_loop3A_707 = arith.index_cast %parallel_loop3A_706 : i32 to index
      %parallel_loop3A_708 = arith.index_cast %parallel_loop3A_705 : i32 to index
      %parallel_loop3A_709 = arith.constant 32 : index
      %parallel_loop3A_710 = tpu.vector_load %arg13[%parallel_loop3A_707, %parallel_loop3A_708, %parallel_loop3A_709] {strides = array<i32>} : memref<2x128x128xf32, #tpu.memory_space<vmem>>, vector<1x1x16xf32>,
      %parallel_loop3A_711 = vector.shape_cast %parallel_loop3A_710 : vector<1x1x16xf32> to vector<16xf32>
      %parallel_loop3A_712 = arith.constant 0 : i32
      %parallel_loop3A_713 = arith.index_cast %parallel_loop3A_712 : i32 to index
      %parallel_loop3A_714 = arith.index_cast %parallel_loop3A_610 : i32 to index
      %parallel_loop3A_715 = arith.constant 32 : index
      %parallel_loop3A_716 = tpu.vector_load %arg14[%parallel_loop3A_713, %parallel_loop3A_714, %parallel_loop3A_715] {strides = array<i32>} : memref<2x64x128xf32, #tpu.memory_space<vmem>>, vector<1x1x16xf32>,
      %parallel_loop3A_717 = vector.shape_cast %parallel_loop3A_716 : vector<1x1x16xf32> to vector<16xf32>
      %parallel_loop3A_718 = arith.mulf %parallel_loop3A_703, %parallel_loop3A_717 : vector<16xf32>
      %parallel_loop3A_719 = arith.mulf %parallel_loop3A_718, %parallel_loop3A_711 : vector<16xf32>
      %parallel_loop3A_720 = arith.addf %parallel_loop3A_691, %parallel_loop3A_719 : vector<16xf32>
      %parallel_loop3A_721 = arith.mulf %parallel_loop3A_703, %parallel_loop3A_703 : vector<16xf32>
      %parallel_loop3A_722 = arith.addf %parallel_loop3A_664, %parallel_loop3A_721 : vector<16xf32>
      %parallel_loop3A_723 = arith.mulf %parallel_loop3A_711, %parallel_loop3A_711 : vector<16xf32>
      %parallel_loop3A_724 = arith.addf %parallel_loop3A_666, %parallel_loop3A_723 : vector<16xf32>
      %parallel_loop3A_725 = arith.mulf %parallel_loop3A_717, %parallel_loop3A_717 : vector<16xf32>
      %parallel_loop3A_726 = arith.addf %parallel_loop3A_668, %parallel_loop3A_725 : vector<16xf32>
      %parallel_loop3A_727 = arith.constant 0 : i32
      %parallel_loop3A_728 = arith.index_cast %parallel_loop3A_727 : i32 to index
      %parallel_loop3A_729 = arith.index_cast %parallel_loop3A_610 : i32 to index
      %parallel_loop3A_730 = arith.constant 48 : index
      %parallel_loop3A_731 = tpu.vector_load %arg13[%parallel_loop3A_728, %parallel_loop3A_729, %parallel_loop3A_730] {strides = array<i32>} : memref<2x128x128xf32, #tpu.memory_space<vmem>>, vector<1x1x16xf32>,
      %parallel_loop3A_732 = vector.shape_cast %parallel_loop3A_731 : vector<1x1x16xf32> to vector<16xf32>
      %parallel_loop3A_733 = arith.constant 64 : i32
      %parallel_loop3A_734 = arith.addi %parallel_loop3A_733, %parallel_loop3A_610 : i32
      %parallel_loop3A_735 = arith.constant 0 : i32
      %parallel_loop3A_736 = arith.index_cast %parallel_loop3A_735 : i32 to index
      %parallel_loop3A_737 = arith.index_cast %parallel_loop3A_734 : i32 to index
      %parallel_loop3A_738 = arith.constant 48 : index
      %parallel_loop3A_739 = tpu.vector_load %arg13[%parallel_loop3A_736, %parallel_loop3A_737, %parallel_loop3A_738] {strides = array<i32>} : memref<2x128x128xf32, #tpu.memory_space<vmem>>, vector<1x1x16xf32>,
      %parallel_loop3A_740 = vector.shape_cast %parallel_loop3A_739 : vector<1x1x16xf32> to vector<16xf32>
      %parallel_loop3A_741 = arith.constant 0 : i32
      %parallel_loop3A_742 = arith.index_cast %parallel_loop3A_741 : i32 to index
      %parallel_loop3A_743 = arith.index_cast %parallel_loop3A_610 : i32 to index
      %parallel_loop3A_744 = arith.constant 48 : index
      %parallel_loop3A_745 = tpu.vector_load %arg14[%parallel_loop3A_742, %parallel_loop3A_743, %parallel_loop3A_744] {strides = array<i32>} : memref<2x64x128xf32, #tpu.memory_space<vmem>>, vector<1x1x16xf32>,
      %parallel_loop3A_746 = vector.shape_cast %parallel_loop3A_745 : vector<1x1x16xf32> to vector<16xf32>
      %parallel_loop3A_747 = arith.mulf %parallel_loop3A_732, %parallel_loop3A_746 : vector<16xf32>
      %parallel_loop3A_748 = arith.mulf %parallel_loop3A_747, %parallel_loop3A_740 : vector<16xf32>
      %parallel_loop3A_749 = arith.addf %parallel_loop3A_720, %parallel_loop3A_748 : vector<16xf32>
      %parallel_loop3A_750 = arith.mulf %parallel_loop3A_732, %parallel_loop3A_732 : vector<16xf32>
      %parallel_loop3A_751 = arith.addf %parallel_loop3A_693, %parallel_loop3A_750 : vector<16xf32>
      %parallel_loop3A_752 = arith.mulf %parallel_loop3A_740, %parallel_loop3A_740 : vector<16xf32>
      %parallel_loop3A_753 = arith.addf %parallel_loop3A_695, %parallel_loop3A_752 : vector<16xf32>
      %parallel_loop3A_754 = arith.mulf %parallel_loop3A_746, %parallel_loop3A_746 : vector<16xf32>
      %parallel_loop3A_755 = arith.addf %parallel_loop3A_697, %parallel_loop3A_754 : vector<16xf32>
      %parallel_loop3A_756 = arith.constant 0 : i32
      %parallel_loop3A_757 = arith.index_cast %parallel_loop3A_756 : i32 to index
      %parallel_loop3A_758 = arith.index_cast %parallel_loop3A_610 : i32 to index
      %parallel_loop3A_759 = arith.constant 64 : index
      %parallel_loop3A_760 = tpu.vector_load %arg13[%parallel_loop3A_757, %parallel_loop3A_758, %parallel_loop3A_759] {strides = array<i32>} : memref<2x128x128xf32, #tpu.memory_space<vmem>>, vector<1x1x16xf32>,
      %parallel_loop3A_761 = vector.shape_cast %parallel_loop3A_760 : vector<1x1x16xf32> to vector<16xf32>
      %parallel_loop3A_762 = arith.constant 64 : i32
      %parallel_loop3A_763 = arith.addi %parallel_loop3A_762, %parallel_loop3A_610 : i32
      %parallel_loop3A_764 = arith.constant 0 : i32
      %parallel_loop3A_765 = arith.index_cast %parallel_loop3A_764 : i32 to index
      %parallel_loop3A_766 = arith.index_cast %parallel_loop3A_763 : i32 to index
      %parallel_loop3A_767 = arith.constant 64 : index
      %parallel_loop3A_768 = tpu.vector_load %arg13[%parallel_loop3A_765, %parallel_loop3A_766, %parallel_loop3A_767] {strides = array<i32>} : memref<2x128x128xf32, #tpu.memory_space<vmem>>, vector<1x1x16xf32>,
      %parallel_loop3A_769 = vector.shape_cast %parallel_loop3A_768 : vector<1x1x16xf32> to vector<16xf32>
      %parallel_loop3A_770 = arith.constant 0 : i32
      %parallel_loop3A_771 = arith.index_cast %parallel_loop3A_770 : i32 to index
      %parallel_loop3A_772 = arith.index_cast %parallel_loop3A_610 : i32 to index
      %parallel_loop3A_773 = arith.constant 64 : index
      %parallel_loop3A_774 = tpu.vector_load %arg14[%parallel_loop3A_771, %parallel_loop3A_772, %parallel_loop3A_773] {strides = array<i32>} : memref<2x64x128xf32, #tpu.memory_space<vmem>>, vector<1x1x16xf32>,
      %parallel_loop3A_775 = vector.shape_cast %parallel_loop3A_774 : vector<1x1x16xf32> to vector<16xf32>
      %parallel_loop3A_776 = arith.mulf %parallel_loop3A_761, %parallel_loop3A_775 : vector<16xf32>
      %parallel_loop3A_777 = arith.mulf %parallel_loop3A_776, %parallel_loop3A_769 : vector<16xf32>
      %parallel_loop3A_778 = arith.addf %parallel_loop3A_749, %parallel_loop3A_777 : vector<16xf32>
      %parallel_loop3A_779 = arith.mulf %parallel_loop3A_761, %parallel_loop3A_761 : vector<16xf32>
      %parallel_loop3A_780 = arith.addf %parallel_loop3A_722, %parallel_loop3A_779 : vector<16xf32>
      %parallel_loop3A_781 = arith.mulf %parallel_loop3A_769, %parallel_loop3A_769 : vector<16xf32>
      %parallel_loop3A_782 = arith.addf %parallel_loop3A_724, %parallel_loop3A_781 : vector<16xf32>
      %parallel_loop3A_783 = arith.mulf %parallel_loop3A_775, %parallel_loop3A_775 : vector<16xf32>
      %parallel_loop3A_784 = arith.addf %parallel_loop3A_726, %parallel_loop3A_783 : vector<16xf32>
      %parallel_loop3A_785 = arith.constant 0 : i32
      %parallel_loop3A_786 = arith.index_cast %parallel_loop3A_785 : i32 to index
      %parallel_loop3A_787 = arith.index_cast %parallel_loop3A_610 : i32 to index
      %parallel_loop3A_788 = arith.constant 80 : index
      %parallel_loop3A_789 = tpu.vector_load %arg13[%parallel_loop3A_786, %parallel_loop3A_787, %parallel_loop3A_788] {strides = array<i32>} : memref<2x128x128xf32, #tpu.memory_space<vmem>>, vector<1x1x16xf32>,
      %parallel_loop3A_790 = vector.shape_cast %parallel_loop3A_789 : vector<1x1x16xf32> to vector<16xf32>
      %parallel_loop3A_791 = arith.constant 64 : i32
      %parallel_loop3A_792 = arith.addi %parallel_loop3A_791, %parallel_loop3A_610 : i32
      %parallel_loop3A_793 = arith.constant 0 : i32
      %parallel_loop3A_794 = arith.index_cast %parallel_loop3A_793 : i32 to index
      %parallel_loop3A_795 = arith.index_cast %parallel_loop3A_792 : i32 to index
      %parallel_loop3A_796 = arith.constant 80 : index
      %parallel_loop3A_797 = tpu.vector_load %arg13[%parallel_loop3A_794, %parallel_loop3A_795, %parallel_loop3A_796] {strides = array<i32>} : memref<2x128x128xf32, #tpu.memory_space<vmem>>, vector<1x1x16xf32>,
      %parallel_loop3A_798 = vector.shape_cast %parallel_loop3A_797 : vector<1x1x16xf32> to vector<16xf32>
      %parallel_loop3A_799 = arith.constant 0 : i32
      %parallel_loop3A_800 = arith.index_cast %parallel_loop3A_799 : i32 to index
      %parallel_loop3A_801 = arith.index_cast %parallel_loop3A_610 : i32 to index
      %parallel_loop3A_802 = arith.constant 80 : index
      %parallel_loop3A_803 = tpu.vector_load %arg14[%parallel_loop3A_800, %parallel_loop3A_801, %parallel_loop3A_802] {strides = array<i32>} : memref<2x64x128xf32, #tpu.memory_space<vmem>>, vector<1x1x16xf32>,
      %parallel_loop3A_804 = vector.shape_cast %parallel_loop3A_803 : vector<1x1x16xf32> to vector<16xf32>
      %parallel_loop3A_805 = arith.mulf %parallel_loop3A_790, %parallel_loop3A_804 : vector<16xf32>
      %parallel_loop3A_806 = arith.mulf %parallel_loop3A_805, %parallel_loop3A_798 : vector<16xf32>
      %parallel_loop3A_807 = arith.addf %parallel_loop3A_778, %parallel_loop3A_806 : vector<16xf32>
      %parallel_loop3A_808 = arith.mulf %parallel_loop3A_790, %parallel_loop3A_790 : vector<16xf32>
      %parallel_loop3A_809 = arith.addf %parallel_loop3A_751, %parallel_loop3A_808 : vector<16xf32>
      %parallel_loop3A_810 = arith.mulf %parallel_loop3A_798, %parallel_loop3A_798 : vector<16xf32>
      %parallel_loop3A_811 = arith.addf %parallel_loop3A_753, %parallel_loop3A_810 : vector<16xf32>
      %parallel_loop3A_812 = arith.mulf %parallel_loop3A_804, %parallel_loop3A_804 : vector<16xf32>
      %parallel_loop3A_813 = arith.addf %parallel_loop3A_755, %parallel_loop3A_812 : vector<16xf32>
      %parallel_loop3A_814 = arith.constant 0 : i32
      %parallel_loop3A_815 = arith.index_cast %parallel_loop3A_814 : i32 to index
      %parallel_loop3A_816 = arith.index_cast %parallel_loop3A_610 : i32 to index
      %parallel_loop3A_817 = arith.constant 96 : index
      %parallel_loop3A_818 = tpu.vector_load %arg13[%parallel_loop3A_815, %parallel_loop3A_816, %parallel_loop3A_817] {strides = array<i32>} : memref<2x128x128xf32, #tpu.memory_space<vmem>>, vector<1x1x16xf32>,
      %parallel_loop3A_819 = vector.shape_cast %parallel_loop3A_818 : vector<1x1x16xf32> to vector<16xf32>
      %parallel_loop3A_820 = arith.constant 64 : i32
      %parallel_loop3A_821 = arith.addi %parallel_loop3A_820, %parallel_loop3A_610 : i32
      %parallel_loop3A_822 = arith.constant 0 : i32
      %parallel_loop3A_823 = arith.index_cast %parallel_loop3A_822 : i32 to index
      %parallel_loop3A_824 = arith.index_cast %parallel_loop3A_821 : i32 to index
      %parallel_loop3A_825 = arith.constant 96 : index
      %parallel_loop3A_826 = tpu.vector_load %arg13[%parallel_loop3A_823, %parallel_loop3A_824, %parallel_loop3A_825] {strides = array<i32>} : memref<2x128x128xf32, #tpu.memory_space<vmem>>, vector<1x1x16xf32>,
      %parallel_loop3A_827 = vector.shape_cast %parallel_loop3A_826 : vector<1x1x16xf32> to vector<16xf32>
      %parallel_loop3A_828 = arith.constant 0 : i32
      %parallel_loop3A_829 = arith.index_cast %parallel_loop3A_828 : i32 to index
      %parallel_loop3A_830 = arith.index_cast %parallel_loop3A_610 : i32 to index
      %parallel_loop3A_831 = arith.constant 96 : index
      %parallel_loop3A_832 = tpu.vector_load %arg14[%parallel_loop3A_829, %parallel_loop3A_830, %parallel_loop3A_831] {strides = array<i32>} : memref<2x64x128xf32, #tpu.memory_space<vmem>>, vector<1x1x16xf32>,
      %parallel_loop3A_833 = vector.shape_cast %parallel_loop3A_832 : vector<1x1x16xf32> to vector<16xf32>
      %parallel_loop3A_834 = arith.mulf %parallel_loop3A_819, %parallel_loop3A_833 : vector<16xf32>
      %parallel_loop3A_835 = arith.mulf %parallel_loop3A_834, %parallel_loop3A_827 : vector<16xf32>
      %parallel_loop3A_836 = arith.addf %parallel_loop3A_807, %parallel_loop3A_835 : vector<16xf32>
      %parallel_loop3A_837 = arith.mulf %parallel_loop3A_819, %parallel_loop3A_819 : vector<16xf32>
      %parallel_loop3A_838 = arith.addf %parallel_loop3A_780, %parallel_loop3A_837 : vector<16xf32>
      %parallel_loop3A_839 = arith.mulf %parallel_loop3A_827, %parallel_loop3A_827 : vector<16xf32>
      %parallel_loop3A_840 = arith.addf %parallel_loop3A_782, %parallel_loop3A_839 : vector<16xf32>
      %parallel_loop3A_841 = arith.mulf %parallel_loop3A_833, %parallel_loop3A_833 : vector<16xf32>
      %parallel_loop3A_842 = arith.addf %parallel_loop3A_784, %parallel_loop3A_841 : vector<16xf32>
      %parallel_loop3A_843 = arith.constant 0 : i32
      %parallel_loop3A_844 = arith.index_cast %parallel_loop3A_843 : i32 to index
      %parallel_loop3A_845 = arith.index_cast %parallel_loop3A_610 : i32 to index
      %parallel_loop3A_846 = arith.constant 112 : index
      %parallel_loop3A_847 = tpu.vector_load %arg13[%parallel_loop3A_844, %parallel_loop3A_845, %parallel_loop3A_846] {strides = array<i32>} : memref<2x128x128xf32, #tpu.memory_space<vmem>>, vector<1x1x16xf32>,
      %parallel_loop3A_848 = vector.shape_cast %parallel_loop3A_847 : vector<1x1x16xf32> to vector<16xf32>
      %parallel_loop3A_849 = arith.constant 64 : i32
      %parallel_loop3A_850 = arith.addi %parallel_loop3A_849, %parallel_loop3A_610 : i32
      %parallel_loop3A_851 = arith.constant 0 : i32
      %parallel_loop3A_852 = arith.index_cast %parallel_loop3A_851 : i32 to index
      %parallel_loop3A_853 = arith.index_cast %parallel_loop3A_850 : i32 to index
      %parallel_loop3A_854 = arith.constant 112 : index
      %parallel_loop3A_855 = tpu.vector_load %arg13[%parallel_loop3A_852, %parallel_loop3A_853, %parallel_loop3A_854] {strides = array<i32>} : memref<2x128x128xf32, #tpu.memory_space<vmem>>, vector<1x1x16xf32>,
      %parallel_loop3A_856 = vector.shape_cast %parallel_loop3A_855 : vector<1x1x16xf32> to vector<16xf32>
      %parallel_loop3A_857 = arith.constant 0 : i32
      %parallel_loop3A_858 = arith.index_cast %parallel_loop3A_857 : i32 to index
      %parallel_loop3A_859 = arith.index_cast %parallel_loop3A_610 : i32 to index
      %parallel_loop3A_860 = arith.constant 112 : index
      %parallel_loop3A_861 = tpu.vector_load %arg14[%parallel_loop3A_858, %parallel_loop3A_859, %parallel_loop3A_860] {strides = array<i32>} : memref<2x64x128xf32, #tpu.memory_space<vmem>>, vector<1x1x16xf32>,
      %parallel_loop3A_862 = vector.shape_cast %parallel_loop3A_861 : vector<1x1x16xf32> to vector<16xf32>
      %parallel_loop3A_863 = arith.mulf %parallel_loop3A_848, %parallel_loop3A_862 : vector<16xf32>
      %parallel_loop3A_864 = arith.mulf %parallel_loop3A_863, %parallel_loop3A_856 : vector<16xf32>
      %parallel_loop3A_865 = arith.addf %parallel_loop3A_836, %parallel_loop3A_864 : vector<16xf32>
      %parallel_loop3A_866 = arith.mulf %parallel_loop3A_848, %parallel_loop3A_848 : vector<16xf32>
      %parallel_loop3A_867 = arith.addf %parallel_loop3A_809, %parallel_loop3A_866 : vector<16xf32>
      %parallel_loop3A_868 = arith.mulf %parallel_loop3A_856, %parallel_loop3A_856 : vector<16xf32>
      %parallel_loop3A_869 = arith.addf %parallel_loop3A_811, %parallel_loop3A_868 : vector<16xf32>
      %parallel_loop3A_870 = arith.mulf %parallel_loop3A_862, %parallel_loop3A_862 : vector<16xf32>
      %parallel_loop3A_871 = arith.addf %parallel_loop3A_813, %parallel_loop3A_870 : vector<16xf32>
      %parallel_loop3A_872 = arith.constant 3 : i32
      %parallel_loop3A_873 = arith.shrui %parallel_loop3A_618, %parallel_loop3A_872 : i32
      %parallel_loop3A_874 = arith.constant 7 : i32
      %parallel_loop3A_875 = arith.andi %parallel_loop3A_618, %parallel_loop3A_874 : i32
      %parallel_loop3A_876 = arith.constant 16 : i32
      %parallel_loop3A_877 = arith.muli %parallel_loop3A_875, %parallel_loop3A_876 : i32
      %parallel_loop3A_878 = arith.mulf %parallel_loop3A_865, %parallel_loop3A_637 : vector<16xf32>
      %parallel_loop3A_879 = arith.index_cast %parallel_loop3A_873 : i32 to index
      %parallel_loop3A_880 = arith.index_cast %parallel_loop3A_877 : i32 to index
      %parallel_loop3A_881 = tpu.vector_load %arg15[%parallel_loop3A_879, %parallel_loop3A_880] {strides = array<i32>} : memref<64x128xf32, #tpu.memory_space<vmem>>, vector<1x16xf32>,
      %parallel_loop3A_882 = vector.shape_cast %parallel_loop3A_881 : vector<1x16xf32> to vector<16xf32>
      %parallel_loop3A_883 = vector.shape_cast %parallel_loop3A_878 : vector<16xf32> to vector<1x16xf32>
      tpu.vector_store %arg15[%parallel_loop3A_879, %parallel_loop3A_880], %parallel_loop3A_883 {strides = array<i32>} : memref<64x128xf32, #tpu.memory_space<vmem>>, vector<1x16xf32>,
      scf.yield %parallel_loop3A_838, %parallel_loop3A_867, %parallel_loop3A_840, %parallel_loop3A_869, %parallel_loop3A_842, %parallel_loop3A_871 : vector<16xf32>, vector<16xf32>, vector<16xf32>, vector<16xf32>, vector<16xf32>, vector<16xf32>
    } {sc.loop_unroll_factor = 4 : i64, sc.parallel_access}
    %dma_wait3A_561 = arith.constant 1 : i32
    %dma_wait3A_562 = arith.constant 0 : i32
    %dma_wait3A_563 = arith.constant 0 : i32
    %dma_wait3A_564 = tpu.memref_slice %arg13[%dma_wait3A_561, %dma_wait3A_562, %dma_wait3A_563] : memref<2x128x128xf32, #tpu.memory_space<vmem>> -> memref<1x128x128xf32, #tpu.memory_space<vmem>>
    %dma_wait3A_565 = tpu.memref_squeeze %dma_wait3A_564 : memref<1x128x128xf32, #tpu.memory_space<vmem>> -> memref<128x128xf32, #tpu.memory_space<vmem>>
    %dma_wait3A_566 = arith.constant 896 : i32
    %dma_wait3A_567 = tpu.memref_slice %arg10[%dma_wait3A_566] : memref<1024xi32, #tpu.memory_space<vmem>> -> memref<128xi32, #tpu.memory_space<vmem>>
    %dma_wait3A_568 = arith.constant 0 : i32
    %dma_wait3A_569 = arith.constant 0 : i32
    %dma_wait3A_570 = tpu.memref_slice %arg6[%dma_wait3A_568, %dma_wait3A_569] : memref<100000x128xf32, #tpu.memory_space<hbm>> -> memref<100000x128xf32, #tpu.memory_space<hbm>>
    tpu.wait_indirect_dma semaphore(%arg19 : memref<!tpu.dma_semaphore, #tpu.memory_space<semaphore_mem>>) src(%dma_wait3A_570 : memref<100000x128xf32, #tpu.memory_space<hbm>>) dst(%dma_wait3A_565 : memref<128x128xf32, #tpu.memory_space<vmem>>)
    %dma_wait3A_571 = arith.constant 1 : i32
    %dma_wait3A_572 = arith.constant 0 : i32
    %dma_wait3A_573 = arith.constant 0 : i32
    %dma_wait3A_574 = tpu.memref_slice %arg14[%dma_wait3A_571, %dma_wait3A_572, %dma_wait3A_573] : memref<2x64x128xf32, #tpu.memory_space<vmem>> -> memref<1x64x128xf32, #tpu.memory_space<vmem>>
    %dma_wait3A_575 = tpu.memref_squeeze %dma_wait3A_574 : memref<1x64x128xf32, #tpu.memory_space<vmem>> -> memref<64x128xf32, #tpu.memory_space<vmem>>
    %dma_wait3A_576 = arith.constant 448 : i32
    %dma_wait3A_577 = tpu.memref_slice %arg11[%dma_wait3A_576] : memref<512xi32, #tpu.memory_space<vmem>> -> memref<64xi32, #tpu.memory_space<vmem>>
    %dma_wait3A_578 = arith.constant 0 : i32
    %dma_wait3A_579 = arith.constant 0 : i32
    %dma_wait3A_580 = tpu.memref_slice %arg7[%dma_wait3A_578, %dma_wait3A_579] : memref<1000x128xf32, #tpu.memory_space<hbm>> -> memref<1000x128xf32, #tpu.memory_space<hbm>>
    tpu.wait_indirect_dma semaphore(%arg19 : memref<!tpu.dma_semaphore, #tpu.memory_space<semaphore_mem>>) src(%dma_wait3A_580 : memref<1000x128xf32, #tpu.memory_space<hbm>>) dst(%dma_wait3A_575 : memref<64x128xf32, #tpu.memory_space<vmem>>)
    %parallel_loop3A_581 = arith.constant 0 : i32
    %parallel_loop3A_582 = arith.constant 64 : i32
    %parallel_loop3A_583 = arith.constant 1 : i32
    %parallel_loop3A_584:6 = scf.for %parallel_loop3A_610 = %parallel_loop3A_581 to %parallel_loop3A_582 step %parallel_loop3A_583 iter_args(%parallel_loop3A_611 = %parallel_loop3A_560#0, %parallel_loop3A_612 = %parallel_loop3A_560#1, %parallel_loop3A_613 = %parallel_loop3A_560#2, %parallel_loop3A_614 = %parallel_loop3A_560#3, %parallel_loop3A_615 = %parallel_loop3A_560#4, %parallel_loop3A_616 = %parallel_loop3A_560#5) -> (vector<16xf32>, vector<16xf32>, vector<16xf32>, vector<16xf32>, vector<16xf32>, vector<16xf32>)  : i32 {
      %parallel_loop3A_617 = arith.constant 448 : i32
      %parallel_loop3A_618 = arith.addi %parallel_loop3A_617, %parallel_loop3A_610 : i32
      %parallel_loop3A_619 = arith.constant -16 : i32
      %parallel_loop3A_620 = arith.andi %parallel_loop3A_618, %parallel_loop3A_619 : i32
      %parallel_loop3A_621 = arith.index_cast %parallel_loop3A_620 : i32 to index
      %parallel_loop3A_622 = tpu.vector_load %arg12[%parallel_loop3A_621] {strides = array<i32>} : memref<512xf32, #tpu.memory_space<vmem>>, vector<16xf32>,
      %parallel_loop3A_623 = vector.shape_cast %parallel_loop3A_622 : vector<16xf32> to vector<16xf32>
      %parallel_loop3A_624 = arith.constant 15 : i32
      %parallel_loop3A_625 = arith.andi %parallel_loop3A_618, %parallel_loop3A_624 : i32
      %parallel_loop3A_626 = vector.broadcast %parallel_loop3A_625 : i32 to vector<16xi32>
      %parallel_loop3A_627 = arith.constant 0 : i32
      %parallel_loop3A_628 = vector.broadcast %parallel_loop3A_627 : i32 to vector<16xi32>
      %parallel_loop3A_629 = arith.cmpi slt, %parallel_loop3A_626, %parallel_loop3A_628 : vector<16xi32>
      %parallel_loop3A_630 = arith.constant 16 : i32
      %parallel_loop3A_631 = vector.broadcast %parallel_loop3A_630 : i32 to vector<16xi32>
      %parallel_loop3A_632 = arith.addi %parallel_loop3A_626, %parallel_loop3A_631 : vector<16xi32>
      %parallel_loop3A_633 = arith.select %parallel_loop3A_629, %parallel_loop3A_632, %parallel_loop3A_626 : vector<16xi1>, vector<16xi32>
      %parallel_loop3A_634 = vector.shape_cast %parallel_loop3A_633 : vector<16xi32> to vector<16x1xi32>
      %parallel_loop3A_635 = vector.shape_cast %parallel_loop3A_634 : vector<16x1xi32> to vector<16xi32>
      %parallel_loop3A_636 = tpu.dynamic_gather %parallel_loop3A_623[%parallel_loop3A_635] in [0] : vector<16xf32>, vector<16xi32> -> vector<16xf32>
      %parallel_loop3A_637 = arith.subf %broadcast_in_dim3A_233, %parallel_loop3A_636 : vector<16xf32>
      %parallel_loop3A_638 = arith.constant 0.000000e+00 : f32
      %parallel_loop3A_639 = vector.broadcast %parallel_loop3A_638 : f32 to vector<16xf32>
      %parallel_loop3A_640 = arith.constant 1 : i32
      %parallel_loop3A_641 = arith.index_cast %parallel_loop3A_640 : i32 to index
      %parallel_loop3A_642 = arith.index_cast %parallel_loop3A_610 : i32 to index
      %parallel_loop3A_643 = arith.constant 0 : index
      %parallel_loop3A_644 = tpu.vector_load %arg13[%parallel_loop3A_641, %parallel_loop3A_642, %parallel_loop3A_643] {strides = array<i32>} : memref<2x128x128xf32, #tpu.memory_space<vmem>>, vector<1x1x16xf32>,
      %parallel_loop3A_645 = vector.shape_cast %parallel_loop3A_644 : vector<1x1x16xf32> to vector<16xf32>
      %parallel_loop3A_646 = arith.constant 64 : i32
      %parallel_loop3A_647 = arith.addi %parallel_loop3A_646, %parallel_loop3A_610 : i32
      %parallel_loop3A_648 = arith.constant 1 : i32
      %parallel_loop3A_649 = arith.index_cast %parallel_loop3A_648 : i32 to index
      %parallel_loop3A_650 = arith.index_cast %parallel_loop3A_647 : i32 to index
      %parallel_loop3A_651 = arith.constant 0 : index
      %parallel_loop3A_652 = tpu.vector_load %arg13[%parallel_loop3A_649, %parallel_loop3A_650, %parallel_loop3A_651] {strides = array<i32>} : memref<2x128x128xf32, #tpu.memory_space<vmem>>, vector<1x1x16xf32>,
      %parallel_loop3A_653 = vector.shape_cast %parallel_loop3A_652 : vector<1x1x16xf32> to vector<16xf32>
      %parallel_loop3A_654 = arith.constant 1 : i32
      %parallel_loop3A_655 = arith.index_cast %parallel_loop3A_654 : i32 to index
      %parallel_loop3A_656 = arith.index_cast %parallel_loop3A_610 : i32 to index
      %parallel_loop3A_657 = arith.constant 0 : index
      %parallel_loop3A_658 = tpu.vector_load %arg14[%parallel_loop3A_655, %parallel_loop3A_656, %parallel_loop3A_657] {strides = array<i32>} : memref<2x64x128xf32, #tpu.memory_space<vmem>>, vector<1x1x16xf32>,
      %parallel_loop3A_659 = vector.shape_cast %parallel_loop3A_658 : vector<1x1x16xf32> to vector<16xf32>
      %parallel_loop3A_660 = arith.mulf %parallel_loop3A_645, %parallel_loop3A_659 : vector<16xf32>
      %parallel_loop3A_661 = arith.mulf %parallel_loop3A_660, %parallel_loop3A_653 : vector<16xf32>
      %parallel_loop3A_662 = arith.addf %parallel_loop3A_639, %parallel_loop3A_661 : vector<16xf32>
      %parallel_loop3A_663 = arith.mulf %parallel_loop3A_645, %parallel_loop3A_645 : vector<16xf32>
      %parallel_loop3A_664 = arith.addf %parallel_loop3A_611, %parallel_loop3A_663 : vector<16xf32>
      %parallel_loop3A_665 = arith.mulf %parallel_loop3A_653, %parallel_loop3A_653 : vector<16xf32>
      %parallel_loop3A_666 = arith.addf %parallel_loop3A_613, %parallel_loop3A_665 : vector<16xf32>
      %parallel_loop3A_667 = arith.mulf %parallel_loop3A_659, %parallel_loop3A_659 : vector<16xf32>
      %parallel_loop3A_668 = arith.addf %parallel_loop3A_615, %parallel_loop3A_667 : vector<16xf32>
      %parallel_loop3A_669 = arith.constant 1 : i32
      %parallel_loop3A_670 = arith.index_cast %parallel_loop3A_669 : i32 to index
      %parallel_loop3A_671 = arith.index_cast %parallel_loop3A_610 : i32 to index
      %parallel_loop3A_672 = arith.constant 16 : index
      %parallel_loop3A_673 = tpu.vector_load %arg13[%parallel_loop3A_670, %parallel_loop3A_671, %parallel_loop3A_672] {strides = array<i32>} : memref<2x128x128xf32, #tpu.memory_space<vmem>>, vector<1x1x16xf32>,
      %parallel_loop3A_674 = vector.shape_cast %parallel_loop3A_673 : vector<1x1x16xf32> to vector<16xf32>
      %parallel_loop3A_675 = arith.constant 64 : i32
      %parallel_loop3A_676 = arith.addi %parallel_loop3A_675, %parallel_loop3A_610 : i32
      %parallel_loop3A_677 = arith.constant 1 : i32
      %parallel_loop3A_678 = arith.index_cast %parallel_loop3A_677 : i32 to index
      %parallel_loop3A_679 = arith.index_cast %parallel_loop3A_676 : i32 to index
      %parallel_loop3A_680 = arith.constant 16 : index
      %parallel_loop3A_681 = tpu.vector_load %arg13[%parallel_loop3A_678, %parallel_loop3A_679, %parallel_loop3A_680] {strides = array<i32>} : memref<2x128x128xf32, #tpu.memory_space<vmem>>, vector<1x1x16xf32>,
      %parallel_loop3A_682 = vector.shape_cast %parallel_loop3A_681 : vector<1x1x16xf32> to vector<16xf32>
      %parallel_loop3A_683 = arith.constant 1 : i32
      %parallel_loop3A_684 = arith.index_cast %parallel_loop3A_683 : i32 to index
      %parallel_loop3A_685 = arith.index_cast %parallel_loop3A_610 : i32 to index
      %parallel_loop3A_686 = arith.constant 16 : index
      %parallel_loop3A_687 = tpu.vector_load %arg14[%parallel_loop3A_684, %parallel_loop3A_685, %parallel_loop3A_686] {strides = array<i32>} : memref<2x64x128xf32, #tpu.memory_space<vmem>>, vector<1x1x16xf32>,
      %parallel_loop3A_688 = vector.shape_cast %parallel_loop3A_687 : vector<1x1x16xf32> to vector<16xf32>
      %parallel_loop3A_689 = arith.mulf %parallel_loop3A_674, %parallel_loop3A_688 : vector<16xf32>
      %parallel_loop3A_690 = arith.mulf %parallel_loop3A_689, %parallel_loop3A_682 : vector<16xf32>
      %parallel_loop3A_691 = arith.addf %parallel_loop3A_662, %parallel_loop3A_690 : vector<16xf32>
      %parallel_loop3A_692 = arith.mulf %parallel_loop3A_674, %parallel_loop3A_674 : vector<16xf32>
      %parallel_loop3A_693 = arith.addf %parallel_loop3A_612, %parallel_loop3A_692 : vector<16xf32>
      %parallel_loop3A_694 = arith.mulf %parallel_loop3A_682, %parallel_loop3A_682 : vector<16xf32>
      %parallel_loop3A_695 = arith.addf %parallel_loop3A_614, %parallel_loop3A_694 : vector<16xf32>
      %parallel_loop3A_696 = arith.mulf %parallel_loop3A_688, %parallel_loop3A_688 : vector<16xf32>
      %parallel_loop3A_697 = arith.addf %parallel_loop3A_616, %parallel_loop3A_696 : vector<16xf32>
      %parallel_loop3A_698 = arith.constant 1 : i32
      %parallel_loop3A_699 = arith.index_cast %parallel_loop3A_698 : i32 to index
      %parallel_loop3A_700 = arith.index_cast %parallel_loop3A_610 : i32 to index
      %parallel_loop3A_701 = arith.constant 32 : index
      %parallel_loop3A_702 = tpu.vector_load %arg13[%parallel_loop3A_699, %parallel_loop3A_700, %parallel_loop3A_701] {strides = array<i32>} : memref<2x128x128xf32, #tpu.memory_space<vmem>>, vector<1x1x16xf32>,
      %parallel_loop3A_703 = vector.shape_cast %parallel_loop3A_702 : vector<1x1x16xf32> to vector<16xf32>
      %parallel_loop3A_704 = arith.constant 64 : i32
      %parallel_loop3A_705 = arith.addi %parallel_loop3A_704, %parallel_loop3A_610 : i32
      %parallel_loop3A_706 = arith.constant 1 : i32
      %parallel_loop3A_707 = arith.index_cast %parallel_loop3A_706 : i32 to index
      %parallel_loop3A_708 = arith.index_cast %parallel_loop3A_705 : i32 to index
      %parallel_loop3A_709 = arith.constant 32 : index
      %parallel_loop3A_710 = tpu.vector_load %arg13[%parallel_loop3A_707, %parallel_loop3A_708, %parallel_loop3A_709] {strides = array<i32>} : memref<2x128x128xf32, #tpu.memory_space<vmem>>, vector<1x1x16xf32>,
      %parallel_loop3A_711 = vector.shape_cast %parallel_loop3A_710 : vector<1x1x16xf32> to vector<16xf32>
      %parallel_loop3A_712 = arith.constant 1 : i32
      %parallel_loop3A_713 = arith.index_cast %parallel_loop3A_712 : i32 to index
      %parallel_loop3A_714 = arith.index_cast %parallel_loop3A_610 : i32 to index
      %parallel_loop3A_715 = arith.constant 32 : index
      %parallel_loop3A_716 = tpu.vector_load %arg14[%parallel_loop3A_713, %parallel_loop3A_714, %parallel_loop3A_715] {strides = array<i32>} : memref<2x64x128xf32, #tpu.memory_space<vmem>>, vector<1x1x16xf32>,
      %parallel_loop3A_717 = vector.shape_cast %parallel_loop3A_716 : vector<1x1x16xf32> to vector<16xf32>
      %parallel_loop3A_718 = arith.mulf %parallel_loop3A_703, %parallel_loop3A_717 : vector<16xf32>
      %parallel_loop3A_719 = arith.mulf %parallel_loop3A_718, %parallel_loop3A_711 : vector<16xf32>
      %parallel_loop3A_720 = arith.addf %parallel_loop3A_691, %parallel_loop3A_719 : vector<16xf32>
      %parallel_loop3A_721 = arith.mulf %parallel_loop3A_703, %parallel_loop3A_703 : vector<16xf32>
      %parallel_loop3A_722 = arith.addf %parallel_loop3A_664, %parallel_loop3A_721 : vector<16xf32>
      %parallel_loop3A_723 = arith.mulf %parallel_loop3A_711, %parallel_loop3A_711 : vector<16xf32>
      %parallel_loop3A_724 = arith.addf %parallel_loop3A_666, %parallel_loop3A_723 : vector<16xf32>
      %parallel_loop3A_725 = arith.mulf %parallel_loop3A_717, %parallel_loop3A_717 : vector<16xf32>
      %parallel_loop3A_726 = arith.addf %parallel_loop3A_668, %parallel_loop3A_725 : vector<16xf32>
      %parallel_loop3A_727 = arith.constant 1 : i32
      %parallel_loop3A_728 = arith.index_cast %parallel_loop3A_727 : i32 to index
      %parallel_loop3A_729 = arith.index_cast %parallel_loop3A_610 : i32 to index
      %parallel_loop3A_730 = arith.constant 48 : index
      %parallel_loop3A_731 = tpu.vector_load %arg13[%parallel_loop3A_728, %parallel_loop3A_729, %parallel_loop3A_730] {strides = array<i32>} : memref<2x128x128xf32, #tpu.memory_space<vmem>>, vector<1x1x16xf32>,
      %parallel_loop3A_732 = vector.shape_cast %parallel_loop3A_731 : vector<1x1x16xf32> to vector<16xf32>
      %parallel_loop3A_733 = arith.constant 64 : i32
      %parallel_loop3A_734 = arith.addi %parallel_loop3A_733, %parallel_loop3A_610 : i32
      %parallel_loop3A_735 = arith.constant 1 : i32
      %parallel_loop3A_736 = arith.index_cast %parallel_loop3A_735 : i32 to index
      %parallel_loop3A_737 = arith.index_cast %parallel_loop3A_734 : i32 to index
      %parallel_loop3A_738 = arith.constant 48 : index
      %parallel_loop3A_739 = tpu.vector_load %arg13[%parallel_loop3A_736, %parallel_loop3A_737, %parallel_loop3A_738] {strides = array<i32>} : memref<2x128x128xf32, #tpu.memory_space<vmem>>, vector<1x1x16xf32>,
      %parallel_loop3A_740 = vector.shape_cast %parallel_loop3A_739 : vector<1x1x16xf32> to vector<16xf32>
      %parallel_loop3A_741 = arith.constant 1 : i32
      %parallel_loop3A_742 = arith.index_cast %parallel_loop3A_741 : i32 to index
      %parallel_loop3A_743 = arith.index_cast %parallel_loop3A_610 : i32 to index
      %parallel_loop3A_744 = arith.constant 48 : index
      %parallel_loop3A_745 = tpu.vector_load %arg14[%parallel_loop3A_742, %parallel_loop3A_743, %parallel_loop3A_744] {strides = array<i32>} : memref<2x64x128xf32, #tpu.memory_space<vmem>>, vector<1x1x16xf32>,
      %parallel_loop3A_746 = vector.shape_cast %parallel_loop3A_745 : vector<1x1x16xf32> to vector<16xf32>
      %parallel_loop3A_747 = arith.mulf %parallel_loop3A_732, %parallel_loop3A_746 : vector<16xf32>
      %parallel_loop3A_748 = arith.mulf %parallel_loop3A_747, %parallel_loop3A_740 : vector<16xf32>
      %parallel_loop3A_749 = arith.addf %parallel_loop3A_720, %parallel_loop3A_748 : vector<16xf32>
      %parallel_loop3A_750 = arith.mulf %parallel_loop3A_732, %parallel_loop3A_732 : vector<16xf32>
      %parallel_loop3A_751 = arith.addf %parallel_loop3A_693, %parallel_loop3A_750 : vector<16xf32>
      %parallel_loop3A_752 = arith.mulf %parallel_loop3A_740, %parallel_loop3A_740 : vector<16xf32>
      %parallel_loop3A_753 = arith.addf %parallel_loop3A_695, %parallel_loop3A_752 : vector<16xf32>
      %parallel_loop3A_754 = arith.mulf %parallel_loop3A_746, %parallel_loop3A_746 : vector<16xf32>
      %parallel_loop3A_755 = arith.addf %parallel_loop3A_697, %parallel_loop3A_754 : vector<16xf32>
      %parallel_loop3A_756 = arith.constant 1 : i32
      %parallel_loop3A_757 = arith.index_cast %parallel_loop3A_756 : i32 to index
      %parallel_loop3A_758 = arith.index_cast %parallel_loop3A_610 : i32 to index
      %parallel_loop3A_759 = arith.constant 64 : index
      %parallel_loop3A_760 = tpu.vector_load %arg13[%parallel_loop3A_757, %parallel_loop3A_758, %parallel_loop3A_759] {strides = array<i32>} : memref<2x128x128xf32, #tpu.memory_space<vmem>>, vector<1x1x16xf32>,
      %parallel_loop3A_761 = vector.shape_cast %parallel_loop3A_760 : vector<1x1x16xf32> to vector<16xf32>
      %parallel_loop3A_762 = arith.constant 64 : i32
      %parallel_loop3A_763 = arith.addi %parallel_loop3A_762, %parallel_loop3A_610 : i32
      %parallel_loop3A_764 = arith.constant 1 : i32
      %parallel_loop3A_765 = arith.index_cast %parallel_loop3A_764 : i32 to index
      %parallel_loop3A_766 = arith.index_cast %parallel_loop3A_763 : i32 to index
      %parallel_loop3A_767 = arith.constant 64 : index
      %parallel_loop3A_768 = tpu.vector_load %arg13[%parallel_loop3A_765, %parallel_loop3A_766, %parallel_loop3A_767] {strides = array<i32>} : memref<2x128x128xf32, #tpu.memory_space<vmem>>, vector<1x1x16xf32>,
      %parallel_loop3A_769 = vector.shape_cast %parallel_loop3A_768 : vector<1x1x16xf32> to vector<16xf32>
      %parallel_loop3A_770 = arith.constant 1 : i32
      %parallel_loop3A_771 = arith.index_cast %parallel_loop3A_770 : i32 to index
      %parallel_loop3A_772 = arith.index_cast %parallel_loop3A_610 : i32 to index
      %parallel_loop3A_773 = arith.constant 64 : index
      %parallel_loop3A_774 = tpu.vector_load %arg14[%parallel_loop3A_771, %parallel_loop3A_772, %parallel_loop3A_773] {strides = array<i32>} : memref<2x64x128xf32, #tpu.memory_space<vmem>>, vector<1x1x16xf32>,
      %parallel_loop3A_775 = vector.shape_cast %parallel_loop3A_774 : vector<1x1x16xf32> to vector<16xf32>
      %parallel_loop3A_776 = arith.mulf %parallel_loop3A_761, %parallel_loop3A_775 : vector<16xf32>
      %parallel_loop3A_777 = arith.mulf %parallel_loop3A_776, %parallel_loop3A_769 : vector<16xf32>
      %parallel_loop3A_778 = arith.addf %parallel_loop3A_749, %parallel_loop3A_777 : vector<16xf32>
      %parallel_loop3A_779 = arith.mulf %parallel_loop3A_761, %parallel_loop3A_761 : vector<16xf32>
      %parallel_loop3A_780 = arith.addf %parallel_loop3A_722, %parallel_loop3A_779 : vector<16xf32>
      %parallel_loop3A_781 = arith.mulf %parallel_loop3A_769, %parallel_loop3A_769 : vector<16xf32>
      %parallel_loop3A_782 = arith.addf %parallel_loop3A_724, %parallel_loop3A_781 : vector<16xf32>
      %parallel_loop3A_783 = arith.mulf %parallel_loop3A_775, %parallel_loop3A_775 : vector<16xf32>
      %parallel_loop3A_784 = arith.addf %parallel_loop3A_726, %parallel_loop3A_783 : vector<16xf32>
      %parallel_loop3A_785 = arith.constant 1 : i32
      %parallel_loop3A_786 = arith.index_cast %parallel_loop3A_785 : i32 to index
      %parallel_loop3A_787 = arith.index_cast %parallel_loop3A_610 : i32 to index
      %parallel_loop3A_788 = arith.constant 80 : index
      %parallel_loop3A_789 = tpu.vector_load %arg13[%parallel_loop3A_786, %parallel_loop3A_787, %parallel_loop3A_788] {strides = array<i32>} : memref<2x128x128xf32, #tpu.memory_space<vmem>>, vector<1x1x16xf32>,
      %parallel_loop3A_790 = vector.shape_cast %parallel_loop3A_789 : vector<1x1x16xf32> to vector<16xf32>
      %parallel_loop3A_791 = arith.constant 64 : i32
      %parallel_loop3A_792 = arith.addi %parallel_loop3A_791, %parallel_loop3A_610 : i32
      %parallel_loop3A_793 = arith.constant 1 : i32
      %parallel_loop3A_794 = arith.index_cast %parallel_loop3A_793 : i32 to index
      %parallel_loop3A_795 = arith.index_cast %parallel_loop3A_792 : i32 to index
      %parallel_loop3A_796 = arith.constant 80 : index
      %parallel_loop3A_797 = tpu.vector_load %arg13[%parallel_loop3A_794, %parallel_loop3A_795, %parallel_loop3A_796] {strides = array<i32>} : memref<2x128x128xf32, #tpu.memory_space<vmem>>, vector<1x1x16xf32>,
      %parallel_loop3A_798 = vector.shape_cast %parallel_loop3A_797 : vector<1x1x16xf32> to vector<16xf32>
      %parallel_loop3A_799 = arith.constant 1 : i32
      %parallel_loop3A_800 = arith.index_cast %parallel_loop3A_799 : i32 to index
      %parallel_loop3A_801 = arith.index_cast %parallel_loop3A_610 : i32 to index
      %parallel_loop3A_802 = arith.constant 80 : index
      %parallel_loop3A_803 = tpu.vector_load %arg14[%parallel_loop3A_800, %parallel_loop3A_801, %parallel_loop3A_802] {strides = array<i32>} : memref<2x64x128xf32, #tpu.memory_space<vmem>>, vector<1x1x16xf32>,
      %parallel_loop3A_804 = vector.shape_cast %parallel_loop3A_803 : vector<1x1x16xf32> to vector<16xf32>
      %parallel_loop3A_805 = arith.mulf %parallel_loop3A_790, %parallel_loop3A_804 : vector<16xf32>
      %parallel_loop3A_806 = arith.mulf %parallel_loop3A_805, %parallel_loop3A_798 : vector<16xf32>
      %parallel_loop3A_807 = arith.addf %parallel_loop3A_778, %parallel_loop3A_806 : vector<16xf32>
      %parallel_loop3A_808 = arith.mulf %parallel_loop3A_790, %parallel_loop3A_790 : vector<16xf32>
      %parallel_loop3A_809 = arith.addf %parallel_loop3A_751, %parallel_loop3A_808 : vector<16xf32>
      %parallel_loop3A_810 = arith.mulf %parallel_loop3A_798, %parallel_loop3A_798 : vector<16xf32>
      %parallel_loop3A_811 = arith.addf %parallel_loop3A_753, %parallel_loop3A_810 : vector<16xf32>
      %parallel_loop3A_812 = arith.mulf %parallel_loop3A_804, %parallel_loop3A_804 : vector<16xf32>
      %parallel_loop3A_813 = arith.addf %parallel_loop3A_755, %parallel_loop3A_812 : vector<16xf32>
      %parallel_loop3A_814 = arith.constant 1 : i32
      %parallel_loop3A_815 = arith.index_cast %parallel_loop3A_814 : i32 to index
      %parallel_loop3A_816 = arith.index_cast %parallel_loop3A_610 : i32 to index
      %parallel_loop3A_817 = arith.constant 96 : index
      %parallel_loop3A_818 = tpu.vector_load %arg13[%parallel_loop3A_815, %parallel_loop3A_816, %parallel_loop3A_817] {strides = array<i32>} : memref<2x128x128xf32, #tpu.memory_space<vmem>>, vector<1x1x16xf32>,
      %parallel_loop3A_819 = vector.shape_cast %parallel_loop3A_818 : vector<1x1x16xf32> to vector<16xf32>
      %parallel_loop3A_820 = arith.constant 64 : i32
      %parallel_loop3A_821 = arith.addi %parallel_loop3A_820, %parallel_loop3A_610 : i32
      %parallel_loop3A_822 = arith.constant 1 : i32
      %parallel_loop3A_823 = arith.index_cast %parallel_loop3A_822 : i32 to index
      %parallel_loop3A_824 = arith.index_cast %parallel_loop3A_821 : i32 to index
      %parallel_loop3A_825 = arith.constant 96 : index
      %parallel_loop3A_826 = tpu.vector_load %arg13[%parallel_loop3A_823, %parallel_loop3A_824, %parallel_loop3A_825] {strides = array<i32>} : memref<2x128x128xf32, #tpu.memory_space<vmem>>, vector<1x1x16xf32>,
      %parallel_loop3A_827 = vector.shape_cast %parallel_loop3A_826 : vector<1x1x16xf32> to vector<16xf32>
      %parallel_loop3A_828 = arith.constant 1 : i32
      %parallel_loop3A_829 = arith.index_cast %parallel_loop3A_828 : i32 to index
      %parallel_loop3A_830 = arith.index_cast %parallel_loop3A_610 : i32 to index
      %parallel_loop3A_831 = arith.constant 96 : index
      %parallel_loop3A_832 = tpu.vector_load %arg14[%parallel_loop3A_829, %parallel_loop3A_830, %parallel_loop3A_831] {strides = array<i32>} : memref<2x64x128xf32, #tpu.memory_space<vmem>>, vector<1x1x16xf32>,
      %parallel_loop3A_833 = vector.shape_cast %parallel_loop3A_832 : vector<1x1x16xf32> to vector<16xf32>
      %parallel_loop3A_834 = arith.mulf %parallel_loop3A_819, %parallel_loop3A_833 : vector<16xf32>
      %parallel_loop3A_835 = arith.mulf %parallel_loop3A_834, %parallel_loop3A_827 : vector<16xf32>
      %parallel_loop3A_836 = arith.addf %parallel_loop3A_807, %parallel_loop3A_835 : vector<16xf32>
      %parallel_loop3A_837 = arith.mulf %parallel_loop3A_819, %parallel_loop3A_819 : vector<16xf32>
      %parallel_loop3A_838 = arith.addf %parallel_loop3A_780, %parallel_loop3A_837 : vector<16xf32>
      %parallel_loop3A_839 = arith.mulf %parallel_loop3A_827, %parallel_loop3A_827 : vector<16xf32>
      %parallel_loop3A_840 = arith.addf %parallel_loop3A_782, %parallel_loop3A_839 : vector<16xf32>
      %parallel_loop3A_841 = arith.mulf %parallel_loop3A_833, %parallel_loop3A_833 : vector<16xf32>
      %parallel_loop3A_842 = arith.addf %parallel_loop3A_784, %parallel_loop3A_841 : vector<16xf32>
      %parallel_loop3A_843 = arith.constant 1 : i32
      %parallel_loop3A_844 = arith.index_cast %parallel_loop3A_843 : i32 to index
      %parallel_loop3A_845 = arith.index_cast %parallel_loop3A_610 : i32 to index
      %parallel_loop3A_846 = arith.constant 112 : index
      %parallel_loop3A_847 = tpu.vector_load %arg13[%parallel_loop3A_844, %parallel_loop3A_845, %parallel_loop3A_846] {strides = array<i32>} : memref<2x128x128xf32, #tpu.memory_space<vmem>>, vector<1x1x16xf32>,
      %parallel_loop3A_848 = vector.shape_cast %parallel_loop3A_847 : vector<1x1x16xf32> to vector<16xf32>
      %parallel_loop3A_849 = arith.constant 64 : i32
      %parallel_loop3A_850 = arith.addi %parallel_loop3A_849, %parallel_loop3A_610 : i32
      %parallel_loop3A_851 = arith.constant 1 : i32
      %parallel_loop3A_852 = arith.index_cast %parallel_loop3A_851 : i32 to index
      %parallel_loop3A_853 = arith.index_cast %parallel_loop3A_850 : i32 to index
      %parallel_loop3A_854 = arith.constant 112 : index
      %parallel_loop3A_855 = tpu.vector_load %arg13[%parallel_loop3A_852, %parallel_loop3A_853, %parallel_loop3A_854] {strides = array<i32>} : memref<2x128x128xf32, #tpu.memory_space<vmem>>, vector<1x1x16xf32>,
      %parallel_loop3A_856 = vector.shape_cast %parallel_loop3A_855 : vector<1x1x16xf32> to vector<16xf32>
      %parallel_loop3A_857 = arith.constant 1 : i32
      %parallel_loop3A_858 = arith.index_cast %parallel_loop3A_857 : i32 to index
      %parallel_loop3A_859 = arith.index_cast %parallel_loop3A_610 : i32 to index
      %parallel_loop3A_860 = arith.constant 112 : index
      %parallel_loop3A_861 = tpu.vector_load %arg14[%parallel_loop3A_858, %parallel_loop3A_859, %parallel_loop3A_860] {strides = array<i32>} : memref<2x64x128xf32, #tpu.memory_space<vmem>>, vector<1x1x16xf32>,
      %parallel_loop3A_862 = vector.shape_cast %parallel_loop3A_861 : vector<1x1x16xf32> to vector<16xf32>
      %parallel_loop3A_863 = arith.mulf %parallel_loop3A_848, %parallel_loop3A_862 : vector<16xf32>
      %parallel_loop3A_864 = arith.mulf %parallel_loop3A_863, %parallel_loop3A_856 : vector<16xf32>
      %parallel_loop3A_865 = arith.addf %parallel_loop3A_836, %parallel_loop3A_864 : vector<16xf32>
      %parallel_loop3A_866 = arith.mulf %parallel_loop3A_848, %parallel_loop3A_848 : vector<16xf32>
      %parallel_loop3A_867 = arith.addf %parallel_loop3A_809, %parallel_loop3A_866 : vector<16xf32>
      %parallel_loop3A_868 = arith.mulf %parallel_loop3A_856, %parallel_loop3A_856 : vector<16xf32>
      %parallel_loop3A_869 = arith.addf %parallel_loop3A_811, %parallel_loop3A_868 : vector<16xf32>
      %parallel_loop3A_870 = arith.mulf %parallel_loop3A_862, %parallel_loop3A_862 : vector<16xf32>
      %parallel_loop3A_871 = arith.addf %parallel_loop3A_813, %parallel_loop3A_870 : vector<16xf32>
      %parallel_loop3A_872 = arith.constant 3 : i32
      %parallel_loop3A_873 = arith.shrui %parallel_loop3A_618, %parallel_loop3A_872 : i32
      %parallel_loop3A_874 = arith.constant 7 : i32
      %parallel_loop3A_875 = arith.andi %parallel_loop3A_618, %parallel_loop3A_874 : i32
      %parallel_loop3A_876 = arith.constant 16 : i32
      %parallel_loop3A_877 = arith.muli %parallel_loop3A_875, %parallel_loop3A_876 : i32
      %parallel_loop3A_878 = arith.mulf %parallel_loop3A_865, %parallel_loop3A_637 : vector<16xf32>
      %parallel_loop3A_879 = arith.index_cast %parallel_loop3A_873 : i32 to index
      %parallel_loop3A_880 = arith.index_cast %parallel_loop3A_877 : i32 to index
      %parallel_loop3A_881 = tpu.vector_load %arg15[%parallel_loop3A_879, %parallel_loop3A_880] {strides = array<i32>} : memref<64x128xf32, #tpu.memory_space<vmem>>, vector<1x16xf32>,
      %parallel_loop3A_882 = vector.shape_cast %parallel_loop3A_881 : vector<1x16xf32> to vector<16xf32>
      %parallel_loop3A_883 = vector.shape_cast %parallel_loop3A_878 : vector<16xf32> to vector<1x16xf32>
      tpu.vector_store %arg15[%parallel_loop3A_879, %parallel_loop3A_880], %parallel_loop3A_883 {strides = array<i32>} : memref<64x128xf32, #tpu.memory_space<vmem>>, vector<1x16xf32>,
      scf.yield %parallel_loop3A_838, %parallel_loop3A_867, %parallel_loop3A_840, %parallel_loop3A_869, %parallel_loop3A_842, %parallel_loop3A_871 : vector<16xf32>, vector<16xf32>, vector<16xf32>, vector<16xf32>, vector<16xf32>, vector<16xf32>
    } {sc.loop_unroll_factor = 4 : i64, sc.parallel_access}
    %swap3A = arith.constant 0 : index
    %swap3A_585 = tpu.vector_load %arg16[%swap3A] {strides = array<i32>} : memref<96xf32, #tpu.memory_space<vmem>>, vector<16xf32>,
    %swap3A_586 = vector.shape_cast %swap3A_585 : vector<16xf32> to vector<16xf32>
    %swap3A_587 = vector.shape_cast %parallel_loop3A_584#0 : vector<16xf32> to vector<16xf32>
    tpu.vector_store %arg16[%swap3A], %swap3A_587 {strides = array<i32>} : memref<96xf32, #tpu.memory_space<vmem>>, vector<16xf32>,
    %swap3A_588 = arith.constant 16 : index
    %swap3A_589 = tpu.vector_load %arg16[%swap3A_588] {strides = array<i32>} : memref<96xf32, #tpu.memory_space<vmem>>, vector<16xf32>,
    %swap3A_590 = vector.shape_cast %swap3A_589 : vector<16xf32> to vector<16xf32>
    %swap3A_591 = vector.shape_cast %parallel_loop3A_584#1 : vector<16xf32> to vector<16xf32>
    tpu.vector_store %arg16[%swap3A_588], %swap3A_591 {strides = array<i32>} : memref<96xf32, #tpu.memory_space<vmem>>, vector<16xf32>,
    %swap3A_592 = arith.constant 32 : index
    %swap3A_593 = tpu.vector_load %arg16[%swap3A_592] {strides = array<i32>} : memref<96xf32, #tpu.memory_space<vmem>>, vector<16xf32>,
    %swap3A_594 = vector.shape_cast %swap3A_593 : vector<16xf32> to vector<16xf32>
    %swap3A_595 = vector.shape_cast %parallel_loop3A_584#2 : vector<16xf32> to vector<16xf32>
    tpu.vector_store %arg16[%swap3A_592], %swap3A_595 {strides = array<i32>} : memref<96xf32, #tpu.memory_space<vmem>>, vector<16xf32>,
    %swap3A_596 = arith.constant 48 : index
    %swap3A_597 = tpu.vector_load %arg16[%swap3A_596] {strides = array<i32>} : memref<96xf32, #tpu.memory_space<vmem>>, vector<16xf32>,
    %swap3A_598 = vector.shape_cast %swap3A_597 : vector<16xf32> to vector<16xf32>
    %swap3A_599 = vector.shape_cast %parallel_loop3A_584#3 : vector<16xf32> to vector<16xf32>
    tpu.vector_store %arg16[%swap3A_596], %swap3A_599 {strides = array<i32>} : memref<96xf32, #tpu.memory_space<vmem>>, vector<16xf32>,
    %swap3A_600 = arith.constant 64 : index
    %swap3A_601 = tpu.vector_load %arg16[%swap3A_600] {strides = array<i32>} : memref<96xf32, #tpu.memory_space<vmem>>, vector<16xf32>,
    %swap3A_602 = vector.shape_cast %swap3A_601 : vector<16xf32> to vector<16xf32>
    %swap3A_603 = vector.shape_cast %parallel_loop3A_584#4 : vector<16xf32> to vector<16xf32>
    tpu.vector_store %arg16[%swap3A_600], %swap3A_603 {strides = array<i32>} : memref<96xf32, #tpu.memory_space<vmem>>, vector<16xf32>,
    %swap3A_604 = arith.constant 80 : index
    %swap3A_605 = tpu.vector_load %arg16[%swap3A_604] {strides = array<i32>} : memref<96xf32, #tpu.memory_space<vmem>>, vector<16xf32>,
    %swap3A_606 = vector.shape_cast %swap3A_605 : vector<16xf32> to vector<16xf32>
    %swap3A_607 = vector.shape_cast %parallel_loop3A_584#5 : vector<16xf32> to vector<16xf32>
    tpu.vector_store %arg16[%swap3A_604], %swap3A_607 {strides = array<i32>} : memref<96xf32, #tpu.memory_space<vmem>>, vector<16xf32>,
    %mul3A_608 = arith.constant 64 : i32
    %mul3A_609 = arith.muli %add3A, %mul3A_608 : i32
    "tpu.region"() ({
      %run_scoped3A = tpu.sem_alloc : memref<!tpu.dma_semaphore, #tpu.memory_space<semaphore_mem>>
      %dma_start3A_610 = arith.constant 0 : i32
      %dma_start3A_611 = tpu.memref_slice %arg8[%mul3A_609, %dma_start3A_610] : memref<2048x128xf32, #tpu.memory_space<hbm>> -> memref<64x128xf32, #tpu.memory_space<hbm>>
      %dma_start3A_612 = arith.constant 0 : i32
      %dma_start3A_613 = tpu.memref_slice %arg8[%mul3A_609, %dma_start3A_612] : memref<2048x128xf32, #tpu.memory_space<hbm>> -> memref<64x128xf32, #tpu.memory_space<hbm>>
      tpu.enqueue_dma source(%arg15 : memref<64x128xf32, #tpu.memory_space<vmem>>) target(%dma_start3A_613 : memref<64x128xf32, #tpu.memory_space<hbm>>) target_semaphore(%run_scoped3A : memref<!tpu.dma_semaphore, #tpu.memory_space<semaphore_mem>>)
      %dma_wait3A_614 = arith.constant 0 : i32
      %dma_wait3A_615 = tpu.memref_slice %arg8[%mul3A_609, %dma_wait3A_614] : memref<2048x128xf32, #tpu.memory_space<hbm>> -> memref<64x128xf32, #tpu.memory_space<hbm>>
      %dma_wait3A_616 = arith.constant 0 : i32
      %dma_wait3A_617 = tpu.memref_slice %arg8[%mul3A_609, %dma_wait3A_616] : memref<2048x128xf32, #tpu.memory_space<hbm>> -> memref<64x128xf32, #tpu.memory_space<hbm>>
      tpu.wait_dma2 semaphore(%run_scoped3A : memref<!tpu.dma_semaphore, #tpu.memory_space<semaphore_mem>>) src(%arg15 : memref<64x128xf32, #tpu.memory_space<vmem>>) dst(%dma_wait3A_617 : memref<64x128xf32, #tpu.memory_space<hbm>>)
      tpu.yield
    }) : () -> ()
    "tpu.region"() ({
      %run_scoped3A = tpu.sem_alloc : memref<!tpu.dma_semaphore, #tpu.memory_space<semaphore_mem>>
      %dma_start3A_610 = arith.constant 0 : i32
      %dma_start3A_611 = tpu.memref_slice %arg9[%add3A, %dma_start3A_610] : memref<32x96xf32, #tpu.memory_space<hbm>> -> memref<1x96xf32, #tpu.memory_space<hbm>>
      %dma_start3A_612 = tpu.memref_squeeze %dma_start3A_611 : memref<1x96xf32, #tpu.memory_space<hbm>> -> memref<96xf32, #tpu.memory_space<hbm>>
      %dma_start3A_613 = arith.constant 0 : i32
      %dma_start3A_614 = tpu.memref_slice %arg9[%add3A, %dma_start3A_613] : memref<32x96xf32, #tpu.memory_space<hbm>> -> memref<1x96xf32, #tpu.memory_space<hbm>>
      %dma_start3A_615 = tpu.memref_squeeze %dma_start3A_614 : memref<1x96xf32, #tpu.memory_space<hbm>> -> memref<96xf32, #tpu.memory_space<hbm>>
      tpu.enqueue_dma source(%arg16 : memref<96xf32, #tpu.memory_space<vmem>>) target(%dma_start3A_615 : memref<96xf32, #tpu.memory_space<hbm>>) target_semaphore(%run_scoped3A : memref<!tpu.dma_semaphore, #tpu.memory_space<semaphore_mem>>)
      %dma_wait3A_616 = arith.constant 0 : i32
      %dma_wait3A_617 = tpu.memref_slice %arg9[%add3A, %dma_wait3A_616] : memref<32x96xf32, #tpu.memory_space<hbm>> -> memref<1x96xf32, #tpu.memory_space<hbm>>
      %dma_wait3A_618 = tpu.memref_squeeze %dma_wait3A_617 : memref<1x96xf32, #tpu.memory_space<hbm>> -> memref<96xf32, #tpu.memory_space<hbm>>
      %dma_wait3A_619 = arith.constant 0 : i32
      %dma_wait3A_620 = tpu.memref_slice %arg9[%add3A, %dma_wait3A_619] : memref<32x96xf32, #tpu.memory_space<hbm>> -> memref<1x96xf32, #tpu.memory_space<hbm>>
      %dma_wait3A_621 = tpu.memref_squeeze %dma_wait3A_620 : memref<1x96xf32, #tpu.memory_space<hbm>> -> memref<96xf32, #tpu.memory_space<hbm>>
      tpu.wait_dma2 semaphore(%run_scoped3A : memref<!tpu.dma_semaphore, #tpu.memory_space<semaphore_mem>>) src(%arg16 : memref<96xf32, #tpu.memory_space<vmem>>) dst(%dma_wait3A_621 : memref<96xf32, #tpu.memory_space<hbm>>)
      tpu.yield
    }) : () -> ()
    return
  }
}

module attributes {stable_mosaic.version = 14 : i64} {
  func.func @_tc_body(%arg0: memref<2048x128xf32, #tpu.memory_space<vmem>>, %arg1: memref<32x96xf32, #tpu.memory_space<vmem>>, %arg2: memref<1x1xf32, #tpu.memory_space<vmem>>) attributes {dimension_semantics = [], scalar_prefetch = 0 : i64, scratch_operands = 0 : i64, tpu.core_type = #tpu.core_type<tc>} {
    %get3A = arith.constant 0 : index
    %get3A_0 = arith.constant 0 : index
    %get3A_1 = vector.load %arg0[%get3A, %get3A_0] : memref<2048x128xf32, #tpu.memory_space<vmem>>, vector<2048x128xf32>
    %iota3A = tpu.iota {dimensions = array<i32: 0>} : vector<128x8xi32>
    %jit3A = arith.constant 16 : i32
    %div3A = vector.broadcast %jit3A : i32 to vector<128x8xi32>
    %div3A_2 = arith.divsi %iota3A, %div3A : vector<128x8xi32>
    %sign3A = arith.constant 0 : i32
    %sign3A_3 = vector.broadcast %sign3A : i32 to vector<128x8xi32>
    %sign3A_4 = arith.cmpi sgt, %iota3A, %sign3A_3 : vector<128x8xi32>
    %sign3A_5 = arith.extui %sign3A_4 : vector<128x8xi1> to vector<128x8xi32>
    %sign3A_6 = arith.constant 0 : i32
    %sign3A_7 = vector.broadcast %sign3A_6 : i32 to vector<128x8xi32>
    %sign3A_8 = arith.cmpi slt, %iota3A, %sign3A_7 : vector<128x8xi32>
    %sign3A_9 = arith.extui %sign3A_8 : vector<128x8xi1> to vector<128x8xi32>
    %sign3A_10 = arith.subi %sign3A_5, %sign3A_9 : vector<128x8xi32>
    %sign3A_11 = arith.constant 0 : i32
    %sign3A_12 = arith.cmpi sgt, %jit3A, %sign3A_11 : i32
    %sign3A_13 = arith.extui %sign3A_12 : i1 to i32
    %sign3A_14 = arith.constant 0 : i32
    %sign3A_15 = arith.cmpi slt, %jit3A, %sign3A_14 : i32
    %sign3A_16 = arith.extui %sign3A_15 : i1 to i32
    %sign3A_17 = arith.subi %sign3A_13, %sign3A_16 : i32
    %ne3A = vector.broadcast %sign3A_17 : i32 to vector<128x8xi32>
    %ne3A_18 = arith.cmpi ne, %sign3A_10, %ne3A : vector<128x8xi32>
    %rem3A = vector.broadcast %jit3A : i32 to vector<128x8xi32>
    %rem3A_19 = arith.remsi %iota3A, %rem3A : vector<128x8xi32>
    %ne3A_20 = arith.constant 0 : i32
    %ne3A_21 = vector.broadcast %ne3A_20 : i32 to vector<128x8xi32>
    %ne3A_22 = arith.cmpi ne, %rem3A_19, %ne3A_21 : vector<128x8xi32>
    %and3A = arith.andi %ne3A_18, %ne3A_22 : vector<128x8xi1>
    %sub3A = arith.constant 1 : i32
    %sub3A_23 = vector.broadcast %sub3A : i32 to vector<128x8xi32>
    %sub3A_24 = arith.subi %div3A_2, %sub3A_23 : vector<128x8xi32>
    %select_n3A = arith.select %and3A, %sub3A_24, %div3A_2 : vector<128x8xi1>, vector<128x8xi32>
    %iota3A_25 = tpu.iota {dimensions = array<i32: 1>} : vector<128x8xi32>
    %eq3A = arith.cmpi eq, %select_n3A, %iota3A_25 : vector<128x8xi32>
    %jit3A_26 = arith.constant 1.000000e+00 : f32
    %jit3A_27 = arith.constant 0.000000e+00 : f32
    %broadcast_in_dim3A = vector.broadcast %jit3A_26 : f32 to vector<128x8xf32>
    %broadcast_in_dim3A_28 = vector.broadcast %jit3A_27 : f32 to vector<128x8xf32>
    %select_n3A_29 = arith.select %eq3A, %broadcast_in_dim3A, %broadcast_in_dim3A_28 : vector<128x8xi1>, vector<128x8xf32>
    %dot_general3A = arith.constant dense<0.000000e+00> : vector<2048x8xf32>
    %dot_general3A_30 = tpu.matmul %get3A_1, %select_n3A_29, %dot_general3A {dimension_numbers = #tpu.dot_dimension_numbers<[1], [0], [0], [1], [0, 0, 1, 1], [], []>, transpose_lhs_hint = false} : vector<2048x128xf32>, vector<128x8xf32>, vector<2048x8xf32> -> vector<2048x8xf32>
    %abs3A = math.absf %dot_general3A_30 : vector<2048x8xf32>
    %neg3A = arith.constant 0.000000e+00 : f32
    %neg3A_31 = vector.broadcast %neg3A : f32 to vector<2048x8xf32>
    %neg3A_32 = arith.subf %neg3A_31, %abs3A : vector<2048x8xf32>
    %exp3A = math.exp %neg3A_32 : vector<2048x8xf32>
    %log1p3A = math.log1p %exp3A : vector<2048x8xf32>
    %max3A = arith.constant 0.000000e+00 : f32
    %max3A_33 = vector.broadcast %max3A : f32 to vector<2048x8xf32>
    %max3A_34 = arith.maximumf %dot_general3A_30, %max3A_33 : vector<2048x8xf32>
    %add3A = arith.addf %log1p3A, %max3A_34 : vector<2048x8xf32>
    %reduce_sum3A = vector.shape_cast %add3A : vector<2048x8xf32> to vector<1x2048x8xf32>
    %reduce_sum3A_35 = arith.constant dense<0.000000e+00> : vector<1xf32>
    %reduce_sum3A_36 = vector.multi_reduction <add>, %reduce_sum3A, %reduce_sum3A_35 [1, 2] : vector<1x2048x8xf32> to vector<1xf32>
    %reduce_sum3A_37 = vector.shape_cast %reduce_sum3A_36 : vector<1xf32> to vector<1x1x1xf32>
    %reduce_sum3A_38 = vector.extract %reduce_sum3A_37[0, 0, 0] : f32 from vector<1x1x1xf32>
    %div3A_39 = arith.constant 1.638400e+04 : f32
    %div3A_40 = arith.divf %reduce_sum3A_38, %div3A_39 : f32
    %get3A_41 = arith.constant 0 : index
    %get3A_42 = arith.constant 0 : index
    %get3A_43 = vector.load %arg1[%get3A_41, %get3A_42] : memref<32x96xf32, #tpu.memory_space<vmem>>, vector<32x96xf32>
    %reduce_sum3A_44 = vector.shape_cast %get3A_43 : vector<32x96xf32> to vector<1x32x96xf32>
    %reduce_sum3A_45 = arith.constant dense<0.000000e+00> : vector<1xf32>
    %reduce_sum3A_46 = vector.multi_reduction <add>, %reduce_sum3A_44, %reduce_sum3A_45 [1, 2] : vector<1x32x96xf32> to vector<1xf32>
    %reduce_sum3A_47 = vector.shape_cast %reduce_sum3A_46 : vector<1xf32> to vector<1x1x1xf32>
    %reduce_sum3A_48 = vector.extract %reduce_sum3A_47[0, 0, 0] : f32 from vector<1x1x1xf32>
    %div3A_49 = arith.constant 0x4A000000 : f32
    %div3A_50 = arith.divf %reduce_sum3A_48, %div3A_49 : f32
    %mul3A = arith.constant 9.99999974E-5 : f32
    %mul3A_51 = arith.mulf %mul3A, %div3A_50 : f32
    %add3A_52 = arith.addf %div3A_40, %mul3A_51 : f32
    %broadcast_in_dim3A_53 = vector.broadcast %add3A_52 : f32 to vector<1x1xf32>
    %swap3A = arith.constant 0 : index
    %swap3A_54 = arith.constant 0 : index
    %swap3A_55 = vector.load %arg2[%swap3A, %swap3A_54] : memref<1x1xf32, #tpu.memory_space<vmem>>, vector<1x1xf32>
    tpu.vector_store %arg2[%swap3A, %swap3A_54], %broadcast_in_dim3A_53 {strides = array<i32>} : memref<1x1xf32, #tpu.memory_space<vmem>>, vector<1x1xf32>,
    return
  }
}

</mosaic_0001>

<sc_bundles>
// kernel: kernel.4.cloned.1.call-start
scs
__scs_entry_jumppad:
0x0: {  	(pc) =	sbr.rel $0x88, $3  }
0x1: {  	(tag) =	ssettag $0x0;
	lr =	simm.s32 $0x1  }
0x2: {  	[smem:$0x3F9B] =	sst lr;
	_ =	strace $0xD0000000  }
0x3: {  	_ = 	snop  }
0x4: {  	_ = 	snop  }
0x5: {  	_ = 	snop  }
0x6: {  	_ = 	snop  }
0x7: {  	_ = 	snop  }
__scs_overlays_trampoline_lowered:
0x8: {  	[smem:$0x3FAA] =	sst s0  }
0x9: {  	[smem:$0x3FAB] =	sst s1  }
0xa: {  	[smem:$0x3FAC] =	sst s2  }
0xb: {  	[smem:$0x3FAD] =	sst s3  }
0xc: {  	[smem:$0x3FAE] =	sst s4  }
0xd: {  	[smem:$0x3FAF] =	sst s5  }
0xe: {  	[smem:$0x3FB0] =	sst s6  }
0xf: {  	[smem:$0x3FB1] =	sst s7  }
0x10: {  	[smem:$0x3FB2] =	sst s8  }
0x11: {  	[smem:$0x3FB3] =	sst s9;
	s0 =	simm.s32 @!p0 $0x0  }
0x12: {  	s1 =	sld [smem:$0x3F99];
	s0 =	simm.s32 @p0 $0x1  }
0x13: {  	[smem:$0x3FB4] =	sst s0;
	s0 =	simm.s32 @!p1 $0x0  }
0x14: {  	s2 =	sld [smem:$0x3F98];
	s0 =	simm.s32 @p1 $0x1  }
0x15: {  	[smem:$0x3FB5] =	sst s0;
	s0 =	simm.s32 @!p2 $0x0  }
0x16: {  	s3 =	sld [smem:$0x3FDB];
	s0 =	simm.s32 @p2 $0x1  }
0x17: {  	s4 =	simm.s32 $0x1BF5;
	[smem:$0x3FB7] =	sst s0  }
0x18: {  	s0 =	sld [smem:$0x3F9A];
	_ =	swait.ge [sflag:s4], $0x0  }
0x19: {  	s7 =	sld [smem:$0x3F9B]  }
0x1a: {  	s8 =	sadd.s32 $0xFFFFE003, lr  }
0x1b: {  	s9 =	sadd.s32 $0xFFFFFEF7, lr;
	s5 =	simm.s32 $0xFFFFFFFF;
	p2 =	slt.u32 s8, $0xFFFFF086  }
0x1c: {  	p1 =	slt.u32 s9, $0xF7A;
	s5 =	simm.s32 @!p2 $0x0  }
0x1d: {  	s5 =	simm.s32 @p1 $0x1;
	p0 =	seq.s32 s7, s2  }
0x1e: {  	s7 =	smul.u32 @!p0 $0xF7A, s2;
	p2 =	seq.s32 @!p0 s5, $0x0  }
0x1f: {  	s9 =	smul.u32 $0xF7A, s1;
	s8 =	simm.s32 @!p0 $0x1BF5;
	p2 =	por !p2, p0  }
0x20: {  	[sflag:s8] =	ssyncset.s32 @!p0 $0xFFFFF086;
	s6 =	sadd.s32 @!p0 s3, s7;
	s7 =	simm.s32 @!p0 $0x108  }
0x21: {  	s3 =	sadd.s32 s3, s9;
	s6 =	sadd.s32 @!p0 $0x88, s6;
	s7 =	simm.s32 @p2 $0x1082  }
0x22: {  	[simem:s7], [sflag:s8] =	dma.local @!p0 [hbm:s6], $0xF7A  }
0x23: {  	s9 =	sor.u32 $0xD0000000, s2;
	s6 =	simm.s32 $0x108;
	_ =	swait.ge @!p0 [sflag:s8], $0x0  }
0x24: {  	s3 =	sadd.s32 $0x88, s3;
	s6 =	simm.s32 @!p1 $0x1082;
	[sflag:s4] =	ssyncset.s32 $0xFFFFF086  }
0x25: {  	[simem:s6], [sflag:s4] =	dma.local [hbm:s3], $0xF7A  }
0x26: {  	[smem:$0x3F9B] =	sst s1;
	(tag) =	ssettag s2;
	_ =	strace s9  }
0x27: {  	s1 =	sld [smem:$0x3FAB]  }
0x28: {  	s2 =	sld [smem:$0x3FAC]  }
0x29: {  	s4 =	sld [smem:$0x3FAE]  }
0x2a: {  	p0 =	seq.s32 s5, $0x0;
	s5 =	sld [smem:$0x3FAF]  }
0x2b: {  	s6 =	sld [smem:$0x3FB0]  }
0x2c: {  	s7 =	sld [smem:$0x3FB1]  }
0x2d: {  	s3 =	simm.s32 $0x108;
	s8 =	sld [smem:$0x3FB2]  }
0x2e: {  	s3 =	simm.s32 @!p0 $0x1082;
	s9 =	sld [smem:$0x3FB3]  }
0x2f: {  	lr =	sadd.s32 s0, s3;
	s0 =	sld [smem:$0x3FAA]  }
0x30: {  	s3 =	sld [smem:$0x3FAD]  }
0x31: {  	[smem:$0x3FB6] =	sst s10  }
0x32: {  	s10 =	sld [smem:$0x3FB4];
	_ =	sdelay $0x3  }
0x33: {  	p0 =	seq.s32 s10, $0x1;
	s10 =	sld [smem:$0x3FB6];
	_ =	sdelay $0x3  }
0x34: {  	[smem:$0x3FB6] =	sst s10  }
0x35: {  	s10 =	sld [smem:$0x3FB5];
	_ =	sdelay $0x3  }
0x36: {  	p1 =	seq.s32 s10, $0x1;
	s10 =	sld [smem:$0x3FB6];
	_ =	sdelay $0x3  }
0x37: {  	[smem:$0x3FB6] =	sst s10  }
0x38: {  	s10 =	sld [smem:$0x3FB7]  }
0x39: {  	_ = 	snop;
	(pc) =	sbr.ind lr, $3  }
0x3a: {  	_ = 	snop  }
0x3b: {  	_ = 	snop  }
0x3c: {  	p2 =	seq.s32 s10, $0x1;
	s10 =	sld [smem:$0x3FB6]  }
0x3d: {  	_ =	shalt  }
0x3e: {  	_ =	shalt  }
0x3f: {  	_ =	shalt  }
0x40: {  	_ =	shalt  }
0x41: {  	_ =	shalt  }
0x42: {  	_ =	shalt  }
0x43: {  	_ =	shalt  }
0x44: {  	_ =	shalt  }
0x45: {  	_ =	shalt  }
0x46: {  	_ =	shalt  }
0x47: {  	_ =	shalt  }
0x48: {  	_ =	shalt  }
0x49: {  	_ =	shalt  }
0x4a: {  	_ =	shalt  }
0x4b: {  	_ =	shalt  }
0x4c: {  	_ =	shalt  }
0x4d: {  	_ =	shalt  }
0x4e: {  	_ =	shalt  }
0x4f: {  	_ =	shalt  }
0x50: {  	_ =	shalt  }
0x51: {  	_ =	shalt  }
0x52: {  	_ =	shalt  }
0x53: {  	_ =	shalt  }
0x54: {  	_ =	shalt  }
0x55: {  	_ =	shalt  }
0x56: {  	_ =	shalt  }
0x57: {  	_ =	shalt  }
0x58: {  	_ =	shalt  }
0x59: {  	_ =	shalt  }
0x5a: {  	_ =	shalt  }
0x5b: {  	_ =	shalt  }
0x5c: {  	_ =	shalt  }
0x5d: {  	_ =	shalt  }
0x5e: {  	_ =	shalt  }
0x5f: {  	_ =	shalt  }
0x60: {  	_ =	shalt  }
0x61: {  	_ =	shalt  }
0x62: {  	_ =	shalt  }
0x63: {  	_ =	shalt  }
0x64: {  	_ =	shalt  }
0x65: {  	_ =	shalt  }
0x66: {  	_ =	shalt  }
0x67: {  	_ =	shalt  }
0x68: {  	_ =	shalt  }
0x69: {  	_ =	shalt  }
0x6a: {  	_ =	shalt  }
0x6b: {  	_ =	shalt  }
0x6c: {  	_ =	shalt  }
0x6d: {  	_ =	shalt  }
0x6e: {  	_ =	shalt  }
0x6f: {  	_ =	shalt  }
0x70: {  	_ =	shalt  }
0x71: {  	_ =	shalt  }
0x72: {  	_ =	shalt  }
0x73: {  	_ =	shalt  }
0x74: {  	_ =	shalt  }
0x75: {  	_ =	shalt  }
0x76: {  	_ =	shalt  }
0x77: {  	_ =	shalt  }
0x78: {  	_ =	shalt  }
0x79: {  	_ =	shalt  }
0x7a: {  	_ =	shalt  }
0x7b: {  	_ =	shalt  }
0x7c: {  	_ =	shalt  }
0x7d: {  	_ =	shalt  }
0x7e: {  	_ =	shalt  }
0x7f: {  	_ =	shalt  }
0x80: {  	_ =	shalt  }
0x81: {  	_ =	shalt  }
0x82: {  	_ =	shalt  }
0x83: {  	_ =	shalt  }
0x84: {  	_ =	shalt  }
0x85: {  	_ =	shalt  }
0x86: {  	_ =	shalt  }
0x87: {  	_ =	shalt  }
.Lfunc_end0:
.L_simem_size_0:
called_computation_lowered:
.L_overlay_start_0:
0x88: {  	s2 =	sld [smem:$0x3FD9]  }
0x89: {  	s3 =	sld [smem:$0x3FFE];
	_ =	sdelay $0x1  }
0x8a: {  	s1 =	srdreg.scid  }
0x8b: {  	s0 =	sand.u32 $0x1, s1  }
0x8c: {  	s17 =	sshll.u32 s0, $0xA;
	s2 =	sadd.s32 s3, s2  }
0x8d: {  	s2 =	sadd.s32 s2, s17  }
0x8e: {  	[smem:$0x3FC2] =	sst s2  }
0x8f: {  	_ = 	snop  }
0x90: {  	s2 =	sld [smem:$0x3FC9]  }
0x91: {  	s18 =	sld [smem:$0x3FC8]  }
0x92: {  	s4 =	sld [smem:$0x3FC7]  }
0x93: {  	s5 =	sld [smem:$0x3FC6]  }
0x94: {  	s6 =	sld [smem:$0x3FC5]  }
0x95: {  	s7 =	sld [smem:$0x3FC4];
	(tm) =	ssettm $0x1  }
0x96: {  	s8 =	sld [smem:$0x3FFB];
	_ =	sdelay $0x3  }
0x97: {  	_ =	strace s8  }
0x98: {  	s8 =	sld [smem:$0x3FFC];
	_ =	sdelay $0x3  }
0x99: {  	_ =	strace s8  }
0x9a: {  	s8 =	sld [smem:$0x3FFD];
	_ =	sdelay $0x3  }
0x9b: {  	_ =	strace s8  }
0x9c: {  	_ =	strace $0x8FFFFFFF  }
0x9d: {  	s19 =	sld [smem:$0x3FDB];
	_ =	sdelay $0x1  }
0x9e: {  	s9 =	simm.s32 $_scs_section_size  }
0x9f: {  	s10 =	simm.s32 $_size__tile_overlayer_lowered;
	s11 =	simm.s32 $_tile_overlayer_lowered  }
0xa0: {  	s22 =	simm.s32 $0x1BFF;
	s21 =	sshll.u32 s11, $0x1;
	s8 =	sadd.s32 s9, s19  }
0xa1: {  	s12 =	simm.s32 $0x0;
	s20 =	sshll.u32 s10, $0x1;
	s10 =	sadd.s32 s21, s8  }
0xa2: {  	[timem:s12], [sflag:s22] =	dma.local [hbm:s10], s20  }
0xa3: {  	_ =	swait.ge [sflag:s22], s20  }
0xa4: {  	s9 =	ssub.s32 $0x0, s20;
	[sflag:s22] =	ssyncset.done $0x0  }
0xa5: {  	[sflag:s22] =	ssyncadd.s32 s9;
	_ =	sdelay $0x1  }
0xa6: {  	s23 =	simm.s32 $0x1B8B  }
0xa7: {  	_ =	swait.ge [sflag:s23], $0x1  }
0xa8: {  	[sflag:s23] =	ssyncset.done $0x0  }
0xa9: {  	s25 =	simm.s32 $0x1B8E;
	s24 =	sld [smem:$0x3FFE];
	[sflag:s23] =	ssyncadd.s32 $0xFFFFFFFF  }
0xaa: {  	s26 =	simm.s32 $execute0_lowered;
	[smem:$0x3FD2] =	sst s25  }
0xab: {  	s10 =	sshll.u32 s26, $0x1;
	_ =	strace $0x80000046;
	[dreg:$0x1] =	wrdreg $0xFFFFFFFF  }
0xac: {  	s28 =	simm.s32 $_size_execute0_lowered;
	s8 =	sadd.s32 s8, s10;
	[dreg:$0x0] =	wrdreg $0x0  }
0xad: {  	s10 =	sshll.u32 s28, $0x1;
	[dreg:$0x2] =	wrdreg s8  }
0xae: {  	[dreg:$0x3] =	wrdreg s10  }
0xaf: {  	[dreg:$0x4] =	wrdreg $0xC0  }
0xb0: {  	_ =	task [dreg:s12], $0x5FFFF  }
0xb1: {  	[dreg:$0x1] =	wrdreg $0xFFFFFFFF  }
0xb2: {  	[dreg:$0x0] =	wrdreg $0x60  }
0xb3: {  	[dreg:$0x2] =	wrdreg s2  }
0xb4: {  	[dreg:$0x3] =	wrdreg s18  }
0xb5: {  	[dreg:$0x4] =	wrdreg s4  }
0xb6: {  	[dreg:$0x5] =	wrdreg s5  }
0xb7: {  	[dreg:$0x6] =	wrdreg s6  }
0xb8: {  	[dreg:$0x7] =	wrdreg s7  }
0xb9: {  	[dreg:$0x8] =	wrdreg s24  }
0xba: {  	[dreg:$0x9] =	wrdreg $0x9  }
0xbb: {  	_ =	task.clear_ibuf [dreg:s12], $0xAFFFF;
	_ =	strace $0x90000046  }
0xbc: {  	s29 =	simm.s32 $0x9;
	_ =	strace $0x80000048  }
0xbd: {  	_ =	swait.ge [sflag:s29], $0x1  }
0xbe: {  	[sflag:s29] =	ssyncadd.s32 $0xFFFFFFFF  }
0xbf: {  	_ =	strace $0x90000048  }
0xc0: {  	_ =	sfence  }
0xc1: {  	s30 =	sld [smem:$0x0];
	_ =	sdelay $0x2  }
0xc2: {  	s31 =	sshll.u32 s1, $0xD;
	s1 =	sshrl.u32 s1, $0x2  }
0xc3: {  	s3 =	sand.u32 $0x4000, s31;
	s1 =	sadd.s32 s1, s30  }
0xc4: {  	s0 =	sor.u32 s3, s0;
	s1 =	sshll.u32 s1, $0x11  }
0xc5: {  	s0 =	sor.u32 s1, s0  }
0xc6: {  	s0 =	sadd.s32 $0x8F2B, s0  }
0xc7: {  	[sflag:s0] =	ssyncadd.remote.s32 $0x1  }
0xc8: {  	_ =	sfence.sel $0xFFFF  }
0xc9: {  	[dreg:$0x0] =	wrdreg $0xFFFFFFFF;
	(pc) =	sbr.abs _section_cstart, $3  }
0xca: {  	[dreg:$0x1] =	wrdreg $0xFFFFFFFF  }
0xcb: {  	_ =	task.clear_ibuf [dreg:s12], $0x2FFFF;
	_ =	strace $0x9FFFFFFF  }
0xcc: {  	(tm) =	ssettm $0x7FFFFFFF  }
0xcd: {  	_ =	shalt  }
tec
execute0_lowered:
.L_overlay_start_1:
0x0: {  	(tag) =	ssettag $0x1  }
0x1: {  	s0 =	rddreg [dreg:$0x0]  }
0x2: {  	s2 =	rddreg [dreg:$0x1]  }
0x3: {  	s4 =	rddreg [dreg:$0x2]  }
0x4: {  	s5 =	rddreg [dreg:$0x3]  }
0x5: {  	s3 =	srdreg.scid;
	s1 =	rddreg [dreg:$0x4]  }
0x6: {  	s7 =	stileid.u32;
	s8 =	rddreg [dreg:$0x6];
	s28 =	simm.s32 $0x80  }
0x7: {  	s29 =	simm.s32 $0x1;
	s6 =	sand.u32 $0x1, s3;
	s7 =	sshll.u32 s7, $0x1  }
0x8: {  	s31 =	simm.s32 $0x8800;
	s30 =	simm.s32 $0x4800;
	s7 =	sor.u32 s6, s7  }
0x9: {  	s3 =	rddreg [dreg:$0x5];
	s6 =	ssub.s32 $0x2, s6;
	s9 =	sshll.u32 s7, $0xA  }
0xa: {  	s10 =	sshll.u32 s7, $0x4;
	s7 =	sshll.u32 s7, $0x6;
	s13 =	sshrl.u32 s6, $0x1  }
0xb: {  	s9 =	sadd.s32 s9, s8;
	s8 =	sadd.s32 s10, s8;
	s11 =	sor.u32 $0x8, s7  }
0xc: {  	s6 =	ssub.s32 s6, s13;
	s14 =	sadd.s32 s0, s7;
	s17 =	sor.u32 $0x10, s7  }
0xd: {  	s18 =	sor.u32 $0x18, s7;
	s21 =	sor.u32 $0x20, s7;
	s22 =	sor.u32 $0x28, s7  }
0xe: {  	s25 =	sor.u32 $0x30, s7;
	[dreg:$0x8] =	wrdreg s14;
	s15 =	sadd.s32 s0, s11  }
0xf: {  	s26 =	sor.u32 $0x38, s7;
	s16 =	sadd.s32 s2, s11;
	[dreg:$0x9] =	wrdreg s15  }
0x10: {  	s12 =	sadd.s32 s0, s17;
	s10 =	sadd.s32 s2, s17;
	[dreg:$0xa] =	wrdreg s16  }
0x11: {  	s19 =	sadd.s32 s0, s18;
	s20 =	sadd.s32 s2, s18;
	[dreg:$0xb] =	wrdreg s12  }
0x12: {  	s23 =	sadd.s32 s0, s21;
	s24 =	sadd.s32 s0, s22;
	[dreg:$0xc] =	wrdreg s10  }
0x13: {  	s14 =	sadd.s32 s2, s22;
	s17 =	sadd.s32 s0, s26;
	[dreg:$0xd] =	wrdreg s19  }
0x14: {  	s18 =	sadd.s32 s2, s26;
	s22 =	sadd.s32 s5, s7;
	[dreg:$0xe] =	wrdreg s20  }
0x15: {  	s26 =	simm.s32 $0x40;
	s5 =	simm.s32 $0x3;
	[dreg:$0xf] =	wrdreg s23  }
0x16: {  	s10 =	sadd.s32 s2, s21;
	[dreg:$0x11] =	wrdreg s24;
	s15 =	sadd.s32 s0, s25  }
0x17: {  	s16 =	sadd.s32 s2, s25;
	s19 =	sadd.s32 s2, s7;
	s20 =	simm.s32 $0x0  }
0x18: {  	s21 =	sadd.s32 s4, s7;
	s23 =	sadd.s32 $0xC00, s9;
	s24 =	sadd.s32 $0x8C00, s8  }
0x19: {  	s25 =	smax.u32 s6, $0x1;
	s0 =	simm.s32 $0x800;
	[dreg:$0x10] =	wrdreg s10  }
0x1a: {  	s2 =	simm.s32 $0xA800;
	s4 =	simm.s32 $0x2;
	[smem:$0x7FF] =	sst s20  }
0x1b: {  	s6 =	simm.s32 $0x4;
	s7 =	simm.s32 $0x0;
	_ =	strace $0x80000047  }
.LBB2_1:
0x1c: {  	s8 =	rddreg [dreg:$0x8]  }
0x1d: {  	[tilespmem:s20], [sflag:$0x1] =	stream.linear.gather [hbm4b:s8+s20], $0x40, $0x38;
	[tilespmem:$0xE880] =	vst v63  }
0x1e: {  	_ = 	snop  }
0x1f: {  	[tilespmem:s26], [sflag:$0x1] =	stream.linear.gather [hbm4b:s19+s20], $0x40, $0x38;
	[tilespmem:$0xE880] =	vst v63  }
0x20: {  	s12 =	rddreg [dreg:$0x9]  }
0x21: {  	[tilespmem:s28], [sflag:$0x1] =	stream.linear.gather [hbm4b:s12+s20], $0x40, $0x38;
	[tilespmem:$0xE880] =	vst v63  }
0x22: {  	s13 =	rddreg [dreg:$0xa];
	s9 =	simm.s32 $0xC0  }
0x23: {  	[tilespmem:s9], [sflag:$0x1] =	stream.linear.gather [hbm4b:s13+s20], $0x40, $0x38;
	[tilespmem:$0xE880] =	vst v63  }
0x24: {  	s10 =	rddreg [dreg:$0xb];
	s11 =	simm.s32 $0x100  }
0x25: {  	[tilespmem:s11], [sflag:$0x1] =	stream.linear.gather [hbm4b:s10+s20], $0x40, $0x38;
	[tilespmem:$0xE880] =	vst v63  }
0x26: {  	s12 =	rddreg [dreg:$0xc];
	s13 =	simm.s32 $0x140  }
0x27: {  	[tilespmem:s13], [sflag:$0x1] =	stream.linear.gather [hbm4b:s12+s20], $0x40, $0x38;
	[tilespmem:$0xE880] =	vst v63  }
0x28: {  	s10 =	rddreg [dreg:$0xd];
	s11 =	simm.s32 $0x180  }
0x29: {  	[tilespmem:s11], [sflag:$0x1] =	stream.linear.gather [hbm4b:s10+s20], $0x40, $0x38;
	[tilespmem:$0xE880] =	vst v63  }
0x2a: {  	s12 =	rddreg [dreg:$0xe];
	s13 =	simm.s32 $0x1C0  }
0x2b: {  	[tilespmem:s13], [sflag:$0x1] =	stream.linear.gather [hbm4b:s12+s20], $0x40, $0x38;
	[tilespmem:$0xE880] =	vst v63  }
0x2c: {  	s10 =	rddreg [dreg:$0xf];
	s11 =	simm.s32 $0x200  }
0x2d: {  	[tilespmem:s11], [sflag:$0x1] =	stream.linear.gather [hbm4b:s10+s20], $0x40, $0x38;
	[tilespmem:$0xE880] =	vst v63  }
0x2e: {  	s12 =	rddreg [dreg:$0x10];
	s13 =	simm.s32 $0x240  }
0x2f: {  	[tilespmem:s13], [sflag:$0x1] =	stream.linear.gather [hbm4b:s12+s20], $0x40, $0x38;
	[tilespmem:$0xE880] =	vst v63  }
0x30: {  	s10 =	rddreg [dreg:$0x11];
	s11 =	simm.s32 $0x280  }
0x31: {  	[tilespmem:s11], [sflag:$0x1] =	stream.linear.gather [hbm4b:s10+s20], $0x40, $0x38;
	[tilespmem:$0xE880] =	vst v63  }
0x32: {  	s12 =	simm.s32 $0x2C0  }
0x33: {  	[tilespmem:s12], [sflag:$0x1] =	stream.linear.gather [hbm4b:s14+s20], $0x40, $0x38;
	[tilespmem:$0xE880] =	vst v63  }
0x34: {  	s13 =	simm.s32 $0x300  }
0x35: {  	[tilespmem:s13], [sflag:$0x1] =	stream.linear.gather [hbm4b:s15+s20], $0x40, $0x38;
	[tilespmem:$0xE880] =	vst v63  }
0x36: {  	s9 =	simm.s32 $0x340  }
0x37: {  	[tilespmem:s9], [sflag:$0x1] =	stream.linear.gather [hbm4b:s16+s20], $0x40, $0x38;
	[tilespmem:$0xE880] =	vst v63  }
0x38: {  	s10 =	simm.s32 $0x380  }
0x39: {  	[tilespmem:s10], [sflag:$0x1] =	stream.linear.gather [hbm4b:s17+s20], $0x40, $0x38;
	[tilespmem:$0xE880] =	vst v63  }
0x3a: {  	s11 =	simm.s32 $0x3C0  }
0x3b: {  	[tilespmem:s11], [sflag:$0x1] =	stream.linear.gather [hbm4b:s18+s20], $0x40, $0x38;
	[tilespmem:$0xE880] =	vst v63  }
0x3c: {  	s12 =	simm.s32 $0x400  }
0x3d: {  	[tilespmem:s12], [sflag:$0x1] =	stream.linear.gather [hbm4b:s21+s20], $0x200, $0x38;
	[tilespmem:$0xE880] =	vst v63  }
0x3e: {  	s13 =	simm.s32 $0x600  }
0x3f: {  	[tilespmem:s13], [sflag:$0x1] =	stream.linear.gather [hbm4b:s22+s20], $0x200, $0x38;
	[tilespmem:$0xE880] =	vst v63  }
0x40: {  	_ =	swait.ge [sflag:s29], $0x40  }
0x41: {  	[sflag:s29] =	ssyncset.done $0x0  }
0x42: {  	[sflag:s29] =	ssyncadd.s32 $0xFFFFFFC0  }
0x43: {  	_ =	swait.ge [sflag:s29], $0x40  }
0x44: {  	[sflag:s29] =	ssyncset.done $0x0  }
0x45: {  	[sflag:s29] =	ssyncadd.s32 $0xFFFFFFC0  }
0x46: {  	_ =	swait.ge [sflag:s29], $0x40  }
0x47: {  	[sflag:s29] =	ssyncset.done $0x0  }
0x48: {  	[sflag:s29] =	ssyncadd.s32 $0xFFFFFFC0  }
0x49: {  	_ =	swait.ge [sflag:s29], $0x40  }
0x4a: {  	[sflag:s29] =	ssyncset.done $0x0  }
0x4b: {  	[sflag:s29] =	ssyncadd.s32 $0xFFFFFFC0  }
0x4c: {  	_ =	swait.ge [sflag:s29], $0x40  }
0x4d: {  	[sflag:s29] =	ssyncset.done $0x0  }
0x4e: {  	[sflag:s29] =	ssyncadd.s32 $0xFFFFFFC0  }
0x4f: {  	_ =	swait.ge [sflag:s29], $0x40  }
0x50: {  	[sflag:s29] =	ssyncset.done $0x0  }
0x51: {  	[sflag:s29] =	ssyncadd.s32 $0xFFFFFFC0  }
0x52: {  	_ =	swait.ge [sflag:s29], $0x40  }
0x53: {  	[sflag:s29] =	ssyncset.done $0x0  }
0x54: {  	[sflag:s29] =	ssyncadd.s32 $0xFFFFFFC0  }
0x55: {  	_ =	swait.ge [sflag:s29], $0x40  }
0x56: {  	[sflag:s29] =	ssyncset.done $0x0  }
0x57: {  	[sflag:s29] =	ssyncadd.s32 $0xFFFFFFC0  }
0x58: {  	_ =	swait.ge [sflag:s29], $0x40  }
0x59: {  	[sflag:s29] =	ssyncset.done $0x0  }
0x5a: {  	[sflag:s29] =	ssyncadd.s32 $0xFFFFFFC0  }
0x5b: {  	_ =	swait.ge [sflag:s29], $0x40  }
0x5c: {  	[sflag:s29] =	ssyncset.done $0x0  }
0x5d: {  	[sflag:s29] =	ssyncadd.s32 $0xFFFFFFC0  }
0x5e: {  	_ =	swait.ge [sflag:s29], $0x40  }
0x5f: {  	[sflag:s29] =	ssyncset.done $0x0  }
0x60: {  	[sflag:s29] =	ssyncadd.s32 $0xFFFFFFC0  }
0x61: {  	_ =	swait.ge [sflag:s29], $0x40  }
0x62: {  	[sflag:s29] =	ssyncset.done $0x0  }
0x63: {  	[sflag:s29] =	ssyncadd.s32 $0xFFFFFFC0  }
0x64: {  	_ =	swait.ge [sflag:s29], $0x40  }
0x65: {  	[sflag:s29] =	ssyncset.done $0x0  }
0x66: {  	[sflag:s29] =	ssyncadd.s32 $0xFFFFFFC0  }
0x67: {  	_ =	swait.ge [sflag:s29], $0x40  }
0x68: {  	[sflag:s29] =	ssyncset.done $0x0  }
0x69: {  	[sflag:s29] =	ssyncadd.s32 $0xFFFFFFC0  }
0x6a: {  	_ =	swait.ge [sflag:s29], $0x40  }
0x6b: {  	[sflag:s29] =	ssyncset.done $0x0  }
0x6c: {  	[sflag:s29] =	ssyncadd.s32 $0xFFFFFFC0  }
0x6d: {  	_ =	swait.ge [sflag:s29], $0x40  }
0x6e: {  	[sflag:s29] =	ssyncset.done $0x0  }
0x6f: {  	[sflag:s29] =	ssyncadd.s32 $0xFFFFFFC0  }
0x70: {  	_ =	swait.ge [sflag:s29], $0x200  }
0x71: {  	[sflag:s29] =	ssyncset.done $0x0  }
0x72: {  	[sflag:s29] =	ssyncadd.s32 $0xFFFFFE00  }
0x73: {  	_ =	swait.ge [sflag:s29], $0x200  }
0x74: {  	[sflag:s29] =	ssyncset.done $0x0  }
0x75: {  	[sflag:s29] =	ssyncadd.s32 $0xFFFFFE00  }
0x76: {  	[tilespmem:s0], [sflag:$0x2] =	stream.indirect.gather [hbm4b:s1+s28], $0x80, s20, s28, $0xb8;
	[tilespmem:$0xE880] =	vst v63  }
0x77: {  	_ = 	snop  }
0x78: {  	[tilespmem:s31], [sflag:$0x2] =	stream.indirect.gather [hbm4b:s3+s26], $0x80, s12, s26, $0xb8;
	[tilespmem:$0xE880] =	vst v63  }
0x79: {  	_ = 	snop  }
0x7a: {  	[tilespmem:s30], [sflag:$0x3] =	stream.indirect.gather [hbm4b:s1+s28], $0x80, s28, s28, $0xb8;
	[tilespmem:$0xE880] =	vst v63  }
0x7b: {  	s10 =	simm.s32 $0x440  }
0x7c: {  	[tilespmem:s2], [sflag:$0x3] =	stream.indirect.gather [hbm4b:s3+s26], $0x80, s10, s26, $0xb8;
	[tilespmem:$0xE880] =	vst v63  }
0x7d: {  	_ =	swait.ge [sflag:s4], $0x4000  }
0x7e: {  	[sflag:s4] =	ssyncset.done $0x0  }
0x7f: {  	[sflag:s4] =	ssyncadd.s32 $0xFFFFC000  }
0x80: {  	_ =	swait.ge [sflag:s4], $0x2000  }
0x81: {  	[sflag:s4] =	ssyncset.done $0x0  }
0x82: {  	s11 =	simm.s32 $0x2800;
	[sflag:s4] =	ssyncadd.s32 $0xFFFFE000  }
0x83: {  	v0 =	vld [tilespmem:s11+$0x60]  }
0x84: {  	v1 =	vld [tilespmem:s11+$0x50]  }
0x85: {  	v2 =	vld [tilespmem:s11+$0x40]  }
0x86: {  	v3 =	vld [tilespmem:s11+$0x30]  }
0x87: {  	v4 =	vld [tilespmem:s11+$0x20]  }
0x88: {  	v5 =	vld [tilespmem:s11+$0x10]  }
0x89: {  	v6 =	vld [tilespmem:s11+$0x0]  }
0x8a: {  	s12 =	simm.s32 $0x8840;
	v7 =	vld [tilespmem:s11+$0xFFFFE000]  }
0x8b: {  	v8 =	vld [tilespmem:s12+$0xFFFFFFC0]  }
0x8c: {  	v9 =	vld [tilespmem:s11+$0xFFFFE010]  }
0x8d: {  	v10 =	vld [tilespmem:s12+$0xFFFFFFD0]  }
0x8e: {  	v11 =	vld [tilespmem:s11+$0xFFFFE020]  }
0x8f: {  	v12 =	vld [tilespmem:s12+$0xFFFFFFE0]  }
0x90: {  	v14 =	vld [tilespmem:s11+$0xFFFFE030]  }
0x91: {  	v15 =	vld [tilespmem:s12+$0xFFFFFFF0];
	v13 =	vmul.f32 v8, v7  }
0x92: {  	v17 =	vld [tilespmem:s11+$0xFFFFE040]  }
0x93: {  	v18 =	vld [tilespmem:s12+$0x0];
	v16 =	vmul.f32 v10, v9;
	v13 =	vmul.f32 v13, v6  }
0x94: {  	v20 =	vld [tilespmem:s11+$0xFFFFE050]  }
0x95: {  	v21 =	vld [tilespmem:s12+$0x10];
	v19 =	vmul.f32 v12, v11;
	v16 =	vmul.f32 v16, v5;
	v13 =	vadd.f32 $0.0e+00, v13  }
0x96: {  	s10 =	sand.u32 $0x30, s20;
	v22 =	vld [tilespmem:s11+$0xFFFFE060]  }
0x97: {  	v26 =	vld [tilespmem:s10+$0x600];
	v13 =	vadd.f32 v16, v13;
	v16 =	vmul.f32 v19, v4;
	v19 =	vmul.f32 v15, v14  }
0x98: {  	v23 =	vld [tilespmem:s12+$0x20]  }
0x99: {  	v24 =	vld [tilespmem:s11+$0xFFFFE070];
	v13 =	vadd.f32 v16, v13;
	v16 =	vmul.f32 v19, v3;
	v19 =	vmul.f32 v18, v17  }
0x9a: {  	v28 =	vmov s20;
	v25 =	vld [tilespmem:s12+$0x30]  }
0x9b: {  	v13 =	vadd.f32 v16, v13;
	v16 =	vmul.f32 v19, v2;
	v19 =	vmul.f32 v21, v20  }
0x9c: {  	v27 =	vld [tilespmem:s11+$0x70];
	v26 =	vperm.xlane v26, v28;
	v7 =	vmul.f32 v7, v7  }
0x9d: {  	v13 =	vadd.f32 v16, v13;
	v16 =	vmul.f32 v19, v1;
	v19 =	vmul.f32 v23, v22  }
0x9e: {  	v8 =	vmul.f32 v8, v8;
	v12 =	vmul.f32 v12, v12  }
0x9f: {  	v13 =	vadd.f32 v16, v13;
	v16 =	vmul.f32 v19, v0;
	v19 =	vmul.f32 v25, v24  }
0xa0: {  	v6 =	vmul.f32 v6, v6;
	v4 =	vmul.f32 v4, v4  }
0xa1: {  	v13 =	vadd.f32 v16, v13;
	v16 =	vmul.f32 v19, v27;
	v19 =	vmul.f32 v2, v2  }
0xa2: {  	v2 =	vmul.f32 v3, v3;
	v3 =	vmul.f32 v5, v5  }
0xa3: {  	v14 =	vmul.f32 v14, v14;
	v5 =	vadd.f32 v16, v13;
	v13 =	vimm.f32 $0.0e+00  }
0xa4: {  	v3 =	vadd.f32 v3, v13;
	v16 =	vadd.f32 v7, v13;
	v7 =	vmul.f32 v9, v9  }
0xa5: {  	v6 =	vadd.f32 v6, v13;
	v9 =	vmul.f32 v10, v10;
	v10 =	vsub.f32 $0.0e+00, v26  }
0xa6: {  	v1 =	vmul.f32 v1, v1;
	v8 =	vadd.f32 v8, v13;
	v7 =	vadd.f32 v7, v13  }
0xa7: {  	v9 =	vadd.f32 v9, v13;
	v13 =	vmul.f32 v15, v15;
	v5 =	vmul.f32 v5, v10  }
0xa8: {  	s13 =	sand.u32 $0x3F0, s20;
	v2 =	vadd.f32 v2, v3;
	v3 =	vadd.f32 v12, v8;
	v8 =	vmul.f32 v18, v18  }
0xa9: {  	s8 =	simm.s32 $0x2880;
	v10 =	vmul.f32 v20, v20;
	v12 =	vmul.f32 v23, v23;
	v7 =	vadd.f32 v14, v7;
	[tilespmem:s13+$0xC800] =	vst v5  }
0xaa: {  	v9 =	vadd.f32 v13, v9;
	v3 =	vadd.f32 v8, v3;
	v8 =	vmul.f32 v21, v21;
	v5 =	vld [tilespmem:s8+$0x60]  }
0xab: {  	v1 =	vadd.f32 v1, v2;
	v13 =	vld [tilespmem:s8+$0x30];
	v2 =	vadd.f32 v10, v7;
	v10 =	vmul.f32 v24, v24  }
0xac: {  	v11 =	vmul.f32 v11, v11;
	v7 =	vld [tilespmem:s8+$0x50];
	v8 =	vadd.f32 v8, v9;
	v3 =	vadd.f32 v12, v3  }
0xad: {  	v9 =	vld [tilespmem:s8+$0x40];
	v12 =	vadd.f32 v4, v6;
	v2 =	vadd.f32 v10, v2;
	v10 =	vmul.f32 v25, v25  }
0xae: {  	v15 =	vmul.f32 v17, v17;
	v11 =	vadd.f32 v11, v16;
	v14 =	vmul.f32 v27, v27;
	v6 =	vld [tilespmem:s8+$0x20]  }
0xaf: {  	v0 =	vmul.f32 v0, v0;
	v4 =	vadd.f32 v10, v8;
	v8 =	vadd.f32 v19, v12;
	v12 =	vld [tilespmem:s8+$0x10]  }
0xb0: {  	v10 =	vadd.f32 v14, v1;
	v1 =	vmul.f32 v22, v22;
	v14 =	vadd.f32 v15, v11;
	v15 =	vld [tilespmem:s8+$0x0]  }
0xb1: {  	s11 =	simm.s32 $0x88C0;
	v17 =	vld [tilespmem:s8+$0xFFFFE000];
	v16 =	vmul.f32 v13, v13;
	v11 =	vadd.f32 v0, v8;
	v0 =	vmul.f32 v5, v5  }
0xb2: {  	s9 =	simm.s32 $0x0;
	s10 =	simm.s32 $0x1;
	s12 =	simm.s32 $0x2;
	v18 =	vld [tilespmem:s11+$0xFFFFFFC0];
	v8 =	vmul.f32 v7, v7;
	v14 =	vadd.f32 v1, v14;
	v1 =	vmul.f32 v9, v9  }
.LBB2_2:
0xb3: {  	p0 =	sne.s32 s12, $0x3F;
	v19 =	vld [tilespmem:s8+$0xFFFFE010];
	v20 =	vmul.f32 v6, v6  }
0xb4: {  	v21 =	vld [tilespmem:s11+$0xFFFFFFD0];
	v22 =	vmul.f32 v12, v12  }
0xb5: {  	v23 =	vmul.f32 v15, v15;
	v24 =	vld [tilespmem:s8+$0xFFFFE020]  }
0xb6: {  	v25 =	vmov s10;
	v26 =	vmul.f32 v17, v17;
	v10 =	vadd.f32 v22, v10;
	v22 =	vld [tilespmem:s11+$0xFFFFFFE0]  }
0xb7: {  	v17 =	vmul.f32 v18, v17;
	v11 =	vadd.f32 v23, v11;
	v18 =	vmul.f32 v18, v18;
	v23 =	vld [tilespmem:s8+$0xFFFFE030]  }
0xb8: {  	v14 =	vadd.f32 v26, v14;
	v26 =	vmul.f32 v19, v19;
	v27 =	vld [tilespmem:s11+$0xFFFFFFF0];
	v10 =	vadd.f32 v16, v10  }
0xb9: {  	v15 =	vmul.f32 v17, v15;
	v3 =	vadd.f32 v18, v3;
	v16 =	vmul.f32 v21, v19;
	v17 =	vld [tilespmem:s8+$0xFFFFE040]  }
0xba: {  	v18 =	vmul.f32 v21, v21;
	v2 =	vadd.f32 v26, v2;
	v19 =	vld [tilespmem:s11+$0x0];
	v8 =	vadd.f32 v8, v10  }
0xbb: {  	v10 =	vadd.f32 $0.0e+00, v15;
	v12 =	vmul.f32 v16, v12;
	v15 =	vmul.f32 v22, v24;
	v16 =	vld [tilespmem:s8+$0xFFFFE050]  }
0xbc: {  	v4 =	vadd.f32 v18, v4;
	v18 =	vmul.f32 v22, v22;
	v21 =	vmul.f32 v23, v23;
	v22 =	vld [tilespmem:s11+$0x10]  }
0xbd: {  	v10 =	vadd.f32 v12, v10;
	v6 =	vmul.f32 v15, v6;
	v12 =	vmul.f32 v27, v23;
	v15 =	vld [tilespmem:s8+$0xFFFFE060]  }
0xbe: {  	v3 =	vadd.f32 v18, v3;
	v18 =	vmul.f32 v27, v27;
	v2 =	vadd.f32 v21, v2;
	v21 =	vld [tilespmem:s11+$0x20]  }
0xbf: {  	v6 =	vadd.f32 v6, v10;
	v10 =	vmul.f32 v12, v13;
	v12 =	vmul.f32 v19, v17;
	v13 =	vld [tilespmem:s8+$0xFFFFE070]  }
0xc0: {  	s13 =	sand.u32 $0x30, s10;
	s10 =	smov.u32 s12;
	v4 =	vadd.f32 v18, v4;
	v18 =	vmul.f32 v19, v19;
	v19 =	vmul.f32 v16, v16;
	v23 =	vld [tilespmem:s11+$0x30]  }
0xc1: {  	v26 =	vld [tilespmem:s13+$0x600];
	v6 =	vadd.f32 v10, v6;
	v9 =	vmul.f32 v12, v9;
	v10 =	vmul.f32 v22, v16  }
0xc2: {  	v3 =	vadd.f32 v18, v3;
	v12 =	vmul.f32 v22, v22;
	v2 =	vadd.f32 v19, v2;
	v16 =	vld [tilespmem:s8+$0x70]  }
0xc3: {  	v6 =	vadd.f32 v9, v6;
	v7 =	vmul.f32 v10, v7;
	v9 =	vmul.f32 v21, v15  }
0xc4: {  	v4 =	vadd.f32 v12, v4;
	v10 =	vmul.f32 v21, v21;
	v12 =	vmul.f32 v13, v13  }
0xc5: {  	v6 =	vadd.f32 v7, v6;
	v5 =	vmul.f32 v9, v5;
	v7 =	vmul.f32 v23, v13  }
0xc6: {  	v3 =	vadd.f32 v10, v3;
	v9 =	vmul.f32 v23, v23;
	v2 =	vadd.f32 v12, v2  }
0xc7: {  	v10 =	vperm.xlane v26, v25;
	v5 =	vadd.f32 v5, v6;
	v6 =	vmul.f32 v7, v16  }
0xc8: {  	v7 =	vadd.f32 v20, v11;
	v11 =	vmul.f32 v16, v16;
	v4 =	vadd.f32 v9, v4  }
0xc9: {  	v12 =	vmul.f32 v24, v24;
	v9 =	vsub.f32 $0.0e+00, v10;
	v5 =	vadd.f32 v6, v5  }
0xca: {  	v6 =	vmul.f32 v17, v17;
	v1 =	vadd.f32 v1, v7;
	v10 =	vadd.f32 v11, v8  }
0xcb: {  	s9 =	sadd.s32 $0x10, s9;
	v7 =	vadd.f32 v12, v14;
	v8 =	vmul.f32 v15, v15;
	v5 =	vmul.f32 v5, v9  }
0xcc: {  	s13 =	sand.u32 $0x3F0, s9;
	v11 =	vadd.f32 v0, v1  }
0xcd: {  	s8 =	sadd.s32 $0x80, s8;
	v0 =	vadd.f32 v6, v7;
	[tilespmem:s13+$0xC800] =	vst v5  }
0xce: {  	v5 =	vld [tilespmem:s8+$0x60]  }
0xcf: {  	v14 =	vadd.f32 v8, v0;
	v7 =	vld [tilespmem:s8+$0x50]  }
0xd0: {  	v9 =	vld [tilespmem:s8+$0x40]  }
0xd1: {  	v13 =	vld [tilespmem:s8+$0x30]  }
.Ltmp0:
0xd2: {  	v6 =	vld [tilespmem:s8+$0x20];
	(pc) =	sbr.rel @p0 .LBB2_2-.Ltmp0, $4  }
0xd3: {  	v12 =	vld [tilespmem:s8+$0x10];
	v0 =	vmul.f32 v5, v5  }
0xd4: {  	v15 =	vld [tilespmem:s8+$0x0];
	v8 =	vmul.f32 v7, v7  }
0xd5: {  	s11 =	sadd.s32 $0x80, s11;
	v17 =	vld [tilespmem:s8+$0xFFFFE000];
	v1 =	vmul.f32 v9, v9  }
0xd6: {  	s12 =	sadd.s32 $0x1, s12;
	v18 =	vld [tilespmem:s11+$0xFFFFFFC0];
	v16 =	vmul.f32 v13, v13  }
0xd7: {  	v19 =	vld [tilespmem:s8+$0xFFFFE010]  }
0xd8: {  	v20 =	vld [tilespmem:s11+$0xFFFFFFD0]  }
0xd9: {  	v21 =	vld [tilespmem:s8+$0xFFFFE020]  }
0xda: {  	v22 =	vld [tilespmem:s11+$0xFFFFFFE0]  }
0xdb: {  	v24 =	vld [tilespmem:s8+$0xFFFFE030];
	v23 =	vmul.f32 v18, v17  }
0xdc: {  	v25 =	vld [tilespmem:s11+$0xFFFFFFF0]  }
0xdd: {  	v27 =	vld [tilespmem:s8+$0xFFFFE040];
	v26 =	vmul.f32 v20, v19;
	v23 =	vmul.f32 v23, v15  }
0xde: {  	v28 =	vld [tilespmem:s11+$0x0]  }
0xdf: {  	v30 =	vld [tilespmem:s8+$0xFFFFE050];
	v29 =	vmul.f32 v22, v21;
	v26 =	vmul.f32 v26, v12;
	v23 =	vadd.f32 $0.0e+00, v23  }
0xe0: {  	v31 =	vld [tilespmem:s11+$0x10]  }
0xe1: {  	v32 =	vld [tilespmem:s8+$0xFFFFE060];
	v38 =	vmul.f32 v25, v24;
	v37 =	vmul.f32 v29, v6;
	v23 =	vadd.f32 v26, v23  }
0xe2: {  	v33 =	vld [tilespmem:s11+$0x20]  }
0xe3: {  	v40 =	vld [tilespmem:s8+$0xFFFFE070];
	v39 =	vmul.f32 v28, v27;
	v13 =	vmul.f32 v38, v13;
	v23 =	vadd.f32 v37, v23  }
0xe4: {  	v34 =	vld [tilespmem:s11+$0x30]  }
0xe5: {  	s13 =	sand.u32 $0x30, s10;
	v42 =	vld [tilespmem:s8+$0x70];
	v41 =	vmul.f32 v31, v30;
	v9 =	vmul.f32 v39, v9;
	v13 =	vadd.f32 v13, v23  }
0xe6: {  	v35 =	vld [tilespmem:s13+$0x600]  }
0xe7: {  	v7 =	vmul.f32 v41, v7;
	v9 =	vadd.f32 v9, v13;
	v13 =	vmul.f32 v33, v32;
	_ =	sdelay $0x1  }
0xe8: {  	v7 =	vadd.f32 v7, v9;
	v5 =	vmul.f32 v13, v5;
	v9 =	vmul.f32 v34, v40  }
0xe9: {  	v13 =	vmov s10  }
0xea: {  	v13 =	vperm.xlane v35, v13;
	v5 =	vadd.f32 v5, v7;
	v7 =	vmul.f32 v9, v42;
	_ =	sdelay $0x1  }
0xeb: {  	v9 =	vsub.f32 $0.0e+00, v13;
	v5 =	vadd.f32 v7, v5;
	_ =	sdelay $0x1  }
0xec: {  	s9 =	sadd.s32 $0x10, s9;
	v5 =	vmul.f32 v5, v9  }
0xed: {  	s8 =	sand.u32 $0x3F0, s9  }
0xee: {  	s10 =	simm.s32 $0x100;
	[tilespmem:s8+$0xC800] =	vst v5  }
0xef: {  	[tilespmem:s0], [sflag:$0x2] =	stream.indirect.gather [hbm4b:s1+s28], $0x80, s10, s28, $0xb8;
	[tilespmem:$0xE880] =	vst v63  }
0xf0: {  	s11 =	simm.s32 $0x480;
	s8 =	simm.s32 $0x40  }
0xf1: {  	[tilespmem:s31], [sflag:$0x2] =	stream.indirect.gather [hbm4b:s3+s8], $0x80, s11, s8, $0xb8;
	[tilespmem:$0xE880] =	vst v63  }
0xf2: {  	_ =	swait.ge [sflag:s5], $0x4000  }
0xf3: {  	[sflag:s5] =	ssyncset.done $0x0  }
0xf4: {  	[sflag:s5] =	ssyncadd.s32 $0xFFFFC000  }
0xf5: {  	_ =	swait.ge [sflag:s5], $0x2000  }
0xf6: {  	[sflag:s5] =	ssyncset.done $0x0  }
0xf7: {  	s12 =	simm.s32 $0x0;
	[sflag:s5] =	ssyncadd.s32 $0xFFFFE000  }
0xf8: {  	v5 =	vld [tilespmem:s12+$0x6860]  }
0xf9: {  	v7 =	vld [tilespmem:s12+$0x6850]  }
0xfa: {  	v9 =	vld [tilespmem:s12+$0x6840]  }
0xfb: {  	v17 =	vmul.f32 v17, v17;
	v12 =	vmul.f32 v12, v12;
	v13 =	vld [tilespmem:s12+$0x6830]  }
0xfc: {  	v44 =	vmul.f32 v25, v25;
	v15 =	vmul.f32 v15, v15;
	v43 =	vld [tilespmem:s12+$0x6820]  }
0xfd: {  	v10 =	vadd.f32 v12, v10;
	v12 =	vmul.f32 v18, v18;
	v18 =	vmul.f32 v19, v19;
	v19 =	vld [tilespmem:s12+$0x6810]  }
0xfe: {  	v14 =	vadd.f32 v17, v14;
	v11 =	vadd.f32 v15, v11;
	v15 =	vmul.f32 v20, v20;
	v17 =	vld [tilespmem:s12+$0x6800]  }
0xff: {  	v3 =	vadd.f32 v12, v3;
	v2 =	vadd.f32 v18, v2;
	v12 =	vmul.f32 v22, v22;
	v18 =	vld [tilespmem:s12+$0x4800]  }
0x100: {  	v47 =	vmul.f32 v33, v33;
	v4 =	vadd.f32 v15, v4;
	v15 =	vmul.f32 v24, v24;
	v45 =	vld [tilespmem:s12+$0xA800]  }
0x101: {  	v10 =	vadd.f32 v16, v10;
	v3 =	vadd.f32 v12, v3;
	v12 =	vmul.f32 v28, v28;
	v16 =	vld [tilespmem:s12+$0x4810]  }
0x102: {  	v6 =	vmul.f32 v6, v6;
	v2 =	vadd.f32 v15, v2;
	v15 =	vmul.f32 v30, v30;
	v46 =	vld [tilespmem:s12+$0xA810]  }
0x103: {  	v4 =	vadd.f32 v44, v4;
	v3 =	vadd.f32 v12, v3;
	v12 =	vmul.f32 v31, v31;
	v48 =	vld [tilespmem:s12+$0x4820]  }
0x104: {  	v8 =	vadd.f32 v8, v10;
	v10 =	vmul.f32 v40, v40;
	v2 =	vadd.f32 v15, v2;
	v15 =	vld [tilespmem:s12+$0xA820]  }
0x105: {  	v21 =	vmul.f32 v21, v21;
	v6 =	vadd.f32 v6, v11;
	v4 =	vadd.f32 v12, v4;
	v12 =	vld [tilespmem:s12+$0x4830]  }
0x106: {  	v2 =	vadd.f32 v10, v2;
	v10 =	vmul.f32 v34, v34;
	v50 =	vld [tilespmem:s12+$0xA830];
	v49 =	vmul.f32 v45, v18  }
0x107: {  	v27 =	vmul.f32 v27, v27;
	v1 =	vadd.f32 v1, v6;
	v6 =	vadd.f32 v21, v14;
	v51 =	vld [tilespmem:s12+$0x4840]  }
0x108: {  	v4 =	vadd.f32 v10, v4;
	v53 =	vld [tilespmem:s12+$0xA840];
	v52 =	vmul.f32 v46, v16;
	v10 =	vmul.f32 v49, v17  }
0x109: {  	v11 =	vmul.f32 v42, v42;
	v6 =	vadd.f32 v27, v6;
	v0 =	vadd.f32 v0, v1;
	v14 =	vld [tilespmem:s12+$0x4850]  }
0x10a: {  	v56 =	vld [tilespmem:s12+$0xA850];
	v55 =	vmul.f32 v15, v48;
	v54 =	vmul.f32 v52, v19;
	v10 =	vadd.f32 $0.0e+00, v10  }
0x10b: {  	v8 =	vadd.f32 v11, v8;
	v11 =	vmul.f32 v32, v32;
	v3 =	vadd.f32 v47, v3;
	v57 =	vld [tilespmem:s12+$0x4860]  }
0x10c: {  	v60 =	vld [tilespmem:s12+$0xA860];
	v59 =	vmul.f32 v50, v12;
	v58 =	vmul.f32 v55, v43;
	v10 =	vadd.f32 v54, v10  }
0x10d: {  	v1 =	vadd.f32 v11, v6;
	v11 =	vld [tilespmem:s12+$0x4870];
	v6 =	vmul.f32 v19, v19;
	v61 =	vmul.f32 v53, v51  }
0x10e: {  	s13 =	sand.u32 $0x70, s8;
	v62 =	vld [tilespmem:s12+$0xA870];
	v18 =	vmul.f32 v18, v18;
	v19 =	vmul.f32 v59, v13;
	v10 =	vadd.f32 v58, v10  }
0x10f: {  	v63 =	vmul.f32 v56, v14;
	v17 =	vmul.f32 v17, v17;
	v6 =	vadd.f32 v6, v8;
	v8 =	vld [tilespmem:s13+$0x600]  }
0x110: {  	v16 =	vmul.f32 v16, v16;
	v10 =	vadd.f32 v19, v10;
	v19 =	vmul.f32 v61, v9  }
0x111: {  	v1 =	vadd.f32 v18, v1;
	v18 =	vmul.f32 v60, v57;
	v0 =	vadd.f32 v17, v0;
	v17 =	vld [tilespmem:s12+$0x6870]  }
0x112: {  	s11 =	simm.s32 $0x0;
	v12 =	vmul.f32 v12, v12;
	v21 =	vmul.f32 v63, v7;
	v10 =	vadd.f32 v19, v10  }
0x113: {  	v19 =	vmul.f32 v5, v5;
	v5 =	vmul.f32 v18, v5;
	v18 =	vmov s11  }
0x114: {  	v8 =	vperm.xlane v8, v18;
	v18 =	vmul.f32 v62, v11;
	v10 =	vadd.f32 v21, v10  }
0x115: {  	v13 =	vmul.f32 v13, v13;
	v7 =	vmul.f32 v7, v7;
	v2 =	vadd.f32 v16, v2  }
0x116: {  	v5 =	vadd.f32 v5, v10;
	v10 =	vmul.f32 v9, v9;
	v9 =	vmul.f32 v18, v17  }
0x117: {  	v6 =	vadd.f32 v13, v6;
	v13 =	vmul.f32 v45, v45;
	v2 =	vadd.f32 v12, v2  }
0x118: {  	v12 =	vmul.f32 v56, v56;
	v8 =	vsub.f32 $0.0e+00, v8;
	v5 =	vadd.f32 v9, v5  }
0x119: {  	s9 =	simm.s32 $0x0;
	s12 =	simm.s32 $0x400;
	v3 =	vadd.f32 v13, v3;
	v13 =	vmul.f32 v43, v43;
	v18 =	vmul.f32 v46, v46  }
0x11a: {  	s13 =	sand.u32 $0x70, s9;
	s10 =	sand.u32 $0x780, s12;
	v9 =	vmul.f32 v15, v15;
	v5 =	vmul.f32 v5, v8  }
0x11b: {  	v0 =	vadd.f32 v13, v0;
	v13 =	vmul.f32 v51, v51;
	s11 =	sor.u32 s13, s10;
	v4 =	vadd.f32 v18, v4  }
0x11c: {  	s10 =	simm.s32 $0x80;
	v15 =	vmul.f32 v50, v50;
	v3 =	vadd.f32 v9, v3;
	v8 =	vmul.f32 v53, v53;
	[tilespmem:s11+$0xC800] =	vst v5  }
0x11d: {  	v11 =	vmul.f32 v11, v11;
	v9 =	vmul.f32 v14, v14;
	v14 =	vadd.f32 v7, v6;
	v6 =	vld [tilespmem:s10+$0x6860]  }
0x11e: {  	v4 =	vadd.f32 v15, v4;
	v7 =	vmul.f32 v48, v48;
	v3 =	vadd.f32 v8, v3;
	v8 =	vld [tilespmem:s10+$0x6850]  }
0x11f: {  	v0 =	vadd.f32 v10, v0;
	v5 =	vmul.f32 v60, v60;
	v15 =	vadd.f32 v9, v2;
	v9 =	vld [tilespmem:s10+$0x6840]  }
0x120: {  	v4 =	vadd.f32 v12, v4;
	v12 =	vmul.f32 v62, v62;
	v1 =	vadd.f32 v7, v1;
	v7 =	vld [tilespmem:s10+$0x6830]  }
0x121: {  	v2 =	vadd.f32 v5, v3;
	v3 =	vadd.f32 v11, v15;
	v11 =	vmul.f32 v17, v17;
	v5 =	vld [tilespmem:s10+$0x6820]  }
0x122: {  	v10 =	vmul.f32 v57, v57;
	v4 =	vadd.f32 v12, v4;
	v1 =	vadd.f32 v13, v1;
	v13 =	vld [tilespmem:s10+$0x6810]  }
0x123: {  	v12 =	vadd.f32 v19, v0;
	v15 =	vld [tilespmem:s10+$0x6800];
	v11 =	vadd.f32 v11, v14;
	v0 =	vmul.f32 v6, v6  }
0x124: {  	s11 =	simm.s32 $0x400;
	v16 =	vld [tilespmem:s10+$0x4800];
	v14 =	vadd.f32 v10, v1;
	v10 =	vmul.f32 v8, v8;
	v1 =	vmul.f32 v9, v9  }
.LBB2_4:
0x125: {  	p0 =	sne.s32 s11, $0x7E00;
	v17 =	vld [tilespmem:s10+$0xA800];
	v18 =	vmul.f32 v7, v7  }
0x126: {  	v19 =	vld [tilespmem:s10+$0x4810];
	v20 =	vmul.f32 v5, v5  }
0x127: {  	s8 =	sadd.s32 $0x1, s8;
	v21 =	vld [tilespmem:s10+$0xA810];
	v22 =	vmul.f32 v13, v13  }
0x128: {  	s12 =	sadd.s32 $0xFFFFFFC0, s8;
	v23 =	vmul.f32 v15, v15;
	v24 =	vld [tilespmem:s10+$0x4820]  }
0x129: {  	v25 =	vmov s12;
	v26 =	vmul.f32 v16, v16;
	v11 =	vadd.f32 v22, v11;
	v22 =	vld [tilespmem:s10+$0xA820]  }
0x12a: {  	v16 =	vmul.f32 v17, v16;
	v12 =	vadd.f32 v23, v12;
	v17 =	vmul.f32 v17, v17;
	v23 =	vld [tilespmem:s10+$0x4830]  }
0x12b: {  	v14 =	vadd.f32 v26, v14;
	v26 =	vmul.f32 v19, v19;
	v27 =	vld [tilespmem:s10+$0xA830];
	v11 =	vadd.f32 v18, v11  }
0x12c: {  	v15 =	vmul.f32 v16, v15;
	v2 =	vadd.f32 v17, v2;
	v16 =	vmul.f32 v21, v19;
	v17 =	vld [tilespmem:s10+$0x4840]  }
0x12d: {  	v18 =	vmul.f32 v21, v21;
	v3 =	vadd.f32 v26, v3;
	v19 =	vld [tilespmem:s10+$0xA840];
	v10 =	vadd.f32 v10, v11  }
0x12e: {  	v11 =	vadd.f32 $0.0e+00, v15;
	v13 =	vmul.f32 v16, v13;
	v15 =	vmul.f32 v22, v24;
	v16 =	vld [tilespmem:s10+$0x4850]  }
0x12f: {  	v4 =	vadd.f32 v18, v4;
	v18 =	vmul.f32 v22, v22;
	v21 =	vmul.f32 v23, v23;
	v22 =	vld [tilespmem:s10+$0xA850]  }
0x130: {  	v11 =	vadd.f32 v13, v11;
	v5 =	vmul.f32 v15, v5;
	v13 =	vmul.f32 v27, v23;
	v15 =	vld [tilespmem:s10+$0x4860]  }
0x131: {  	v2 =	vadd.f32 v18, v2;
	v18 =	vmul.f32 v27, v27;
	v3 =	vadd.f32 v21, v3;
	v21 =	vld [tilespmem:s10+$0xA860]  }
0x132: {  	v5 =	vadd.f32 v5, v11;
	v7 =	vmul.f32 v13, v7;
	v11 =	vmul.f32 v19, v17;
	v13 =	vld [tilespmem:s10+$0x4870]  }
0x133: {  	s12 =	sand.u32 $0x70, s8;
	v4 =	vadd.f32 v18, v4;
	v18 =	vmul.f32 v19, v19;
	v19 =	vmul.f32 v16, v16;
	v23 =	vld [tilespmem:s10+$0xA870]  }
0x134: {  	v26 =	vld [tilespmem:s12+$0x600];
	v5 =	vadd.f32 v7, v5;
	v7 =	vmul.f32 v11, v9;
	v9 =	vmul.f32 v22, v16  }
0x135: {  	v2 =	vadd.f32 v18, v2;
	v11 =	vmul.f32 v22, v22;
	v3 =	vadd.f32 v19, v3;
	v16 =	vld [tilespmem:s10+$0x6870]  }
0x136: {  	v5 =	vadd.f32 v7, v5;
	v7 =	vmul.f32 v9, v8;
	v8 =	vmul.f32 v21, v15  }
0x137: {  	v4 =	vadd.f32 v11, v4;
	v9 =	vmul.f32 v21, v21;
	v11 =	vmul.f32 v13, v13  }
0x138: {  	v5 =	vadd.f32 v7, v5;
	v6 =	vmul.f32 v8, v6;
	v7 =	vmul.f32 v23, v13  }
0x139: {  	v2 =	vadd.f32 v9, v2;
	v8 =	vmul.f32 v23, v23;
	v3 =	vadd.f32 v11, v3  }
0x13a: {  	v9 =	vperm.xlane v26, v25;
	v5 =	vadd.f32 v6, v5;
	v6 =	vmul.f32 v7, v16  }
0x13b: {  	v7 =	vadd.f32 v20, v12;
	v11 =	vmul.f32 v16, v16;
	v4 =	vadd.f32 v8, v4  }
0x13c: {  	s9 =	sadd.s32 $0x10, s9;
	v8 =	vsub.f32 $0.0e+00, v9;
	v9 =	vmul.f32 v24, v24;
	v5 =	vadd.f32 v6, v5  }
0x13d: {  	s10 =	sadd.s32 $0x400, s9;
	v6 =	vmul.f32 v17, v17;
	v1 =	vadd.f32 v1, v7;
	v11 =	vadd.f32 v11, v10  }
0x13e: {  	s12 =	sand.u32 $0x70, s9;
	s10 =	sand.u32 $0x780, s10;
	v7 =	vadd.f32 v9, v14;
	v9 =	vmul.f32 v15, v15;
	v5 =	vmul.f32 v5, v8  }
0x13f: {  	s12 =	sor.u32 s12, s10;
	v12 =	vadd.f32 v0, v1  }
0x140: {  	s10 =	sshra.s32 s11, $0x2;
	v0 =	vadd.f32 v6, v7;
	[tilespmem:s12+$0xC800] =	vst v5  }
0x141: {  	v6 =	vld [tilespmem:s10+$0x6860]  }
0x142: {  	v14 =	vadd.f32 v9, v0;
	v8 =	vld [tilespmem:s10+$0x6850]  }
0x143: {  	v9 =	vld [tilespmem:s10+$0x6840]  }
.Ltmp1:
0x144: {  	v7 =	vld [tilespmem:s10+$0x6830];
	(pc) =	sbr.rel @p0 .LBB2_4-.Ltmp1, $4  }
0x145: {  	v5 =	vld [tilespmem:s10+$0x6820]  }
0x146: {  	v13 =	vld [tilespmem:s10+$0x6810];
	v0 =	vmul.f32 v6, v6  }
0x147: {  	v15 =	vld [tilespmem:s10+$0x6800];
	v10 =	vmul.f32 v8, v8  }
0x148: {  	s11 =	sadd.s32 $0x200, s11;
	v16 =	vld [tilespmem:s10+$0x4800];
	v1 =	vmul.f32 v9, v9  }
0x149: {  	v17 =	vld [tilespmem:s10+$0xA800]  }
0x14a: {  	v18 =	vld [tilespmem:s10+$0x4810]  }
0x14b: {  	v19 =	vld [tilespmem:s10+$0xA810]  }
0x14c: {  	v20 =	vld [tilespmem:s10+$0x4820]  }
0x14d: {  	v21 =	vld [tilespmem:s10+$0xA820]  }
0x14e: {  	v23 =	vld [tilespmem:s10+$0x4830];
	v22 =	vmul.f32 v17, v16  }
0x14f: {  	v24 =	vld [tilespmem:s10+$0xA830]  }
0x150: {  	v26 =	vld [tilespmem:s10+$0x4840];
	v25 =	vmul.f32 v19, v18;
	v22 =	vmul.f32 v22, v15  }
0x151: {  	v27 =	vld [tilespmem:s10+$0xA840]  }
0x152: {  	v29 =	vld [tilespmem:s10+$0x4850];
	v28 =	vmul.f32 v21, v20;
	v25 =	vmul.f32 v25, v13;
	v22 =	vadd.f32 $0.0e+00, v22  }
0x153: {  	v30 =	vld [tilespmem:s10+$0xA850]  }
0x154: {  	v31 =	vld [tilespmem:s10+$0x4860];
	v63 =	vmul.f32 v24, v23;
	v62 =	vmul.f32 v28, v5;
	v22 =	vadd.f32 v25, v22  }
0x155: {  	v32 =	vld [tilespmem:s10+$0xA860]  }
0x156: {  	v33 =	vld [tilespmem:s10+$0x4870];
	v37 =	vmul.f32 v27, v26;
	v36 =	vmul.f32 v63, v7;
	v22 =	vadd.f32 v62, v22  }
0x157: {  	s8 =	sadd.s32 $0x1, s8;
	v34 =	vld [tilespmem:s10+$0xA870]  }
0x158: {  	v39 =	vld [tilespmem:s10+$0x6870];
	s11 =	sand.u32 $0x70, s8;
	v38 =	vmul.f32 v30, v29;
	v9 =	vmul.f32 v37, v9;
	v22 =	vadd.f32 v36, v22  }
0x159: {  	v35 =	vld [tilespmem:s11+$0x600]  }
0x15a: {  	v40 =	vmul.f32 v32, v31;
	v8 =	vmul.f32 v38, v8;
	v9 =	vadd.f32 v9, v22;
	_ =	sdelay $0x1  }
0x15b: {  	s8 =	sadd.s32 $0xFFFFFFC0, s8;
	v6 =	vmul.f32 v40, v6;
	v8 =	vadd.f32 v8, v9;
	v9 =	vmul.f32 v34, v33  }
0x15c: {  	v41 =	vmov s8  }
0x15d: {  	v22 =	vperm.xlane v35, v41;
	v6 =	vadd.f32 v6, v8;
	v8 =	vmul.f32 v9, v39;
	_ =	sdelay $0x1  }
0x15e: {  	s10 =	sadd.s32 $0x10, s9;
	v9 =	vsub.f32 $0.0e+00, v22;
	v6 =	vadd.f32 v8, v6  }
0x15f: {  	s9 =	sadd.s32 $0x400, s10  }
0x160: {  	s8 =	sand.u32 $0x70, s10;
	s9 =	sand.u32 $0x780, s9;
	v6 =	vmul.f32 v6, v9  }
0x161: {  	s8 =	sor.u32 s8, s9  }
0x162: {  	s11 =	simm.s32 $0x180;
	[tilespmem:s8+$0xC800] =	vst v6  }
0x163: {  	[tilespmem:s30], [sflag:$0x3] =	stream.indirect.gather [hbm4b:s1+s28], $0x80, s11, s28, $0xb8;
	[tilespmem:$0xE880] =	vst v63  }
0x164: {  	s12 =	simm.s32 $0x4C0  }
0x165: {  	[tilespmem:s2], [sflag:$0x3] =	stream.indirect.gather [hbm4b:s3+s26], $0x80, s12, s26, $0xb8;
	[tilespmem:$0xE880] =	vst v63  }
0x166: {  	_ =	swait.ge [sflag:s4], $0x4000  }
0x167: {  	[sflag:s4] =	ssyncset.done $0x0  }
0x168: {  	[sflag:s4] =	ssyncadd.s32 $0xFFFFC000  }
0x169: {  	_ =	swait.ge [sflag:s4], $0x2000  }
0x16a: {  	[sflag:s4] =	ssyncset.done $0x0  }
0x16b: {  	s13 =	simm.s32 $0x2800;
	[sflag:s4] =	ssyncadd.s32 $0xFFFFE000  }
0x16c: {  	v9 =	vld [tilespmem:s13+$0x60]  }
0x16d: {  	v6 =	vld [tilespmem:s13+$0x50]  }
0x16e: {  	v8 =	vld [tilespmem:s13+$0x40]  }
0x16f: {  	v13 =	vmul.f32 v13, v13;
	v42 =	vld [tilespmem:s13+$0x30]  }
0x170: {  	v15 =	vmul.f32 v15, v15;
	v43 =	vld [tilespmem:s13+$0x20]  }
0x171: {  	v16 =	vmul.f32 v16, v16;
	v7 =	vmul.f32 v7, v7;
	v11 =	vadd.f32 v13, v11;
	v13 =	vld [tilespmem:s13+$0x10]  }
0x172: {  	v12 =	vadd.f32 v15, v12;
	v15 =	vmul.f32 v17, v17;
	v17 =	vmul.f32 v18, v18;
	v18 =	vld [tilespmem:s13+$0x0]  }
0x173: {  	v14 =	vadd.f32 v16, v14;
	v7 =	vadd.f32 v7, v11;
	v11 =	vmul.f32 v19, v19;
	s11 =	simm.s32 $0x8840;
	v16 =	vld [tilespmem:s13+$0xFFFFE000]  }
0x174: {  	v2 =	vadd.f32 v15, v2;
	v3 =	vadd.f32 v17, v3;
	v15 =	vmul.f32 v21, v21;
	v17 =	vld [tilespmem:s11+$0xFFFFFFC0]  }
0x175: {  	v19 =	vmul.f32 v24, v24;
	v4 =	vadd.f32 v11, v4;
	v11 =	vmul.f32 v23, v23;
	v44 =	vld [tilespmem:s13+$0xFFFFE010]  }
0x176: {  	v7 =	vadd.f32 v10, v7;
	v2 =	vadd.f32 v15, v2;
	v10 =	vmul.f32 v27, v27;
	v15 =	vld [tilespmem:s11+$0xFFFFFFD0]  }
0x177: {  	v3 =	vadd.f32 v11, v3;
	v4 =	vadd.f32 v19, v4;
	v11 =	vmul.f32 v29, v29;
	v19 =	vld [tilespmem:s13+$0xFFFFE020]  }
0x178: {  	v5 =	vmul.f32 v5, v5;
	v2 =	vadd.f32 v10, v2;
	v10 =	vmul.f32 v30, v30;
	v46 =	vld [tilespmem:s11+$0xFFFFFFE0]  }
0x179: {  	v3 =	vadd.f32 v11, v3;
	v11 =	vmul.f32 v33, v33;
	v48 =	vld [tilespmem:s13+$0xFFFFE030];
	v47 =	vmul.f32 v17, v16  }
0x17a: {  	v45 =	vmul.f32 v32, v32;
	v5 =	vadd.f32 v5, v12;
	v4 =	vadd.f32 v10, v4;
	v10 =	vld [tilespmem:s11+$0xFFFFFFF0]  }
0x17b: {  	v3 =	vadd.f32 v11, v3;
	v50 =	vld [tilespmem:s13+$0xFFFFE040];
	v49 =	vmul.f32 v15, v44;
	v11 =	vmul.f32 v47, v18  }
0x17c: {  	v20 =	vmul.f32 v20, v20;
	v12 =	vmul.f32 v39, v39;
	v1 =	vadd.f32 v1, v5;
	v52 =	vld [tilespmem:s11+$0x0]  }
0x17d: {  	v54 =	vld [tilespmem:s13+$0xFFFFE050];
	v53 =	vmul.f32 v46, v19;
	v23 =	vmul.f32 v49, v13;
	v11 =	vadd.f32 $0.0e+00, v11  }
0x17e: {  	v51 =	vmul.f32 v34, v34;
	v7 =	vadd.f32 v12, v7;
	v12 =	vadd.f32 v20, v14;
	v5 =	vld [tilespmem:s11+$0x10]  }
0x17f: {  	v57 =	vld [tilespmem:s13+$0xFFFFE060];
	v56 =	vmul.f32 v10, v48;
	v55 =	vmul.f32 v53, v43;
	v11 =	vadd.f32 v23, v11  }
0x180: {  	v26 =	vmul.f32 v26, v26;
	v0 =	vadd.f32 v0, v1;
	v2 =	vadd.f32 v45, v2;
	v14 =	vld [tilespmem:s11+$0x20]  }
0x181: {  	v59 =	vld [tilespmem:s13+$0xFFFFE070];
	v58 =	vmul.f32 v52, v50;
	v20 =	vmul.f32 v56, v42;
	v11 =	vadd.f32 v55, v11  }
0x182: {  	v31 =	vmul.f32 v31, v31;
	v1 =	vadd.f32 v26, v12;
	v4 =	vadd.f32 v51, v4;
	v12 =	vld [tilespmem:s11+$0x30]  }
0x183: {  	s8 =	simm.s32 $0x0;
	v61 =	vmul.f32 v5, v54;
	v11 =	vadd.f32 v20, v11;
	v20 =	vmul.f32 v58, v8  }
0x184: {  	v1 =	vadd.f32 v31, v1;
	s12 =	sand.u32 $0x30, s8;
	v62 =	vld [tilespmem:s13+$0x70];
	v13 =	vmul.f32 v13, v13;
	v18 =	vmul.f32 v18, v18  }
0x185: {  	v60 =	vld [tilespmem:s12+$0x680];
	v63 =	vmul.f32 v14, v57;
	v11 =	vadd.f32 v20, v11;
	v20 =	vmul.f32 v61, v6  }
0x186: {  	v7 =	vadd.f32 v13, v7;
	v0 =	vadd.f32 v18, v0;
	v13 =	vmul.f32 v16, v16  }
0x187: {  	v16 =	vmul.f32 v63, v9;
	v18 =	vmul.f32 v12, v59;
	v11 =	vadd.f32 v20, v11  }
0x188: {  	v17 =	vmul.f32 v17, v17;
	v15 =	vmul.f32 v15, v15;
	v1 =	vadd.f32 v13, v1  }
0x189: {  	v13 =	vmov s8;
	v11 =	vadd.f32 v16, v11;
	v16 =	vmul.f32 v18, v62  }
0x18a: {  	v10 =	vmul.f32 v10, v10;
	v2 =	vadd.f32 v17, v2;
	v13 =	vperm.xlane v60, v13  }
0x18b: {  	v17 =	vmul.f32 v8, v8;
	v8 =	vadd.f32 v16, v11;
	v16 =	vmul.f32 v44, v44  }
0x18c: {  	v5 =	vmul.f32 v5, v5;
	v4 =	vadd.f32 v15, v4;
	v13 =	vsub.f32 $0.0e+00, v13  }
0x18d: {  	v11 =	vmul.f32 v42, v42;
	v3 =	vadd.f32 v16, v3;
	v16 =	vmul.f32 v46, v46  }
0x18e: {  	v10 =	vadd.f32 v10, v4;
	v20 =	vmul.f32 v48, v48;
	v8 =	vmul.f32 v8, v13  }
0x18f: {  	s13 =	sand.u32 $0x3F0, s8;
	v7 =	vadd.f32 v11, v7;
	v11 =	vmul.f32 v52, v52;
	v2 =	vadd.f32 v16, v2  }
0x190: {  	s9 =	simm.s32 $0x2880;
	v6 =	vmul.f32 v6, v6;
	v13 =	vmul.f32 v54, v54;
	v3 =	vadd.f32 v20, v3;
	[tilespmem:s13+$0xD000] =	vst v8  }
0x191: {  	v18 =	vmul.f32 v43, v43;
	v8 =	vmul.f32 v14, v14;
	v4 =	vld [tilespmem:s9+$0x60];
	v2 =	vadd.f32 v11, v2  }
0x192: {  	v11 =	vadd.f32 v6, v7;
	v6 =	vadd.f32 v13, v3;
	v13 =	vmul.f32 v59, v59;
	v7 =	vld [tilespmem:s9+$0x50]  }
0x193: {  	v5 =	vadd.f32 v5, v10;
	v10 =	vmul.f32 v19, v19;
	v3 =	vadd.f32 v8, v2;
	v8 =	vld [tilespmem:s9+$0x40]  }
0x194: {  	v12 =	vmul.f32 v12, v12;
	v0 =	vadd.f32 v18, v0;
	v2 =	vadd.f32 v13, v6;
	v13 =	vld [tilespmem:s9+$0x30]  }
0x195: {  	v15 =	vmul.f32 v50, v50;
	v1 =	vadd.f32 v10, v1;
	v14 =	vmul.f32 v62, v62;
	v6 =	vld [tilespmem:s9+$0x20]  }
0x196: {  	v9 =	vmul.f32 v9, v9;
	v5 =	vadd.f32 v12, v5;
	v0 =	vadd.f32 v17, v0;
	v12 =	vld [tilespmem:s9+$0x10]  }
0x197: {  	v1 =	vadd.f32 v15, v1;
	v15 =	vld [tilespmem:s9+$0x0];
	v10 =	vadd.f32 v14, v11;
	v14 =	vmul.f32 v57, v57  }
0x198: {  	s11 =	simm.s32 $0x88C0;
	v17 =	vld [tilespmem:s9+$0xFFFFE000];
	v11 =	vadd.f32 v9, v0;
	v0 =	vmul.f32 v4, v4;
	v9 =	vmul.f32 v7, v7  }
0x199: {  	s10 =	simm.s32 $0x1;
	s12 =	simm.s32 $0x2;
	v18 =	vld [tilespmem:s11+$0xFFFFFFC0];
	v14 =	vadd.f32 v14, v1;
	v1 =	vmul.f32 v8, v8;
	v16 =	vmul.f32 v13, v13  }
.LBB2_6:
0x19a: {  	p0 =	sne.s32 s12, $0x3F;
	v19 =	vld [tilespmem:s9+$0xFFFFE010];
	v20 =	vmul.f32 v6, v6  }
0x19b: {  	v21 =	vld [tilespmem:s11+$0xFFFFFFD0];
	v22 =	vmul.f32 v12, v12  }
0x19c: {  	v23 =	vmul.f32 v15, v15;
	v24 =	vld [tilespmem:s9+$0xFFFFE020]  }
0x19d: {  	v25 =	vmov s10;
	v26 =	vmul.f32 v17, v17;
	v10 =	vadd.f32 v22, v10;
	v22 =	vld [tilespmem:s11+$0xFFFFFFE0]  }
0x19e: {  	v17 =	vmul.f32 v18, v17;
	v11 =	vadd.f32 v23, v11;
	v18 =	vmul.f32 v18, v18;
	v23 =	vld [tilespmem:s9+$0xFFFFE030]  }
0x19f: {  	v14 =	vadd.f32 v26, v14;
	v26 =	vmul.f32 v19, v19;
	v27 =	vld [tilespmem:s11+$0xFFFFFFF0];
	v10 =	vadd.f32 v16, v10  }
0x1a0: {  	v15 =	vmul.f32 v17, v15;
	v3 =	vadd.f32 v18, v3;
	v16 =	vmul.f32 v21, v19;
	v17 =	vld [tilespmem:s9+$0xFFFFE040]  }
0x1a1: {  	v18 =	vmul.f32 v21, v21;
	v2 =	vadd.f32 v26, v2;
	v19 =	vld [tilespmem:s11+$0x0];
	v9 =	vadd.f32 v9, v10  }
0x1a2: {  	v10 =	vadd.f32 $0.0e+00, v15;
	v12 =	vmul.f32 v16, v12;
	v15 =	vmul.f32 v22, v24;
	v16 =	vld [tilespmem:s9+$0xFFFFE050]  }
0x1a3: {  	v5 =	vadd.f32 v18, v5;
	v18 =	vmul.f32 v22, v22;
	v21 =	vmul.f32 v23, v23;
	v22 =	vld [tilespmem:s11+$0x10]  }
0x1a4: {  	v10 =	vadd.f32 v12, v10;
	v6 =	vmul.f32 v15, v6;
	v12 =	vmul.f32 v27, v23;
	v15 =	vld [tilespmem:s9+$0xFFFFE060]  }
0x1a5: {  	v3 =	vadd.f32 v18, v3;
	v18 =	vmul.f32 v27, v27;
	v2 =	vadd.f32 v21, v2;
	v21 =	vld [tilespmem:s11+$0x20]  }
0x1a6: {  	v6 =	vadd.f32 v6, v10;
	v10 =	vmul.f32 v12, v13;
	v12 =	vmul.f32 v19, v17;
	v13 =	vld [tilespmem:s9+$0xFFFFE070]  }
0x1a7: {  	s13 =	sand.u32 $0x30, s10;
	s10 =	smov.u32 s12;
	v5 =	vadd.f32 v18, v5;
	v18 =	vmul.f32 v19, v19;
	v19 =	vmul.f32 v16, v16;
	v23 =	vld [tilespmem:s11+$0x30]  }
0x1a8: {  	v26 =	vld [tilespmem:s13+$0x680];
	v6 =	vadd.f32 v10, v6;
	v8 =	vmul.f32 v12, v8;
	v10 =	vmul.f32 v22, v16  }
0x1a9: {  	v3 =	vadd.f32 v18, v3;
	v12 =	vmul.f32 v22, v22;
	v2 =	vadd.f32 v19, v2;
	v16 =	vld [tilespmem:s9+$0x70]  }
0x1aa: {  	v6 =	vadd.f32 v8, v6;
	v7 =	vmul.f32 v10, v7;
	v8 =	vmul.f32 v21, v15  }
0x1ab: {  	v5 =	vadd.f32 v12, v5;
	v10 =	vmul.f32 v21, v21;
	v12 =	vmul.f32 v13, v13  }
0x1ac: {  	v6 =	vadd.f32 v7, v6;
	v4 =	vmul.f32 v8, v4;
	v7 =	vmul.f32 v23, v13  }
0x1ad: {  	v3 =	vadd.f32 v10, v3;
	v8 =	vmul.f32 v23, v23;
	v2 =	vadd.f32 v12, v2  }
0x1ae: {  	v10 =	vperm.xlane v26, v25;
	v4 =	vadd.f32 v4, v6;
	v6 =	vmul.f32 v7, v16  }
0x1af: {  	v7 =	vadd.f32 v20, v11;
	v11 =	vmul.f32 v16, v16;
	v5 =	vadd.f32 v8, v5  }
0x1b0: {  	v12 =	vmul.f32 v24, v24;
	v8 =	vsub.f32 $0.0e+00, v10;
	v4 =	vadd.f32 v6, v4  }
0x1b1: {  	v6 =	vmul.f32 v17, v17;
	v1 =	vadd.f32 v1, v7;
	v10 =	vadd.f32 v11, v9  }
0x1b2: {  	s8 =	sadd.s32 $0x10, s8;
	v7 =	vadd.f32 v12, v14;
	v9 =	vmul.f32 v15, v15;
	v4 =	vmul.f32 v4, v8  }
0x1b3: {  	s13 =	sand.u32 $0x3F0, s8;
	v11 =	vadd.f32 v0, v1  }
0x1b4: {  	s9 =	sadd.s32 $0x80, s9;
	v0 =	vadd.f32 v6, v7;
	[tilespmem:s13+$0xD000] =	vst v4  }
0x1b5: {  	v4 =	vld [tilespmem:s9+$0x60]  }
0x1b6: {  	v14 =	vadd.f32 v9, v0;
	v7 =	vld [tilespmem:s9+$0x50]  }
0x1b7: {  	v8 =	vld [tilespmem:s9+$0x40]  }
0x1b8: {  	v13 =	vld [tilespmem:s9+$0x30]  }
.Ltmp2:
0x1b9: {  	v6 =	vld [tilespmem:s9+$0x20];
	(pc) =	sbr.rel @p0 .LBB2_6-.Ltmp2, $4  }
0x1ba: {  	v12 =	vld [tilespmem:s9+$0x10];
	v0 =	vmul.f32 v4, v4  }
0x1bb: {  	v15 =	vld [tilespmem:s9+$0x0];
	v9 =	vmul.f32 v7, v7  }
0x1bc: {  	s11 =	sadd.s32 $0x80, s11;
	v17 =	vld [tilespmem:s9+$0xFFFFE000];
	v1 =	vmul.f32 v8, v8  }
0x1bd: {  	s12 =	sadd.s32 $0x1, s12;
	v18 =	vld [tilespmem:s11+$0xFFFFFFC0];
	v16 =	vmul.f32 v13, v13  }
0x1be: {  	v19 =	vld [tilespmem:s9+$0xFFFFE010]  }
0x1bf: {  	v20 =	vld [tilespmem:s11+$0xFFFFFFD0]  }
0x1c0: {  	v21 =	vld [tilespmem:s9+$0xFFFFE020]  }
0x1c1: {  	v22 =	vld [tilespmem:s11+$0xFFFFFFE0]  }
0x1c2: {  	v24 =	vld [tilespmem:s9+$0xFFFFE030];
	v23 =	vmul.f32 v18, v17  }
0x1c3: {  	v25 =	vld [tilespmem:s11+$0xFFFFFFF0]  }
0x1c4: {  	v27 =	vld [tilespmem:s9+$0xFFFFE040];
	v26 =	vmul.f32 v20, v19;
	v23 =	vmul.f32 v23, v15  }
0x1c5: {  	v28 =	vld [tilespmem:s11+$0x0]  }
0x1c6: {  	v30 =	vld [tilespmem:s9+$0xFFFFE050];
	v29 =	vmul.f32 v22, v21;
	v26 =	vmul.f32 v26, v12;
	v23 =	vadd.f32 $0.0e+00, v23  }
0x1c7: {  	v31 =	vld [tilespmem:s11+$0x10]  }
0x1c8: {  	v32 =	vld [tilespmem:s9+$0xFFFFE060];
	v38 =	vmul.f32 v25, v24;
	v37 =	vmul.f32 v29, v6;
	v23 =	vadd.f32 v26, v23  }
0x1c9: {  	v33 =	vld [tilespmem:s11+$0x20]  }
0x1ca: {  	v40 =	vld [tilespmem:s9+$0xFFFFE070];
	v39 =	vmul.f32 v28, v27;
	v13 =	vmul.f32 v38, v13;
	v23 =	vadd.f32 v37, v23  }
0x1cb: {  	v34 =	vld [tilespmem:s11+$0x30]  }
0x1cc: {  	s13 =	sand.u32 $0x30, s10;
	v42 =	vld [tilespmem:s9+$0x70];
	v41 =	vmul.f32 v31, v30;
	v8 =	vmul.f32 v39, v8;
	v13 =	vadd.f32 v13, v23  }
0x1cd: {  	v35 =	vld [tilespmem:s13+$0x680]  }
0x1ce: {  	v7 =	vmul.f32 v41, v7;
	v8 =	vadd.f32 v8, v13;
	v13 =	vmul.f32 v33, v32;
	_ =	sdelay $0x1  }
0x1cf: {  	v7 =	vadd.f32 v7, v8;
	v4 =	vmul.f32 v13, v4;
	v8 =	vmul.f32 v34, v40  }
0x1d0: {  	v13 =	vmov s10  }
0x1d1: {  	v13 =	vperm.xlane v35, v13;
	v4 =	vadd.f32 v4, v7;
	v7 =	vmul.f32 v8, v42;
	_ =	sdelay $0x1  }
0x1d2: {  	v8 =	vsub.f32 $0.0e+00, v13;
	v4 =	vadd.f32 v7, v4;
	_ =	sdelay $0x1  }
0x1d3: {  	s8 =	sadd.s32 $0x10, s8;
	v4 =	vmul.f32 v4, v8  }
0x1d4: {  	s8 =	sand.u32 $0x3F0, s8  }
0x1d5: {  	s10 =	simm.s32 $0x200;
	[tilespmem:s8+$0xD000] =	vst v4  }
0x1d6: {  	[tilespmem:s0], [sflag:$0x2] =	stream.indirect.gather [hbm4b:s1+s28], $0x80, s10, s28, $0xb8;
	[tilespmem:$0xE880] =	vst v63  }
0x1d7: {  	s11 =	simm.s32 $0x500  }
0x1d8: {  	[tilespmem:s31], [sflag:$0x2] =	stream.indirect.gather [hbm4b:s3+s26], $0x80, s11, s26, $0xb8;
	[tilespmem:$0xE880] =	vst v63  }
0x1d9: {  	_ =	swait.ge [sflag:s5], $0x4000  }
0x1da: {  	[sflag:s5] =	ssyncset.done $0x0  }
0x1db: {  	[sflag:s5] =	ssyncadd.s32 $0xFFFFC000  }
0x1dc: {  	_ =	swait.ge [sflag:s5], $0x2000  }
0x1dd: {  	[sflag:s5] =	ssyncset.done $0x0  }
0x1de: {  	s12 =	simm.s32 $0x0;
	[sflag:s5] =	ssyncadd.s32 $0xFFFFE000  }
0x1df: {  	v4 =	vld [tilespmem:s12+$0x6860]  }
0x1e0: {  	v7 =	vld [tilespmem:s12+$0x6850]  }
0x1e1: {  	v8 =	vld [tilespmem:s12+$0x6840]  }
0x1e2: {  	v12 =	vmul.f32 v12, v12;
	v13 =	vld [tilespmem:s12+$0x6830]  }
0x1e3: {  	v17 =	vmul.f32 v17, v17;
	v15 =	vmul.f32 v15, v15;
	v43 =	vld [tilespmem:s12+$0x6820]  }
0x1e4: {  	v10 =	vadd.f32 v12, v10;
	v12 =	vmul.f32 v18, v18;
	v18 =	vmul.f32 v19, v19;
	v19 =	vld [tilespmem:s12+$0x6810]  }
0x1e5: {  	v14 =	vadd.f32 v17, v14;
	v11 =	vadd.f32 v15, v11;
	v15 =	vmul.f32 v20, v20;
	v17 =	vld [tilespmem:s12+$0x6800]  }
0x1e6: {  	v3 =	vadd.f32 v12, v3;
	v2 =	vadd.f32 v18, v2;
	v12 =	vmul.f32 v22, v22;
	v18 =	vld [tilespmem:s12+$0x4800]  }
0x1e7: {  	v44 =	vmul.f32 v25, v25;
	v5 =	vadd.f32 v15, v5;
	v15 =	vmul.f32 v24, v24;
	v45 =	vld [tilespmem:s12+$0xA800]  }
0x1e8: {  	v10 =	vadd.f32 v16, v10;
	v3 =	vadd.f32 v12, v3;
	v12 =	vmul.f32 v28, v28;
	v16 =	vld [tilespmem:s12+$0x4810]  }
0x1e9: {  	v6 =	vmul.f32 v6, v6;
	v2 =	vadd.f32 v15, v2;
	v15 =	vmul.f32 v30, v30;
	v46 =	vld [tilespmem:s12+$0xA810]  }
0x1ea: {  	v5 =	vadd.f32 v44, v5;
	v3 =	vadd.f32 v12, v3;
	v12 =	vmul.f32 v31, v31;
	v48 =	vld [tilespmem:s12+$0x4820]  }
0x1eb: {  	v9 =	vadd.f32 v9, v10;
	v10 =	vmul.f32 v40, v40;
	v2 =	vadd.f32 v15, v2;
	v15 =	vld [tilespmem:s12+$0xA820]  }
0x1ec: {  	v21 =	vmul.f32 v21, v21;
	v6 =	vadd.f32 v6, v11;
	v5 =	vadd.f32 v12, v5;
	v12 =	vld [tilespmem:s12+$0x4830]  }
0x1ed: {  	v2 =	vadd.f32 v10, v2;
	v10 =	vmul.f32 v34, v34;
	v50 =	vld [tilespmem:s12+$0xA830];
	v49 =	vmul.f32 v45, v18  }
0x1ee: {  	v27 =	vmul.f32 v27, v27;
	v1 =	vadd.f32 v1, v6;
	v6 =	vadd.f32 v21, v14;
	v51 =	vld [tilespmem:s12+$0x4840]  }
0x1ef: {  	v5 =	vadd.f32 v10, v5;
	v53 =	vld [tilespmem:s12+$0xA840];
	v52 =	vmul.f32 v46, v16;
	v10 =	vmul.f32 v49, v17  }
0x1f0: {  	v47 =	vmul.f32 v33, v33;
	v11 =	vmul.f32 v42, v42;
	v6 =	vadd.f32 v27, v6;
	v14 =	vld [tilespmem:s12+$0x4850]  }
0x1f1: {  	v56 =	vld [tilespmem:s12+$0xA850];
	v55 =	vmul.f32 v15, v48;
	v54 =	vmul.f32 v52, v19;
	v10 =	vadd.f32 $0.0e+00, v10  }
0x1f2: {  	v0 =	vadd.f32 v0, v1;
	v9 =	vadd.f32 v11, v9;
	v11 =	vmul.f32 v32, v32;
	v57 =	vld [tilespmem:s12+$0x4860]  }
0x1f3: {  	v60 =	vld [tilespmem:s12+$0xA860];
	v59 =	vmul.f32 v50, v12;
	v58 =	vmul.f32 v55, v43;
	v10 =	vadd.f32 v54, v10  }
0x1f4: {  	v1 =	vadd.f32 v11, v6;
	s8 =	simm.s32 $0xC0;
	v11 =	vld [tilespmem:s12+$0x4870];
	v6 =	vmul.f32 v19, v19;
	v61 =	vmul.f32 v53, v51  }
0x1f5: {  	s13 =	sand.u32 $0xF0, s8;
	v62 =	vld [tilespmem:s12+$0xA870];
	v18 =	vmul.f32 v18, v18;
	v19 =	vmul.f32 v59, v13;
	v10 =	vadd.f32 v58, v10  }
0x1f6: {  	v63 =	vmul.f32 v56, v14;
	v17 =	vmul.f32 v17, v17;
	v6 =	vadd.f32 v6, v9;
	v9 =	vld [tilespmem:s13+$0x600]  }
0x1f7: {  	v16 =	vmul.f32 v16, v16;
	v10 =	vadd.f32 v19, v10;
	v19 =	vmul.f32 v61, v8  }
0x1f8: {  	v1 =	vadd.f32 v18, v1;
	v18 =	vmul.f32 v60, v57;
	v0 =	vadd.f32 v17, v0;
	v17 =	vld [tilespmem:s12+$0x6870]  }
0x1f9: {  	s11 =	simm.s32 $0x0;
	v12 =	vmul.f32 v12, v12;
	v21 =	vmul.f32 v63, v7;
	v10 =	vadd.f32 v19, v10  }
0x1fa: {  	v19 =	vmul.f32 v4, v4;
	v4 =	vmul.f32 v18, v4;
	v18 =	vmov s11  }
0x1fb: {  	v9 =	vperm.xlane v9, v18;
	v18 =	vmul.f32 v62, v11;
	v10 =	vadd.f32 v21, v10  }
0x1fc: {  	v3 =	vadd.f32 v47, v3;
	v13 =	vmul.f32 v13, v13;
	v7 =	vmul.f32 v7, v7  }
0x1fd: {  	v4 =	vadd.f32 v4, v10;
	v10 =	vmul.f32 v8, v8;
	v8 =	vmul.f32 v18, v17  }
0x1fe: {  	v2 =	vadd.f32 v16, v2;
	v6 =	vadd.f32 v13, v6;
	v13 =	vmul.f32 v45, v45  }
0x1ff: {  	v9 =	vsub.f32 $0.0e+00, v9;
	v18 =	vmul.f32 v46, v46;
	v4 =	vadd.f32 v8, v4  }
0x200: {  	s9 =	simm.s32 $0x0;
	s12 =	simm.s32 $0xC00;
	v3 =	vadd.f32 v13, v3;
	v13 =	vmul.f32 v43, v43;
	v8 =	vmul.f32 v15, v15  }
0x201: {  	s13 =	sand.u32 $0x70, s9;
	s10 =	sand.u32 $0xF80, s12;
	v5 =	vadd.f32 v18, v5;
	v15 =	vmul.f32 v50, v50;
	v4 =	vmul.f32 v4, v9  }
0x202: {  	v2 =	vadd.f32 v12, v2;
	s11 =	sor.u32 s13, s10;
	v3 =	vadd.f32 v8, v3;
	v8 =	vmul.f32 v53, v53  }
0x203: {  	v12 =	vmul.f32 v56, v56;
	v0 =	vadd.f32 v13, v0;
	s10 =	simm.s32 $0x80;
	v5 =	vadd.f32 v15, v5;
	[tilespmem:s11+$0xC800] =	vst v4  }
0x204: {  	v9 =	vmul.f32 v14, v14;
	v14 =	vadd.f32 v7, v6;
	v3 =	vadd.f32 v8, v3;
	v6 =	vld [tilespmem:s10+$0x6860]  }
0x205: {  	v4 =	vmul.f32 v60, v60;
	v12 =	vadd.f32 v12, v5;
	v5 =	vmul.f32 v48, v48;
	v8 =	vld [tilespmem:s10+$0x6850]  }
0x206: {  	v13 =	vmul.f32 v51, v51;
	v11 =	vmul.f32 v11, v11;
	v15 =	vadd.f32 v9, v2;
	v9 =	vld [tilespmem:s10+$0x6840]  }
0x207: {  	v7 =	vld [tilespmem:s10+$0x6830];
	v2 =	vadd.f32 v4, v3;
	v4 =	vmul.f32 v62, v62;
	v1 =	vadd.f32 v5, v1  }
0x208: {  	v0 =	vadd.f32 v10, v0;
	v3 =	vadd.f32 v11, v15;
	v11 =	vmul.f32 v17, v17;
	v5 =	vld [tilespmem:s10+$0x6820]  }
0x209: {  	v10 =	vmul.f32 v57, v57;
	v4 =	vadd.f32 v4, v12;
	v1 =	vadd.f32 v13, v1;
	v13 =	vld [tilespmem:s10+$0x6810]  }
0x20a: {  	v15 =	vld [tilespmem:s10+$0x6800];
	v11 =	vadd.f32 v11, v14;
	v12 =	vadd.f32 v19, v0;
	v0 =	vmul.f32 v6, v6  }
0x20b: {  	s11 =	simm.s32 $0x400;
	v16 =	vld [tilespmem:s10+$0x4800];
	v14 =	vadd.f32 v10, v1;
	v10 =	vmul.f32 v8, v8;
	v1 =	vmul.f32 v9, v9  }
.LBB2_8:
0x20c: {  	p0 =	sne.s32 s11, $0x7E00;
	v17 =	vld [tilespmem:s10+$0xA800];
	v18 =	vmul.f32 v7, v7  }
0x20d: {  	v19 =	vld [tilespmem:s10+$0x4810];
	v20 =	vmul.f32 v5, v5  }
0x20e: {  	s8 =	sadd.s32 $0x1, s8;
	v21 =	vld [tilespmem:s10+$0xA810];
	v22 =	vmul.f32 v13, v13  }
0x20f: {  	s12 =	sadd.s32 $0xFFFFFF40, s8;
	v23 =	vmul.f32 v15, v15;
	v24 =	vld [tilespmem:s10+$0x4820]  }
0x210: {  	v25 =	vmov s12;
	v26 =	vmul.f32 v16, v16;
	v11 =	vadd.f32 v22, v11;
	v22 =	vld [tilespmem:s10+$0xA820]  }
0x211: {  	v16 =	vmul.f32 v17, v16;
	v12 =	vadd.f32 v23, v12;
	v17 =	vmul.f32 v17, v17;
	v23 =	vld [tilespmem:s10+$0x4830]  }
0x212: {  	v14 =	vadd.f32 v26, v14;
	v26 =	vmul.f32 v19, v19;
	v27 =	vld [tilespmem:s10+$0xA830];
	v11 =	vadd.f32 v18, v11  }
0x213: {  	v15 =	vmul.f32 v16, v15;
	v2 =	vadd.f32 v17, v2;
	v16 =	vmul.f32 v21, v19;
	v17 =	vld [tilespmem:s10+$0x4840]  }
0x214: {  	v18 =	vmul.f32 v21, v21;
	v3 =	vadd.f32 v26, v3;
	v19 =	vld [tilespmem:s10+$0xA840];
	v10 =	vadd.f32 v10, v11  }
0x215: {  	v11 =	vadd.f32 $0.0e+00, v15;
	v13 =	vmul.f32 v16, v13;
	v15 =	vmul.f32 v22, v24;
	v16 =	vld [tilespmem:s10+$0x4850]  }
0x216: {  	v4 =	vadd.f32 v18, v4;
	v18 =	vmul.f32 v22, v22;
	v21 =	vmul.f32 v23, v23;
	v22 =	vld [tilespmem:s10+$0xA850]  }
0x217: {  	v11 =	vadd.f32 v13, v11;
	v5 =	vmul.f32 v15, v5;
	v13 =	vmul.f32 v27, v23;
	v15 =	vld [tilespmem:s10+$0x4860]  }
0x218: {  	v2 =	vadd.f32 v18, v2;
	v18 =	vmul.f32 v27, v27;
	v3 =	vadd.f32 v21, v3;
	v21 =	vld [tilespmem:s10+$0xA860]  }
0x219: {  	v5 =	vadd.f32 v5, v11;
	v7 =	vmul.f32 v13, v7;
	v11 =	vmul.f32 v19, v17;
	v13 =	vld [tilespmem:s10+$0x4870]  }
0x21a: {  	s12 =	sand.u32 $0xF0, s8;
	v4 =	vadd.f32 v18, v4;
	v18 =	vmul.f32 v19, v19;
	v19 =	vmul.f32 v16, v16;
	v23 =	vld [tilespmem:s10+$0xA870]  }
0x21b: {  	v26 =	vld [tilespmem:s12+$0x600];
	v5 =	vadd.f32 v7, v5;
	v7 =	vmul.f32 v11, v9;
	v9 =	vmul.f32 v22, v16  }
0x21c: {  	v2 =	vadd.f32 v18, v2;
	v11 =	vmul.f32 v22, v22;
	v3 =	vadd.f32 v19, v3;
	v16 =	vld [tilespmem:s10+$0x6870]  }
0x21d: {  	v5 =	vadd.f32 v7, v5;
	v7 =	vmul.f32 v9, v8;
	v8 =	vmul.f32 v21, v15  }
0x21e: {  	v4 =	vadd.f32 v11, v4;
	v9 =	vmul.f32 v21, v21;
	v11 =	vmul.f32 v13, v13  }
0x21f: {  	v5 =	vadd.f32 v7, v5;
	v6 =	vmul.f32 v8, v6;
	v7 =	vmul.f32 v23, v13  }
0x220: {  	v2 =	vadd.f32 v9, v2;
	v8 =	vmul.f32 v23, v23;
	v3 =	vadd.f32 v11, v3  }
0x221: {  	v9 =	vperm.xlane v26, v25;
	v5 =	vadd.f32 v6, v5;
	v6 =	vmul.f32 v7, v16  }
0x222: {  	v7 =	vadd.f32 v20, v12;
	v11 =	vmul.f32 v16, v16;
	v4 =	vadd.f32 v8, v4  }
0x223: {  	s9 =	sadd.s32 $0x10, s9;
	v8 =	vsub.f32 $0.0e+00, v9;
	v9 =	vmul.f32 v24, v24;
	v5 =	vadd.f32 v6, v5  }
0x224: {  	s10 =	sadd.s32 $0xC00, s9;
	v6 =	vmul.f32 v17, v17;
	v1 =	vadd.f32 v1, v7;
	v11 =	vadd.f32 v11, v10  }
0x225: {  	s12 =	sand.u32 $0x70, s9;
	s10 =	sand.u32 $0xF80, s10;
	v7 =	vadd.f32 v9, v14;
	v9 =	vmul.f32 v15, v15;
	v5 =	vmul.f32 v5, v8  }
0x226: {  	s12 =	sor.u32 s12, s10;
	v12 =	vadd.f32 v0, v1  }
0x227: {  	s10 =	sshra.s32 s11, $0x2;
	v0 =	vadd.f32 v6, v7;
	[tilespmem:s12+$0xC800] =	vst v5  }
0x228: {  	v6 =	vld [tilespmem:s10+$0x6860]  }
0x229: {  	v14 =	vadd.f32 v9, v0;
	v8 =	vld [tilespmem:s10+$0x6850]  }
0x22a: {  	v9 =	vld [tilespmem:s10+$0x6840]  }
.Ltmp3:
0x22b: {  	v7 =	vld [tilespmem:s10+$0x6830];
	(pc) =	sbr.rel @p0 .LBB2_8-.Ltmp3, $4  }
0x22c: {  	v5 =	vld [tilespmem:s10+$0x6820]  }
0x22d: {  	v13 =	vld [tilespmem:s10+$0x6810];
	v0 =	vmul.f32 v6, v6  }
0x22e: {  	v15 =	vld [tilespmem:s10+$0x6800];
	v10 =	vmul.f32 v8, v8  }
0x22f: {  	s11 =	sadd.s32 $0x200, s11;
	v16 =	vld [tilespmem:s10+$0x4800];
	v1 =	vmul.f32 v9, v9  }
0x230: {  	v17 =	vld [tilespmem:s10+$0xA800]  }
0x231: {  	v18 =	vld [tilespmem:s10+$0x4810]  }
0x232: {  	v19 =	vld [tilespmem:s10+$0xA810]  }
0x233: {  	v20 =	vld [tilespmem:s10+$0x4820]  }
0x234: {  	v21 =	vld [tilespmem:s10+$0xA820]  }
0x235: {  	v23 =	vld [tilespmem:s10+$0x4830];
	v22 =	vmul.f32 v17, v16  }
0x236: {  	v24 =	vld [tilespmem:s10+$0xA830]  }
0x237: {  	v26 =	vld [tilespmem:s10+$0x4840];
	v25 =	vmul.f32 v19, v18;
	v22 =	vmul.f32 v22, v15  }
0x238: {  	v27 =	vld [tilespmem:s10+$0xA840]  }
0x239: {  	v29 =	vld [tilespmem:s10+$0x4850];
	v28 =	vmul.f32 v21, v20;
	v25 =	vmul.f32 v25, v13;
	v22 =	vadd.f32 $0.0e+00, v22  }
0x23a: {  	v30 =	vld [tilespmem:s10+$0xA850]  }
0x23b: {  	v31 =	vld [tilespmem:s10+$0x4860];
	v63 =	vmul.f32 v24, v23;
	v62 =	vmul.f32 v28, v5;
	v22 =	vadd.f32 v25, v22  }
0x23c: {  	v32 =	vld [tilespmem:s10+$0xA860]  }
0x23d: {  	v33 =	vld [tilespmem:s10+$0x4870];
	v37 =	vmul.f32 v27, v26;
	v36 =	vmul.f32 v63, v7;
	v22 =	vadd.f32 v62, v22  }
0x23e: {  	s8 =	sadd.s32 $0x1, s8;
	v34 =	vld [tilespmem:s10+$0xA870]  }
0x23f: {  	v39 =	vld [tilespmem:s10+$0x6870];
	s11 =	sand.u32 $0xF0, s8;
	v38 =	vmul.f32 v30, v29;
	v9 =	vmul.f32 v37, v9;
	v22 =	vadd.f32 v36, v22  }
0x240: {  	v35 =	vld [tilespmem:s11+$0x600]  }
0x241: {  	v40 =	vmul.f32 v32, v31;
	v8 =	vmul.f32 v38, v8;
	v9 =	vadd.f32 v9, v22;
	_ =	sdelay $0x1  }
0x242: {  	s8 =	sadd.s32 $0xFFFFFF40, s8;
	v6 =	vmul.f32 v40, v6;
	v8 =	vadd.f32 v8, v9;
	v9 =	vmul.f32 v34, v33  }
0x243: {  	v41 =	vmov s8  }
0x244: {  	v22 =	vperm.xlane v35, v41;
	v6 =	vadd.f32 v6, v8;
	v8 =	vmul.f32 v9, v39;
	_ =	sdelay $0x1  }
0x245: {  	s10 =	sadd.s32 $0x10, s9;
	v9 =	vsub.f32 $0.0e+00, v22;
	v6 =	vadd.f32 v8, v6  }
0x246: {  	s9 =	sadd.s32 $0xC00, s10  }
0x247: {  	s8 =	sand.u32 $0x70, s10;
	s9 =	sand.u32 $0xF80, s9;
	v6 =	vmul.f32 v6, v9  }
0x248: {  	s8 =	sor.u32 s8, s9  }
0x249: {  	s11 =	simm.s32 $0x280;
	[tilespmem:s8+$0xC800] =	vst v6  }
0x24a: {  	[tilespmem:s30], [sflag:$0x3] =	stream.indirect.gather [hbm4b:s1+s28], $0x80, s11, s28, $0xb8;
	[tilespmem:$0xE880] =	vst v63  }
0x24b: {  	s12 =	simm.s32 $0x540  }
0x24c: {  	[tilespmem:s2], [sflag:$0x3] =	stream.indirect.gather [hbm4b:s3+s26], $0x80, s12, s26, $0xb8;
	[tilespmem:$0xE880] =	vst v63  }
0x24d: {  	_ =	swait.ge [sflag:s4], $0x4000  }
0x24e: {  	[sflag:s4] =	ssyncset.done $0x0  }
0x24f: {  	[sflag:s4] =	ssyncadd.s32 $0xFFFFC000  }
0x250: {  	_ =	swait.ge [sflag:s4], $0x2000  }
0x251: {  	[sflag:s4] =	ssyncset.done $0x0  }
0x252: {  	s13 =	simm.s32 $0x2800;
	[sflag:s4] =	ssyncadd.s32 $0xFFFFE000  }
0x253: {  	v9 =	vld [tilespmem:s13+$0x60]  }
0x254: {  	v6 =	vld [tilespmem:s13+$0x50]  }
0x255: {  	v8 =	vld [tilespmem:s13+$0x40]  }
0x256: {  	v13 =	vmul.f32 v13, v13;
	v42 =	vld [tilespmem:s13+$0x30]  }
0x257: {  	v15 =	vmul.f32 v15, v15;
	v43 =	vld [tilespmem:s13+$0x20]  }
0x258: {  	v16 =	vmul.f32 v16, v16;
	v7 =	vmul.f32 v7, v7;
	v11 =	vadd.f32 v13, v11;
	v13 =	vld [tilespmem:s13+$0x10]  }
0x259: {  	v12 =	vadd.f32 v15, v12;
	v15 =	vmul.f32 v17, v17;
	v17 =	vmul.f32 v18, v18;
	v18 =	vld [tilespmem:s13+$0x0]  }
0x25a: {  	v14 =	vadd.f32 v16, v14;
	v7 =	vadd.f32 v7, v11;
	v11 =	vmul.f32 v19, v19;
	s11 =	simm.s32 $0x8840;
	v16 =	vld [tilespmem:s13+$0xFFFFE000]  }
0x25b: {  	v2 =	vadd.f32 v15, v2;
	v3 =	vadd.f32 v17, v3;
	v15 =	vmul.f32 v21, v21;
	v17 =	vld [tilespmem:s11+$0xFFFFFFC0]  }
0x25c: {  	v19 =	vmul.f32 v24, v24;
	v4 =	vadd.f32 v11, v4;
	v11 =	vmul.f32 v23, v23;
	v44 =	vld [tilespmem:s13+$0xFFFFE010]  }
0x25d: {  	v7 =	vadd.f32 v10, v7;
	v2 =	vadd.f32 v15, v2;
	v10 =	vmul.f32 v27, v27;
	v15 =	vld [tilespmem:s11+$0xFFFFFFD0]  }
0x25e: {  	v3 =	vadd.f32 v11, v3;
	v4 =	vadd.f32 v19, v4;
	v11 =	vmul.f32 v29, v29;
	v19 =	vld [tilespmem:s13+$0xFFFFE020]  }
0x25f: {  	v5 =	vmul.f32 v5, v5;
	v2 =	vadd.f32 v10, v2;
	v10 =	vmul.f32 v30, v30;
	v46 =	vld [tilespmem:s11+$0xFFFFFFE0]  }
0x260: {  	v3 =	vadd.f32 v11, v3;
	v11 =	vmul.f32 v33, v33;
	v48 =	vld [tilespmem:s13+$0xFFFFE030];
	v47 =	vmul.f32 v17, v16  }
0x261: {  	v45 =	vmul.f32 v32, v32;
	v5 =	vadd.f32 v5, v12;
	v4 =	vadd.f32 v10, v4;
	v10 =	vld [tilespmem:s11+$0xFFFFFFF0]  }
0x262: {  	v3 =	vadd.f32 v11, v3;
	v50 =	vld [tilespmem:s13+$0xFFFFE040];
	v49 =	vmul.f32 v15, v44;
	v11 =	vmul.f32 v47, v18  }
0x263: {  	v20 =	vmul.f32 v20, v20;
	v12 =	vmul.f32 v39, v39;
	v1 =	vadd.f32 v1, v5;
	v52 =	vld [tilespmem:s11+$0x0]  }
0x264: {  	v54 =	vld [tilespmem:s13+$0xFFFFE050];
	v53 =	vmul.f32 v46, v19;
	v23 =	vmul.f32 v49, v13;
	v11 =	vadd.f32 $0.0e+00, v11  }
0x265: {  	v51 =	vmul.f32 v34, v34;
	v7 =	vadd.f32 v12, v7;
	v12 =	vadd.f32 v20, v14;
	v5 =	vld [tilespmem:s11+$0x10]  }
0x266: {  	v57 =	vld [tilespmem:s13+$0xFFFFE060];
	v56 =	vmul.f32 v10, v48;
	v55 =	vmul.f32 v53, v43;
	v11 =	vadd.f32 v23, v11  }
0x267: {  	v26 =	vmul.f32 v26, v26;
	v0 =	vadd.f32 v0, v1;
	v2 =	vadd.f32 v45, v2;
	v14 =	vld [tilespmem:s11+$0x20]  }
0x268: {  	v59 =	vld [tilespmem:s13+$0xFFFFE070];
	v58 =	vmul.f32 v52, v50;
	v20 =	vmul.f32 v56, v42;
	v11 =	vadd.f32 v55, v11  }
0x269: {  	v31 =	vmul.f32 v31, v31;
	v1 =	vadd.f32 v26, v12;
	v4 =	vadd.f32 v51, v4;
	v12 =	vld [tilespmem:s11+$0x30]  }
0x26a: {  	s8 =	simm.s32 $0x0;
	v61 =	vmul.f32 v5, v54;
	v11 =	vadd.f32 v20, v11;
	v20 =	vmul.f32 v58, v8  }
0x26b: {  	v1 =	vadd.f32 v31, v1;
	s12 =	sand.u32 $0x30, s8;
	v62 =	vld [tilespmem:s13+$0x70];
	v13 =	vmul.f32 v13, v13;
	v18 =	vmul.f32 v18, v18  }
0x26c: {  	v60 =	vld [tilespmem:s12+$0x700];
	v63 =	vmul.f32 v14, v57;
	v11 =	vadd.f32 v20, v11;
	v20 =	vmul.f32 v61, v6  }
0x26d: {  	v7 =	vadd.f32 v13, v7;
	v0 =	vadd.f32 v18, v0;
	v13 =	vmul.f32 v16, v16  }
0x26e: {  	v16 =	vmul.f32 v63, v9;
	v18 =	vmul.f32 v12, v59;
	v11 =	vadd.f32 v20, v11  }
0x26f: {  	v17 =	vmul.f32 v17, v17;
	v15 =	vmul.f32 v15, v15;
	v1 =	vadd.f32 v13, v1  }
0x270: {  	v13 =	vmov s8;
	v11 =	vadd.f32 v16, v11;
	v16 =	vmul.f32 v18, v62  }
0x271: {  	v10 =	vmul.f32 v10, v10;
	v2 =	vadd.f32 v17, v2;
	v13 =	vperm.xlane v60, v13  }
0x272: {  	v17 =	vmul.f32 v8, v8;
	v8 =	vadd.f32 v16, v11;
	v16 =	vmul.f32 v44, v44  }
0x273: {  	v5 =	vmul.f32 v5, v5;
	v4 =	vadd.f32 v15, v4;
	v13 =	vsub.f32 $0.0e+00, v13  }
0x274: {  	v11 =	vmul.f32 v42, v42;
	v3 =	vadd.f32 v16, v3;
	v16 =	vmul.f32 v46, v46  }
0x275: {  	v10 =	vadd.f32 v10, v4;
	v20 =	vmul.f32 v48, v48;
	v8 =	vmul.f32 v8, v13  }
0x276: {  	s13 =	sand.u32 $0x3F0, s8;
	v7 =	vadd.f32 v11, v7;
	v11 =	vmul.f32 v52, v52;
	v2 =	vadd.f32 v16, v2  }
0x277: {  	s9 =	simm.s32 $0x2880;
	v6 =	vmul.f32 v6, v6;
	v13 =	vmul.f32 v54, v54;
	v3 =	vadd.f32 v20, v3;
	[tilespmem:s13+$0xD800] =	vst v8  }
0x278: {  	v18 =	vmul.f32 v43, v43;
	v8 =	vmul.f32 v14, v14;
	v4 =	vld [tilespmem:s9+$0x60];
	v2 =	vadd.f32 v11, v2  }
0x279: {  	v11 =	vadd.f32 v6, v7;
	v6 =	vadd.f32 v13, v3;
	v13 =	vmul.f32 v59, v59;
	v7 =	vld [tilespmem:s9+$0x50]  }
0x27a: {  	v5 =	vadd.f32 v5, v10;
	v10 =	vmul.f32 v19, v19;
	v3 =	vadd.f32 v8, v2;
	v8 =	vld [tilespmem:s9+$0x40]  }
0x27b: {  	v12 =	vmul.f32 v12, v12;
	v0 =	vadd.f32 v18, v0;
	v2 =	vadd.f32 v13, v6;
	v13 =	vld [tilespmem:s9+$0x30]  }
0x27c: {  	v15 =	vmul.f32 v50, v50;
	v1 =	vadd.f32 v10, v1;
	v14 =	vmul.f32 v62, v62;
	v6 =	vld [tilespmem:s9+$0x20]  }
0x27d: {  	v9 =	vmul.f32 v9, v9;
	v5 =	vadd.f32 v12, v5;
	v0 =	vadd.f32 v17, v0;
	v12 =	vld [tilespmem:s9+$0x10]  }
0x27e: {  	v1 =	vadd.f32 v15, v1;
	v15 =	vld [tilespmem:s9+$0x0];
	v10 =	vadd.f32 v14, v11;
	v14 =	vmul.f32 v57, v57  }
0x27f: {  	s11 =	simm.s32 $0x88C0;
	v17 =	vld [tilespmem:s9+$0xFFFFE000];
	v11 =	vadd.f32 v9, v0;
	v0 =	vmul.f32 v4, v4;
	v9 =	vmul.f32 v7, v7  }
0x280: {  	s10 =	simm.s32 $0x1;
	s12 =	simm.s32 $0x2;
	v18 =	vld [tilespmem:s11+$0xFFFFFFC0];
	v14 =	vadd.f32 v14, v1;
	v1 =	vmul.f32 v8, v8;
	v16 =	vmul.f32 v13, v13  }
.LBB2_10:
0x281: {  	p0 =	sne.s32 s12, $0x3F;
	v19 =	vld [tilespmem:s9+$0xFFFFE010];
	v20 =	vmul.f32 v6, v6  }
0x282: {  	v21 =	vld [tilespmem:s11+$0xFFFFFFD0];
	v22 =	vmul.f32 v12, v12  }
0x283: {  	v23 =	vmul.f32 v15, v15;
	v24 =	vld [tilespmem:s9+$0xFFFFE020]  }
0x284: {  	v25 =	vmov s10;
	v26 =	vmul.f32 v17, v17;
	v10 =	vadd.f32 v22, v10;
	v22 =	vld [tilespmem:s11+$0xFFFFFFE0]  }
0x285: {  	v17 =	vmul.f32 v18, v17;
	v11 =	vadd.f32 v23, v11;
	v18 =	vmul.f32 v18, v18;
	v23 =	vld [tilespmem:s9+$0xFFFFE030]  }
0x286: {  	v14 =	vadd.f32 v26, v14;
	v26 =	vmul.f32 v19, v19;
	v27 =	vld [tilespmem:s11+$0xFFFFFFF0];
	v10 =	vadd.f32 v16, v10  }
0x287: {  	v15 =	vmul.f32 v17, v15;
	v3 =	vadd.f32 v18, v3;
	v16 =	vmul.f32 v21, v19;
	v17 =	vld [tilespmem:s9+$0xFFFFE040]  }
0x288: {  	v18 =	vmul.f32 v21, v21;
	v2 =	vadd.f32 v26, v2;
	v19 =	vld [tilespmem:s11+$0x0];
	v9 =	vadd.f32 v9, v10  }
0x289: {  	v10 =	vadd.f32 $0.0e+00, v15;
	v12 =	vmul.f32 v16, v12;
	v15 =	vmul.f32 v22, v24;
	v16 =	vld [tilespmem:s9+$0xFFFFE050]  }
0x28a: {  	v5 =	vadd.f32 v18, v5;
	v18 =	vmul.f32 v22, v22;
	v21 =	vmul.f32 v23, v23;
	v22 =	vld [tilespmem:s11+$0x10]  }
0x28b: {  	v10 =	vadd.f32 v12, v10;
	v6 =	vmul.f32 v15, v6;
	v12 =	vmul.f32 v27, v23;
	v15 =	vld [tilespmem:s9+$0xFFFFE060]  }
0x28c: {  	v3 =	vadd.f32 v18, v3;
	v18 =	vmul.f32 v27, v27;
	v2 =	vadd.f32 v21, v2;
	v21 =	vld [tilespmem:s11+$0x20]  }
0x28d: {  	v6 =	vadd.f32 v6, v10;
	v10 =	vmul.f32 v12, v13;
	v12 =	vmul.f32 v19, v17;
	v13 =	vld [tilespmem:s9+$0xFFFFE070]  }
0x28e: {  	s13 =	sand.u32 $0x30, s10;
	s10 =	smov.u32 s12;
	v5 =	vadd.f32 v18, v5;
	v18 =	vmul.f32 v19, v19;
	v19 =	vmul.f32 v16, v16;
	v23 =	vld [tilespmem:s11+$0x30]  }
0x28f: {  	v26 =	vld [tilespmem:s13+$0x700];
	v6 =	vadd.f32 v10, v6;
	v8 =	vmul.f32 v12, v8;
	v10 =	vmul.f32 v22, v16  }
0x290: {  	v3 =	vadd.f32 v18, v3;
	v12 =	vmul.f32 v22, v22;
	v2 =	vadd.f32 v19, v2;
	v16 =	vld [tilespmem:s9+$0x70]  }
0x291: {  	v6 =	vadd.f32 v8, v6;
	v7 =	vmul.f32 v10, v7;
	v8 =	vmul.f32 v21, v15  }
0x292: {  	v5 =	vadd.f32 v12, v5;
	v10 =	vmul.f32 v21, v21;
	v12 =	vmul.f32 v13, v13  }
0x293: {  	v6 =	vadd.f32 v7, v6;
	v4 =	vmul.f32 v8, v4;
	v7 =	vmul.f32 v23, v13  }
0x294: {  	v3 =	vadd.f32 v10, v3;
	v8 =	vmul.f32 v23, v23;
	v2 =	vadd.f32 v12, v2  }
0x295: {  	v10 =	vperm.xlane v26, v25;
	v4 =	vadd.f32 v4, v6;
	v6 =	vmul.f32 v7, v16  }
0x296: {  	v7 =	vadd.f32 v20, v11;
	v11 =	vmul.f32 v16, v16;
	v5 =	vadd.f32 v8, v5  }
0x297: {  	v12 =	vmul.f32 v24, v24;
	v8 =	vsub.f32 $0.0e+00, v10;
	v4 =	vadd.f32 v6, v4  }
0x298: {  	v6 =	vmul.f32 v17, v17;
	v1 =	vadd.f32 v1, v7;
	v10 =	vadd.f32 v11, v9  }
0x299: {  	s8 =	sadd.s32 $0x10, s8;
	v7 =	vadd.f32 v12, v14;
	v9 =	vmul.f32 v15, v15;
	v4 =	vmul.f32 v4, v8  }
0x29a: {  	s13 =	sand.u32 $0x3F0, s8;
	v11 =	vadd.f32 v0, v1  }
0x29b: {  	s9 =	sadd.s32 $0x80, s9;
	v0 =	vadd.f32 v6, v7;
	[tilespmem:s13+$0xD800] =	vst v4  }
0x29c: {  	v4 =	vld [tilespmem:s9+$0x60]  }
0x29d: {  	v14 =	vadd.f32 v9, v0;
	v7 =	vld [tilespmem:s9+$0x50]  }
0x29e: {  	v8 =	vld [tilespmem:s9+$0x40]  }
0x29f: {  	v13 =	vld [tilespmem:s9+$0x30]  }
.Ltmp4:
0x2a0: {  	v6 =	vld [tilespmem:s9+$0x20];
	(pc) =	sbr.rel @p0 .LBB2_10-.Ltmp4, $4  }
0x2a1: {  	v12 =	vld [tilespmem:s9+$0x10];
	v0 =	vmul.f32 v4, v4  }
0x2a2: {  	v15 =	vld [tilespmem:s9+$0x0];
	v9 =	vmul.f32 v7, v7  }
0x2a3: {  	s11 =	sadd.s32 $0x80, s11;
	v17 =	vld [tilespmem:s9+$0xFFFFE000];
	v1 =	vmul.f32 v8, v8  }
0x2a4: {  	s12 =	sadd.s32 $0x1, s12;
	v18 =	vld [tilespmem:s11+$0xFFFFFFC0];
	v16 =	vmul.f32 v13, v13  }
0x2a5: {  	v19 =	vld [tilespmem:s9+$0xFFFFE010]  }
0x2a6: {  	v20 =	vld [tilespmem:s11+$0xFFFFFFD0]  }
0x2a7: {  	v21 =	vld [tilespmem:s9+$0xFFFFE020]  }
0x2a8: {  	v22 =	vld [tilespmem:s11+$0xFFFFFFE0]  }
0x2a9: {  	v24 =	vld [tilespmem:s9+$0xFFFFE030];
	v23 =	vmul.f32 v18, v17  }
0x2aa: {  	v25 =	vld [tilespmem:s11+$0xFFFFFFF0]  }
0x2ab: {  	v27 =	vld [tilespmem:s9+$0xFFFFE040];
	v26 =	vmul.f32 v20, v19;
	v23 =	vmul.f32 v23, v15  }
0x2ac: {  	v28 =	vld [tilespmem:s11+$0x0]  }
0x2ad: {  	v30 =	vld [tilespmem:s9+$0xFFFFE050];
	v29 =	vmul.f32 v22, v21;
	v26 =	vmul.f32 v26, v12;
	v23 =	vadd.f32 $0.0e+00, v23  }
0x2ae: {  	v31 =	vld [tilespmem:s11+$0x10]  }
0x2af: {  	v32 =	vld [tilespmem:s9+$0xFFFFE060];
	v38 =	vmul.f32 v25, v24;
	v37 =	vmul.f32 v29, v6;
	v23 =	vadd.f32 v26, v23  }
0x2b0: {  	v33 =	vld [tilespmem:s11+$0x20]  }
0x2b1: {  	v40 =	vld [tilespmem:s9+$0xFFFFE070];
	v39 =	vmul.f32 v28, v27;
	v13 =	vmul.f32 v38, v13;
	v23 =	vadd.f32 v37, v23  }
0x2b2: {  	v34 =	vld [tilespmem:s11+$0x30]  }
0x2b3: {  	s13 =	sand.u32 $0x30, s10;
	v42 =	vld [tilespmem:s9+$0x70];
	v41 =	vmul.f32 v31, v30;
	v8 =	vmul.f32 v39, v8;
	v13 =	vadd.f32 v13, v23  }
0x2b4: {  	v35 =	vld [tilespmem:s13+$0x700]  }
0x2b5: {  	v7 =	vmul.f32 v41, v7;
	v8 =	vadd.f32 v8, v13;
	v13 =	vmul.f32 v33, v32;
	_ =	sdelay $0x1  }
0x2b6: {  	v7 =	vadd.f32 v7, v8;
	v4 =	vmul.f32 v13, v4;
	v8 =	vmul.f32 v34, v40  }
0x2b7: {  	v13 =	vmov s10  }
0x2b8: {  	v13 =	vperm.xlane v35, v13;
	v4 =	vadd.f32 v4, v7;
	v7 =	vmul.f32 v8, v42;
	_ =	sdelay $0x1  }
0x2b9: {  	v8 =	vsub.f32 $0.0e+00, v13;
	v4 =	vadd.f32 v7, v4;
	_ =	sdelay $0x1  }
0x2ba: {  	s8 =	sadd.s32 $0x10, s8;
	v4 =	vmul.f32 v4, v8  }
0x2bb: {  	s8 =	sand.u32 $0x3F0, s8  }
0x2bc: {  	s10 =	simm.s32 $0x300;
	[tilespmem:s8+$0xD800] =	vst v4  }
0x2bd: {  	[tilespmem:s0], [sflag:$0x2] =	stream.indirect.gather [hbm4b:s1+s28], $0x80, s10, s28, $0xb8;
	[tilespmem:$0xE880] =	vst v63  }
0x2be: {  	s11 =	simm.s32 $0x580  }
0x2bf: {  	[tilespmem:s31], [sflag:$0x2] =	stream.indirect.gather [hbm4b:s3+s26], $0x80, s11, s26, $0xb8;
	[tilespmem:$0xE880] =	vst v63  }
0x2c0: {  	_ =	swait.ge [sflag:s5], $0x4000  }
0x2c1: {  	[sflag:s5] =	ssyncset.done $0x0  }
0x2c2: {  	[sflag:s5] =	ssyncadd.s32 $0xFFFFC000  }
0x2c3: {  	_ =	swait.ge [sflag:s5], $0x2000  }
0x2c4: {  	[sflag:s5] =	ssyncset.done $0x0  }
0x2c5: {  	s12 =	simm.s32 $0x0;
	[sflag:s5] =	ssyncadd.s32 $0xFFFFE000  }
0x2c6: {  	v4 =	vld [tilespmem:s12+$0x6860]  }
0x2c7: {  	v7 =	vld [tilespmem:s12+$0x6850]  }
0x2c8: {  	v8 =	vld [tilespmem:s12+$0x6840]  }
0x2c9: {  	v12 =	vmul.f32 v12, v12;
	v13 =	vld [tilespmem:s12+$0x6830]  }
0x2ca: {  	v17 =	vmul.f32 v17, v17;
	v15 =	vmul.f32 v15, v15;
	v43 =	vld [tilespmem:s12+$0x6820]  }
0x2cb: {  	v10 =	vadd.f32 v12, v10;
	v12 =	vmul.f32 v18, v18;
	v18 =	vmul.f32 v19, v19;
	v19 =	vld [tilespmem:s12+$0x6810]  }
0x2cc: {  	v14 =	vadd.f32 v17, v14;
	v11 =	vadd.f32 v15, v11;
	v15 =	vmul.f32 v20, v20;
	v17 =	vld [tilespmem:s12+$0x6800]  }
0x2cd: {  	v3 =	vadd.f32 v12, v3;
	v2 =	vadd.f32 v18, v2;
	v12 =	vmul.f32 v22, v22;
	v18 =	vld [tilespmem:s12+$0x4800]  }
0x2ce: {  	v44 =	vmul.f32 v25, v25;
	v5 =	vadd.f32 v15, v5;
	v15 =	vmul.f32 v24, v24;
	v45 =	vld [tilespmem:s12+$0xA800]  }
0x2cf: {  	v10 =	vadd.f32 v16, v10;
	v3 =	vadd.f32 v12, v3;
	v12 =	vmul.f32 v28, v28;
	v16 =	vld [tilespmem:s12+$0x4810]  }
0x2d0: {  	v6 =	vmul.f32 v6, v6;
	v2 =	vadd.f32 v15, v2;
	v15 =	vmul.f32 v30, v30;
	v46 =	vld [tilespmem:s12+$0xA810]  }
0x2d1: {  	v5 =	vadd.f32 v44, v5;
	v3 =	vadd.f32 v12, v3;
	v12 =	vmul.f32 v31, v31;
	v48 =	vld [tilespmem:s12+$0x4820]  }
0x2d2: {  	v9 =	vadd.f32 v9, v10;
	v10 =	vmul.f32 v40, v40;
	v2 =	vadd.f32 v15, v2;
	v15 =	vld [tilespmem:s12+$0xA820]  }
0x2d3: {  	v21 =	vmul.f32 v21, v21;
	v6 =	vadd.f32 v6, v11;
	v5 =	vadd.f32 v12, v5;
	v12 =	vld [tilespmem:s12+$0x4830]  }
0x2d4: {  	v2 =	vadd.f32 v10, v2;
	v10 =	vmul.f32 v34, v34;
	v50 =	vld [tilespmem:s12+$0xA830];
	v49 =	vmul.f32 v45, v18  }
0x2d5: {  	v27 =	vmul.f32 v27, v27;
	v1 =	vadd.f32 v1, v6;
	v6 =	vadd.f32 v21, v14;
	v51 =	vld [tilespmem:s12+$0x4840]  }
0x2d6: {  	v5 =	vadd.f32 v10, v5;
	v53 =	vld [tilespmem:s12+$0xA840];
	v52 =	vmul.f32 v46, v16;
	v10 =	vmul.f32 v49, v17  }
0x2d7: {  	v47 =	vmul.f32 v33, v33;
	v11 =	vmul.f32 v42, v42;
	v6 =	vadd.f32 v27, v6;
	v14 =	vld [tilespmem:s12+$0x4850]  }
0x2d8: {  	v56 =	vld [tilespmem:s12+$0xA850];
	v55 =	vmul.f32 v15, v48;
	v54 =	vmul.f32 v52, v19;
	v10 =	vadd.f32 $0.0e+00, v10  }
0x2d9: {  	v0 =	vadd.f32 v0, v1;
	v9 =	vadd.f32 v11, v9;
	v11 =	vmul.f32 v32, v32;
	v57 =	vld [tilespmem:s12+$0x4860]  }
0x2da: {  	v60 =	vld [tilespmem:s12+$0xA860];
	v59 =	vmul.f32 v50, v12;
	v58 =	vmul.f32 v55, v43;
	v10 =	vadd.f32 v54, v10  }
0x2db: {  	v1 =	vadd.f32 v11, v6;
	s8 =	simm.s32 $0x140;
	v11 =	vld [tilespmem:s12+$0x4870];
	v6 =	vmul.f32 v19, v19;
	v61 =	vmul.f32 v53, v51  }
0x2dc: {  	s13 =	sand.u32 $0x170, s8;
	v62 =	vld [tilespmem:s12+$0xA870];
	v18 =	vmul.f32 v18, v18;
	v19 =	vmul.f32 v59, v13;
	v10 =	vadd.f32 v58, v10  }
0x2dd: {  	v63 =	vmul.f32 v56, v14;
	v17 =	vmul.f32 v17, v17;
	v6 =	vadd.f32 v6, v9;
	v9 =	vld [tilespmem:s13+$0x600]  }
0x2de: {  	v16 =	vmul.f32 v16, v16;
	v10 =	vadd.f32 v19, v10;
	v19 =	vmul.f32 v61, v8  }
0x2df: {  	v1 =	vadd.f32 v18, v1;
	v18 =	vmul.f32 v60, v57;
	v0 =	vadd.f32 v17, v0;
	v17 =	vld [tilespmem:s12+$0x6870]  }
0x2e0: {  	s11 =	simm.s32 $0x0;
	v12 =	vmul.f32 v12, v12;
	v21 =	vmul.f32 v63, v7;
	v10 =	vadd.f32 v19, v10  }
0x2e1: {  	v19 =	vmul.f32 v4, v4;
	v4 =	vmul.f32 v18, v4;
	v18 =	vmov s11  }
0x2e2: {  	v9 =	vperm.xlane v9, v18;
	v18 =	vmul.f32 v62, v11;
	v10 =	vadd.f32 v21, v10  }
0x2e3: {  	v3 =	vadd.f32 v47, v3;
	v13 =	vmul.f32 v13, v13;
	v7 =	vmul.f32 v7, v7  }
0x2e4: {  	v4 =	vadd.f32 v4, v10;
	v10 =	vmul.f32 v8, v8;
	v8 =	vmul.f32 v18, v17  }
0x2e5: {  	v2 =	vadd.f32 v16, v2;
	v6 =	vadd.f32 v13, v6;
	v13 =	vmul.f32 v45, v45  }
0x2e6: {  	v9 =	vsub.f32 $0.0e+00, v9;
	v18 =	vmul.f32 v46, v46;
	v4 =	vadd.f32 v8, v4  }
0x2e7: {  	s9 =	simm.s32 $0x0;
	s12 =	simm.s32 $0x1400;
	v3 =	vadd.f32 v13, v3;
	v13 =	vmul.f32 v43, v43;
	v8 =	vmul.f32 v15, v15  }
0x2e8: {  	s13 =	sand.u32 $0x70, s9;
	s10 =	sand.u32 $0x1780, s12;
	v5 =	vadd.f32 v18, v5;
	v15 =	vmul.f32 v50, v50;
	v4 =	vmul.f32 v4, v9  }
0x2e9: {  	v2 =	vadd.f32 v12, v2;
	s11 =	sor.u32 s13, s10;
	v3 =	vadd.f32 v8, v3;
	v8 =	vmul.f32 v53, v53  }
0x2ea: {  	v12 =	vmul.f32 v56, v56;
	v0 =	vadd.f32 v13, v0;
	s10 =	simm.s32 $0x80;
	v5 =	vadd.f32 v15, v5;
	[tilespmem:s11+$0xC800] =	vst v4  }
0x2eb: {  	v9 =	vmul.f32 v14, v14;
	v14 =	vadd.f32 v7, v6;
	v3 =	vadd.f32 v8, v3;
	v6 =	vld [tilespmem:s10+$0x6860]  }
0x2ec: {  	v4 =	vmul.f32 v60, v60;
	v12 =	vadd.f32 v12, v5;
	v5 =	vmul.f32 v48, v48;
	v8 =	vld [tilespmem:s10+$0x6850]  }
0x2ed: {  	v13 =	vmul.f32 v51, v51;
	v11 =	vmul.f32 v11, v11;
	v15 =	vadd.f32 v9, v2;
	v9 =	vld [tilespmem:s10+$0x6840]  }
0x2ee: {  	v7 =	vld [tilespmem:s10+$0x6830];
	v2 =	vadd.f32 v4, v3;
	v4 =	vmul.f32 v62, v62;
	v1 =	vadd.f32 v5, v1  }
0x2ef: {  	v0 =	vadd.f32 v10, v0;
	v3 =	vadd.f32 v11, v15;
	v11 =	vmul.f32 v17, v17;
	v5 =	vld [tilespmem:s10+$0x6820]  }
0x2f0: {  	v10 =	vmul.f32 v57, v57;
	v4 =	vadd.f32 v4, v12;
	v1 =	vadd.f32 v13, v1;
	v13 =	vld [tilespmem:s10+$0x6810]  }
0x2f1: {  	v15 =	vld [tilespmem:s10+$0x6800];
	v11 =	vadd.f32 v11, v14;
	v12 =	vadd.f32 v19, v0;
	v0 =	vmul.f32 v6, v6  }
0x2f2: {  	s11 =	simm.s32 $0x400;
	v16 =	vld [tilespmem:s10+$0x4800];
	v14 =	vadd.f32 v10, v1;
	v10 =	vmul.f32 v8, v8;
	v1 =	vmul.f32 v9, v9  }
.LBB2_12:
0x2f3: {  	p0 =	sne.s32 s11, $0x7E00;
	v17 =	vld [tilespmem:s10+$0xA800];
	v18 =	vmul.f32 v7, v7  }
0x2f4: {  	v19 =	vld [tilespmem:s10+$0x4810];
	v20 =	vmul.f32 v5, v5  }
0x2f5: {  	s8 =	sadd.s32 $0x1, s8;
	v21 =	vld [tilespmem:s10+$0xA810];
	v22 =	vmul.f32 v13, v13  }
0x2f6: {  	s12 =	sadd.s32 $0xFFFFFEC0, s8;
	v23 =	vmul.f32 v15, v15;
	v24 =	vld [tilespmem:s10+$0x4820]  }
0x2f7: {  	v25 =	vmov s12;
	v26 =	vmul.f32 v16, v16;
	v11 =	vadd.f32 v22, v11;
	v22 =	vld [tilespmem:s10+$0xA820]  }
0x2f8: {  	v16 =	vmul.f32 v17, v16;
	v12 =	vadd.f32 v23, v12;
	v17 =	vmul.f32 v17, v17;
	v23 =	vld [tilespmem:s10+$0x4830]  }
0x2f9: {  	v14 =	vadd.f32 v26, v14;
	v26 =	vmul.f32 v19, v19;
	v27 =	vld [tilespmem:s10+$0xA830];
	v11 =	vadd.f32 v18, v11  }
0x2fa: {  	v15 =	vmul.f32 v16, v15;
	v2 =	vadd.f32 v17, v2;
	v16 =	vmul.f32 v21, v19;
	v17 =	vld [tilespmem:s10+$0x4840]  }
0x2fb: {  	v18 =	vmul.f32 v21, v21;
	v3 =	vadd.f32 v26, v3;
	v19 =	vld [tilespmem:s10+$0xA840];
	v10 =	vadd.f32 v10, v11  }
0x2fc: {  	v11 =	vadd.f32 $0.0e+00, v15;
	v13 =	vmul.f32 v16, v13;
	v15 =	vmul.f32 v22, v24;
	v16 =	vld [tilespmem:s10+$0x4850]  }
0x2fd: {  	v4 =	vadd.f32 v18, v4;
	v18 =	vmul.f32 v22, v22;
	v21 =	vmul.f32 v23, v23;
	v22 =	vld [tilespmem:s10+$0xA850]  }
0x2fe: {  	v11 =	vadd.f32 v13, v11;
	v5 =	vmul.f32 v15, v5;
	v13 =	vmul.f32 v27, v23;
	v15 =	vld [tilespmem:s10+$0x4860]  }
0x2ff: {  	v2 =	vadd.f32 v18, v2;
	v18 =	vmul.f32 v27, v27;
	v3 =	vadd.f32 v21, v3;
	v21 =	vld [tilespmem:s10+$0xA860]  }
0x300: {  	v5 =	vadd.f32 v5, v11;
	v7 =	vmul.f32 v13, v7;
	v11 =	vmul.f32 v19, v17;
	v13 =	vld [tilespmem:s10+$0x4870]  }
0x301: {  	s12 =	sand.u32 $0x170, s8;
	v4 =	vadd.f32 v18, v4;
	v18 =	vmul.f32 v19, v19;
	v19 =	vmul.f32 v16, v16;
	v23 =	vld [tilespmem:s10+$0xA870]  }
0x302: {  	v26 =	vld [tilespmem:s12+$0x600];
	v5 =	vadd.f32 v7, v5;
	v7 =	vmul.f32 v11, v9;
	v9 =	vmul.f32 v22, v16  }
0x303: {  	v2 =	vadd.f32 v18, v2;
	v11 =	vmul.f32 v22, v22;
	v3 =	vadd.f32 v19, v3;
	v16 =	vld [tilespmem:s10+$0x6870]  }
0x304: {  	v5 =	vadd.f32 v7, v5;
	v7 =	vmul.f32 v9, v8;
	v8 =	vmul.f32 v21, v15  }
0x305: {  	v4 =	vadd.f32 v11, v4;
	v9 =	vmul.f32 v21, v21;
	v11 =	vmul.f32 v13, v13  }
0x306: {  	v5 =	vadd.f32 v7, v5;
	v6 =	vmul.f32 v8, v6;
	v7 =	vmul.f32 v23, v13  }
0x307: {  	v2 =	vadd.f32 v9, v2;
	v8 =	vmul.f32 v23, v23;
	v3 =	vadd.f32 v11, v3  }
0x308: {  	v9 =	vperm.xlane v26, v25;
	v5 =	vadd.f32 v6, v5;
	v6 =	vmul.f32 v7, v16  }
0x309: {  	v7 =	vadd.f32 v20, v12;
	v11 =	vmul.f32 v16, v16;
	v4 =	vadd.f32 v8, v4  }
0x30a: {  	s9 =	sadd.s32 $0x10, s9;
	v8 =	vsub.f32 $0.0e+00, v9;
	v9 =	vmul.f32 v24, v24;
	v5 =	vadd.f32 v6, v5  }
0x30b: {  	s10 =	sadd.s32 $0x1400, s9;
	v6 =	vmul.f32 v17, v17;
	v1 =	vadd.f32 v1, v7;
	v11 =	vadd.f32 v11, v10  }
0x30c: {  	s12 =	sand.u32 $0x70, s9;
	s10 =	sand.u32 $0x1780, s10;
	v7 =	vadd.f32 v9, v14;
	v9 =	vmul.f32 v15, v15;
	v5 =	vmul.f32 v5, v8  }
0x30d: {  	s12 =	sor.u32 s12, s10;
	v12 =	vadd.f32 v0, v1  }
0x30e: {  	s10 =	sshra.s32 s11, $0x2;
	v0 =	vadd.f32 v6, v7;
	[tilespmem:s12+$0xC800] =	vst v5  }
0x30f: {  	v6 =	vld [tilespmem:s10+$0x6860]  }
0x310: {  	v14 =	vadd.f32 v9, v0;
	v8 =	vld [tilespmem:s10+$0x6850]  }
0x311: {  	v9 =	vld [tilespmem:s10+$0x6840]  }
.Ltmp5:
0x312: {  	v7 =	vld [tilespmem:s10+$0x6830];
	(pc) =	sbr.rel @p0 .LBB2_12-.Ltmp5, $4  }
0x313: {  	v5 =	vld [tilespmem:s10+$0x6820]  }
0x314: {  	v13 =	vld [tilespmem:s10+$0x6810];
	v0 =	vmul.f32 v6, v6  }
0x315: {  	v15 =	vld [tilespmem:s10+$0x6800];
	v10 =	vmul.f32 v8, v8  }
0x316: {  	s11 =	sadd.s32 $0x200, s11;
	v16 =	vld [tilespmem:s10+$0x4800];
	v1 =	vmul.f32 v9, v9  }
0x317: {  	v17 =	vld [tilespmem:s10+$0xA800]  }
0x318: {  	v18 =	vld [tilespmem:s10+$0x4810]  }
0x319: {  	v19 =	vld [tilespmem:s10+$0xA810]  }
0x31a: {  	v20 =	vld [tilespmem:s10+$0x4820]  }
0x31b: {  	v21 =	vld [tilespmem:s10+$0xA820]  }
0x31c: {  	v23 =	vld [tilespmem:s10+$0x4830];
	v22 =	vmul.f32 v17, v16  }
0x31d: {  	v24 =	vld [tilespmem:s10+$0xA830]  }
0x31e: {  	v26 =	vld [tilespmem:s10+$0x4840];
	v25 =	vmul.f32 v19, v18;
	v22 =	vmul.f32 v22, v15  }
0x31f: {  	v27 =	vld [tilespmem:s10+$0xA840]  }
0x320: {  	v29 =	vld [tilespmem:s10+$0x4850];
	v28 =	vmul.f32 v21, v20;
	v25 =	vmul.f32 v25, v13;
	v22 =	vadd.f32 $0.0e+00, v22  }
0x321: {  	v30 =	vld [tilespmem:s10+$0xA850]  }
0x322: {  	v31 =	vld [tilespmem:s10+$0x4860];
	v63 =	vmul.f32 v24, v23;
	v62 =	vmul.f32 v28, v5;
	v22 =	vadd.f32 v25, v22  }
0x323: {  	v32 =	vld [tilespmem:s10+$0xA860]  }
0x324: {  	v33 =	vld [tilespmem:s10+$0x4870];
	v37 =	vmul.f32 v27, v26;
	v36 =	vmul.f32 v63, v7;
	v22 =	vadd.f32 v62, v22  }
0x325: {  	s8 =	sadd.s32 $0x1, s8;
	v34 =	vld [tilespmem:s10+$0xA870]  }
0x326: {  	v39 =	vld [tilespmem:s10+$0x6870];
	s11 =	sand.u32 $0x170, s8;
	v38 =	vmul.f32 v30, v29;
	v9 =	vmul.f32 v37, v9;
	v22 =	vadd.f32 v36, v22  }
0x327: {  	v35 =	vld [tilespmem:s11+$0x600]  }
0x328: {  	v40 =	vmul.f32 v32, v31;
	v8 =	vmul.f32 v38, v8;
	v9 =	vadd.f32 v9, v22;
	_ =	sdelay $0x1  }
0x329: {  	s8 =	sadd.s32 $0xFFFFFEC0, s8;
	v6 =	vmul.f32 v40, v6;
	v8 =	vadd.f32 v8, v9;
	v9 =	vmul.f32 v34, v33  }
0x32a: {  	v41 =	vmov s8  }
0x32b: {  	v22 =	vperm.xlane v35, v41;
	v6 =	vadd.f32 v6, v8;
	v8 =	vmul.f32 v9, v39;
	_ =	sdelay $0x1  }
0x32c: {  	s10 =	sadd.s32 $0x10, s9;
	v9 =	vsub.f32 $0.0e+00, v22;
	v6 =	vadd.f32 v8, v6  }
0x32d: {  	s9 =	sadd.s32 $0x1400, s10  }
0x32e: {  	s8 =	sand.u32 $0x70, s10;
	s9 =	sand.u32 $0x1780, s9;
	v6 =	vmul.f32 v6, v9  }
0x32f: {  	s8 =	sor.u32 s8, s9  }
0x330: {  	s11 =	simm.s32 $0x380;
	[tilespmem:s8+$0xC800] =	vst v6  }
0x331: {  	[tilespmem:s30], [sflag:$0x3] =	stream.indirect.gather [hbm4b:s1+s28], $0x80, s11, s28, $0xb8;
	[tilespmem:$0xE880] =	vst v63  }
0x332: {  	s12 =	simm.s32 $0x5C0  }
0x333: {  	[tilespmem:s2], [sflag:$0x3] =	stream.indirect.gather [hbm4b:s3+s26], $0x80, s12, s26, $0xb8;
	[tilespmem:$0xE880] =	vst v63  }
0x334: {  	_ =	swait.ge [sflag:s4], $0x4000  }
0x335: {  	[sflag:s4] =	ssyncset.done $0x0  }
0x336: {  	[sflag:s4] =	ssyncadd.s32 $0xFFFFC000  }
0x337: {  	_ =	swait.ge [sflag:s4], $0x2000  }
0x338: {  	[sflag:s4] =	ssyncset.done $0x0  }
0x339: {  	s13 =	simm.s32 $0x2800;
	[sflag:s4] =	ssyncadd.s32 $0xFFFFE000  }
0x33a: {  	v9 =	vld [tilespmem:s13+$0x60]  }
0x33b: {  	v6 =	vld [tilespmem:s13+$0x50]  }
0x33c: {  	v8 =	vld [tilespmem:s13+$0x40]  }
0x33d: {  	v13 =	vmul.f32 v13, v13;
	v42 =	vld [tilespmem:s13+$0x30]  }
0x33e: {  	v15 =	vmul.f32 v15, v15;
	v43 =	vld [tilespmem:s13+$0x20]  }
0x33f: {  	v16 =	vmul.f32 v16, v16;
	v7 =	vmul.f32 v7, v7;
	v11 =	vadd.f32 v13, v11;
	v13 =	vld [tilespmem:s13+$0x10]  }
0x340: {  	v12 =	vadd.f32 v15, v12;
	v15 =	vmul.f32 v17, v17;
	v17 =	vmul.f32 v18, v18;
	v18 =	vld [tilespmem:s13+$0x0]  }
0x341: {  	v14 =	vadd.f32 v16, v14;
	v7 =	vadd.f32 v7, v11;
	v11 =	vmul.f32 v19, v19;
	s11 =	simm.s32 $0x8840;
	v16 =	vld [tilespmem:s13+$0xFFFFE000]  }
0x342: {  	v2 =	vadd.f32 v15, v2;
	v3 =	vadd.f32 v17, v3;
	v15 =	vmul.f32 v21, v21;
	v17 =	vld [tilespmem:s11+$0xFFFFFFC0]  }
0x343: {  	v19 =	vmul.f32 v24, v24;
	v4 =	vadd.f32 v11, v4;
	v11 =	vmul.f32 v23, v23;
	v44 =	vld [tilespmem:s13+$0xFFFFE010]  }
0x344: {  	v7 =	vadd.f32 v10, v7;
	v2 =	vadd.f32 v15, v2;
	v10 =	vmul.f32 v27, v27;
	v15 =	vld [tilespmem:s11+$0xFFFFFFD0]  }
0x345: {  	v3 =	vadd.f32 v11, v3;
	v4 =	vadd.f32 v19, v4;
	v11 =	vmul.f32 v29, v29;
	v19 =	vld [tilespmem:s13+$0xFFFFE020]  }
0x346: {  	v5 =	vmul.f32 v5, v5;
	v2 =	vadd.f32 v10, v2;
	v10 =	vmul.f32 v30, v30;
	v46 =	vld [tilespmem:s11+$0xFFFFFFE0]  }
0x347: {  	v3 =	vadd.f32 v11, v3;
	v11 =	vmul.f32 v33, v33;
	v48 =	vld [tilespmem:s13+$0xFFFFE030];
	v47 =	vmul.f32 v17, v16  }
0x348: {  	v45 =	vmul.f32 v32, v32;
	v5 =	vadd.f32 v5, v12;
	v4 =	vadd.f32 v10, v4;
	v10 =	vld [tilespmem:s11+$0xFFFFFFF0]  }
0x349: {  	v3 =	vadd.f32 v11, v3;
	v50 =	vld [tilespmem:s13+$0xFFFFE040];
	v49 =	vmul.f32 v15, v44;
	v11 =	vmul.f32 v47, v18  }
0x34a: {  	v20 =	vmul.f32 v20, v20;
	v12 =	vmul.f32 v39, v39;
	v1 =	vadd.f32 v1, v5;
	v52 =	vld [tilespmem:s11+$0x0]  }
0x34b: {  	v54 =	vld [tilespmem:s13+$0xFFFFE050];
	v53 =	vmul.f32 v46, v19;
	v23 =	vmul.f32 v49, v13;
	v11 =	vadd.f32 $0.0e+00, v11  }
0x34c: {  	v51 =	vmul.f32 v34, v34;
	v7 =	vadd.f32 v12, v7;
	v12 =	vadd.f32 v20, v14;
	v5 =	vld [tilespmem:s11+$0x10]  }
0x34d: {  	v57 =	vld [tilespmem:s13+$0xFFFFE060];
	v56 =	vmul.f32 v10, v48;
	v55 =	vmul.f32 v53, v43;
	v11 =	vadd.f32 v23, v11  }
0x34e: {  	v26 =	vmul.f32 v26, v26;
	v0 =	vadd.f32 v0, v1;
	v2 =	vadd.f32 v45, v2;
	v14 =	vld [tilespmem:s11+$0x20]  }
0x34f: {  	v59 =	vld [tilespmem:s13+$0xFFFFE070];
	v58 =	vmul.f32 v52, v50;
	v20 =	vmul.f32 v56, v42;
	v11 =	vadd.f32 v55, v11  }
0x350: {  	v31 =	vmul.f32 v31, v31;
	v1 =	vadd.f32 v26, v12;
	v4 =	vadd.f32 v51, v4;
	v12 =	vld [tilespmem:s11+$0x30]  }
0x351: {  	s8 =	simm.s32 $0x0;
	v61 =	vmul.f32 v5, v54;
	v11 =	vadd.f32 v20, v11;
	v20 =	vmul.f32 v58, v8  }
0x352: {  	v1 =	vadd.f32 v31, v1;
	s12 =	sand.u32 $0x30, s8;
	v62 =	vld [tilespmem:s13+$0x70];
	v13 =	vmul.f32 v13, v13;
	v18 =	vmul.f32 v18, v18  }
0x353: {  	v60 =	vld [tilespmem:s12+$0x780];
	v63 =	vmul.f32 v14, v57;
	v11 =	vadd.f32 v20, v11;
	v20 =	vmul.f32 v61, v6  }
0x354: {  	v7 =	vadd.f32 v13, v7;
	v0 =	vadd.f32 v18, v0;
	v13 =	vmul.f32 v16, v16  }
0x355: {  	v16 =	vmul.f32 v63, v9;
	v18 =	vmul.f32 v12, v59;
	v11 =	vadd.f32 v20, v11  }
0x356: {  	v17 =	vmul.f32 v17, v17;
	v15 =	vmul.f32 v15, v15;
	v1 =	vadd.f32 v13, v1  }
0x357: {  	v13 =	vmov s8;
	v11 =	vadd.f32 v16, v11;
	v16 =	vmul.f32 v18, v62  }
0x358: {  	v10 =	vmul.f32 v10, v10;
	v2 =	vadd.f32 v17, v2;
	v13 =	vperm.xlane v60, v13  }
0x359: {  	v17 =	vmul.f32 v8, v8;
	v8 =	vadd.f32 v16, v11;
	v16 =	vmul.f32 v44, v44  }
0x35a: {  	v5 =	vmul.f32 v5, v5;
	v4 =	vadd.f32 v15, v4;
	v13 =	vsub.f32 $0.0e+00, v13  }
0x35b: {  	v11 =	vmul.f32 v42, v42;
	v3 =	vadd.f32 v16, v3;
	v16 =	vmul.f32 v46, v46  }
0x35c: {  	v10 =	vadd.f32 v10, v4;
	v20 =	vmul.f32 v48, v48;
	v8 =	vmul.f32 v8, v13  }
0x35d: {  	s13 =	sand.u32 $0x3F0, s8;
	v7 =	vadd.f32 v11, v7;
	v11 =	vmul.f32 v52, v52;
	v2 =	vadd.f32 v16, v2  }
0x35e: {  	s9 =	simm.s32 $0x2880;
	v6 =	vmul.f32 v6, v6;
	v13 =	vmul.f32 v54, v54;
	v3 =	vadd.f32 v20, v3;
	[tilespmem:s13+$0xE000] =	vst v8  }
0x35f: {  	v18 =	vmul.f32 v43, v43;
	v8 =	vmul.f32 v14, v14;
	v4 =	vld [tilespmem:s9+$0x60];
	v2 =	vadd.f32 v11, v2  }
0x360: {  	v11 =	vadd.f32 v6, v7;
	v6 =	vadd.f32 v13, v3;
	v13 =	vmul.f32 v59, v59;
	v7 =	vld [tilespmem:s9+$0x50]  }
0x361: {  	v5 =	vadd.f32 v5, v10;
	v10 =	vmul.f32 v19, v19;
	v3 =	vadd.f32 v8, v2;
	v8 =	vld [tilespmem:s9+$0x40]  }
0x362: {  	v12 =	vmul.f32 v12, v12;
	v0 =	vadd.f32 v18, v0;
	v2 =	vadd.f32 v13, v6;
	v13 =	vld [tilespmem:s9+$0x30]  }
0x363: {  	v15 =	vmul.f32 v50, v50;
	v1 =	vadd.f32 v10, v1;
	v14 =	vmul.f32 v62, v62;
	v6 =	vld [tilespmem:s9+$0x20]  }
0x364: {  	v9 =	vmul.f32 v9, v9;
	v5 =	vadd.f32 v12, v5;
	v0 =	vadd.f32 v17, v0;
	v12 =	vld [tilespmem:s9+$0x10]  }
0x365: {  	v1 =	vadd.f32 v15, v1;
	v15 =	vld [tilespmem:s9+$0x0];
	v10 =	vadd.f32 v14, v11;
	v14 =	vmul.f32 v57, v57  }
0x366: {  	s11 =	simm.s32 $0x88C0;
	v17 =	vld [tilespmem:s9+$0xFFFFE000];
	v11 =	vadd.f32 v9, v0;
	v0 =	vmul.f32 v4, v4;
	v9 =	vmul.f32 v7, v7  }
0x367: {  	s10 =	simm.s32 $0x1;
	s12 =	simm.s32 $0x2;
	v18 =	vld [tilespmem:s11+$0xFFFFFFC0];
	v14 =	vadd.f32 v14, v1;
	v1 =	vmul.f32 v8, v8;
	v16 =	vmul.f32 v13, v13  }
.LBB2_14:
0x368: {  	p0 =	sne.s32 s12, $0x3F;
	v19 =	vld [tilespmem:s9+$0xFFFFE010];
	v20 =	vmul.f32 v6, v6  }
0x369: {  	v21 =	vld [tilespmem:s11+$0xFFFFFFD0];
	v22 =	vmul.f32 v12, v12  }
0x36a: {  	v23 =	vmul.f32 v15, v15;
	v24 =	vld [tilespmem:s9+$0xFFFFE020]  }
0x36b: {  	v25 =	vmov s10;
	v26 =	vmul.f32 v17, v17;
	v10 =	vadd.f32 v22, v10;
	v22 =	vld [tilespmem:s11+$0xFFFFFFE0]  }
0x36c: {  	v17 =	vmul.f32 v18, v17;
	v11 =	vadd.f32 v23, v11;
	v18 =	vmul.f32 v18, v18;
	v23 =	vld [tilespmem:s9+$0xFFFFE030]  }
0x36d: {  	v14 =	vadd.f32 v26, v14;
	v26 =	vmul.f32 v19, v19;
	v27 =	vld [tilespmem:s11+$0xFFFFFFF0];
	v10 =	vadd.f32 v16, v10  }
0x36e: {  	v15 =	vmul.f32 v17, v15;
	v3 =	vadd.f32 v18, v3;
	v16 =	vmul.f32 v21, v19;
	v17 =	vld [tilespmem:s9+$0xFFFFE040]  }
0x36f: {  	v18 =	vmul.f32 v21, v21;
	v2 =	vadd.f32 v26, v2;
	v19 =	vld [tilespmem:s11+$0x0];
	v9 =	vadd.f32 v9, v10  }
0x370: {  	v10 =	vadd.f32 $0.0e+00, v15;
	v12 =	vmul.f32 v16, v12;
	v15 =	vmul.f32 v22, v24;
	v16 =	vld [tilespmem:s9+$0xFFFFE050]  }
0x371: {  	v5 =	vadd.f32 v18, v5;
	v18 =	vmul.f32 v22, v22;
	v21 =	vmul.f32 v23, v23;
	v22 =	vld [tilespmem:s11+$0x10]  }
0x372: {  	v10 =	vadd.f32 v12, v10;
	v6 =	vmul.f32 v15, v6;
	v12 =	vmul.f32 v27, v23;
	v15 =	vld [tilespmem:s9+$0xFFFFE060]  }
0x373: {  	v3 =	vadd.f32 v18, v3;
	v18 =	vmul.f32 v27, v27;
	v2 =	vadd.f32 v21, v2;
	v21 =	vld [tilespmem:s11+$0x20]  }
0x374: {  	v6 =	vadd.f32 v6, v10;
	v10 =	vmul.f32 v12, v13;
	v12 =	vmul.f32 v19, v17;
	v13 =	vld [tilespmem:s9+$0xFFFFE070]  }
0x375: {  	s13 =	sand.u32 $0x30, s10;
	s10 =	smov.u32 s12;
	v5 =	vadd.f32 v18, v5;
	v18 =	vmul.f32 v19, v19;
	v19 =	vmul.f32 v16, v16;
	v23 =	vld [tilespmem:s11+$0x30]  }
0x376: {  	v26 =	vld [tilespmem:s13+$0x780];
	v6 =	vadd.f32 v10, v6;
	v8 =	vmul.f32 v12, v8;
	v10 =	vmul.f32 v22, v16  }
0x377: {  	v3 =	vadd.f32 v18, v3;
	v12 =	vmul.f32 v22, v22;
	v2 =	vadd.f32 v19, v2;
	v16 =	vld [tilespmem:s9+$0x70]  }
0x378: {  	v6 =	vadd.f32 v8, v6;
	v7 =	vmul.f32 v10, v7;
	v8 =	vmul.f32 v21, v15  }
0x379: {  	v5 =	vadd.f32 v12, v5;
	v10 =	vmul.f32 v21, v21;
	v12 =	vmul.f32 v13, v13  }
0x37a: {  	v6 =	vadd.f32 v7, v6;
	v4 =	vmul.f32 v8, v4;
	v7 =	vmul.f32 v23, v13  }
0x37b: {  	v3 =	vadd.f32 v10, v3;
	v8 =	vmul.f32 v23, v23;
	v2 =	vadd.f32 v12, v2  }
0x37c: {  	v10 =	vperm.xlane v26, v25;
	v4 =	vadd.f32 v4, v6;
	v6 =	vmul.f32 v7, v16  }
0x37d: {  	v7 =	vadd.f32 v20, v11;
	v11 =	vmul.f32 v16, v16;
	v5 =	vadd.f32 v8, v5  }
0x37e: {  	v12 =	vmul.f32 v24, v24;
	v8 =	vsub.f32 $0.0e+00, v10;
	v4 =	vadd.f32 v6, v4  }
0x37f: {  	v6 =	vmul.f32 v17, v17;
	v1 =	vadd.f32 v1, v7;
	v10 =	vadd.f32 v11, v9  }
0x380: {  	s8 =	sadd.s32 $0x10, s8;
	v7 =	vadd.f32 v12, v14;
	v9 =	vmul.f32 v15, v15;
	v4 =	vmul.f32 v4, v8  }
0x381: {  	s13 =	sand.u32 $0x3F0, s8;
	v11 =	vadd.f32 v0, v1  }
0x382: {  	s9 =	sadd.s32 $0x80, s9;
	v0 =	vadd.f32 v6, v7;
	[tilespmem:s13+$0xE000] =	vst v4  }
0x383: {  	v4 =	vld [tilespmem:s9+$0x60]  }
0x384: {  	v14 =	vadd.f32 v9, v0;
	v7 =	vld [tilespmem:s9+$0x50]  }
0x385: {  	v8 =	vld [tilespmem:s9+$0x40]  }
0x386: {  	v13 =	vld [tilespmem:s9+$0x30]  }
.Ltmp6:
0x387: {  	v6 =	vld [tilespmem:s9+$0x20];
	(pc) =	sbr.rel @p0 .LBB2_14-.Ltmp6, $4  }
0x388: {  	v12 =	vld [tilespmem:s9+$0x10];
	v0 =	vmul.f32 v4, v4  }
0x389: {  	v15 =	vld [tilespmem:s9+$0x0];
	v9 =	vmul.f32 v7, v7  }
0x38a: {  	s11 =	sadd.s32 $0x80, s11;
	v17 =	vld [tilespmem:s9+$0xFFFFE000];
	v1 =	vmul.f32 v8, v8  }
0x38b: {  	s12 =	sadd.s32 $0x1, s12;
	v18 =	vld [tilespmem:s11+$0xFFFFFFC0];
	v16 =	vmul.f32 v13, v13  }
0x38c: {  	v19 =	vld [tilespmem:s9+$0xFFFFE010]  }
0x38d: {  	v20 =	vld [tilespmem:s11+$0xFFFFFFD0]  }
0x38e: {  	v21 =	vld [tilespmem:s9+$0xFFFFE020]  }
0x38f: {  	v22 =	vld [tilespmem:s11+$0xFFFFFFE0]  }
0x390: {  	v24 =	vld [tilespmem:s9+$0xFFFFE030];
	v23 =	vmul.f32 v18, v17  }
0x391: {  	v25 =	vld [tilespmem:s11+$0xFFFFFFF0]  }
0x392: {  	v27 =	vld [tilespmem:s9+$0xFFFFE040];
	v26 =	vmul.f32 v20, v19;
	v23 =	vmul.f32 v23, v15  }
0x393: {  	v28 =	vld [tilespmem:s11+$0x0]  }
0x394: {  	v30 =	vld [tilespmem:s9+$0xFFFFE050];
	v29 =	vmul.f32 v22, v21;
	v26 =	vmul.f32 v26, v12;
	v23 =	vadd.f32 $0.0e+00, v23  }
0x395: {  	v31 =	vld [tilespmem:s11+$0x10]  }
0x396: {  	v32 =	vld [tilespmem:s9+$0xFFFFE060];
	v38 =	vmul.f32 v25, v24;
	v37 =	vmul.f32 v29, v6;
	v23 =	vadd.f32 v26, v23  }
0x397: {  	v33 =	vld [tilespmem:s11+$0x20]  }
0x398: {  	v40 =	vld [tilespmem:s9+$0xFFFFE070];
	v39 =	vmul.f32 v28, v27;
	v13 =	vmul.f32 v38, v13;
	v23 =	vadd.f32 v37, v23  }
0x399: {  	v34 =	vld [tilespmem:s11+$0x30]  }
0x39a: {  	s13 =	sand.u32 $0x30, s10;
	v42 =	vld [tilespmem:s9+$0x70];
	v41 =	vmul.f32 v31, v30;
	v8 =	vmul.f32 v39, v8;
	v13 =	vadd.f32 v13, v23  }
0x39b: {  	v35 =	vld [tilespmem:s13+$0x780]  }
0x39c: {  	v7 =	vmul.f32 v41, v7;
	v8 =	vadd.f32 v8, v13;
	v13 =	vmul.f32 v33, v32;
	_ =	sdelay $0x1  }
0x39d: {  	v7 =	vadd.f32 v7, v8;
	v4 =	vmul.f32 v13, v4;
	v8 =	vmul.f32 v34, v40  }
0x39e: {  	v13 =	vmov s10  }
0x39f: {  	v13 =	vperm.xlane v35, v13;
	v4 =	vadd.f32 v4, v7;
	v7 =	vmul.f32 v8, v42;
	_ =	sdelay $0x1  }
0x3a0: {  	v8 =	vsub.f32 $0.0e+00, v13;
	v4 =	vadd.f32 v7, v4;
	_ =	sdelay $0x1  }
0x3a1: {  	s8 =	sadd.s32 $0x10, s8;
	v4 =	vmul.f32 v4, v8  }
0x3a2: {  	s8 =	sand.u32 $0x3F0, s8  }
0x3a3: {  	[tilespmem:s8+$0xE000] =	vst v4  }
0x3a4: {  	_ =	swait.ge [sflag:s5], $0x4000  }
0x3a5: {  	[sflag:s5] =	ssyncset.done $0x0  }
0x3a6: {  	[sflag:s5] =	ssyncadd.s32 $0xFFFFC000  }
0x3a7: {  	_ =	swait.ge [sflag:s5], $0x2000  }
0x3a8: {  	[sflag:s5] =	ssyncset.done $0x0  }
0x3a9: {  	s12 =	simm.s32 $0x0;
	[sflag:s5] =	ssyncadd.s32 $0xFFFFE000  }
0x3aa: {  	v4 =	vld [tilespmem:s12+$0x6860]  }
0x3ab: {  	v12 =	vmul.f32 v12, v12;
	v7 =	vld [tilespmem:s12+$0x6850]  }
0x3ac: {  	v17 =	vmul.f32 v17, v17;
	v15 =	vmul.f32 v15, v15;
	v43 =	vld [tilespmem:s12+$0x6820]  }
0x3ad: {  	v10 =	vadd.f32 v12, v10;
	v12 =	vmul.f32 v18, v18;
	v18 =	vmul.f32 v19, v19;
	v19 =	vld [tilespmem:s12+$0x6810]  }
0x3ae: {  	v14 =	vadd.f32 v17, v14;
	v11 =	vadd.f32 v15, v11;
	v15 =	vmul.f32 v20, v20;
	v17 =	vld [tilespmem:s12+$0x6800]  }
0x3af: {  	v3 =	vadd.f32 v12, v3;
	v2 =	vadd.f32 v18, v2;
	v12 =	vmul.f32 v22, v22;
	v18 =	vld [tilespmem:s12+$0x4800]  }
0x3b0: {  	v44 =	vmul.f32 v25, v25;
	v5 =	vadd.f32 v15, v5;
	v15 =	vmul.f32 v24, v24;
	v45 =	vld [tilespmem:s12+$0xA800]  }
0x3b1: {  	v10 =	vadd.f32 v16, v10;
	v3 =	vadd.f32 v12, v3;
	v12 =	vmul.f32 v28, v28;
	v16 =	vld [tilespmem:s12+$0x4810]  }
0x3b2: {  	v2 =	vadd.f32 v15, v2;
	v15 =	vmul.f32 v30, v30;
	v46 =	vld [tilespmem:s12+$0xA810]  }
0x3b3: {  	v5 =	vadd.f32 v44, v5;
	v3 =	vadd.f32 v12, v3;
	v12 =	vmul.f32 v31, v31;
	v48 =	vld [tilespmem:s12+$0x4820]  }
0x3b4: {  	v2 =	vadd.f32 v15, v2;
	v15 =	vld [tilespmem:s12+$0xA820]  }
0x3b5: {  	v6 =	vmul.f32 v6, v6;
	v5 =	vadd.f32 v12, v5;
	v12 =	vld [tilespmem:s12+$0x4830]  }
0x3b6: {  	v47 =	vmul.f32 v33, v33;
	v9 =	vadd.f32 v9, v10;
	v10 =	vmul.f32 v40, v40;
	v50 =	vld [tilespmem:s12+$0xA830]  }
0x3b7: {  	v21 =	vmul.f32 v21, v21;
	v27 =	vmul.f32 v27, v27;
	v6 =	vadd.f32 v6, v11;
	v51 =	vld [tilespmem:s12+$0x4840]  }
0x3b8: {  	v2 =	vadd.f32 v10, v2;
	v10 =	vmul.f32 v34, v34;
	v53 =	vld [tilespmem:s12+$0xA840];
	v49 =	vmul.f32 v45, v18  }
0x3b9: {  	v11 =	vmul.f32 v42, v42;
	v1 =	vadd.f32 v1, v6;
	v6 =	vadd.f32 v21, v14;
	v14 =	vld [tilespmem:s12+$0x4850]  }
0x3ba: {  	v5 =	vadd.f32 v10, v5;
	v56 =	vld [tilespmem:s12+$0xA850];
	v52 =	vmul.f32 v46, v16;
	v10 =	vmul.f32 v49, v17  }
0x3bb: {  	v6 =	vadd.f32 v27, v6;
	v9 =	vadd.f32 v11, v9;
	v11 =	vmul.f32 v32, v32;
	v13 =	vld [tilespmem:s12+$0x6830]  }
0x3bc: {  	v8 =	vld [tilespmem:s12+$0x6840];
	v55 =	vmul.f32 v15, v48;
	v54 =	vmul.f32 v52, v19;
	v10 =	vadd.f32 $0.0e+00, v10  }
0x3bd: {  	v0 =	vadd.f32 v0, v1;
	v1 =	vadd.f32 v11, v6;
	v57 =	vld [tilespmem:s12+$0x4860];
	v59 =	vmul.f32 v50, v12  }
0x3be: {  	v60 =	vld [tilespmem:s12+$0xA860];
	v6 =	vmul.f32 v19, v19;
	v58 =	vmul.f32 v55, v43;
	v10 =	vadd.f32 v54, v10  }
0x3bf: {  	v3 =	vadd.f32 v47, v3;
	s8 =	simm.s32 $0x1C0;
	v11 =	vld [tilespmem:s12+$0x4870];
	v61 =	vmul.f32 v53, v51;
	v63 =	vmul.f32 v56, v14  }
0x3c0: {  	s13 =	sand.u32 $0x1F0, s8;
	v62 =	vld [tilespmem:s12+$0xA870];
	v18 =	vmul.f32 v18, v18;
	v19 =	vmul.f32 v59, v13;
	v10 =	vadd.f32 v58, v10  }
0x3c1: {  	v17 =	vmul.f32 v17, v17;
	v6 =	vadd.f32 v6, v9;
	v9 =	vld [tilespmem:s13+$0x600];
	v21 =	vmul.f32 v63, v7  }
0x3c2: {  	v13 =	vmul.f32 v13, v13;
	v10 =	vadd.f32 v19, v10;
	v19 =	vmul.f32 v61, v8  }
0x3c3: {  	v0 =	vadd.f32 v17, v0;
	v17 =	vadd.f32 v18, v1;
	v18 =	vld [tilespmem:s12+$0x6870];
	v1 =	vmul.f32 v60, v57  }
0x3c4: {  	s11 =	simm.s32 $0x0;
	v6 =	vadd.f32 v13, v6;
	v13 =	vmul.f32 v45, v45;
	v10 =	vadd.f32 v19, v10  }
0x3c5: {  	v1 =	vmul.f32 v1, v4;
	v19 =	vmul.f32 v4, v4;
	v4 =	vmov s11  }
0x3c6: {  	v4 =	vperm.xlane v9, v4;
	v9 =	vmul.f32 v62, v11;
	v10 =	vadd.f32 v21, v10  }
0x3c7: {  	v3 =	vadd.f32 v13, v3;
	v13 =	vmul.f32 v16, v16  }
0x3c8: {  	v1 =	vadd.f32 v1, v10;
	v10 =	vmul.f32 v8, v8;
	v8 =	vmul.f32 v9, v18  }
0x3c9: {  	v16 =	vmul.f32 v46, v46;
	v2 =	vadd.f32 v13, v2  }
0x3ca: {  	v12 =	vmul.f32 v12, v12;
	v4 =	vsub.f32 $0.0e+00, v4;
	v1 =	vadd.f32 v8, v1  }
0x3cb: {  	s9 =	simm.s32 $0x0;
	s12 =	simm.s32 $0x1C00;
	v5 =	vadd.f32 v16, v5;
	v13 =	vmul.f32 v50, v50;
	v8 =	vmul.f32 v15, v15  }
0x3cc: {  	v7 =	vmul.f32 v7, v7;
	s13 =	sand.u32 $0x70, s9;
	s10 =	sand.u32 $0x1F80, s12;
	v2 =	vadd.f32 v12, v2;
	v1 =	vmul.f32 v1, v4  }
0x3cd: {  	v5 =	vadd.f32 v13, v5;
	s11 =	sor.u32 s13, s10;
	v3 =	vadd.f32 v8, v3;
	v4 =	vmul.f32 v53, v53  }
0x3ce: {  	v12 =	vmul.f32 v56, v56;
	v13 =	vadd.f32 v7, v6;
	s10 =	simm.s32 $0x80;
	v8 =	vmul.f32 v14, v14;
	[tilespmem:s11+$0xC800] =	vst v1  }
0x3cf: {  	v6 =	vmul.f32 v60, v60;
	v9 =	vmul.f32 v43, v43;
	v4 =	vadd.f32 v4, v3;
	v1 =	vld [tilespmem:s10+$0x6860]  }
0x3d0: {  	v5 =	vadd.f32 v12, v5;
	v2 =	vadd.f32 v8, v2;
	v8 =	vmul.f32 v48, v48;
	v3 =	vld [tilespmem:s10+$0x6850]  }
0x3d1: {  	v11 =	vmul.f32 v11, v11;
	v0 =	vadd.f32 v9, v0;
	v7 =	vadd.f32 v6, v4;
	v4 =	vld [tilespmem:s10+$0x6840]  }
0x3d2: {  	v12 =	vmul.f32 v62, v62;
	v14 =	vmul.f32 v51, v51;
	v15 =	vadd.f32 v8, v17;
	v8 =	vld [tilespmem:s10+$0x6830]  }
0x3d3: {  	v0 =	vadd.f32 v10, v0;
	v9 =	vld [tilespmem:s10+$0x6820];
	v6 =	vadd.f32 v11, v2;
	v2 =	vmul.f32 v18, v18  }
0x3d4: {  	v5 =	vadd.f32 v12, v5;
	v10 =	vmul.f32 v57, v57;
	v11 =	vld [tilespmem:s10+$0x6810];
	v14 =	vadd.f32 v14, v15  }
0x3d5: {  	v12 =	vadd.f32 v2, v13;
	v13 =	vadd.f32 v19, v0;
	v15 =	vld [tilespmem:s10+$0x6800];
	v0 =	vmul.f32 v1, v1  }
0x3d6: {  	s11 =	simm.s32 $0x400;
	v16 =	vld [tilespmem:s10+$0x4800];
	v14 =	vadd.f32 v10, v14;
	v10 =	vmul.f32 v3, v3;
	v2 =	vmul.f32 v4, v4  }
.LBB2_16:
0x3d7: {  	p0 =	sne.s32 s11, $0x7E00;
	v17 =	vld [tilespmem:s10+$0xA800];
	v18 =	vmul.f32 v8, v8  }
0x3d8: {  	v19 =	vld [tilespmem:s10+$0x4810];
	v20 =	vmul.f32 v9, v9  }
0x3d9: {  	s8 =	sadd.s32 $0x1, s8;
	v21 =	vld [tilespmem:s10+$0xA810];
	v22 =	vmul.f32 v11, v11  }
0x3da: {  	s12 =	sadd.s32 $0xFFFFFE40, s8;
	v23 =	vmul.f32 v15, v15;
	v24 =	vld [tilespmem:s10+$0x4820]  }
0x3db: {  	v25 =	vmov s12;
	v26 =	vmul.f32 v16, v16;
	v12 =	vadd.f32 v22, v12;
	v22 =	vld [tilespmem:s10+$0xA820]  }
0x3dc: {  	v16 =	vmul.f32 v17, v16;
	v13 =	vadd.f32 v23, v13;
	v17 =	vmul.f32 v17, v17;
	v23 =	vld [tilespmem:s10+$0x4830]  }
0x3dd: {  	v14 =	vadd.f32 v26, v14;
	v26 =	vmul.f32 v19, v19;
	v27 =	vld [tilespmem:s10+$0xA830];
	v12 =	vadd.f32 v18, v12  }
0x3de: {  	v15 =	vmul.f32 v16, v15;
	v7 =	vadd.f32 v17, v7;
	v16 =	vmul.f32 v21, v19;
	v17 =	vld [tilespmem:s10+$0x4840]  }
0x3df: {  	v18 =	vmul.f32 v21, v21;
	v6 =	vadd.f32 v26, v6;
	v19 =	vld [tilespmem:s10+$0xA840];
	v10 =	vadd.f32 v10, v12  }
0x3e0: {  	v12 =	vadd.f32 $0.0e+00, v15;
	v11 =	vmul.f32 v16, v11;
	v15 =	vmul.f32 v22, v24;
	v16 =	vld [tilespmem:s10+$0x4850]  }
0x3e1: {  	v5 =	vadd.f32 v18, v5;
	v18 =	vmul.f32 v22, v22;
	v21 =	vmul.f32 v23, v23;
	v22 =	vld [tilespmem:s10+$0xA850]  }
0x3e2: {  	v11 =	vadd.f32 v11, v12;
	v9 =	vmul.f32 v15, v9;
	v12 =	vmul.f32 v27, v23;
	v15 =	vld [tilespmem:s10+$0x4860]  }
0x3e3: {  	v7 =	vadd.f32 v18, v7;
	v18 =	vmul.f32 v27, v27;
	v6 =	vadd.f32 v21, v6;
	v21 =	vld [tilespmem:s10+$0xA860]  }
0x3e4: {  	v9 =	vadd.f32 v9, v11;
	v8 =	vmul.f32 v12, v8;
	v11 =	vmul.f32 v19, v17;
	v12 =	vld [tilespmem:s10+$0x4870]  }
0x3e5: {  	s12 =	sand.u32 $0x1F0, s8;
	v5 =	vadd.f32 v18, v5;
	v18 =	vmul.f32 v19, v19;
	v19 =	vmul.f32 v16, v16;
	v23 =	vld [tilespmem:s10+$0xA870]  }
0x3e6: {  	v26 =	vld [tilespmem:s12+$0x600];
	v8 =	vadd.f32 v8, v9;
	v4 =	vmul.f32 v11, v4;
	v9 =	vmul.f32 v22, v16  }
0x3e7: {  	v7 =	vadd.f32 v18, v7;
	v11 =	vmul.f32 v22, v22;
	v6 =	vadd.f32 v19, v6;
	v16 =	vld [tilespmem:s10+$0x6870]  }
0x3e8: {  	v4 =	vadd.f32 v4, v8;
	v3 =	vmul.f32 v9, v3;
	v8 =	vmul.f32 v21, v15  }
0x3e9: {  	v5 =	vadd.f32 v11, v5;
	v9 =	vmul.f32 v21, v21;
	v11 =	vmul.f32 v12, v12  }
0x3ea: {  	v3 =	vadd.f32 v3, v4;
	v1 =	vmul.f32 v8, v1;
	v4 =	vmul.f32 v23, v12  }
0x3eb: {  	v7 =	vadd.f32 v9, v7;
	v8 =	vmul.f32 v23, v23;
	v6 =	vadd.f32 v11, v6  }
0x3ec: {  	v9 =	vperm.xlane v26, v25;
	v1 =	vadd.f32 v1, v3;
	v3 =	vmul.f32 v4, v16  }
0x3ed: {  	v4 =	vadd.f32 v20, v13;
	v11 =	vmul.f32 v16, v16;
	v5 =	vadd.f32 v8, v5  }
0x3ee: {  	s9 =	sadd.s32 $0x10, s9;
	v8 =	vsub.f32 $0.0e+00, v9;
	v9 =	vmul.f32 v24, v24;
	v1 =	vadd.f32 v3, v1  }
0x3ef: {  	s10 =	sadd.s32 $0x1C00, s9;
	v3 =	vmul.f32 v17, v17;
	v2 =	vadd.f32 v2, v4;
	v12 =	vadd.f32 v11, v10  }
0x3f0: {  	s12 =	sand.u32 $0x70, s9;
	s10 =	sand.u32 $0x1F80, s10;
	v4 =	vadd.f32 v9, v14;
	v9 =	vmul.f32 v15, v15;
	v1 =	vmul.f32 v1, v8  }
0x3f1: {  	s12 =	sor.u32 s12, s10;
	v13 =	vadd.f32 v0, v2  }
0x3f2: {  	s10 =	sshra.s32 s11, $0x2;
	v0 =	vadd.f32 v3, v4;
	[tilespmem:s12+$0xC800] =	vst v1  }
0x3f3: {  	v1 =	vld [tilespmem:s10+$0x6860]  }
0x3f4: {  	v14 =	vadd.f32 v9, v0;
	v3 =	vld [tilespmem:s10+$0x6850]  }
0x3f5: {  	v4 =	vld [tilespmem:s10+$0x6840]  }
.Ltmp7:
0x3f6: {  	v8 =	vld [tilespmem:s10+$0x6830];
	(pc) =	sbr.rel @p0 .LBB2_16-.Ltmp7, $4  }
0x3f7: {  	v9 =	vld [tilespmem:s10+$0x6820]  }
0x3f8: {  	v11 =	vld [tilespmem:s10+$0x6810];
	v0 =	vmul.f32 v1, v1  }
0x3f9: {  	v15 =	vld [tilespmem:s10+$0x6800];
	v10 =	vmul.f32 v3, v3  }
0x3fa: {  	s11 =	sadd.s32 $0x200, s11;
	v16 =	vld [tilespmem:s10+$0x4800];
	v2 =	vmul.f32 v4, v4  }
0x3fb: {  	v17 =	vld [tilespmem:s10+$0xA800]  }
0x3fc: {  	v18 =	vld [tilespmem:s10+$0x4810]  }
0x3fd: {  	v19 =	vld [tilespmem:s10+$0xA810]  }
0x3fe: {  	v20 =	vld [tilespmem:s10+$0x4820]  }
0x3ff: {  	v21 =	vld [tilespmem:s10+$0xA820]  }
0x400: {  	v23 =	vld [tilespmem:s10+$0x4830]  }
0x401: {  	v26 =	vld [tilespmem:s10+$0xA830]  }
0x402: {  	v24 =	vmul.f32 v8, v8;
	v28 =	vld [tilespmem:s10+$0x4840];
	v22 =	vmul.f32 v17, v16  }
0x403: {  	v56 =	vld [tilespmem:s10+$0xA840];
	v37 =	vmul.f32 v9, v9;
	v25 =	vmul.f32 v11, v11  }
0x404: {  	v29 =	vld [tilespmem:s10+$0x4850];
	v27 =	vmul.f32 v19, v18;
	v22 =	vmul.f32 v22, v15  }
0x405: {  	v60 =	vld [tilespmem:s10+$0xA850];
	v54 =	vmul.f32 v15, v15;
	v55 =	vmul.f32 v16, v16  }
0x406: {  	v32 =	vld [tilespmem:s10+$0x4870];
	v58 =	vmul.f32 v21, v20;
	v57 =	vmul.f32 v27, v11;
	v22 =	vadd.f32 $0.0e+00, v22  }
0x407: {  	v34 =	vld [tilespmem:s10+$0xA870];
	v12 =	vadd.f32 v25, v12;
	v59 =	vmul.f32 v17, v17;
	v62 =	vmul.f32 v26, v23  }
0x408: {  	v63 =	vld [tilespmem:s10+$0x4860];
	v18 =	vmul.f32 v18, v18;
	v61 =	vmul.f32 v58, v9;
	v11 =	vadd.f32 v57, v22  }
0x409: {  	s8 =	sadd.s32 $0x1, s8;
	v31 =	vmul.f32 v56, v28;
	v33 =	vmul.f32 v19, v19;
	v12 =	vadd.f32 v24, v12;
	v24 =	vld [tilespmem:s10+$0xA860]  }
0x40a: {  	s11 =	sand.u32 $0x1F0, s8;
	s8 =	sadd.s32 $0xFFFFFE40, s8;
	v36 =	vmul.f32 v60, v29;
	v30 =	vmul.f32 v62, v8;
	v11 =	vadd.f32 v61, v11  }
0x40b: {  	v41 =	vmov s8;
	v38 =	vmul.f32 v21, v21;
	v42 =	vmul.f32 v23, v23  }
0x40c: {  	v39 =	vld [tilespmem:s10+$0x6870];
	v43 =	vmul.f32 v34, v32;
	v4 =	vmul.f32 v31, v4;
	v8 =	vadd.f32 v30, v11  }
0x40d: {  	v35 =	vld [tilespmem:s11+$0x600];
	v13 =	vadd.f32 v54, v13;
	v44 =	vmul.f32 v26, v26;
	v45 =	vmul.f32 v20, v20  }
0x40e: {  	v3 =	vmul.f32 v36, v3;
	v40 =	vmul.f32 v24, v63;
	v4 =	vadd.f32 v4, v8  }
0x40f: {  	v48 =	vmul.f32 v28, v28;
	v50 =	vmul.f32 v29, v29;
	v14 =	vadd.f32 v55, v14  }
0x410: {  	v7 =	vadd.f32 v59, v7;
	v1 =	vmul.f32 v40, v1;
	v3 =	vadd.f32 v3, v4  }
0x411: {  	v6 =	vadd.f32 v18, v6;
	v5 =	vadd.f32 v33, v5;
	v46 =	vmul.f32 v43, v39  }
0x412: {  	v51 =	vadd.f32 v37, v13;
	v11 =	vperm.xlane v35, v41;
	v1 =	vadd.f32 v1, v3  }
0x413: {  	v52 =	vmul.f32 v63, v63;
	v49 =	vadd.f32 v45, v14;
	v6 =	vadd.f32 v42, v6  }
0x414: {  	s11 =	sadd.s32 $0x10, s9;
	v53 =	vmul.f32 v32, v32;
	v11 =	vsub.f32 $0.0e+00, v11;
	v1 =	vadd.f32 v46, v1  }
0x415: {  	s9 =	sadd.s32 $0x1C00, s11;
	v54 =	vmul.f32 v56, v56;
	v47 =	vadd.f32 v44, v5;
	v5 =	vadd.f32 v48, v49  }
0x416: {  	s8 =	sand.u32 $0x70, s11;
	s9 =	sand.u32 $0x1F80, s9;
	v10 =	vadd.f32 v10, v12;
	v6 =	vadd.f32 v50, v6;
	v1 =	vmul.f32 v1, v11  }
0x417: {  	s8 =	sor.u32 s8, s9;
	v56 =	vmul.f32 v60, v60;
	v2 =	vadd.f32 v2, v51;
	v55 =	vadd.f32 v52, v5  }
0x418: {  	v7 =	vadd.f32 v38, v7;
	v57 =	vmul.f32 v39, v39;
	v6 =	vadd.f32 v53, v6;
	[tilespmem:s8+$0xC800] =	vst v1  }
0x419: {  	v0 =	vadd.f32 v0, v2;
	v60 =	vadd.f32 v56, v47;
	v61 =	vmul.f32 v34, v34;
	[tilespmem:$0xE800] =	vst v55  }
0x41a: {  	v58 =	vadd.f32 v54, v7;
	v59 =	vmul.f32 v24, v24;
	v62 =	vadd.f32 v57, v10;
	[tilespmem:$0xE810] =	vst v6  }
0x41b: {  	v63 =	vadd.f32 v61, v60;
	[tilespmem:$0xE820] =	vst v0  }
0x41c: {  	v1 =	vadd.f32 v59, v58;
	[tilespmem:$0xE830] =	vst v62  }
0x41d: {  	[tilespmem:$0xE850] =	vst v63  }
0x41e: {  	s12 =	simm.s32 $0xC800;
	[tilespmem:$0xE840] =	vst v1  }
0x41f: {  	[hbm4b:s23+s20] =	stream.linear.scatter [tilespmem:s12], [sflag:$0x4], $0x2000, $0x38;
	[tilespmem:$0xE880] =	vst v63  }
0x420: {  	s7 =	sadd.s32 $0x1, s7;
	_ =	swait.ge [sflag:s6], $0x2000  }
0x421: {  	p0 =	sne.s32 s7, s25;
	[sflag:s6] =	ssyncset.done $0x0  }
.Ltmp8:
0x422: {  	s13 =	simm.s32 $0xE800;
	[sflag:s6] =	ssyncadd.s32 $0xFFFFE000;
	(pc) =	sbr.rel @p0 .LBB2_1-.Ltmp8, $4  }
0x423: {  	[hbm4b:s24+s20] =	stream.linear.scatter [tilespmem:s13], [sflag:$0x4], $0x80, $0x38;
	[tilespmem:$0xE880] =	vst v63  }
0x424: {  	_ =	swait.ge [sflag:s6], $0x80  }
0x425: {  	[sflag:s6] =	ssyncset.done $0x0  }
0x426: {  	[sflag:s6] =	ssyncadd.s32 $0xFFFFFF80  }
0x427: {  	_ =	sfence.sel $0x180000  }
0x428: {  	[bflag:$0x0] =	sbarrier.arrive $0xFFFF  }
0x429: {  	_ =	strace $0x90000047  }
0x42a: {  	s0 =	stileid.u32;
	[bflag:$0x2] =	sbarrier.arrive $0xFFFF  }
0x42b: {  	p0 =	sne.s32 s0, $0x0;
	s0 =	rddreg [dreg:$0x7]  }
0x42c: {  	s0 =	sadd.s32 @!p0 $0x100000, s0  }
0x42d: {  	[sflag:s0] =	ssyncadd.tile.s32 @!p0 $0x1;
	_ =	shalt  }
.Lfunc_end2:
_tile_overlayer_lowered:
.L_overlay_start_2:
0x42e: {  	(tag) =	ssettag $0x2  }
0x42f: {  	s0 =	rddreg [dreg:$0x0];
	s2 =	stileid.u32  }
0x430: {  	s1 =	rddreg [dreg:$0x1];
	p0 =	sne.s32 s2, $0x0  }
0x431: {  	s3 =	rddreg [dreg:$0x2];
	[bflag:$0x3] =	sbarrier.arrive $0xFFFF;
	s2 =	simm.s32 @!p0 $0x1C04  }
0x432: {  	[timem:s3], [sflag:s2] =	dma.local @!p0 [hbm:s0], s1  }
0x433: {  	s0 =	simm.s32 @!p0 $0x4  }
0x434: {  	_ =	swait.ge @!p0 [sflag:s0], s1  }
0x435: {  	s1 =	ssub.s32 @!p0 $0x0, s1;
	[sflag:s0] =	ssyncset.done @!p0 $0x0  }
0x436: {  	[sflag:s0] =	ssyncadd.s32 @!p0 s1  }
0x437: {  	[bflag:$0x3] =	sbarrier.arrive $0xFFFF  }
0x438: {  	_ =	shalt  }

</sc_bundles>
